<compile_context>
chip_gen: v7x
topology: tpu7x:2x2x1
jax: 0.10.2.dev20260603
libtpu: 0.0.44.dev20260713+nightly
codegen_flags: <defaults>
</compile_context>

<pallas_src>
import functools

import jax
import jax.numpy as jnp
from jax import lax
from jax.experimental import pallas as pl
from jax.experimental.pallas import tpu as pltpu
from jax.experimental.pallas import tpu_sc as plsc

_VOCAB = 100000
_MAXLEN = 200
_DIM = 32
_BATCH = 4096

_NC = 2
_NS = 16
_NW = _NC * _NS
_BW = _BATCH // _NW
_LC = 4
_TOK = _LC * _BW
_NCHUNK = _MAXLEN // _LC


def _embed_kernel(x_hbm, tok_hbm, pos_hbm, out_hbm,
                  xall_v, idx_v, g_v, t_v, posc_v, gsems, wsems):
    wid = lax.axis_index("s") * _NC + lax.axis_index("c")
    b0 = wid * _BW

    pltpu.sync_copy(x_hbm.at[pl.ds(b0 * _MAXLEN, _BW * _MAXLEN)], xall_v)
    pltpu.sync_copy(pos_hbm, posc_v)

    iota = lax.iota(jnp.int32, 16)

    def prep_idx(g, buf):
        l0 = g * _LC
        for lc in range(_LC):
            for j in range(_BW // 16):
                flat = (iota + 16 * j) * _MAXLEN + (l0 + lc)
                v = plsc.load_gather(xall_v, [flat])
                idx_v[buf, pl.ds(lc * _BW + 16 * j, 16)] = v

    def gather(buf):
        return pltpu.make_async_copy(
            tok_hbm.at[idx_v.at[buf]], g_v.at[buf], gsems.at[buf])

    def writeback(g, buf, dt):
        return pltpu.make_async_copy(
            t_v.at[buf, :, pl.ds(8 * dt, 8), pl.ds(0, _BW)],
            out_hbm.at[pl.ds(g * _LC, _LC), dt, wid],
            wsems.at[buf])

    prep_idx(0, 0)
    gather(0).start()

    def step(g, buf):
        nbuf = 1 - buf
        gather(buf).wait()

        @pl.when(g + 1 < _NCHUNK)
        def _():
            prep_idx(g + 1, nbuf)

        @pl.when(g >= 2)
        def _():
            for dt in range(_DIM // 8):
                writeback(g - 2, buf, dt).wait()

        @pl.when(g + 1 < _NCHUNK)
        def _():
            gather(nbuf).start()

        for lc in range(_LC):
            l = g * _LC + lc
            p0 = posc_v[l, pl.ds(0, 16)]
            p1 = posc_v[l, pl.ds(16, 16)]
            clc = jnp.full((16,), lc, jnp.int32)

            @plsc.parallel_loop(0, _BW, 1, unroll=4)
            def _(b):
                t = lc * _BW + b
                cb = jnp.full((16,), b, jnp.int32)
                v0 = g_v[buf, t, pl.ds(0, 16)] + p0
                v1 = g_v[buf, t, pl.ds(16, 16)] + p1
                plsc.store_scatter(t_v.at[buf], [clc, iota, cb], v0)
                plsc.store_scatter(t_v.at[buf], [clc, iota + 16, cb], v1)

        for dt in range(_DIM // 8):
            writeback(g, buf, dt).start()

    def chunk_body(h, carry):
        step(2 * h, 0)
        step(2 * h + 1, 1)
        return carry

    lax.fori_loop(0, _NCHUNK // 2, chunk_body, 0)

    for g in (_NCHUNK - 2, _NCHUNK - 1):
        for dt in range(_DIM // 8):
            writeback(g, g % 2, dt).wait()


@functools.partial(jax.jit, static_argnames=())
def kernel(x, token_table, pos_table):
    b, l = x.shape
    xi = x.reshape(-1).astype(jnp.int32)
    mesh = plsc.VectorSubcoreMesh(core_axis_name="c", subcore_axis_name="s")
    run = functools.partial(
        pl.kernel,
        mesh=mesh,
        compiler_params=pltpu.CompilerParams(use_tc_tiling_on_sc=False,
                                             needs_layout_passes=False),
        out_type=jax.ShapeDtypeStruct((l, _DIM // 8, b // 128, 8, 128),
                                      jnp.float32),
        scratch_types=[
            pltpu.VMEM((_BW * _MAXLEN,), jnp.int32),
            pltpu.VMEM((2, _TOK), jnp.int32),
            pltpu.VMEM((2, _TOK, _DIM), jnp.float32),
            pltpu.VMEM((2, _LC, _DIM, _BW + 1), jnp.float32),
            pltpu.VMEM((_MAXLEN, _DIM), jnp.float32),
            pltpu.SemaphoreType.DMA((2,)),
            pltpu.SemaphoreType.DMA((2,)),
        ],
    )(_embed_kernel)
    out = run(xi, token_table, pos_table)
    return out.transpose(2, 4, 0, 1, 3).reshape(b, l, _DIM)

# --- scband reference (transcript-rebuilt; emitter-appended) ---
"""Pipeline reference for scband-token-and-position-embedding-20607253086827 (READ-ONLY COPY).

The authoritative reference and input builder live on the scoring server;
editing this copy changes nothing except your own understanding.
"""

import jax, jax.numpy as jnp
import numpy as np

VOCAB = 100000
MAXLEN = 200
EMBED_DIM = 32
BATCH = 4096

def setup_inputs(seed: int = 0) -> dict:
    key = jax.random.key(seed)
    k1, k2, k3 = jax.random.split(key, 3)
    x = jax.random.randint(k1, (BATCH, MAXLEN), 0, VOCAB, dtype=jnp.int64 if jax.config.jax_enable_x64 else jnp.int32)
    token_table = jax.random.normal(k2, (VOCAB, EMBED_DIM), dtype=jnp.float32) * 0.02
    pos_table = jax.random.normal(k3, (MAXLEN, EMBED_DIM), dtype=jnp.float32) * 0.02
    return {"x": x, "token_table": token_table, "pos_table": pos_table}

def reference(x, token_table, pos_table):
    # token embedding lookup: gather rows of token_table by token ids
    tok = jnp.take(token_table, x, axis=0)            # [B, L, D]
    # positional embedding: lookup positions 0..L-1
    seqlen = x.shape[-1]
    positions = jnp.arange(seqlen)
    pos = jnp.take(pos_table, positions, axis=0)      # [L, D]
    return tok + pos[None, :, :]

if __name__ == "__main__":
    import jax
    _d = setup_inputs()
    print(jax.jit(kernel)(*tuple(_d.values())))

</pallas_src>

<mosaic_0001>
#map = affine_map<(d0, d1) -> (0)>
#map1 = affine_map<(d0, d1) -> (0, 0)>
#map2 = affine_map<(d0, d1) -> (0, 0, 0, 0, 0)>
module attributes {stable_mosaic.version = 14 : i64} {
  func.func @_embed_kernel(%arg0: i32, %arg1: i32, %arg2: memref<819200xi32, #tpu.memory_space<hbm>>, %arg3: memref<100000x32xf32, #tpu.memory_space<hbm>>, %arg4: memref<200x32xf32, #tpu.memory_space<hbm>>, %arg5: memref<200x4x32x8x128xf32, #tpu.memory_space<hbm>>, %arg6: memref<25600xi32, #tpu.memory_space<vmem>>, %arg7: memref<2x512xi32, #tpu.memory_space<vmem>>, %arg8: memref<2x512x32xf32, #tpu.memory_space<vmem>>, %arg9: memref<2x4x32x129xf32, #tpu.memory_space<vmem>>, %arg10: memref<200x32xf32, #tpu.memory_space<vmem>>, %arg11: memref<2x!tpu.dma_semaphore, #tpu.memory_space<semaphore_mem>>, %arg12: memref<2x!tpu.dma_semaphore, #tpu.memory_space<semaphore_mem>>) attributes {dimension_semantics = [#tpu.dimension_semantics<core_parallel>, #tpu.dimension_semantics<subcore_parallel>], iteration_bounds = array<i64: 2, 16>, scalar_prefetch = 0 : i64, scratch_operands = 7 : i64, tpu.core_type = #tpu.core_type<sc_vector_subcore>, window_params = [{transform_indices = #map}, {transform_indices = #map1}, {transform_indices = #map1}, {transform_indices = #map2}]} {
    %mul3A = arith.constant 2 : i32
    %mul3A_0 = arith.muli %arg1, %mul3A : i32
    %add3A = arith.addi %mul3A_0, %arg0 : i32
    %mul3A_1 = arith.constant 128 : i32
    %mul3A_2 = arith.muli %add3A, %mul3A_1 : i32
    %mul3A_3 = arith.constant 200 : i32
    %mul3A_4 = arith.muli %mul3A_2, %mul3A_3 : i32
    "tpu.region"() ({
      %run_scoped3A = tpu.sem_alloc : memref<!tpu.dma_semaphore, #tpu.memory_space<semaphore_mem>>
      %dma_start3A_669 = tpu.memref_slice %arg2[%mul3A_4] : memref<819200xi32, #tpu.memory_space<hbm>> -> memref<25600xi32, #tpu.memory_space<hbm>>
      %dma_start3A_670 = tpu.memref_slice %arg2[%mul3A_4] : memref<819200xi32, #tpu.memory_space<hbm>> -> memref<25600xi32, #tpu.memory_space<hbm>>
      tpu.enqueue_dma source(%dma_start3A_670 : memref<25600xi32, #tpu.memory_space<hbm>>) target(%arg6 : memref<25600xi32, #tpu.memory_space<vmem>>) target_semaphore(%run_scoped3A : memref<!tpu.dma_semaphore, #tpu.memory_space<semaphore_mem>>)
      %dma_wait3A_671 = tpu.memref_slice %arg2[%mul3A_4] : memref<819200xi32, #tpu.memory_space<hbm>> -> memref<25600xi32, #tpu.memory_space<hbm>>
      %dma_wait3A_672 = tpu.memref_slice %arg2[%mul3A_4] : memref<819200xi32, #tpu.memory_space<hbm>> -> memref<25600xi32, #tpu.memory_space<hbm>>
      tpu.wait_dma2 semaphore(%run_scoped3A : memref<!tpu.dma_semaphore, #tpu.memory_space<semaphore_mem>>) src(%dma_wait3A_672 : memref<25600xi32, #tpu.memory_space<hbm>>) dst(%arg6 : memref<25600xi32, #tpu.memory_space<vmem>>)
      tpu.yield
    }) : () -> ()
    "tpu.region"() ({
      %run_scoped3A = tpu.sem_alloc : memref<!tpu.dma_semaphore, #tpu.memory_space<semaphore_mem>>
      tpu.enqueue_dma source(%arg4 : memref<200x32xf32, #tpu.memory_space<hbm>>) target(%arg10 : memref<200x32xf32, #tpu.memory_space<vmem>>) target_semaphore(%run_scoped3A : memref<!tpu.dma_semaphore, #tpu.memory_space<semaphore_mem>>)
      tpu.wait_dma2 semaphore(%run_scoped3A : memref<!tpu.dma_semaphore, #tpu.memory_space<semaphore_mem>>) src(%arg4 : memref<200x32xf32, #tpu.memory_space<hbm>>) dst(%arg10 : memref<200x32xf32, #tpu.memory_space<vmem>>)
      tpu.yield
    }) : () -> ()
    %iota3A = tpu.iota {dimensions = array<i32: 0>} : vector<16xi32>
    %add3A_5 = arith.constant 0 : i32
    %add3A_6 = vector.broadcast %add3A_5 : i32 to vector<16xi32>
    %add3A_7 = arith.addi %iota3A, %add3A_6 : vector<16xi32>
    %mul3A_8 = arith.constant 200 : i32
    %mul3A_9 = vector.broadcast %mul3A_8 : i32 to vector<16xi32>
    %mul3A_10 = arith.muli %add3A_7, %mul3A_9 : vector<16xi32>
    %add3A_11 = arith.constant 0 : i32
    %add3A_12 = vector.broadcast %add3A_11 : i32 to vector<16xi32>
    %add3A_13 = arith.addi %mul3A_10, %add3A_12 : vector<16xi32>
    %gather3A = tpu.vector_load_idx %arg6[%add3A_13] : memref<25600xi32, #tpu.memory_space<vmem>>[vector<16xi32>], vector<16xi32>,
    %swap3A = arith.constant 0 : i32
    %swap3A_14 = arith.index_cast %swap3A : i32 to index
    %swap3A_15 = arith.constant 0 : index
    %swap3A_16 = tpu.vector_load %arg7[%swap3A_14, %swap3A_15] {strides = array<i32>} : memref<2x512xi32, #tpu.memory_space<vmem>>, vector<16xi32>,
    tpu.vector_store %arg7[%swap3A_14, %swap3A_15], %gather3A {strides = array<i32>} : memref<2x512xi32, #tpu.memory_space<vmem>>, vector<16xi32>,
    %add3A_17 = arith.constant 16 : i32
    %add3A_18 = vector.broadcast %add3A_17 : i32 to vector<16xi32>
    %add3A_19 = arith.addi %iota3A, %add3A_18 : vector<16xi32>
    %mul3A_20 = arith.constant 200 : i32
    %mul3A_21 = vector.broadcast %mul3A_20 : i32 to vector<16xi32>
    %mul3A_22 = arith.muli %add3A_19, %mul3A_21 : vector<16xi32>
    %add3A_23 = arith.constant 0 : i32
    %add3A_24 = vector.broadcast %add3A_23 : i32 to vector<16xi32>
    %add3A_25 = arith.addi %mul3A_22, %add3A_24 : vector<16xi32>
    %gather3A_26 = tpu.vector_load_idx %arg6[%add3A_25] : memref<25600xi32, #tpu.memory_space<vmem>>[vector<16xi32>], vector<16xi32>,
    %swap3A_27 = arith.constant 0 : i32
    %swap3A_28 = arith.index_cast %swap3A_27 : i32 to index
    %swap3A_29 = arith.constant 16 : index
    %swap3A_30 = tpu.vector_load %arg7[%swap3A_28, %swap3A_29] {strides = array<i32>} : memref<2x512xi32, #tpu.memory_space<vmem>>, vector<16xi32>,
    tpu.vector_store %arg7[%swap3A_28, %swap3A_29], %gather3A_26 {strides = array<i32>} : memref<2x512xi32, #tpu.memory_space<vmem>>, vector<16xi32>,
    %add3A_31 = arith.constant 32 : i32
    %add3A_32 = vector.broadcast %add3A_31 : i32 to vector<16xi32>
    %add3A_33 = arith.addi %iota3A, %add3A_32 : vector<16xi32>
    %mul3A_34 = arith.constant 200 : i32
    %mul3A_35 = vector.broadcast %mul3A_34 : i32 to vector<16xi32>
    %mul3A_36 = arith.muli %add3A_33, %mul3A_35 : vector<16xi32>
    %add3A_37 = arith.constant 0 : i32
    %add3A_38 = vector.broadcast %add3A_37 : i32 to vector<16xi32>
    %add3A_39 = arith.addi %mul3A_36, %add3A_38 : vector<16xi32>
    %gather3A_40 = tpu.vector_load_idx %arg6[%add3A_39] : memref<25600xi32, #tpu.memory_space<vmem>>[vector<16xi32>], vector<16xi32>,
    %swap3A_41 = arith.constant 0 : i32
    %swap3A_42 = arith.index_cast %swap3A_41 : i32 to index
    %swap3A_43 = arith.constant 32 : index
    %swap3A_44 = tpu.vector_load %arg7[%swap3A_42, %swap3A_43] {strides = array<i32>} : memref<2x512xi32, #tpu.memory_space<vmem>>, vector<16xi32>,
    tpu.vector_store %arg7[%swap3A_42, %swap3A_43], %gather3A_40 {strides = array<i32>} : memref<2x512xi32, #tpu.memory_space<vmem>>, vector<16xi32>,
    %add3A_45 = arith.constant 48 : i32
    %add3A_46 = vector.broadcast %add3A_45 : i32 to vector<16xi32>
    %add3A_47 = arith.addi %iota3A, %add3A_46 : vector<16xi32>
    %mul3A_48 = arith.constant 200 : i32
    %mul3A_49 = vector.broadcast %mul3A_48 : i32 to vector<16xi32>
    %mul3A_50 = arith.muli %add3A_47, %mul3A_49 : vector<16xi32>
    %add3A_51 = arith.constant 0 : i32
    %add3A_52 = vector.broadcast %add3A_51 : i32 to vector<16xi32>
    %add3A_53 = arith.addi %mul3A_50, %add3A_52 : vector<16xi32>
    %gather3A_54 = tpu.vector_load_idx %arg6[%add3A_53] : memref<25600xi32, #tpu.memory_space<vmem>>[vector<16xi32>], vector<16xi32>,
    %swap3A_55 = arith.constant 0 : i32
    %swap3A_56 = arith.index_cast %swap3A_55 : i32 to index
    %swap3A_57 = arith.constant 48 : index
    %swap3A_58 = tpu.vector_load %arg7[%swap3A_56, %swap3A_57] {strides = array<i32>} : memref<2x512xi32, #tpu.memory_space<vmem>>, vector<16xi32>,
    tpu.vector_store %arg7[%swap3A_56, %swap3A_57], %gather3A_54 {strides = array<i32>} : memref<2x512xi32, #tpu.memory_space<vmem>>, vector<16xi32>,
    %add3A_59 = arith.constant 64 : i32
    %add3A_60 = vector.broadcast %add3A_59 : i32 to vector<16xi32>
    %add3A_61 = arith.addi %iota3A, %add3A_60 : vector<16xi32>
    %mul3A_62 = arith.constant 200 : i32
    %mul3A_63 = vector.broadcast %mul3A_62 : i32 to vector<16xi32>
    %mul3A_64 = arith.muli %add3A_61, %mul3A_63 : vector<16xi32>
    %add3A_65 = arith.constant 0 : i32
    %add3A_66 = vector.broadcast %add3A_65 : i32 to vector<16xi32>
    %add3A_67 = arith.addi %mul3A_64, %add3A_66 : vector<16xi32>
    %gather3A_68 = tpu.vector_load_idx %arg6[%add3A_67] : memref<25600xi32, #tpu.memory_space<vmem>>[vector<16xi32>], vector<16xi32>,
    %swap3A_69 = arith.constant 0 : i32
    %swap3A_70 = arith.index_cast %swap3A_69 : i32 to index
    %swap3A_71 = arith.constant 64 : index
    %swap3A_72 = tpu.vector_load %arg7[%swap3A_70, %swap3A_71] {strides = array<i32>} : memref<2x512xi32, #tpu.memory_space<vmem>>, vector<16xi32>,
    tpu.vector_store %arg7[%swap3A_70, %swap3A_71], %gather3A_68 {strides = array<i32>} : memref<2x512xi32, #tpu.memory_space<vmem>>, vector<16xi32>,
    %add3A_73 = arith.constant 80 : i32
    %add3A_74 = vector.broadcast %add3A_73 : i32 to vector<16xi32>
    %add3A_75 = arith.addi %iota3A, %add3A_74 : vector<16xi32>
    %mul3A_76 = arith.constant 200 : i32
    %mul3A_77 = vector.broadcast %mul3A_76 : i32 to vector<16xi32>
    %mul3A_78 = arith.muli %add3A_75, %mul3A_77 : vector<16xi32>
    %add3A_79 = arith.constant 0 : i32
    %add3A_80 = vector.broadcast %add3A_79 : i32 to vector<16xi32>
    %add3A_81 = arith.addi %mul3A_78, %add3A_80 : vector<16xi32>
    %gather3A_82 = tpu.vector_load_idx %arg6[%add3A_81] : memref<25600xi32, #tpu.memory_space<vmem>>[vector<16xi32>], vector<16xi32>,
    %swap3A_83 = arith.constant 0 : i32
    %swap3A_84 = arith.index_cast %swap3A_83 : i32 to index
    %swap3A_85 = arith.constant 80 : index
    %swap3A_86 = tpu.vector_load %arg7[%swap3A_84, %swap3A_85] {strides = array<i32>} : memref<2x512xi32, #tpu.memory_space<vmem>>, vector<16xi32>,
    tpu.vector_store %arg7[%swap3A_84, %swap3A_85], %gather3A_82 {strides = array<i32>} : memref<2x512xi32, #tpu.memory_space<vmem>>, vector<16xi32>,
    %add3A_87 = arith.constant 96 : i32
    %add3A_88 = vector.broadcast %add3A_87 : i32 to vector<16xi32>
    %add3A_89 = arith.addi %iota3A, %add3A_88 : vector<16xi32>
    %mul3A_90 = arith.constant 200 : i32
    %mul3A_91 = vector.broadcast %mul3A_90 : i32 to vector<16xi32>
    %mul3A_92 = arith.muli %add3A_89, %mul3A_91 : vector<16xi32>
    %add3A_93 = arith.constant 0 : i32
    %add3A_94 = vector.broadcast %add3A_93 : i32 to vector<16xi32>
    %add3A_95 = arith.addi %mul3A_92, %add3A_94 : vector<16xi32>
    %gather3A_96 = tpu.vector_load_idx %arg6[%add3A_95] : memref<25600xi32, #tpu.memory_space<vmem>>[vector<16xi32>], vector<16xi32>,
    %swap3A_97 = arith.constant 0 : i32
    %swap3A_98 = arith.index_cast %swap3A_97 : i32 to index
    %swap3A_99 = arith.constant 96 : index
    %swap3A_100 = tpu.vector_load %arg7[%swap3A_98, %swap3A_99] {strides = array<i32>} : memref<2x512xi32, #tpu.memory_space<vmem>>, vector<16xi32>,
    tpu.vector_store %arg7[%swap3A_98, %swap3A_99], %gather3A_96 {strides = array<i32>} : memref<2x512xi32, #tpu.memory_space<vmem>>, vector<16xi32>,
    %add3A_101 = arith.constant 112 : i32
    %add3A_102 = vector.broadcast %add3A_101 : i32 to vector<16xi32>
    %add3A_103 = arith.addi %iota3A, %add3A_102 : vector<16xi32>
    %mul3A_104 = arith.constant 200 : i32
    %mul3A_105 = vector.broadcast %mul3A_104 : i32 to vector<16xi32>
    %mul3A_106 = arith.muli %add3A_103, %mul3A_105 : vector<16xi32>
    %add3A_107 = arith.constant 0 : i32
    %add3A_108 = vector.broadcast %add3A_107 : i32 to vector<16xi32>
    %add3A_109 = arith.addi %mul3A_106, %add3A_108 : vector<16xi32>
    %gather3A_110 = tpu.vector_load_idx %arg6[%add3A_109] : memref<25600xi32, #tpu.memory_space<vmem>>[vector<16xi32>], vector<16xi32>,
    %swap3A_111 = arith.constant 0 : i32
    %swap3A_112 = arith.index_cast %swap3A_111 : i32 to index
    %swap3A_113 = arith.constant 112 : index
    %swap3A_114 = tpu.vector_load %arg7[%swap3A_112, %swap3A_113] {strides = array<i32>} : memref<2x512xi32, #tpu.memory_space<vmem>>, vector<16xi32>,
    tpu.vector_store %arg7[%swap3A_112, %swap3A_113], %gather3A_110 {strides = array<i32>} : memref<2x512xi32, #tpu.memory_space<vmem>>, vector<16xi32>,
    %add3A_115 = arith.constant 0 : i32
    %add3A_116 = vector.broadcast %add3A_115 : i32 to vector<16xi32>
    %add3A_117 = arith.addi %iota3A, %add3A_116 : vector<16xi32>
    %mul3A_118 = arith.constant 200 : i32
    %mul3A_119 = vector.broadcast %mul3A_118 : i32 to vector<16xi32>
    %mul3A_120 = arith.muli %add3A_117, %mul3A_119 : vector<16xi32>
    %add3A_121 = arith.constant 1 : i32
    %add3A_122 = vector.broadcast %add3A_121 : i32 to vector<16xi32>
    %add3A_123 = arith.addi %mul3A_120, %add3A_122 : vector<16xi32>
    %gather3A_124 = tpu.vector_load_idx %arg6[%add3A_123] : memref<25600xi32, #tpu.memory_space<vmem>>[vector<16xi32>], vector<16xi32>,
    %swap3A_125 = arith.constant 0 : i32
    %swap3A_126 = arith.index_cast %swap3A_125 : i32 to index
    %swap3A_127 = arith.constant 128 : index
    %swap3A_128 = tpu.vector_load %arg7[%swap3A_126, %swap3A_127] {strides = array<i32>} : memref<2x512xi32, #tpu.memory_space<vmem>>, vector<16xi32>,
    tpu.vector_store %arg7[%swap3A_126, %swap3A_127], %gather3A_124 {strides = array<i32>} : memref<2x512xi32, #tpu.memory_space<vmem>>, vector<16xi32>,
    %add3A_129 = arith.constant 16 : i32
    %add3A_130 = vector.broadcast %add3A_129 : i32 to vector<16xi32>
    %add3A_131 = arith.addi %iota3A, %add3A_130 : vector<16xi32>
    %mul3A_132 = arith.constant 200 : i32
    %mul3A_133 = vector.broadcast %mul3A_132 : i32 to vector<16xi32>
    %mul3A_134 = arith.muli %add3A_131, %mul3A_133 : vector<16xi32>
    %add3A_135 = arith.constant 1 : i32
    %add3A_136 = vector.broadcast %add3A_135 : i32 to vector<16xi32>
    %add3A_137 = arith.addi %mul3A_134, %add3A_136 : vector<16xi32>
    %gather3A_138 = tpu.vector_load_idx %arg6[%add3A_137] : memref<25600xi32, #tpu.memory_space<vmem>>[vector<16xi32>], vector<16xi32>,
    %swap3A_139 = arith.constant 0 : i32
    %swap3A_140 = arith.index_cast %swap3A_139 : i32 to index
    %swap3A_141 = arith.constant 144 : index
    %swap3A_142 = tpu.vector_load %arg7[%swap3A_140, %swap3A_141] {strides = array<i32>} : memref<2x512xi32, #tpu.memory_space<vmem>>, vector<16xi32>,
    tpu.vector_store %arg7[%swap3A_140, %swap3A_141], %gather3A_138 {strides = array<i32>} : memref<2x512xi32, #tpu.memory_space<vmem>>, vector<16xi32>,
    %add3A_143 = arith.constant 32 : i32
    %add3A_144 = vector.broadcast %add3A_143 : i32 to vector<16xi32>
    %add3A_145 = arith.addi %iota3A, %add3A_144 : vector<16xi32>
    %mul3A_146 = arith.constant 200 : i32
    %mul3A_147 = vector.broadcast %mul3A_146 : i32 to vector<16xi32>
    %mul3A_148 = arith.muli %add3A_145, %mul3A_147 : vector<16xi32>
    %add3A_149 = arith.constant 1 : i32
    %add3A_150 = vector.broadcast %add3A_149 : i32 to vector<16xi32>
    %add3A_151 = arith.addi %mul3A_148, %add3A_150 : vector<16xi32>
    %gather3A_152 = tpu.vector_load_idx %arg6[%add3A_151] : memref<25600xi32, #tpu.memory_space<vmem>>[vector<16xi32>], vector<16xi32>,
    %swap3A_153 = arith.constant 0 : i32
    %swap3A_154 = arith.index_cast %swap3A_153 : i32 to index
    %swap3A_155 = arith.constant 160 : index
    %swap3A_156 = tpu.vector_load %arg7[%swap3A_154, %swap3A_155] {strides = array<i32>} : memref<2x512xi32, #tpu.memory_space<vmem>>, vector<16xi32>,
    tpu.vector_store %arg7[%swap3A_154, %swap3A_155], %gather3A_152 {strides = array<i32>} : memref<2x512xi32, #tpu.memory_space<vmem>>, vector<16xi32>,
    %add3A_157 = arith.constant 48 : i32
    %add3A_158 = vector.broadcast %add3A_157 : i32 to vector<16xi32>
    %add3A_159 = arith.addi %iota3A, %add3A_158 : vector<16xi32>
    %mul3A_160 = arith.constant 200 : i32
    %mul3A_161 = vector.broadcast %mul3A_160 : i32 to vector<16xi32>
    %mul3A_162 = arith.muli %add3A_159, %mul3A_161 : vector<16xi32>
    %add3A_163 = arith.constant 1 : i32
    %add3A_164 = vector.broadcast %add3A_163 : i32 to vector<16xi32>
    %add3A_165 = arith.addi %mul3A_162, %add3A_164 : vector<16xi32>
    %gather3A_166 = tpu.vector_load_idx %arg6[%add3A_165] : memref<25600xi32, #tpu.memory_space<vmem>>[vector<16xi32>], vector<16xi32>,
    %swap3A_167 = arith.constant 0 : i32
    %swap3A_168 = arith.index_cast %swap3A_167 : i32 to index
    %swap3A_169 = arith.constant 176 : index
    %swap3A_170 = tpu.vector_load %arg7[%swap3A_168, %swap3A_169] {strides = array<i32>} : memref<2x512xi32, #tpu.memory_space<vmem>>, vector<16xi32>,
    tpu.vector_store %arg7[%swap3A_168, %swap3A_169], %gather3A_166 {strides = array<i32>} : memref<2x512xi32, #tpu.memory_space<vmem>>, vector<16xi32>,
    %add3A_171 = arith.constant 64 : i32
    %add3A_172 = vector.broadcast %add3A_171 : i32 to vector<16xi32>
    %add3A_173 = arith.addi %iota3A, %add3A_172 : vector<16xi32>
    %mul3A_174 = arith.constant 200 : i32
    %mul3A_175 = vector.broadcast %mul3A_174 : i32 to vector<16xi32>
    %mul3A_176 = arith.muli %add3A_173, %mul3A_175 : vector<16xi32>
    %add3A_177 = arith.constant 1 : i32
    %add3A_178 = vector.broadcast %add3A_177 : i32 to vector<16xi32>
    %add3A_179 = arith.addi %mul3A_176, %add3A_178 : vector<16xi32>
    %gather3A_180 = tpu.vector_load_idx %arg6[%add3A_179] : memref<25600xi32, #tpu.memory_space<vmem>>[vector<16xi32>], vector<16xi32>,
    %swap3A_181 = arith.constant 0 : i32
    %swap3A_182 = arith.index_cast %swap3A_181 : i32 to index
    %swap3A_183 = arith.constant 192 : index
    %swap3A_184 = tpu.vector_load %arg7[%swap3A_182, %swap3A_183] {strides = array<i32>} : memref<2x512xi32, #tpu.memory_space<vmem>>, vector<16xi32>,
    tpu.vector_store %arg7[%swap3A_182, %swap3A_183], %gather3A_180 {strides = array<i32>} : memref<2x512xi32, #tpu.memory_space<vmem>>, vector<16xi32>,
    %add3A_185 = arith.constant 80 : i32
    %add3A_186 = vector.broadcast %add3A_185 : i32 to vector<16xi32>
    %add3A_187 = arith.addi %iota3A, %add3A_186 : vector<16xi32>
    %mul3A_188 = arith.constant 200 : i32
    %mul3A_189 = vector.broadcast %mul3A_188 : i32 to vector<16xi32>
    %mul3A_190 = arith.muli %add3A_187, %mul3A_189 : vector<16xi32>
    %add3A_191 = arith.constant 1 : i32
    %add3A_192 = vector.broadcast %add3A_191 : i32 to vector<16xi32>
    %add3A_193 = arith.addi %mul3A_190, %add3A_192 : vector<16xi32>
    %gather3A_194 = tpu.vector_load_idx %arg6[%add3A_193] : memref<25600xi32, #tpu.memory_space<vmem>>[vector<16xi32>], vector<16xi32>,
    %swap3A_195 = arith.constant 0 : i32
    %swap3A_196 = arith.index_cast %swap3A_195 : i32 to index
    %swap3A_197 = arith.constant 208 : index
    %swap3A_198 = tpu.vector_load %arg7[%swap3A_196, %swap3A_197] {strides = array<i32>} : memref<2x512xi32, #tpu.memory_space<vmem>>, vector<16xi32>,
    tpu.vector_store %arg7[%swap3A_196, %swap3A_197], %gather3A_194 {strides = array<i32>} : memref<2x512xi32, #tpu.memory_space<vmem>>, vector<16xi32>,
    %add3A_199 = arith.constant 96 : i32
    %add3A_200 = vector.broadcast %add3A_199 : i32 to vector<16xi32>
    %add3A_201 = arith.addi %iota3A, %add3A_200 : vector<16xi32>
    %mul3A_202 = arith.constant 200 : i32
    %mul3A_203 = vector.broadcast %mul3A_202 : i32 to vector<16xi32>
    %mul3A_204 = arith.muli %add3A_201, %mul3A_203 : vector<16xi32>
    %add3A_205 = arith.constant 1 : i32
    %add3A_206 = vector.broadcast %add3A_205 : i32 to vector<16xi32>
    %add3A_207 = arith.addi %mul3A_204, %add3A_206 : vector<16xi32>
    %gather3A_208 = tpu.vector_load_idx %arg6[%add3A_207] : memref<25600xi32, #tpu.memory_space<vmem>>[vector<16xi32>], vector<16xi32>,
    %swap3A_209 = arith.constant 0 : i32
    %swap3A_210 = arith.index_cast %swap3A_209 : i32 to index
    %swap3A_211 = arith.constant 224 : index
    %swap3A_212 = tpu.vector_load %arg7[%swap3A_210, %swap3A_211] {strides = array<i32>} : memref<2x512xi32, #tpu.memory_space<vmem>>, vector<16xi32>,
    tpu.vector_store %arg7[%swap3A_210, %swap3A_211], %gather3A_208 {strides = array<i32>} : memref<2x512xi32, #tpu.memory_space<vmem>>, vector<16xi32>,
    %add3A_213 = arith.constant 112 : i32
    %add3A_214 = vector.broadcast %add3A_213 : i32 to vector<16xi32>
    %add3A_215 = arith.addi %iota3A, %add3A_214 : vector<16xi32>
    %mul3A_216 = arith.constant 200 : i32
    %mul3A_217 = vector.broadcast %mul3A_216 : i32 to vector<16xi32>
    %mul3A_218 = arith.muli %add3A_215, %mul3A_217 : vector<16xi32>
    %add3A_219 = arith.constant 1 : i32
    %add3A_220 = vector.broadcast %add3A_219 : i32 to vector<16xi32>
    %add3A_221 = arith.addi %mul3A_218, %add3A_220 : vector<16xi32>
    %gather3A_222 = tpu.vector_load_idx %arg6[%add3A_221] : memref<25600xi32, #tpu.memory_space<vmem>>[vector<16xi32>], vector<16xi32>,
    %swap3A_223 = arith.constant 0 : i32
    %swap3A_224 = arith.index_cast %swap3A_223 : i32 to index
    %swap3A_225 = arith.constant 240 : index
    %swap3A_226 = tpu.vector_load %arg7[%swap3A_224, %swap3A_225] {strides = array<i32>} : memref<2x512xi32, #tpu.memory_space<vmem>>, vector<16xi32>,
    tpu.vector_store %arg7[%swap3A_224, %swap3A_225], %gather3A_222 {strides = array<i32>} : memref<2x512xi32, #tpu.memory_space<vmem>>, vector<16xi32>,
    %add3A_227 = arith.constant 0 : i32
    %add3A_228 = vector.broadcast %add3A_227 : i32 to vector<16xi32>
    %add3A_229 = arith.addi %iota3A, %add3A_228 : vector<16xi32>
    %mul3A_230 = arith.constant 200 : i32
    %mul3A_231 = vector.broadcast %mul3A_230 : i32 to vector<16xi32>
    %mul3A_232 = arith.muli %add3A_229, %mul3A_231 : vector<16xi32>
    %add3A_233 = arith.constant 2 : i32
    %add3A_234 = vector.broadcast %add3A_233 : i32 to vector<16xi32>
    %add3A_235 = arith.addi %mul3A_232, %add3A_234 : vector<16xi32>
    %gather3A_236 = tpu.vector_load_idx %arg6[%add3A_235] : memref<25600xi32, #tpu.memory_space<vmem>>[vector<16xi32>], vector<16xi32>,
    %swap3A_237 = arith.constant 0 : i32
    %swap3A_238 = arith.index_cast %swap3A_237 : i32 to index
    %swap3A_239 = arith.constant 256 : index
    %swap3A_240 = tpu.vector_load %arg7[%swap3A_238, %swap3A_239] {strides = array<i32>} : memref<2x512xi32, #tpu.memory_space<vmem>>, vector<16xi32>,
    tpu.vector_store %arg7[%swap3A_238, %swap3A_239], %gather3A_236 {strides = array<i32>} : memref<2x512xi32, #tpu.memory_space<vmem>>, vector<16xi32>,
    %add3A_241 = arith.constant 16 : i32
    %add3A_242 = vector.broadcast %add3A_241 : i32 to vector<16xi32>
    %add3A_243 = arith.addi %iota3A, %add3A_242 : vector<16xi32>
    %mul3A_244 = arith.constant 200 : i32
    %mul3A_245 = vector.broadcast %mul3A_244 : i32 to vector<16xi32>
    %mul3A_246 = arith.muli %add3A_243, %mul3A_245 : vector<16xi32>
    %add3A_247 = arith.constant 2 : i32
    %add3A_248 = vector.broadcast %add3A_247 : i32 to vector<16xi32>
    %add3A_249 = arith.addi %mul3A_246, %add3A_248 : vector<16xi32>
    %gather3A_250 = tpu.vector_load_idx %arg6[%add3A_249] : memref<25600xi32, #tpu.memory_space<vmem>>[vector<16xi32>], vector<16xi32>,
    %swap3A_251 = arith.constant 0 : i32
    %swap3A_252 = arith.index_cast %swap3A_251 : i32 to index
    %swap3A_253 = arith.constant 272 : index
    %swap3A_254 = tpu.vector_load %arg7[%swap3A_252, %swap3A_253] {strides = array<i32>} : memref<2x512xi32, #tpu.memory_space<vmem>>, vector<16xi32>,
    tpu.vector_store %arg7[%swap3A_252, %swap3A_253], %gather3A_250 {strides = array<i32>} : memref<2x512xi32, #tpu.memory_space<vmem>>, vector<16xi32>,
    %add3A_255 = arith.constant 32 : i32
    %add3A_256 = vector.broadcast %add3A_255 : i32 to vector<16xi32>
    %add3A_257 = arith.addi %iota3A, %add3A_256 : vector<16xi32>
    %mul3A_258 = arith.constant 200 : i32
    %mul3A_259 = vector.broadcast %mul3A_258 : i32 to vector<16xi32>
    %mul3A_260 = arith.muli %add3A_257, %mul3A_259 : vector<16xi32>
    %add3A_261 = arith.constant 2 : i32
    %add3A_262 = vector.broadcast %add3A_261 : i32 to vector<16xi32>
    %add3A_263 = arith.addi %mul3A_260, %add3A_262 : vector<16xi32>
    %gather3A_264 = tpu.vector_load_idx %arg6[%add3A_263] : memref<25600xi32, #tpu.memory_space<vmem>>[vector<16xi32>], vector<16xi32>,
    %swap3A_265 = arith.constant 0 : i32
    %swap3A_266 = arith.index_cast %swap3A_265 : i32 to index
    %swap3A_267 = arith.constant 288 : index
    %swap3A_268 = tpu.vector_load %arg7[%swap3A_266, %swap3A_267] {strides = array<i32>} : memref<2x512xi32, #tpu.memory_space<vmem>>, vector<16xi32>,
    tpu.vector_store %arg7[%swap3A_266, %swap3A_267], %gather3A_264 {strides = array<i32>} : memref<2x512xi32, #tpu.memory_space<vmem>>, vector<16xi32>,
    %add3A_269 = arith.constant 48 : i32
    %add3A_270 = vector.broadcast %add3A_269 : i32 to vector<16xi32>
    %add3A_271 = arith.addi %iota3A, %add3A_270 : vector<16xi32>
    %mul3A_272 = arith.constant 200 : i32
    %mul3A_273 = vector.broadcast %mul3A_272 : i32 to vector<16xi32>
    %mul3A_274 = arith.muli %add3A_271, %mul3A_273 : vector<16xi32>
    %add3A_275 = arith.constant 2 : i32
    %add3A_276 = vector.broadcast %add3A_275 : i32 to vector<16xi32>
    %add3A_277 = arith.addi %mul3A_274, %add3A_276 : vector<16xi32>
    %gather3A_278 = tpu.vector_load_idx %arg6[%add3A_277] : memref<25600xi32, #tpu.memory_space<vmem>>[vector<16xi32>], vector<16xi32>,
    %swap3A_279 = arith.constant 0 : i32
    %swap3A_280 = arith.index_cast %swap3A_279 : i32 to index
    %swap3A_281 = arith.constant 304 : index
    %swap3A_282 = tpu.vector_load %arg7[%swap3A_280, %swap3A_281] {strides = array<i32>} : memref<2x512xi32, #tpu.memory_space<vmem>>, vector<16xi32>,
    tpu.vector_store %arg7[%swap3A_280, %swap3A_281], %gather3A_278 {strides = array<i32>} : memref<2x512xi32, #tpu.memory_space<vmem>>, vector<16xi32>,
    %add3A_283 = arith.constant 64 : i32
    %add3A_284 = vector.broadcast %add3A_283 : i32 to vector<16xi32>
    %add3A_285 = arith.addi %iota3A, %add3A_284 : vector<16xi32>
    %mul3A_286 = arith.constant 200 : i32
    %mul3A_287 = vector.broadcast %mul3A_286 : i32 to vector<16xi32>
    %mul3A_288 = arith.muli %add3A_285, %mul3A_287 : vector<16xi32>
    %add3A_289 = arith.constant 2 : i32
    %add3A_290 = vector.broadcast %add3A_289 : i32 to vector<16xi32>
    %add3A_291 = arith.addi %mul3A_288, %add3A_290 : vector<16xi32>
    %gather3A_292 = tpu.vector_load_idx %arg6[%add3A_291] : memref<25600xi32, #tpu.memory_space<vmem>>[vector<16xi32>], vector<16xi32>,
    %swap3A_293 = arith.constant 0 : i32
    %swap3A_294 = arith.index_cast %swap3A_293 : i32 to index
    %swap3A_295 = arith.constant 320 : index
    %swap3A_296 = tpu.vector_load %arg7[%swap3A_294, %swap3A_295] {strides = array<i32>} : memref<2x512xi32, #tpu.memory_space<vmem>>, vector<16xi32>,
    tpu.vector_store %arg7[%swap3A_294, %swap3A_295], %gather3A_292 {strides = array<i32>} : memref<2x512xi32, #tpu.memory_space<vmem>>, vector<16xi32>,
    %add3A_297 = arith.constant 80 : i32
    %add3A_298 = vector.broadcast %add3A_297 : i32 to vector<16xi32>
    %add3A_299 = arith.addi %iota3A, %add3A_298 : vector<16xi32>
    %mul3A_300 = arith.constant 200 : i32
    %mul3A_301 = vector.broadcast %mul3A_300 : i32 to vector<16xi32>
    %mul3A_302 = arith.muli %add3A_299, %mul3A_301 : vector<16xi32>
    %add3A_303 = arith.constant 2 : i32
    %add3A_304 = vector.broadcast %add3A_303 : i32 to vector<16xi32>
    %add3A_305 = arith.addi %mul3A_302, %add3A_304 : vector<16xi32>
    %gather3A_306 = tpu.vector_load_idx %arg6[%add3A_305] : memref<25600xi32, #tpu.memory_space<vmem>>[vector<16xi32>], vector<16xi32>,
    %swap3A_307 = arith.constant 0 : i32
    %swap3A_308 = arith.index_cast %swap3A_307 : i32 to index
    %swap3A_309 = arith.constant 336 : index
    %swap3A_310 = tpu.vector_load %arg7[%swap3A_308, %swap3A_309] {strides = array<i32>} : memref<2x512xi32, #tpu.memory_space<vmem>>, vector<16xi32>,
    tpu.vector_store %arg7[%swap3A_308, %swap3A_309], %gather3A_306 {strides = array<i32>} : memref<2x512xi32, #tpu.memory_space<vmem>>, vector<16xi32>,
    %add3A_311 = arith.constant 96 : i32
    %add3A_312 = vector.broadcast %add3A_311 : i32 to vector<16xi32>
    %add3A_313 = arith.addi %iota3A, %add3A_312 : vector<16xi32>
    %mul3A_314 = arith.constant 200 : i32
    %mul3A_315 = vector.broadcast %mul3A_314 : i32 to vector<16xi32>
    %mul3A_316 = arith.muli %add3A_313, %mul3A_315 : vector<16xi32>
    %add3A_317 = arith.constant 2 : i32
    %add3A_318 = vector.broadcast %add3A_317 : i32 to vector<16xi32>
    %add3A_319 = arith.addi %mul3A_316, %add3A_318 : vector<16xi32>
    %gather3A_320 = tpu.vector_load_idx %arg6[%add3A_319] : memref<25600xi32, #tpu.memory_space<vmem>>[vector<16xi32>], vector<16xi32>,
    %swap3A_321 = arith.constant 0 : i32
    %swap3A_322 = arith.index_cast %swap3A_321 : i32 to index
    %swap3A_323 = arith.constant 352 : index
    %swap3A_324 = tpu.vector_load %arg7[%swap3A_322, %swap3A_323] {strides = array<i32>} : memref<2x512xi32, #tpu.memory_space<vmem>>, vector<16xi32>,
    tpu.vector_store %arg7[%swap3A_322, %swap3A_323], %gather3A_320 {strides = array<i32>} : memref<2x512xi32, #tpu.memory_space<vmem>>, vector<16xi32>,
    %add3A_325 = arith.constant 112 : i32
    %add3A_326 = vector.broadcast %add3A_325 : i32 to vector<16xi32>
    %add3A_327 = arith.addi %iota3A, %add3A_326 : vector<16xi32>
    %mul3A_328 = arith.constant 200 : i32
    %mul3A_329 = vector.broadcast %mul3A_328 : i32 to vector<16xi32>
    %mul3A_330 = arith.muli %add3A_327, %mul3A_329 : vector<16xi32>
    %add3A_331 = arith.constant 2 : i32
    %add3A_332 = vector.broadcast %add3A_331 : i32 to vector<16xi32>
    %add3A_333 = arith.addi %mul3A_330, %add3A_332 : vector<16xi32>
    %gather3A_334 = tpu.vector_load_idx %arg6[%add3A_333] : memref<25600xi32, #tpu.memory_space<vmem>>[vector<16xi32>], vector<16xi32>,
    %swap3A_335 = arith.constant 0 : i32
    %swap3A_336 = arith.index_cast %swap3A_335 : i32 to index
    %swap3A_337 = arith.constant 368 : index
    %swap3A_338 = tpu.vector_load %arg7[%swap3A_336, %swap3A_337] {strides = array<i32>} : memref<2x512xi32, #tpu.memory_space<vmem>>, vector<16xi32>,
    tpu.vector_store %arg7[%swap3A_336, %swap3A_337], %gather3A_334 {strides = array<i32>} : memref<2x512xi32, #tpu.memory_space<vmem>>, vector<16xi32>,
    %add3A_339 = arith.constant 0 : i32
    %add3A_340 = vector.broadcast %add3A_339 : i32 to vector<16xi32>
    %add3A_341 = arith.addi %iota3A, %add3A_340 : vector<16xi32>
    %mul3A_342 = arith.constant 200 : i32
    %mul3A_343 = vector.broadcast %mul3A_342 : i32 to vector<16xi32>
    %mul3A_344 = arith.muli %add3A_341, %mul3A_343 : vector<16xi32>
    %add3A_345 = arith.constant 3 : i32
    %add3A_346 = vector.broadcast %add3A_345 : i32 to vector<16xi32>
    %add3A_347 = arith.addi %mul3A_344, %add3A_346 : vector<16xi32>
    %gather3A_348 = tpu.vector_load_idx %arg6[%add3A_347] : memref<25600xi32, #tpu.memory_space<vmem>>[vector<16xi32>], vector<16xi32>,
    %swap3A_349 = arith.constant 0 : i32
    %swap3A_350 = arith.index_cast %swap3A_349 : i32 to index
    %swap3A_351 = arith.constant 384 : index
    %swap3A_352 = tpu.vector_load %arg7[%swap3A_350, %swap3A_351] {strides = array<i32>} : memref<2x512xi32, #tpu.memory_space<vmem>>, vector<16xi32>,
    tpu.vector_store %arg7[%swap3A_350, %swap3A_351], %gather3A_348 {strides = array<i32>} : memref<2x512xi32, #tpu.memory_space<vmem>>, vector<16xi32>,
    %add3A_353 = arith.constant 16 : i32
    %add3A_354 = vector.broadcast %add3A_353 : i32 to vector<16xi32>
    %add3A_355 = arith.addi %iota3A, %add3A_354 : vector<16xi32>
    %mul3A_356 = arith.constant 200 : i32
    %mul3A_357 = vector.broadcast %mul3A_356 : i32 to vector<16xi32>
    %mul3A_358 = arith.muli %add3A_355, %mul3A_357 : vector<16xi32>
    %add3A_359 = arith.constant 3 : i32
    %add3A_360 = vector.broadcast %add3A_359 : i32 to vector<16xi32>
    %add3A_361 = arith.addi %mul3A_358, %add3A_360 : vector<16xi32>
    %gather3A_362 = tpu.vector_load_idx %arg6[%add3A_361] : memref<25600xi32, #tpu.memory_space<vmem>>[vector<16xi32>], vector<16xi32>,
    %swap3A_363 = arith.constant 0 : i32
    %swap3A_364 = arith.index_cast %swap3A_363 : i32 to index
    %swap3A_365 = arith.constant 400 : index
    %swap3A_366 = tpu.vector_load %arg7[%swap3A_364, %swap3A_365] {strides = array<i32>} : memref<2x512xi32, #tpu.memory_space<vmem>>, vector<16xi32>,
    tpu.vector_store %arg7[%swap3A_364, %swap3A_365], %gather3A_362 {strides = array<i32>} : memref<2x512xi32, #tpu.memory_space<vmem>>, vector<16xi32>,
    %add3A_367 = arith.constant 32 : i32
    %add3A_368 = vector.broadcast %add3A_367 : i32 to vector<16xi32>
    %add3A_369 = arith.addi %iota3A, %add3A_368 : vector<16xi32>
    %mul3A_370 = arith.constant 200 : i32
    %mul3A_371 = vector.broadcast %mul3A_370 : i32 to vector<16xi32>
    %mul3A_372 = arith.muli %add3A_369, %mul3A_371 : vector<16xi32>
    %add3A_373 = arith.constant 3 : i32
    %add3A_374 = vector.broadcast %add3A_373 : i32 to vector<16xi32>
    %add3A_375 = arith.addi %mul3A_372, %add3A_374 : vector<16xi32>
    %gather3A_376 = tpu.vector_load_idx %arg6[%add3A_375] : memref<25600xi32, #tpu.memory_space<vmem>>[vector<16xi32>], vector<16xi32>,
    %swap3A_377 = arith.constant 0 : i32
    %swap3A_378 = arith.index_cast %swap3A_377 : i32 to index
    %swap3A_379 = arith.constant 416 : index
    %swap3A_380 = tpu.vector_load %arg7[%swap3A_378, %swap3A_379] {strides = array<i32>} : memref<2x512xi32, #tpu.memory_space<vmem>>, vector<16xi32>,
    tpu.vector_store %arg7[%swap3A_378, %swap3A_379], %gather3A_376 {strides = array<i32>} : memref<2x512xi32, #tpu.memory_space<vmem>>, vector<16xi32>,
    %add3A_381 = arith.constant 48 : i32
    %add3A_382 = vector.broadcast %add3A_381 : i32 to vector<16xi32>
    %add3A_383 = arith.addi %iota3A, %add3A_382 : vector<16xi32>
    %mul3A_384 = arith.constant 200 : i32
    %mul3A_385 = vector.broadcast %mul3A_384 : i32 to vector<16xi32>
    %mul3A_386 = arith.muli %add3A_383, %mul3A_385 : vector<16xi32>
    %add3A_387 = arith.constant 3 : i32
    %add3A_388 = vector.broadcast %add3A_387 : i32 to vector<16xi32>
    %add3A_389 = arith.addi %mul3A_386, %add3A_388 : vector<16xi32>
    %gather3A_390 = tpu.vector_load_idx %arg6[%add3A_389] : memref<25600xi32, #tpu.memory_space<vmem>>[vector<16xi32>], vector<16xi32>,
    %swap3A_391 = arith.constant 0 : i32
    %swap3A_392 = arith.index_cast %swap3A_391 : i32 to index
    %swap3A_393 = arith.constant 432 : index
    %swap3A_394 = tpu.vector_load %arg7[%swap3A_392, %swap3A_393] {strides = array<i32>} : memref<2x512xi32, #tpu.memory_space<vmem>>, vector<16xi32>,
    tpu.vector_store %arg7[%swap3A_392, %swap3A_393], %gather3A_390 {strides = array<i32>} : memref<2x512xi32, #tpu.memory_space<vmem>>, vector<16xi32>,
    %add3A_395 = arith.constant 64 : i32
    %add3A_396 = vector.broadcast %add3A_395 : i32 to vector<16xi32>
    %add3A_397 = arith.addi %iota3A, %add3A_396 : vector<16xi32>
    %mul3A_398 = arith.constant 200 : i32
    %mul3A_399 = vector.broadcast %mul3A_398 : i32 to vector<16xi32>
    %mul3A_400 = arith.muli %add3A_397, %mul3A_399 : vector<16xi32>
    %add3A_401 = arith.constant 3 : i32
    %add3A_402 = vector.broadcast %add3A_401 : i32 to vector<16xi32>
    %add3A_403 = arith.addi %mul3A_400, %add3A_402 : vector<16xi32>
    %gather3A_404 = tpu.vector_load_idx %arg6[%add3A_403] : memref<25600xi32, #tpu.memory_space<vmem>>[vector<16xi32>], vector<16xi32>,
    %swap3A_405 = arith.constant 0 : i32
    %swap3A_406 = arith.index_cast %swap3A_405 : i32 to index
    %swap3A_407 = arith.constant 448 : index
    %swap3A_408 = tpu.vector_load %arg7[%swap3A_406, %swap3A_407] {strides = array<i32>} : memref<2x512xi32, #tpu.memory_space<vmem>>, vector<16xi32>,
    tpu.vector_store %arg7[%swap3A_406, %swap3A_407], %gather3A_404 {strides = array<i32>} : memref<2x512xi32, #tpu.memory_space<vmem>>, vector<16xi32>,
    %add3A_409 = arith.constant 80 : i32
    %add3A_410 = vector.broadcast %add3A_409 : i32 to vector<16xi32>
    %add3A_411 = arith.addi %iota3A, %add3A_410 : vector<16xi32>
    %mul3A_412 = arith.constant 200 : i32
    %mul3A_413 = vector.broadcast %mul3A_412 : i32 to vector<16xi32>
    %mul3A_414 = arith.muli %add3A_411, %mul3A_413 : vector<16xi32>
    %add3A_415 = arith.constant 3 : i32
    %add3A_416 = vector.broadcast %add3A_415 : i32 to vector<16xi32>
    %add3A_417 = arith.addi %mul3A_414, %add3A_416 : vector<16xi32>
    %gather3A_418 = tpu.vector_load_idx %arg6[%add3A_417] : memref<25600xi32, #tpu.memory_space<vmem>>[vector<16xi32>], vector<16xi32>,
    %swap3A_419 = arith.constant 0 : i32
    %swap3A_420 = arith.index_cast %swap3A_419 : i32 to index
    %swap3A_421 = arith.constant 464 : index
    %swap3A_422 = tpu.vector_load %arg7[%swap3A_420, %swap3A_421] {strides = array<i32>} : memref<2x512xi32, #tpu.memory_space<vmem>>, vector<16xi32>,
    tpu.vector_store %arg7[%swap3A_420, %swap3A_421], %gather3A_418 {strides = array<i32>} : memref<2x512xi32, #tpu.memory_space<vmem>>, vector<16xi32>,
    %add3A_423 = arith.constant 96 : i32
    %add3A_424 = vector.broadcast %add3A_423 : i32 to vector<16xi32>
    %add3A_425 = arith.addi %iota3A, %add3A_424 : vector<16xi32>
    %mul3A_426 = arith.constant 200 : i32
    %mul3A_427 = vector.broadcast %mul3A_426 : i32 to vector<16xi32>
    %mul3A_428 = arith.muli %add3A_425, %mul3A_427 : vector<16xi32>
    %add3A_429 = arith.constant 3 : i32
    %add3A_430 = vector.broadcast %add3A_429 : i32 to vector<16xi32>
    %add3A_431 = arith.addi %mul3A_428, %add3A_430 : vector<16xi32>
    %gather3A_432 = tpu.vector_load_idx %arg6[%add3A_431] : memref<25600xi32, #tpu.memory_space<vmem>>[vector<16xi32>], vector<16xi32>,
    %swap3A_433 = arith.constant 0 : i32
    %swap3A_434 = arith.index_cast %swap3A_433 : i32 to index
    %swap3A_435 = arith.constant 480 : index
    %swap3A_436 = tpu.vector_load %arg7[%swap3A_434, %swap3A_435] {strides = array<i32>} : memref<2x512xi32, #tpu.memory_space<vmem>>, vector<16xi32>,
    tpu.vector_store %arg7[%swap3A_434, %swap3A_435], %gather3A_432 {strides = array<i32>} : memref<2x512xi32, #tpu.memory_space<vmem>>, vector<16xi32>,
    %add3A_437 = arith.constant 112 : i32
    %add3A_438 = vector.broadcast %add3A_437 : i32 to vector<16xi32>
    %add3A_439 = arith.addi %iota3A, %add3A_438 : vector<16xi32>
    %mul3A_440 = arith.constant 200 : i32
    %mul3A_441 = vector.broadcast %mul3A_440 : i32 to vector<16xi32>
    %mul3A_442 = arith.muli %add3A_439, %mul3A_441 : vector<16xi32>
    %add3A_443 = arith.constant 3 : i32
    %add3A_444 = vector.broadcast %add3A_443 : i32 to vector<16xi32>
    %add3A_445 = arith.addi %mul3A_442, %add3A_444 : vector<16xi32>
    %gather3A_446 = tpu.vector_load_idx %arg6[%add3A_445] : memref<25600xi32, #tpu.memory_space<vmem>>[vector<16xi32>], vector<16xi32>,
    %swap3A_447 = arith.constant 0 : i32
    %swap3A_448 = arith.index_cast %swap3A_447 : i32 to index
    %swap3A_449 = arith.constant 496 : index
    %swap3A_450 = tpu.vector_load %arg7[%swap3A_448, %swap3A_449] {strides = array<i32>} : memref<2x512xi32, #tpu.memory_space<vmem>>, vector<16xi32>,
    tpu.vector_store %arg7[%swap3A_448, %swap3A_449], %gather3A_446 {strides = array<i32>} : memref<2x512xi32, #tpu.memory_space<vmem>>, vector<16xi32>,
    %dma_start3A = arith.constant 0 : i32
    %dma_start3A_451 = arith.constant 0 : i32
    %dma_start3A_452 = arith.constant 0 : i32
    %dma_start3A_453 = arith.constant 0 : i32
    %dma_start3A_454 = arith.constant 0 : i32
    %dma_start3A_455 = tpu.memref_slice %arg8[%dma_start3A_451, %dma_start3A_453, %dma_start3A_454] : memref<2x512x32xf32, #tpu.memory_space<vmem>> -> memref<1x512x32xf32, #tpu.memory_space<vmem>>
    %dma_start3A_456 = tpu.memref_squeeze %dma_start3A_455 : memref<1x512x32xf32, #tpu.memory_space<vmem>> -> memref<512x32xf32, #tpu.memory_space<vmem>>
    %dma_start3A_457 = arith.constant 0 : i32
    %dma_start3A_458 = tpu.memref_slice %arg7[%dma_start3A, %dma_start3A_457] : memref<2x512xi32, #tpu.memory_space<vmem>> -> memref<1x512xi32, #tpu.memory_space<vmem>>
    %dma_start3A_459 = tpu.memref_squeeze %dma_start3A_458 : memref<1x512xi32, #tpu.memory_space<vmem>> -> memref<512xi32, #tpu.memory_space<vmem>>
    %dma_start3A_460 = arith.constant 0 : i32
    %dma_start3A_461 = arith.constant 0 : i32
    %dma_start3A_462 = tpu.memref_slice %arg3[%dma_start3A_460, %dma_start3A_461] : memref<100000x32xf32, #tpu.memory_space<hbm>> -> memref<100000x32xf32, #tpu.memory_space<hbm>>
    %dma_start3A_463 = tpu.memref_slice %arg11[%dma_start3A_452] : memref<2x!tpu.dma_semaphore, #tpu.memory_space<semaphore_mem>> -> memref<1x!tpu.dma_semaphore, #tpu.memory_space<semaphore_mem>>
    %dma_start3A_464 = tpu.memref_squeeze %dma_start3A_463 : memref<1x!tpu.dma_semaphore, #tpu.memory_space<semaphore_mem>> -> memref<!tpu.dma_semaphore, #tpu.memory_space<semaphore_mem>>
    tpu.enqueue_indirect_dma source(%dma_start3A_462 : memref<100000x32xf32, #tpu.memory_space<hbm>>) target(%dma_start3A_456 : memref<512x32xf32, #tpu.memory_space<vmem>>) offsets(%dma_start3A_459 : memref<512xi32, #tpu.memory_space<vmem>>) semaphore(%dma_start3A_464 : memref<!tpu.dma_semaphore, #tpu.memory_space<semaphore_mem>>)
    %scan3A = arith.constant 0 : i32
    %scan3A_465 = arith.constant 0 : i32
    %scan3A_466 = arith.constant 25 : i32
    %scan3A_467 = arith.addi %scan3A_465, %scan3A_466 : i32
    %scan3A_468 = arith.constant 1 : i32
    scf.for %scan3A_669 = %scan3A_465 to %scan3A_467 step %scan3A_468  : i32 {
      %mul3A_670 = arith.constant 2 : i32
      %mul3A_671 = arith.muli %mul3A_670, %scan3A_669 : i32
      %dma_wait3A_672 = arith.constant 0 : i32
      %dma_wait3A_673 = arith.constant 0 : i32
      %dma_wait3A_674 = arith.constant 0 : i32
      %dma_wait3A_675 = arith.constant 0 : i32
      %dma_wait3A_676 = arith.constant 0 : i32
      %dma_wait3A_677 = tpu.memref_slice %arg8[%dma_wait3A_673, %dma_wait3A_675, %dma_wait3A_676] : memref<2x512x32xf32, #tpu.memory_space<vmem>> -> memref<1x512x32xf32, #tpu.memory_space<vmem>>
      %dma_wait3A_678 = tpu.memref_squeeze %dma_wait3A_677 : memref<1x512x32xf32, #tpu.memory_space<vmem>> -> memref<512x32xf32, #tpu.memory_space<vmem>>
      %dma_wait3A_679 = arith.constant 0 : i32
      %dma_wait3A_680 = tpu.memref_slice %arg7[%dma_wait3A_672, %dma_wait3A_679] : memref<2x512xi32, #tpu.memory_space<vmem>> -> memref<1x512xi32, #tpu.memory_space<vmem>>
      %dma_wait3A_681 = tpu.memref_squeeze %dma_wait3A_680 : memref<1x512xi32, #tpu.memory_space<vmem>> -> memref<512xi32, #tpu.memory_space<vmem>>
      %dma_wait3A_682 = arith.constant 0 : i32
      %dma_wait3A_683 = arith.constant 0 : i32
      %dma_wait3A_684 = tpu.memref_slice %arg3[%dma_wait3A_682, %dma_wait3A_683] : memref<100000x32xf32, #tpu.memory_space<hbm>> -> memref<100000x32xf32, #tpu.memory_space<hbm>>
      %dma_wait3A_685 = tpu.memref_slice %arg11[%dma_wait3A_674] : memref<2x!tpu.dma_semaphore, #tpu.memory_space<semaphore_mem>> -> memref<1x!tpu.dma_semaphore, #tpu.memory_space<semaphore_mem>>
      %dma_wait3A_686 = tpu.memref_squeeze %dma_wait3A_685 : memref<1x!tpu.dma_semaphore, #tpu.memory_space<semaphore_mem>> -> memref<!tpu.dma_semaphore, #tpu.memory_space<semaphore_mem>>
      tpu.wait_indirect_dma semaphore(%dma_wait3A_686 : memref<!tpu.dma_semaphore, #tpu.memory_space<semaphore_mem>>) src(%dma_wait3A_684 : memref<100000x32xf32, #tpu.memory_space<hbm>>) dst(%dma_wait3A_678 : memref<512x32xf32, #tpu.memory_space<vmem>>)
      %add3A_687 = arith.constant 1 : i32
      %add3A_688 = arith.addi %mul3A_671, %add3A_687 : i32
      %lt3A = arith.constant 50 : i32
      %lt3A_689 = arith.cmpi slt, %add3A_688, %lt3A : i32
      %convert_element_type3A = arith.extui %lt3A_689 : i1 to i32
      %cond3A = arith.constant 0 : i32
      %cond3A_690 = arith.cmpi ne, %convert_element_type3A, %cond3A : i32
      scf.if %cond3A_690 {
        %add3A_1057 = arith.constant 1 : i32
        %add3A_1058 = arith.addi %mul3A_671, %add3A_1057 : i32
        %mul3A_1059 = arith.constant 4 : i32
        %mul3A_1060 = arith.muli %add3A_1058, %mul3A_1059 : i32
        %add3A_1061 = arith.constant 0 : i32
        %add3A_1062 = vector.broadcast %add3A_1061 : i32 to vector<16xi32>
        %add3A_1063 = arith.addi %iota3A, %add3A_1062 : vector<16xi32>
        %mul3A_1064 = arith.constant 200 : i32
        %mul3A_1065 = vector.broadcast %mul3A_1064 : i32 to vector<16xi32>
        %mul3A_1066 = arith.muli %add3A_1063, %mul3A_1065 : vector<16xi32>
        %add3A_1067 = arith.constant 0 : i32
        %add3A_1068 = arith.addi %mul3A_1060, %add3A_1067 : i32
        %add3A_1069 = vector.broadcast %add3A_1068 : i32 to vector<16xi32>
        %add3A_1070 = arith.addi %mul3A_1066, %add3A_1069 : vector<16xi32>
        %gather3A_1071 = tpu.vector_load_idx %arg6[%add3A_1070] : memref<25600xi32, #tpu.memory_space<vmem>>[vector<16xi32>], vector<16xi32>,
        %swap3A_1072 = arith.constant 1 : i32
        %swap3A_1073 = arith.index_cast %swap3A_1072 : i32 to index
        %swap3A_1074 = arith.constant 0 : index
        %swap3A_1075 = tpu.vector_load %arg7[%swap3A_1073, %swap3A_1074] {strides = array<i32>} : memref<2x512xi32, #tpu.memory_space<vmem>>, vector<16xi32>,
        tpu.vector_store %arg7[%swap3A_1073, %swap3A_1074], %gather3A_1071 {strides = array<i32>} : memref<2x512xi32, #tpu.memory_space<vmem>>, vector<16xi32>,
        %add3A_1076 = arith.constant 16 : i32
        %add3A_1077 = vector.broadcast %add3A_1076 : i32 to vector<16xi32>
        %add3A_1078 = arith.addi %iota3A, %add3A_1077 : vector<16xi32>
        %mul3A_1079 = arith.constant 200 : i32
        %mul3A_1080 = vector.broadcast %mul3A_1079 : i32 to vector<16xi32>
        %mul3A_1081 = arith.muli %add3A_1078, %mul3A_1080 : vector<16xi32>
        %add3A_1082 = arith.constant 0 : i32
        %add3A_1083 = arith.addi %mul3A_1060, %add3A_1082 : i32
        %add3A_1084 = vector.broadcast %add3A_1083 : i32 to vector<16xi32>
        %add3A_1085 = arith.addi %mul3A_1081, %add3A_1084 : vector<16xi32>
        %gather3A_1086 = tpu.vector_load_idx %arg6[%add3A_1085] : memref<25600xi32, #tpu.memory_space<vmem>>[vector<16xi32>], vector<16xi32>,
        %swap3A_1087 = arith.constant 1 : i32
        %swap3A_1088 = arith.index_cast %swap3A_1087 : i32 to index
        %swap3A_1089 = arith.constant 16 : index
        %swap3A_1090 = tpu.vector_load %arg7[%swap3A_1088, %swap3A_1089] {strides = array<i32>} : memref<2x512xi32, #tpu.memory_space<vmem>>, vector<16xi32>,
        tpu.vector_store %arg7[%swap3A_1088, %swap3A_1089], %gather3A_1086 {strides = array<i32>} : memref<2x512xi32, #tpu.memory_space<vmem>>, vector<16xi32>,
        %add3A_1091 = arith.constant 32 : i32
        %add3A_1092 = vector.broadcast %add3A_1091 : i32 to vector<16xi32>
        %add3A_1093 = arith.addi %iota3A, %add3A_1092 : vector<16xi32>
        %mul3A_1094 = arith.constant 200 : i32
        %mul3A_1095 = vector.broadcast %mul3A_1094 : i32 to vector<16xi32>
        %mul3A_1096 = arith.muli %add3A_1093, %mul3A_1095 : vector<16xi32>
        %add3A_1097 = arith.constant 0 : i32
        %add3A_1098 = arith.addi %mul3A_1060, %add3A_1097 : i32
        %add3A_1099 = vector.broadcast %add3A_1098 : i32 to vector<16xi32>
        %add3A_1100 = arith.addi %mul3A_1096, %add3A_1099 : vector<16xi32>
        %gather3A_1101 = tpu.vector_load_idx %arg6[%add3A_1100] : memref<25600xi32, #tpu.memory_space<vmem>>[vector<16xi32>], vector<16xi32>,
        %swap3A_1102 = arith.constant 1 : i32
        %swap3A_1103 = arith.index_cast %swap3A_1102 : i32 to index
        %swap3A_1104 = arith.constant 32 : index
        %swap3A_1105 = tpu.vector_load %arg7[%swap3A_1103, %swap3A_1104] {strides = array<i32>} : memref<2x512xi32, #tpu.memory_space<vmem>>, vector<16xi32>,
        tpu.vector_store %arg7[%swap3A_1103, %swap3A_1104], %gather3A_1101 {strides = array<i32>} : memref<2x512xi32, #tpu.memory_space<vmem>>, vector<16xi32>,
        %add3A_1106 = arith.constant 48 : i32
        %add3A_1107 = vector.broadcast %add3A_1106 : i32 to vector<16xi32>
        %add3A_1108 = arith.addi %iota3A, %add3A_1107 : vector<16xi32>
        %mul3A_1109 = arith.constant 200 : i32
        %mul3A_1110 = vector.broadcast %mul3A_1109 : i32 to vector<16xi32>
        %mul3A_1111 = arith.muli %add3A_1108, %mul3A_1110 : vector<16xi32>
        %add3A_1112 = arith.constant 0 : i32
        %add3A_1113 = arith.addi %mul3A_1060, %add3A_1112 : i32
        %add3A_1114 = vector.broadcast %add3A_1113 : i32 to vector<16xi32>
        %add3A_1115 = arith.addi %mul3A_1111, %add3A_1114 : vector<16xi32>
        %gather3A_1116 = tpu.vector_load_idx %arg6[%add3A_1115] : memref<25600xi32, #tpu.memory_space<vmem>>[vector<16xi32>], vector<16xi32>,
        %swap3A_1117 = arith.constant 1 : i32
        %swap3A_1118 = arith.index_cast %swap3A_1117 : i32 to index
        %swap3A_1119 = arith.constant 48 : index
        %swap3A_1120 = tpu.vector_load %arg7[%swap3A_1118, %swap3A_1119] {strides = array<i32>} : memref<2x512xi32, #tpu.memory_space<vmem>>, vector<16xi32>,
        tpu.vector_store %arg7[%swap3A_1118, %swap3A_1119], %gather3A_1116 {strides = array<i32>} : memref<2x512xi32, #tpu.memory_space<vmem>>, vector<16xi32>,
        %add3A_1121 = arith.constant 64 : i32
        %add3A_1122 = vector.broadcast %add3A_1121 : i32 to vector<16xi32>
        %add3A_1123 = arith.addi %iota3A, %add3A_1122 : vector<16xi32>
        %mul3A_1124 = arith.constant 200 : i32
        %mul3A_1125 = vector.broadcast %mul3A_1124 : i32 to vector<16xi32>
        %mul3A_1126 = arith.muli %add3A_1123, %mul3A_1125 : vector<16xi32>
        %add3A_1127 = arith.constant 0 : i32
        %add3A_1128 = arith.addi %mul3A_1060, %add3A_1127 : i32
        %add3A_1129 = vector.broadcast %add3A_1128 : i32 to vector<16xi32>
        %add3A_1130 = arith.addi %mul3A_1126, %add3A_1129 : vector<16xi32>
        %gather3A_1131 = tpu.vector_load_idx %arg6[%add3A_1130] : memref<25600xi32, #tpu.memory_space<vmem>>[vector<16xi32>], vector<16xi32>,
        %swap3A_1132 = arith.constant 1 : i32
        %swap3A_1133 = arith.index_cast %swap3A_1132 : i32 to index
        %swap3A_1134 = arith.constant 64 : index
        %swap3A_1135 = tpu.vector_load %arg7[%swap3A_1133, %swap3A_1134] {strides = array<i32>} : memref<2x512xi32, #tpu.memory_space<vmem>>, vector<16xi32>,
        tpu.vector_store %arg7[%swap3A_1133, %swap3A_1134], %gather3A_1131 {strides = array<i32>} : memref<2x512xi32, #tpu.memory_space<vmem>>, vector<16xi32>,
        %add3A_1136 = arith.constant 80 : i32
        %add3A_1137 = vector.broadcast %add3A_1136 : i32 to vector<16xi32>
        %add3A_1138 = arith.addi %iota3A, %add3A_1137 : vector<16xi32>
        %mul3A_1139 = arith.constant 200 : i32
        %mul3A_1140 = vector.broadcast %mul3A_1139 : i32 to vector<16xi32>
        %mul3A_1141 = arith.muli %add3A_1138, %mul3A_1140 : vector<16xi32>
        %add3A_1142 = arith.constant 0 : i32
        %add3A_1143 = arith.addi %mul3A_1060, %add3A_1142 : i32
        %add3A_1144 = vector.broadcast %add3A_1143 : i32 to vector<16xi32>
        %add3A_1145 = arith.addi %mul3A_1141, %add3A_1144 : vector<16xi32>
        %gather3A_1146 = tpu.vector_load_idx %arg6[%add3A_1145] : memref<25600xi32, #tpu.memory_space<vmem>>[vector<16xi32>], vector<16xi32>,
        %swap3A_1147 = arith.constant 1 : i32
        %swap3A_1148 = arith.index_cast %swap3A_1147 : i32 to index
        %swap3A_1149 = arith.constant 80 : index
        %swap3A_1150 = tpu.vector_load %arg7[%swap3A_1148, %swap3A_1149] {strides = array<i32>} : memref<2x512xi32, #tpu.memory_space<vmem>>, vector<16xi32>,
        tpu.vector_store %arg7[%swap3A_1148, %swap3A_1149], %gather3A_1146 {strides = array<i32>} : memref<2x512xi32, #tpu.memory_space<vmem>>, vector<16xi32>,
        %add3A_1151 = arith.constant 96 : i32
        %add3A_1152 = vector.broadcast %add3A_1151 : i32 to vector<16xi32>
        %add3A_1153 = arith.addi %iota3A, %add3A_1152 : vector<16xi32>
        %mul3A_1154 = arith.constant 200 : i32
        %mul3A_1155 = vector.broadcast %mul3A_1154 : i32 to vector<16xi32>
        %mul3A_1156 = arith.muli %add3A_1153, %mul3A_1155 : vector<16xi32>
        %add3A_1157 = arith.constant 0 : i32
        %add3A_1158 = arith.addi %mul3A_1060, %add3A_1157 : i32
        %add3A_1159 = vector.broadcast %add3A_1158 : i32 to vector<16xi32>
        %add3A_1160 = arith.addi %mul3A_1156, %add3A_1159 : vector<16xi32>
        %gather3A_1161 = tpu.vector_load_idx %arg6[%add3A_1160] : memref<25600xi32, #tpu.memory_space<vmem>>[vector<16xi32>], vector<16xi32>,
        %swap3A_1162 = arith.constant 1 : i32
        %swap3A_1163 = arith.index_cast %swap3A_1162 : i32 to index
        %swap3A_1164 = arith.constant 96 : index
        %swap3A_1165 = tpu.vector_load %arg7[%swap3A_1163, %swap3A_1164] {strides = array<i32>} : memref<2x512xi32, #tpu.memory_space<vmem>>, vector<16xi32>,
        tpu.vector_store %arg7[%swap3A_1163, %swap3A_1164], %gather3A_1161 {strides = array<i32>} : memref<2x512xi32, #tpu.memory_space<vmem>>, vector<16xi32>,
        %add3A_1166 = arith.constant 112 : i32
        %add3A_1167 = vector.broadcast %add3A_1166 : i32 to vector<16xi32>
        %add3A_1168 = arith.addi %iota3A, %add3A_1167 : vector<16xi32>
        %mul3A_1169 = arith.constant 200 : i32
        %mul3A_1170 = vector.broadcast %mul3A_1169 : i32 to vector<16xi32>
        %mul3A_1171 = arith.muli %add3A_1168, %mul3A_1170 : vector<16xi32>
        %add3A_1172 = arith.constant 0 : i32
        %add3A_1173 = arith.addi %mul3A_1060, %add3A_1172 : i32
        %add3A_1174 = vector.broadcast %add3A_1173 : i32 to vector<16xi32>
        %add3A_1175 = arith.addi %mul3A_1171, %add3A_1174 : vector<16xi32>
        %gather3A_1176 = tpu.vector_load_idx %arg6[%add3A_1175] : memref<25600xi32, #tpu.memory_space<vmem>>[vector<16xi32>], vector<16xi32>,
        %swap3A_1177 = arith.constant 1 : i32
        %swap3A_1178 = arith.index_cast %swap3A_1177 : i32 to index
        %swap3A_1179 = arith.constant 112 : index
        %swap3A_1180 = tpu.vector_load %arg7[%swap3A_1178, %swap3A_1179] {strides = array<i32>} : memref<2x512xi32, #tpu.memory_space<vmem>>, vector<16xi32>,
        tpu.vector_store %arg7[%swap3A_1178, %swap3A_1179], %gather3A_1176 {strides = array<i32>} : memref<2x512xi32, #tpu.memory_space<vmem>>, vector<16xi32>,
        %add3A_1181 = arith.constant 0 : i32
        %add3A_1182 = vector.broadcast %add3A_1181 : i32 to vector<16xi32>
        %add3A_1183 = arith.addi %iota3A, %add3A_1182 : vector<16xi32>
        %mul3A_1184 = arith.constant 200 : i32
        %mul3A_1185 = vector.broadcast %mul3A_1184 : i32 to vector<16xi32>
        %mul3A_1186 = arith.muli %add3A_1183, %mul3A_1185 : vector<16xi32>
        %add3A_1187 = arith.constant 1 : i32
        %add3A_1188 = arith.addi %mul3A_1060, %add3A_1187 : i32
        %add3A_1189 = vector.broadcast %add3A_1188 : i32 to vector<16xi32>
        %add3A_1190 = arith.addi %mul3A_1186, %add3A_1189 : vector<16xi32>
        %gather3A_1191 = tpu.vector_load_idx %arg6[%add3A_1190] : memref<25600xi32, #tpu.memory_space<vmem>>[vector<16xi32>], vector<16xi32>,
        %swap3A_1192 = arith.constant 1 : i32
        %swap3A_1193 = arith.index_cast %swap3A_1192 : i32 to index
        %swap3A_1194 = arith.constant 128 : index
        %swap3A_1195 = tpu.vector_load %arg7[%swap3A_1193, %swap3A_1194] {strides = array<i32>} : memref<2x512xi32, #tpu.memory_space<vmem>>, vector<16xi32>,
        tpu.vector_store %arg7[%swap3A_1193, %swap3A_1194], %gather3A_1191 {strides = array<i32>} : memref<2x512xi32, #tpu.memory_space<vmem>>, vector<16xi32>,
        %add3A_1196 = arith.constant 16 : i32
        %add3A_1197 = vector.broadcast %add3A_1196 : i32 to vector<16xi32>
        %add3A_1198 = arith.addi %iota3A, %add3A_1197 : vector<16xi32>
        %mul3A_1199 = arith.constant 200 : i32
        %mul3A_1200 = vector.broadcast %mul3A_1199 : i32 to vector<16xi32>
        %mul3A_1201 = arith.muli %add3A_1198, %mul3A_1200 : vector<16xi32>
        %add3A_1202 = arith.constant 1 : i32
        %add3A_1203 = arith.addi %mul3A_1060, %add3A_1202 : i32
        %add3A_1204 = vector.broadcast %add3A_1203 : i32 to vector<16xi32>
        %add3A_1205 = arith.addi %mul3A_1201, %add3A_1204 : vector<16xi32>
        %gather3A_1206 = tpu.vector_load_idx %arg6[%add3A_1205] : memref<25600xi32, #tpu.memory_space<vmem>>[vector<16xi32>], vector<16xi32>,
        %swap3A_1207 = arith.constant 1 : i32
        %swap3A_1208 = arith.index_cast %swap3A_1207 : i32 to index
        %swap3A_1209 = arith.constant 144 : index
        %swap3A_1210 = tpu.vector_load %arg7[%swap3A_1208, %swap3A_1209] {strides = array<i32>} : memref<2x512xi32, #tpu.memory_space<vmem>>, vector<16xi32>,
        tpu.vector_store %arg7[%swap3A_1208, %swap3A_1209], %gather3A_1206 {strides = array<i32>} : memref<2x512xi32, #tpu.memory_space<vmem>>, vector<16xi32>,
        %add3A_1211 = arith.constant 32 : i32
        %add3A_1212 = vector.broadcast %add3A_1211 : i32 to vector<16xi32>
        %add3A_1213 = arith.addi %iota3A, %add3A_1212 : vector<16xi32>
        %mul3A_1214 = arith.constant 200 : i32
        %mul3A_1215 = vector.broadcast %mul3A_1214 : i32 to vector<16xi32>
        %mul3A_1216 = arith.muli %add3A_1213, %mul3A_1215 : vector<16xi32>
        %add3A_1217 = arith.constant 1 : i32
        %add3A_1218 = arith.addi %mul3A_1060, %add3A_1217 : i32
        %add3A_1219 = vector.broadcast %add3A_1218 : i32 to vector<16xi32>
        %add3A_1220 = arith.addi %mul3A_1216, %add3A_1219 : vector<16xi32>
        %gather3A_1221 = tpu.vector_load_idx %arg6[%add3A_1220] : memref<25600xi32, #tpu.memory_space<vmem>>[vector<16xi32>], vector<16xi32>,
        %swap3A_1222 = arith.constant 1 : i32
        %swap3A_1223 = arith.index_cast %swap3A_1222 : i32 to index
        %swap3A_1224 = arith.constant 160 : index
        %swap3A_1225 = tpu.vector_load %arg7[%swap3A_1223, %swap3A_1224] {strides = array<i32>} : memref<2x512xi32, #tpu.memory_space<vmem>>, vector<16xi32>,
        tpu.vector_store %arg7[%swap3A_1223, %swap3A_1224], %gather3A_1221 {strides = array<i32>} : memref<2x512xi32, #tpu.memory_space<vmem>>, vector<16xi32>,
        %add3A_1226 = arith.constant 48 : i32
        %add3A_1227 = vector.broadcast %add3A_1226 : i32 to vector<16xi32>
        %add3A_1228 = arith.addi %iota3A, %add3A_1227 : vector<16xi32>
        %mul3A_1229 = arith.constant 200 : i32
        %mul3A_1230 = vector.broadcast %mul3A_1229 : i32 to vector<16xi32>
        %mul3A_1231 = arith.muli %add3A_1228, %mul3A_1230 : vector<16xi32>
        %add3A_1232 = arith.constant 1 : i32
        %add3A_1233 = arith.addi %mul3A_1060, %add3A_1232 : i32
        %add3A_1234 = vector.broadcast %add3A_1233 : i32 to vector<16xi32>
        %add3A_1235 = arith.addi %mul3A_1231, %add3A_1234 : vector<16xi32>
        %gather3A_1236 = tpu.vector_load_idx %arg6[%add3A_1235] : memref<25600xi32, #tpu.memory_space<vmem>>[vector<16xi32>], vector<16xi32>,
        %swap3A_1237 = arith.constant 1 : i32
        %swap3A_1238 = arith.index_cast %swap3A_1237 : i32 to index
        %swap3A_1239 = arith.constant 176 : index
        %swap3A_1240 = tpu.vector_load %arg7[%swap3A_1238, %swap3A_1239] {strides = array<i32>} : memref<2x512xi32, #tpu.memory_space<vmem>>, vector<16xi32>,
        tpu.vector_store %arg7[%swap3A_1238, %swap3A_1239], %gather3A_1236 {strides = array<i32>} : memref<2x512xi32, #tpu.memory_space<vmem>>, vector<16xi32>,
        %add3A_1241 = arith.constant 64 : i32
        %add3A_1242 = vector.broadcast %add3A_1241 : i32 to vector<16xi32>
        %add3A_1243 = arith.addi %iota3A, %add3A_1242 : vector<16xi32>
        %mul3A_1244 = arith.constant 200 : i32
        %mul3A_1245 = vector.broadcast %mul3A_1244 : i32 to vector<16xi32>
        %mul3A_1246 = arith.muli %add3A_1243, %mul3A_1245 : vector<16xi32>
        %add3A_1247 = arith.constant 1 : i32
        %add3A_1248 = arith.addi %mul3A_1060, %add3A_1247 : i32
        %add3A_1249 = vector.broadcast %add3A_1248 : i32 to vector<16xi32>
        %add3A_1250 = arith.addi %mul3A_1246, %add3A_1249 : vector<16xi32>
        %gather3A_1251 = tpu.vector_load_idx %arg6[%add3A_1250] : memref<25600xi32, #tpu.memory_space<vmem>>[vector<16xi32>], vector<16xi32>,
        %swap3A_1252 = arith.constant 1 : i32
        %swap3A_1253 = arith.index_cast %swap3A_1252 : i32 to index
        %swap3A_1254 = arith.constant 192 : index
        %swap3A_1255 = tpu.vector_load %arg7[%swap3A_1253, %swap3A_1254] {strides = array<i32>} : memref<2x512xi32, #tpu.memory_space<vmem>>, vector<16xi32>,
        tpu.vector_store %arg7[%swap3A_1253, %swap3A_1254], %gather3A_1251 {strides = array<i32>} : memref<2x512xi32, #tpu.memory_space<vmem>>, vector<16xi32>,
        %add3A_1256 = arith.constant 80 : i32
        %add3A_1257 = vector.broadcast %add3A_1256 : i32 to vector<16xi32>
        %add3A_1258 = arith.addi %iota3A, %add3A_1257 : vector<16xi32>
        %mul3A_1259 = arith.constant 200 : i32
        %mul3A_1260 = vector.broadcast %mul3A_1259 : i32 to vector<16xi32>
        %mul3A_1261 = arith.muli %add3A_1258, %mul3A_1260 : vector<16xi32>
        %add3A_1262 = arith.constant 1 : i32
        %add3A_1263 = arith.addi %mul3A_1060, %add3A_1262 : i32
        %add3A_1264 = vector.broadcast %add3A_1263 : i32 to vector<16xi32>
        %add3A_1265 = arith.addi %mul3A_1261, %add3A_1264 : vector<16xi32>
        %gather3A_1266 = tpu.vector_load_idx %arg6[%add3A_1265] : memref<25600xi32, #tpu.memory_space<vmem>>[vector<16xi32>], vector<16xi32>,
        %swap3A_1267 = arith.constant 1 : i32
        %swap3A_1268 = arith.index_cast %swap3A_1267 : i32 to index
        %swap3A_1269 = arith.constant 208 : index
        %swap3A_1270 = tpu.vector_load %arg7[%swap3A_1268, %swap3A_1269] {strides = array<i32>} : memref<2x512xi32, #tpu.memory_space<vmem>>, vector<16xi32>,
        tpu.vector_store %arg7[%swap3A_1268, %swap3A_1269], %gather3A_1266 {strides = array<i32>} : memref<2x512xi32, #tpu.memory_space<vmem>>, vector<16xi32>,
        %add3A_1271 = arith.constant 96 : i32
        %add3A_1272 = vector.broadcast %add3A_1271 : i32 to vector<16xi32>
        %add3A_1273 = arith.addi %iota3A, %add3A_1272 : vector<16xi32>
        %mul3A_1274 = arith.constant 200 : i32
        %mul3A_1275 = vector.broadcast %mul3A_1274 : i32 to vector<16xi32>
        %mul3A_1276 = arith.muli %add3A_1273, %mul3A_1275 : vector<16xi32>
        %add3A_1277 = arith.constant 1 : i32
        %add3A_1278 = arith.addi %mul3A_1060, %add3A_1277 : i32
        %add3A_1279 = vector.broadcast %add3A_1278 : i32 to vector<16xi32>
        %add3A_1280 = arith.addi %mul3A_1276, %add3A_1279 : vector<16xi32>
        %gather3A_1281 = tpu.vector_load_idx %arg6[%add3A_1280] : memref<25600xi32, #tpu.memory_space<vmem>>[vector<16xi32>], vector<16xi32>,
        %swap3A_1282 = arith.constant 1 : i32
        %swap3A_1283 = arith.index_cast %swap3A_1282 : i32 to index
        %swap3A_1284 = arith.constant 224 : index
        %swap3A_1285 = tpu.vector_load %arg7[%swap3A_1283, %swap3A_1284] {strides = array<i32>} : memref<2x512xi32, #tpu.memory_space<vmem>>, vector<16xi32>,
        tpu.vector_store %arg7[%swap3A_1283, %swap3A_1284], %gather3A_1281 {strides = array<i32>} : memref<2x512xi32, #tpu.memory_space<vmem>>, vector<16xi32>,
        %add3A_1286 = arith.constant 112 : i32
        %add3A_1287 = vector.broadcast %add3A_1286 : i32 to vector<16xi32>
        %add3A_1288 = arith.addi %iota3A, %add3A_1287 : vector<16xi32>
        %mul3A_1289 = arith.constant 200 : i32
        %mul3A_1290 = vector.broadcast %mul3A_1289 : i32 to vector<16xi32>
        %mul3A_1291 = arith.muli %add3A_1288, %mul3A_1290 : vector<16xi32>
        %add3A_1292 = arith.constant 1 : i32
        %add3A_1293 = arith.addi %mul3A_1060, %add3A_1292 : i32
        %add3A_1294 = vector.broadcast %add3A_1293 : i32 to vector<16xi32>
        %add3A_1295 = arith.addi %mul3A_1291, %add3A_1294 : vector<16xi32>
        %gather3A_1296 = tpu.vector_load_idx %arg6[%add3A_1295] : memref<25600xi32, #tpu.memory_space<vmem>>[vector<16xi32>], vector<16xi32>,
        %swap3A_1297 = arith.constant 1 : i32
        %swap3A_1298 = arith.index_cast %swap3A_1297 : i32 to index
        %swap3A_1299 = arith.constant 240 : index
        %swap3A_1300 = tpu.vector_load %arg7[%swap3A_1298, %swap3A_1299] {strides = array<i32>} : memref<2x512xi32, #tpu.memory_space<vmem>>, vector<16xi32>,
        tpu.vector_store %arg7[%swap3A_1298, %swap3A_1299], %gather3A_1296 {strides = array<i32>} : memref<2x512xi32, #tpu.memory_space<vmem>>, vector<16xi32>,
        %add3A_1301 = arith.constant 0 : i32
        %add3A_1302 = vector.broadcast %add3A_1301 : i32 to vector<16xi32>
        %add3A_1303 = arith.addi %iota3A, %add3A_1302 : vector<16xi32>
        %mul3A_1304 = arith.constant 200 : i32
        %mul3A_1305 = vector.broadcast %mul3A_1304 : i32 to vector<16xi32>
        %mul3A_1306 = arith.muli %add3A_1303, %mul3A_1305 : vector<16xi32>
        %add3A_1307 = arith.constant 2 : i32
        %add3A_1308 = arith.addi %mul3A_1060, %add3A_1307 : i32
        %add3A_1309 = vector.broadcast %add3A_1308 : i32 to vector<16xi32>
        %add3A_1310 = arith.addi %mul3A_1306, %add3A_1309 : vector<16xi32>
        %gather3A_1311 = tpu.vector_load_idx %arg6[%add3A_1310] : memref<25600xi32, #tpu.memory_space<vmem>>[vector<16xi32>], vector<16xi32>,
        %swap3A_1312 = arith.constant 1 : i32
        %swap3A_1313 = arith.index_cast %swap3A_1312 : i32 to index
        %swap3A_1314 = arith.constant 256 : index
        %swap3A_1315 = tpu.vector_load %arg7[%swap3A_1313, %swap3A_1314] {strides = array<i32>} : memref<2x512xi32, #tpu.memory_space<vmem>>, vector<16xi32>,
        tpu.vector_store %arg7[%swap3A_1313, %swap3A_1314], %gather3A_1311 {strides = array<i32>} : memref<2x512xi32, #tpu.memory_space<vmem>>, vector<16xi32>,
        %add3A_1316 = arith.constant 16 : i32
        %add3A_1317 = vector.broadcast %add3A_1316 : i32 to vector<16xi32>
        %add3A_1318 = arith.addi %iota3A, %add3A_1317 : vector<16xi32>
        %mul3A_1319 = arith.constant 200 : i32
        %mul3A_1320 = vector.broadcast %mul3A_1319 : i32 to vector<16xi32>
        %mul3A_1321 = arith.muli %add3A_1318, %mul3A_1320 : vector<16xi32>
        %add3A_1322 = arith.constant 2 : i32
        %add3A_1323 = arith.addi %mul3A_1060, %add3A_1322 : i32
        %add3A_1324 = vector.broadcast %add3A_1323 : i32 to vector<16xi32>
        %add3A_1325 = arith.addi %mul3A_1321, %add3A_1324 : vector<16xi32>
        %gather3A_1326 = tpu.vector_load_idx %arg6[%add3A_1325] : memref<25600xi32, #tpu.memory_space<vmem>>[vector<16xi32>], vector<16xi32>,
        %swap3A_1327 = arith.constant 1 : i32
        %swap3A_1328 = arith.index_cast %swap3A_1327 : i32 to index
        %swap3A_1329 = arith.constant 272 : index
        %swap3A_1330 = tpu.vector_load %arg7[%swap3A_1328, %swap3A_1329] {strides = array<i32>} : memref<2x512xi32, #tpu.memory_space<vmem>>, vector<16xi32>,
        tpu.vector_store %arg7[%swap3A_1328, %swap3A_1329], %gather3A_1326 {strides = array<i32>} : memref<2x512xi32, #tpu.memory_space<vmem>>, vector<16xi32>,
        %add3A_1331 = arith.constant 32 : i32
        %add3A_1332 = vector.broadcast %add3A_1331 : i32 to vector<16xi32>
        %add3A_1333 = arith.addi %iota3A, %add3A_1332 : vector<16xi32>
        %mul3A_1334 = arith.constant 200 : i32
        %mul3A_1335 = vector.broadcast %mul3A_1334 : i32 to vector<16xi32>
        %mul3A_1336 = arith.muli %add3A_1333, %mul3A_1335 : vector<16xi32>
        %add3A_1337 = arith.constant 2 : i32
        %add3A_1338 = arith.addi %mul3A_1060, %add3A_1337 : i32
        %add3A_1339 = vector.broadcast %add3A_1338 : i32 to vector<16xi32>
        %add3A_1340 = arith.addi %mul3A_1336, %add3A_1339 : vector<16xi32>
        %gather3A_1341 = tpu.vector_load_idx %arg6[%add3A_1340] : memref<25600xi32, #tpu.memory_space<vmem>>[vector<16xi32>], vector<16xi32>,
        %swap3A_1342 = arith.constant 1 : i32
        %swap3A_1343 = arith.index_cast %swap3A_1342 : i32 to index
        %swap3A_1344 = arith.constant 288 : index
        %swap3A_1345 = tpu.vector_load %arg7[%swap3A_1343, %swap3A_1344] {strides = array<i32>} : memref<2x512xi32, #tpu.memory_space<vmem>>, vector<16xi32>,
        tpu.vector_store %arg7[%swap3A_1343, %swap3A_1344], %gather3A_1341 {strides = array<i32>} : memref<2x512xi32, #tpu.memory_space<vmem>>, vector<16xi32>,
        %add3A_1346 = arith.constant 48 : i32
        %add3A_1347 = vector.broadcast %add3A_1346 : i32 to vector<16xi32>
        %add3A_1348 = arith.addi %iota3A, %add3A_1347 : vector<16xi32>
        %mul3A_1349 = arith.constant 200 : i32
        %mul3A_1350 = vector.broadcast %mul3A_1349 : i32 to vector<16xi32>
        %mul3A_1351 = arith.muli %add3A_1348, %mul3A_1350 : vector<16xi32>
        %add3A_1352 = arith.constant 2 : i32
        %add3A_1353 = arith.addi %mul3A_1060, %add3A_1352 : i32
        %add3A_1354 = vector.broadcast %add3A_1353 : i32 to vector<16xi32>
        %add3A_1355 = arith.addi %mul3A_1351, %add3A_1354 : vector<16xi32>
        %gather3A_1356 = tpu.vector_load_idx %arg6[%add3A_1355] : memref<25600xi32, #tpu.memory_space<vmem>>[vector<16xi32>], vector<16xi32>,
        %swap3A_1357 = arith.constant 1 : i32
        %swap3A_1358 = arith.index_cast %swap3A_1357 : i32 to index
        %swap3A_1359 = arith.constant 304 : index
        %swap3A_1360 = tpu.vector_load %arg7[%swap3A_1358, %swap3A_1359] {strides = array<i32>} : memref<2x512xi32, #tpu.memory_space<vmem>>, vector<16xi32>,
        tpu.vector_store %arg7[%swap3A_1358, %swap3A_1359], %gather3A_1356 {strides = array<i32>} : memref<2x512xi32, #tpu.memory_space<vmem>>, vector<16xi32>,
        %add3A_1361 = arith.constant 64 : i32
        %add3A_1362 = vector.broadcast %add3A_1361 : i32 to vector<16xi32>
        %add3A_1363 = arith.addi %iota3A, %add3A_1362 : vector<16xi32>
        %mul3A_1364 = arith.constant 200 : i32
        %mul3A_1365 = vector.broadcast %mul3A_1364 : i32 to vector<16xi32>
        %mul3A_1366 = arith.muli %add3A_1363, %mul3A_1365 : vector<16xi32>
        %add3A_1367 = arith.constant 2 : i32
        %add3A_1368 = arith.addi %mul3A_1060, %add3A_1367 : i32
        %add3A_1369 = vector.broadcast %add3A_1368 : i32 to vector<16xi32>
        %add3A_1370 = arith.addi %mul3A_1366, %add3A_1369 : vector<16xi32>
        %gather3A_1371 = tpu.vector_load_idx %arg6[%add3A_1370] : memref<25600xi32, #tpu.memory_space<vmem>>[vector<16xi32>], vector<16xi32>,
        %swap3A_1372 = arith.constant 1 : i32
        %swap3A_1373 = arith.index_cast %swap3A_1372 : i32 to index
        %swap3A_1374 = arith.constant 320 : index
        %swap3A_1375 = tpu.vector_load %arg7[%swap3A_1373, %swap3A_1374] {strides = array<i32>} : memref<2x512xi32, #tpu.memory_space<vmem>>, vector<16xi32>,
        tpu.vector_store %arg7[%swap3A_1373, %swap3A_1374], %gather3A_1371 {strides = array<i32>} : memref<2x512xi32, #tpu.memory_space<vmem>>, vector<16xi32>,
        %add3A_1376 = arith.constant 80 : i32
        %add3A_1377 = vector.broadcast %add3A_1376 : i32 to vector<16xi32>
        %add3A_1378 = arith.addi %iota3A, %add3A_1377 : vector<16xi32>
        %mul3A_1379 = arith.constant 200 : i32
        %mul3A_1380 = vector.broadcast %mul3A_1379 : i32 to vector<16xi32>
        %mul3A_1381 = arith.muli %add3A_1378, %mul3A_1380 : vector<16xi32>
        %add3A_1382 = arith.constant 2 : i32
        %add3A_1383 = arith.addi %mul3A_1060, %add3A_1382 : i32
        %add3A_1384 = vector.broadcast %add3A_1383 : i32 to vector<16xi32>
        %add3A_1385 = arith.addi %mul3A_1381, %add3A_1384 : vector<16xi32>
        %gather3A_1386 = tpu.vector_load_idx %arg6[%add3A_1385] : memref<25600xi32, #tpu.memory_space<vmem>>[vector<16xi32>], vector<16xi32>,
        %swap3A_1387 = arith.constant 1 : i32
        %swap3A_1388 = arith.index_cast %swap3A_1387 : i32 to index
        %swap3A_1389 = arith.constant 336 : index
        %swap3A_1390 = tpu.vector_load %arg7[%swap3A_1388, %swap3A_1389] {strides = array<i32>} : memref<2x512xi32, #tpu.memory_space<vmem>>, vector<16xi32>,
        tpu.vector_store %arg7[%swap3A_1388, %swap3A_1389], %gather3A_1386 {strides = array<i32>} : memref<2x512xi32, #tpu.memory_space<vmem>>, vector<16xi32>,
        %add3A_1391 = arith.constant 96 : i32
        %add3A_1392 = vector.broadcast %add3A_1391 : i32 to vector<16xi32>
        %add3A_1393 = arith.addi %iota3A, %add3A_1392 : vector<16xi32>
        %mul3A_1394 = arith.constant 200 : i32
        %mul3A_1395 = vector.broadcast %mul3A_1394 : i32 to vector<16xi32>
        %mul3A_1396 = arith.muli %add3A_1393, %mul3A_1395 : vector<16xi32>
        %add3A_1397 = arith.constant 2 : i32
        %add3A_1398 = arith.addi %mul3A_1060, %add3A_1397 : i32
        %add3A_1399 = vector.broadcast %add3A_1398 : i32 to vector<16xi32>
        %add3A_1400 = arith.addi %mul3A_1396, %add3A_1399 : vector<16xi32>
        %gather3A_1401 = tpu.vector_load_idx %arg6[%add3A_1400] : memref<25600xi32, #tpu.memory_space<vmem>>[vector<16xi32>], vector<16xi32>,
        %swap3A_1402 = arith.constant 1 : i32
        %swap3A_1403 = arith.index_cast %swap3A_1402 : i32 to index
        %swap3A_1404 = arith.constant 352 : index
        %swap3A_1405 = tpu.vector_load %arg7[%swap3A_1403, %swap3A_1404] {strides = array<i32>} : memref<2x512xi32, #tpu.memory_space<vmem>>, vector<16xi32>,
        tpu.vector_store %arg7[%swap3A_1403, %swap3A_1404], %gather3A_1401 {strides = array<i32>} : memref<2x512xi32, #tpu.memory_space<vmem>>, vector<16xi32>,
        %add3A_1406 = arith.constant 112 : i32
        %add3A_1407 = vector.broadcast %add3A_1406 : i32 to vector<16xi32>
        %add3A_1408 = arith.addi %iota3A, %add3A_1407 : vector<16xi32>
        %mul3A_1409 = arith.constant 200 : i32
        %mul3A_1410 = vector.broadcast %mul3A_1409 : i32 to vector<16xi32>
        %mul3A_1411 = arith.muli %add3A_1408, %mul3A_1410 : vector<16xi32>
        %add3A_1412 = arith.constant 2 : i32
        %add3A_1413 = arith.addi %mul3A_1060, %add3A_1412 : i32
        %add3A_1414 = vector.broadcast %add3A_1413 : i32 to vector<16xi32>
        %add3A_1415 = arith.addi %mul3A_1411, %add3A_1414 : vector<16xi32>
        %gather3A_1416 = tpu.vector_load_idx %arg6[%add3A_1415] : memref<25600xi32, #tpu.memory_space<vmem>>[vector<16xi32>], vector<16xi32>,
        %swap3A_1417 = arith.constant 1 : i32
        %swap3A_1418 = arith.index_cast %swap3A_1417 : i32 to index
        %swap3A_1419 = arith.constant 368 : index
        %swap3A_1420 = tpu.vector_load %arg7[%swap3A_1418, %swap3A_1419] {strides = array<i32>} : memref<2x512xi32, #tpu.memory_space<vmem>>, vector<16xi32>,
        tpu.vector_store %arg7[%swap3A_1418, %swap3A_1419], %gather3A_1416 {strides = array<i32>} : memref<2x512xi32, #tpu.memory_space<vmem>>, vector<16xi32>,
        %add3A_1421 = arith.constant 0 : i32
        %add3A_1422 = vector.broadcast %add3A_1421 : i32 to vector<16xi32>
        %add3A_1423 = arith.addi %iota3A, %add3A_1422 : vector<16xi32>
        %mul3A_1424 = arith.constant 200 : i32
        %mul3A_1425 = vector.broadcast %mul3A_1424 : i32 to vector<16xi32>
        %mul3A_1426 = arith.muli %add3A_1423, %mul3A_1425 : vector<16xi32>
        %add3A_1427 = arith.constant 3 : i32
        %add3A_1428 = arith.addi %mul3A_1060, %add3A_1427 : i32
        %add3A_1429 = vector.broadcast %add3A_1428 : i32 to vector<16xi32>
        %add3A_1430 = arith.addi %mul3A_1426, %add3A_1429 : vector<16xi32>
        %gather3A_1431 = tpu.vector_load_idx %arg6[%add3A_1430] : memref<25600xi32, #tpu.memory_space<vmem>>[vector<16xi32>], vector<16xi32>,
        %swap3A_1432 = arith.constant 1 : i32
        %swap3A_1433 = arith.index_cast %swap3A_1432 : i32 to index
        %swap3A_1434 = arith.constant 384 : index
        %swap3A_1435 = tpu.vector_load %arg7[%swap3A_1433, %swap3A_1434] {strides = array<i32>} : memref<2x512xi32, #tpu.memory_space<vmem>>, vector<16xi32>,
        tpu.vector_store %arg7[%swap3A_1433, %swap3A_1434], %gather3A_1431 {strides = array<i32>} : memref<2x512xi32, #tpu.memory_space<vmem>>, vector<16xi32>,
        %add3A_1436 = arith.constant 16 : i32
        %add3A_1437 = vector.broadcast %add3A_1436 : i32 to vector<16xi32>
        %add3A_1438 = arith.addi %iota3A, %add3A_1437 : vector<16xi32>
        %mul3A_1439 = arith.constant 200 : i32
        %mul3A_1440 = vector.broadcast %mul3A_1439 : i32 to vector<16xi32>
        %mul3A_1441 = arith.muli %add3A_1438, %mul3A_1440 : vector<16xi32>
        %add3A_1442 = arith.constant 3 : i32
        %add3A_1443 = arith.addi %mul3A_1060, %add3A_1442 : i32
        %add3A_1444 = vector.broadcast %add3A_1443 : i32 to vector<16xi32>
        %add3A_1445 = arith.addi %mul3A_1441, %add3A_1444 : vector<16xi32>
        %gather3A_1446 = tpu.vector_load_idx %arg6[%add3A_1445] : memref<25600xi32, #tpu.memory_space<vmem>>[vector<16xi32>], vector<16xi32>,
        %swap3A_1447 = arith.constant 1 : i32
        %swap3A_1448 = arith.index_cast %swap3A_1447 : i32 to index
        %swap3A_1449 = arith.constant 400 : index
        %swap3A_1450 = tpu.vector_load %arg7[%swap3A_1448, %swap3A_1449] {strides = array<i32>} : memref<2x512xi32, #tpu.memory_space<vmem>>, vector<16xi32>,
        tpu.vector_store %arg7[%swap3A_1448, %swap3A_1449], %gather3A_1446 {strides = array<i32>} : memref<2x512xi32, #tpu.memory_space<vmem>>, vector<16xi32>,
        %add3A_1451 = arith.constant 32 : i32
        %add3A_1452 = vector.broadcast %add3A_1451 : i32 to vector<16xi32>
        %add3A_1453 = arith.addi %iota3A, %add3A_1452 : vector<16xi32>
        %mul3A_1454 = arith.constant 200 : i32
        %mul3A_1455 = vector.broadcast %mul3A_1454 : i32 to vector<16xi32>
        %mul3A_1456 = arith.muli %add3A_1453, %mul3A_1455 : vector<16xi32>
        %add3A_1457 = arith.constant 3 : i32
        %add3A_1458 = arith.addi %mul3A_1060, %add3A_1457 : i32
        %add3A_1459 = vector.broadcast %add3A_1458 : i32 to vector<16xi32>
        %add3A_1460 = arith.addi %mul3A_1456, %add3A_1459 : vector<16xi32>
        %gather3A_1461 = tpu.vector_load_idx %arg6[%add3A_1460] : memref<25600xi32, #tpu.memory_space<vmem>>[vector<16xi32>], vector<16xi32>,
        %swap3A_1462 = arith.constant 1 : i32
        %swap3A_1463 = arith.index_cast %swap3A_1462 : i32 to index
        %swap3A_1464 = arith.constant 416 : index
        %swap3A_1465 = tpu.vector_load %arg7[%swap3A_1463, %swap3A_1464] {strides = array<i32>} : memref<2x512xi32, #tpu.memory_space<vmem>>, vector<16xi32>,
        tpu.vector_store %arg7[%swap3A_1463, %swap3A_1464], %gather3A_1461 {strides = array<i32>} : memref<2x512xi32, #tpu.memory_space<vmem>>, vector<16xi32>,
        %add3A_1466 = arith.constant 48 : i32
        %add3A_1467 = vector.broadcast %add3A_1466 : i32 to vector<16xi32>
        %add3A_1468 = arith.addi %iota3A, %add3A_1467 : vector<16xi32>
        %mul3A_1469 = arith.constant 200 : i32
        %mul3A_1470 = vector.broadcast %mul3A_1469 : i32 to vector<16xi32>
        %mul3A_1471 = arith.muli %add3A_1468, %mul3A_1470 : vector<16xi32>
        %add3A_1472 = arith.constant 3 : i32
        %add3A_1473 = arith.addi %mul3A_1060, %add3A_1472 : i32
        %add3A_1474 = vector.broadcast %add3A_1473 : i32 to vector<16xi32>
        %add3A_1475 = arith.addi %mul3A_1471, %add3A_1474 : vector<16xi32>
        %gather3A_1476 = tpu.vector_load_idx %arg6[%add3A_1475] : memref<25600xi32, #tpu.memory_space<vmem>>[vector<16xi32>], vector<16xi32>,
        %swap3A_1477 = arith.constant 1 : i32
        %swap3A_1478 = arith.index_cast %swap3A_1477 : i32 to index
        %swap3A_1479 = arith.constant 432 : index
        %swap3A_1480 = tpu.vector_load %arg7[%swap3A_1478, %swap3A_1479] {strides = array<i32>} : memref<2x512xi32, #tpu.memory_space<vmem>>, vector<16xi32>,
        tpu.vector_store %arg7[%swap3A_1478, %swap3A_1479], %gather3A_1476 {strides = array<i32>} : memref<2x512xi32, #tpu.memory_space<vmem>>, vector<16xi32>,
        %add3A_1481 = arith.constant 64 : i32
        %add3A_1482 = vector.broadcast %add3A_1481 : i32 to vector<16xi32>
        %add3A_1483 = arith.addi %iota3A, %add3A_1482 : vector<16xi32>
        %mul3A_1484 = arith.constant 200 : i32
        %mul3A_1485 = vector.broadcast %mul3A_1484 : i32 to vector<16xi32>
        %mul3A_1486 = arith.muli %add3A_1483, %mul3A_1485 : vector<16xi32>
        %add3A_1487 = arith.constant 3 : i32
        %add3A_1488 = arith.addi %mul3A_1060, %add3A_1487 : i32
        %add3A_1489 = vector.broadcast %add3A_1488 : i32 to vector<16xi32>
        %add3A_1490 = arith.addi %mul3A_1486, %add3A_1489 : vector<16xi32>
        %gather3A_1491 = tpu.vector_load_idx %arg6[%add3A_1490] : memref<25600xi32, #tpu.memory_space<vmem>>[vector<16xi32>], vector<16xi32>,
        %swap3A_1492 = arith.constant 1 : i32
        %swap3A_1493 = arith.index_cast %swap3A_1492 : i32 to index
        %swap3A_1494 = arith.constant 448 : index
        %swap3A_1495 = tpu.vector_load %arg7[%swap3A_1493, %swap3A_1494] {strides = array<i32>} : memref<2x512xi32, #tpu.memory_space<vmem>>, vector<16xi32>,
        tpu.vector_store %arg7[%swap3A_1493, %swap3A_1494], %gather3A_1491 {strides = array<i32>} : memref<2x512xi32, #tpu.memory_space<vmem>>, vector<16xi32>,
        %add3A_1496 = arith.constant 80 : i32
        %add3A_1497 = vector.broadcast %add3A_1496 : i32 to vector<16xi32>
        %add3A_1498 = arith.addi %iota3A, %add3A_1497 : vector<16xi32>
        %mul3A_1499 = arith.constant 200 : i32
        %mul3A_1500 = vector.broadcast %mul3A_1499 : i32 to vector<16xi32>
        %mul3A_1501 = arith.muli %add3A_1498, %mul3A_1500 : vector<16xi32>
        %add3A_1502 = arith.constant 3 : i32
        %add3A_1503 = arith.addi %mul3A_1060, %add3A_1502 : i32
        %add3A_1504 = vector.broadcast %add3A_1503 : i32 to vector<16xi32>
        %add3A_1505 = arith.addi %mul3A_1501, %add3A_1504 : vector<16xi32>
        %gather3A_1506 = tpu.vector_load_idx %arg6[%add3A_1505] : memref<25600xi32, #tpu.memory_space<vmem>>[vector<16xi32>], vector<16xi32>,
        %swap3A_1507 = arith.constant 1 : i32
        %swap3A_1508 = arith.index_cast %swap3A_1507 : i32 to index
        %swap3A_1509 = arith.constant 464 : index
        %swap3A_1510 = tpu.vector_load %arg7[%swap3A_1508, %swap3A_1509] {strides = array<i32>} : memref<2x512xi32, #tpu.memory_space<vmem>>, vector<16xi32>,
        tpu.vector_store %arg7[%swap3A_1508, %swap3A_1509], %gather3A_1506 {strides = array<i32>} : memref<2x512xi32, #tpu.memory_space<vmem>>, vector<16xi32>,
        %add3A_1511 = arith.constant 96 : i32
        %add3A_1512 = vector.broadcast %add3A_1511 : i32 to vector<16xi32>
        %add3A_1513 = arith.addi %iota3A, %add3A_1512 : vector<16xi32>
        %mul3A_1514 = arith.constant 200 : i32
        %mul3A_1515 = vector.broadcast %mul3A_1514 : i32 to vector<16xi32>
        %mul3A_1516 = arith.muli %add3A_1513, %mul3A_1515 : vector<16xi32>
        %add3A_1517 = arith.constant 3 : i32
        %add3A_1518 = arith.addi %mul3A_1060, %add3A_1517 : i32
        %add3A_1519 = vector.broadcast %add3A_1518 : i32 to vector<16xi32>
        %add3A_1520 = arith.addi %mul3A_1516, %add3A_1519 : vector<16xi32>
        %gather3A_1521 = tpu.vector_load_idx %arg6[%add3A_1520] : memref<25600xi32, #tpu.memory_space<vmem>>[vector<16xi32>], vector<16xi32>,
        %swap3A_1522 = arith.constant 1 : i32
        %swap3A_1523 = arith.index_cast %swap3A_1522 : i32 to index
        %swap3A_1524 = arith.constant 480 : index
        %swap3A_1525 = tpu.vector_load %arg7[%swap3A_1523, %swap3A_1524] {strides = array<i32>} : memref<2x512xi32, #tpu.memory_space<vmem>>, vector<16xi32>,
        tpu.vector_store %arg7[%swap3A_1523, %swap3A_1524], %gather3A_1521 {strides = array<i32>} : memref<2x512xi32, #tpu.memory_space<vmem>>, vector<16xi32>,
        %add3A_1526 = arith.constant 112 : i32
        %add3A_1527 = vector.broadcast %add3A_1526 : i32 to vector<16xi32>
        %add3A_1528 = arith.addi %iota3A, %add3A_1527 : vector<16xi32>
        %mul3A_1529 = arith.constant 200 : i32
        %mul3A_1530 = vector.broadcast %mul3A_1529 : i32 to vector<16xi32>
        %mul3A_1531 = arith.muli %add3A_1528, %mul3A_1530 : vector<16xi32>
        %add3A_1532 = arith.constant 3 : i32
        %add3A_1533 = arith.addi %mul3A_1060, %add3A_1532 : i32
        %add3A_1534 = vector.broadcast %add3A_1533 : i32 to vector<16xi32>
        %add3A_1535 = arith.addi %mul3A_1531, %add3A_1534 : vector<16xi32>
        %gather3A_1536 = tpu.vector_load_idx %arg6[%add3A_1535] : memref<25600xi32, #tpu.memory_space<vmem>>[vector<16xi32>], vector<16xi32>,
        %swap3A_1537 = arith.constant 1 : i32
        %swap3A_1538 = arith.index_cast %swap3A_1537 : i32 to index
        %swap3A_1539 = arith.constant 496 : index
        %swap3A_1540 = tpu.vector_load %arg7[%swap3A_1538, %swap3A_1539] {strides = array<i32>} : memref<2x512xi32, #tpu.memory_space<vmem>>, vector<16xi32>,
        tpu.vector_store %arg7[%swap3A_1538, %swap3A_1539], %gather3A_1536 {strides = array<i32>} : memref<2x512xi32, #tpu.memory_space<vmem>>, vector<16xi32>,
      } else {
      }
      %ge3A = arith.constant 2 : i32
      %ge3A_691 = arith.cmpi sge, %mul3A_671, %ge3A : i32
      %convert_element_type3A_692 = arith.extui %ge3A_691 : i1 to i32
      %cond3A_693 = arith.constant 0 : i32
      %cond3A_694 = arith.cmpi ne, %convert_element_type3A_692, %cond3A_693 : i32
      scf.if %cond3A_694 {
        %sub3A = arith.constant 2 : i32
        %sub3A_1057 = arith.subi %mul3A_671, %sub3A : i32
        %mul3A_1058 = arith.constant 4 : i32
        %mul3A_1059 = arith.muli %sub3A_1057, %mul3A_1058 : i32
        %dma_wait3A_1060 = arith.constant 0 : i32
        %dma_wait3A_1061 = arith.constant 0 : i32
        %dma_wait3A_1062 = arith.constant 0 : i32
        %dma_wait3A_1063 = arith.constant 0 : i32
        %dma_wait3A_1064 = arith.constant 0 : i32
        %dma_wait3A_1065 = arith.constant 0 : i32
        %dma_wait3A_1066 = tpu.memref_slice %arg9[%dma_wait3A_1060, %dma_wait3A_1063, %dma_wait3A_1064, %dma_wait3A_1065] : memref<2x4x32x129xf32, #tpu.memory_space<vmem>> -> memref<1x4x8x128xf32, #tpu.memory_space<vmem>>
        %dma_wait3A_1067 = tpu.memref_squeeze %dma_wait3A_1066 : memref<1x4x8x128xf32, #tpu.memory_space<vmem>> -> memref<4x8x128xf32, #tpu.memory_space<vmem>>
        %dma_wait3A_1068 = arith.constant 0 : i32
        %dma_wait3A_1069 = arith.constant 0 : i32
        %dma_wait3A_1070 = tpu.memref_slice %arg5[%mul3A_1059, %dma_wait3A_1061, %add3A, %dma_wait3A_1068, %dma_wait3A_1069] : memref<200x4x32x8x128xf32, #tpu.memory_space<hbm>> -> memref<4x1x1x8x128xf32, #tpu.memory_space<hbm>>
        %dma_wait3A_1071 = tpu.memref_squeeze %dma_wait3A_1070 : memref<4x1x1x8x128xf32, #tpu.memory_space<hbm>> -> memref<4x8x128xf32, #tpu.memory_space<hbm>>
        %dma_wait3A_1072 = tpu.memref_slice %arg12[%dma_wait3A_1062] : memref<2x!tpu.dma_semaphore, #tpu.memory_space<semaphore_mem>> -> memref<1x!tpu.dma_semaphore, #tpu.memory_space<semaphore_mem>>
        %dma_wait3A_1073 = tpu.memref_squeeze %dma_wait3A_1072 : memref<1x!tpu.dma_semaphore, #tpu.memory_space<semaphore_mem>> -> memref<!tpu.dma_semaphore, #tpu.memory_space<semaphore_mem>>
        %dma_wait3A_1074 = arith.constant 0 : i32
        %dma_wait3A_1075 = arith.constant 0 : i32
        %dma_wait3A_1076 = tpu.memref_slice %arg5[%mul3A_1059, %dma_wait3A_1061, %add3A, %dma_wait3A_1074, %dma_wait3A_1075] : memref<200x4x32x8x128xf32, #tpu.memory_space<hbm>> -> memref<4x1x1x8x128xf32, #tpu.memory_space<hbm>>
        %dma_wait3A_1077 = tpu.memref_squeeze %dma_wait3A_1076 : memref<4x1x1x8x128xf32, #tpu.memory_space<hbm>> -> memref<4x8x128xf32, #tpu.memory_space<hbm>>
        %dma_wait3A_1078 = arith.constant 0 : i32
        %dma_wait3A_1079 = arith.constant 0 : i32
        %dma_wait3A_1080 = arith.constant 0 : i32
        %dma_wait3A_1081 = tpu.memref_slice %arg9[%dma_wait3A_1060, %dma_wait3A_1078, %dma_wait3A_1079, %dma_wait3A_1080] : memref<2x4x32x129xf32, #tpu.memory_space<vmem>> -> memref<1x4x8x128xf32, #tpu.memory_space<vmem>>
        %dma_wait3A_1082 = tpu.memref_squeeze %dma_wait3A_1081 : memref<1x4x8x128xf32, #tpu.memory_space<vmem>> -> memref<4x8x128xf32, #tpu.memory_space<vmem>>
        tpu.wait_dma2 semaphore(%dma_wait3A_1073 : memref<!tpu.dma_semaphore, #tpu.memory_space<semaphore_mem>>) src(%dma_wait3A_1082 : memref<4x8x128xf32, #tpu.memory_space<vmem>>) dst(%dma_wait3A_1077 : memref<4x8x128xf32, #tpu.memory_space<hbm>>)
        %sub3A_1083 = arith.constant 2 : i32
        %sub3A_1084 = arith.subi %mul3A_671, %sub3A_1083 : i32
        %mul3A_1085 = arith.constant 4 : i32
        %mul3A_1086 = arith.muli %sub3A_1084, %mul3A_1085 : i32
        %dma_wait3A_1087 = arith.constant 0 : i32
        %dma_wait3A_1088 = arith.constant 1 : i32
        %dma_wait3A_1089 = arith.constant 0 : i32
        %dma_wait3A_1090 = arith.constant 0 : i32
        %dma_wait3A_1091 = arith.constant 8 : i32
        %dma_wait3A_1092 = arith.constant 0 : i32
        %dma_wait3A_1093 = tpu.memref_slice %arg9[%dma_wait3A_1087, %dma_wait3A_1090, %dma_wait3A_1091, %dma_wait3A_1092] : memref<2x4x32x129xf32, #tpu.memory_space<vmem>> -> memref<1x4x8x128xf32, #tpu.memory_space<vmem>>
        %dma_wait3A_1094 = tpu.memref_squeeze %dma_wait3A_1093 : memref<1x4x8x128xf32, #tpu.memory_space<vmem>> -> memref<4x8x128xf32, #tpu.memory_space<vmem>>
        %dma_wait3A_1095 = arith.constant 0 : i32
        %dma_wait3A_1096 = arith.constant 0 : i32
        %dma_wait3A_1097 = tpu.memref_slice %arg5[%mul3A_1086, %dma_wait3A_1088, %add3A, %dma_wait3A_1095, %dma_wait3A_1096] : memref<200x4x32x8x128xf32, #tpu.memory_space<hbm>> -> memref<4x1x1x8x128xf32, #tpu.memory_space<hbm>>
        %dma_wait3A_1098 = tpu.memref_squeeze %dma_wait3A_1097 : memref<4x1x1x8x128xf32, #tpu.memory_space<hbm>> -> memref<4x8x128xf32, #tpu.memory_space<hbm>>
        %dma_wait3A_1099 = tpu.memref_slice %arg12[%dma_wait3A_1089] : memref<2x!tpu.dma_semaphore, #tpu.memory_space<semaphore_mem>> -> memref<1x!tpu.dma_semaphore, #tpu.memory_space<semaphore_mem>>
        %dma_wait3A_1100 = tpu.memref_squeeze %dma_wait3A_1099 : memref<1x!tpu.dma_semaphore, #tpu.memory_space<semaphore_mem>> -> memref<!tpu.dma_semaphore, #tpu.memory_space<semaphore_mem>>
        %dma_wait3A_1101 = arith.constant 0 : i32
        %dma_wait3A_1102 = arith.constant 0 : i32
        %dma_wait3A_1103 = tpu.memref_slice %arg5[%mul3A_1086, %dma_wait3A_1088, %add3A, %dma_wait3A_1101, %dma_wait3A_1102] : memref<200x4x32x8x128xf32, #tpu.memory_space<hbm>> -> memref<4x1x1x8x128xf32, #tpu.memory_space<hbm>>
        %dma_wait3A_1104 = tpu.memref_squeeze %dma_wait3A_1103 : memref<4x1x1x8x128xf32, #tpu.memory_space<hbm>> -> memref<4x8x128xf32, #tpu.memory_space<hbm>>
        %dma_wait3A_1105 = arith.constant 0 : i32
        %dma_wait3A_1106 = arith.constant 8 : i32
        %dma_wait3A_1107 = arith.constant 0 : i32
        %dma_wait3A_1108 = tpu.memref_slice %arg9[%dma_wait3A_1087, %dma_wait3A_1105, %dma_wait3A_1106, %dma_wait3A_1107] : memref<2x4x32x129xf32, #tpu.memory_space<vmem>> -> memref<1x4x8x128xf32, #tpu.memory_space<vmem>>
        %dma_wait3A_1109 = tpu.memref_squeeze %dma_wait3A_1108 : memref<1x4x8x128xf32, #tpu.memory_space<vmem>> -> memref<4x8x128xf32, #tpu.memory_space<vmem>>
        tpu.wait_dma2 semaphore(%dma_wait3A_1100 : memref<!tpu.dma_semaphore, #tpu.memory_space<semaphore_mem>>) src(%dma_wait3A_1109 : memref<4x8x128xf32, #tpu.memory_space<vmem>>) dst(%dma_wait3A_1104 : memref<4x8x128xf32, #tpu.memory_space<hbm>>)
        %sub3A_1110 = arith.constant 2 : i32
        %sub3A_1111 = arith.subi %mul3A_671, %sub3A_1110 : i32
        %mul3A_1112 = arith.constant 4 : i32
        %mul3A_1113 = arith.muli %sub3A_1111, %mul3A_1112 : i32
        %dma_wait3A_1114 = arith.constant 0 : i32
        %dma_wait3A_1115 = arith.constant 2 : i32
        %dma_wait3A_1116 = arith.constant 0 : i32
        %dma_wait3A_1117 = arith.constant 0 : i32
        %dma_wait3A_1118 = arith.constant 16 : i32
        %dma_wait3A_1119 = arith.constant 0 : i32
        %dma_wait3A_1120 = tpu.memref_slice %arg9[%dma_wait3A_1114, %dma_wait3A_1117, %dma_wait3A_1118, %dma_wait3A_1119] : memref<2x4x32x129xf32, #tpu.memory_space<vmem>> -> memref<1x4x8x128xf32, #tpu.memory_space<vmem>>
        %dma_wait3A_1121 = tpu.memref_squeeze %dma_wait3A_1120 : memref<1x4x8x128xf32, #tpu.memory_space<vmem>> -> memref<4x8x128xf32, #tpu.memory_space<vmem>>
        %dma_wait3A_1122 = arith.constant 0 : i32
        %dma_wait3A_1123 = arith.constant 0 : i32
        %dma_wait3A_1124 = tpu.memref_slice %arg5[%mul3A_1113, %dma_wait3A_1115, %add3A, %dma_wait3A_1122, %dma_wait3A_1123] : memref<200x4x32x8x128xf32, #tpu.memory_space<hbm>> -> memref<4x1x1x8x128xf32, #tpu.memory_space<hbm>>
        %dma_wait3A_1125 = tpu.memref_squeeze %dma_wait3A_1124 : memref<4x1x1x8x128xf32, #tpu.memory_space<hbm>> -> memref<4x8x128xf32, #tpu.memory_space<hbm>>
        %dma_wait3A_1126 = tpu.memref_slice %arg12[%dma_wait3A_1116] : memref<2x!tpu.dma_semaphore, #tpu.memory_space<semaphore_mem>> -> memref<1x!tpu.dma_semaphore, #tpu.memory_space<semaphore_mem>>
        %dma_wait3A_1127 = tpu.memref_squeeze %dma_wait3A_1126 : memref<1x!tpu.dma_semaphore, #tpu.memory_space<semaphore_mem>> -> memref<!tpu.dma_semaphore, #tpu.memory_space<semaphore_mem>>
        %dma_wait3A_1128 = arith.constant 0 : i32
        %dma_wait3A_1129 = arith.constant 0 : i32
        %dma_wait3A_1130 = tpu.memref_slice %arg5[%mul3A_1113, %dma_wait3A_1115, %add3A, %dma_wait3A_1128, %dma_wait3A_1129] : memref<200x4x32x8x128xf32, #tpu.memory_space<hbm>> -> memref<4x1x1x8x128xf32, #tpu.memory_space<hbm>>
        %dma_wait3A_1131 = tpu.memref_squeeze %dma_wait3A_1130 : memref<4x1x1x8x128xf32, #tpu.memory_space<hbm>> -> memref<4x8x128xf32, #tpu.memory_space<hbm>>
        %dma_wait3A_1132 = arith.constant 0 : i32
        %dma_wait3A_1133 = arith.constant 16 : i32
        %dma_wait3A_1134 = arith.constant 0 : i32
        %dma_wait3A_1135 = tpu.memref_slice %arg9[%dma_wait3A_1114, %dma_wait3A_1132, %dma_wait3A_1133, %dma_wait3A_1134] : memref<2x4x32x129xf32, #tpu.memory_space<vmem>> -> memref<1x4x8x128xf32, #tpu.memory_space<vmem>>
        %dma_wait3A_1136 = tpu.memref_squeeze %dma_wait3A_1135 : memref<1x4x8x128xf32, #tpu.memory_space<vmem>> -> memref<4x8x128xf32, #tpu.memory_space<vmem>>
        tpu.wait_dma2 semaphore(%dma_wait3A_1127 : memref<!tpu.dma_semaphore, #tpu.memory_space<semaphore_mem>>) src(%dma_wait3A_1136 : memref<4x8x128xf32, #tpu.memory_space<vmem>>) dst(%dma_wait3A_1131 : memref<4x8x128xf32, #tpu.memory_space<hbm>>)
        %sub3A_1137 = arith.constant 2 : i32
        %sub3A_1138 = arith.subi %mul3A_671, %sub3A_1137 : i32
        %mul3A_1139 = arith.constant 4 : i32
        %mul3A_1140 = arith.muli %sub3A_1138, %mul3A_1139 : i32
        %dma_wait3A_1141 = arith.constant 0 : i32
        %dma_wait3A_1142 = arith.constant 3 : i32
        %dma_wait3A_1143 = arith.constant 0 : i32
        %dma_wait3A_1144 = arith.constant 0 : i32
        %dma_wait3A_1145 = arith.constant 24 : i32
        %dma_wait3A_1146 = arith.constant 0 : i32
        %dma_wait3A_1147 = tpu.memref_slice %arg9[%dma_wait3A_1141, %dma_wait3A_1144, %dma_wait3A_1145, %dma_wait3A_1146] : memref<2x4x32x129xf32, #tpu.memory_space<vmem>> -> memref<1x4x8x128xf32, #tpu.memory_space<vmem>>
        %dma_wait3A_1148 = tpu.memref_squeeze %dma_wait3A_1147 : memref<1x4x8x128xf32, #tpu.memory_space<vmem>> -> memref<4x8x128xf32, #tpu.memory_space<vmem>>
        %dma_wait3A_1149 = arith.constant 0 : i32
        %dma_wait3A_1150 = arith.constant 0 : i32
        %dma_wait3A_1151 = tpu.memref_slice %arg5[%mul3A_1140, %dma_wait3A_1142, %add3A, %dma_wait3A_1149, %dma_wait3A_1150] : memref<200x4x32x8x128xf32, #tpu.memory_space<hbm>> -> memref<4x1x1x8x128xf32, #tpu.memory_space<hbm>>
        %dma_wait3A_1152 = tpu.memref_squeeze %dma_wait3A_1151 : memref<4x1x1x8x128xf32, #tpu.memory_space<hbm>> -> memref<4x8x128xf32, #tpu.memory_space<hbm>>
        %dma_wait3A_1153 = tpu.memref_slice %arg12[%dma_wait3A_1143] : memref<2x!tpu.dma_semaphore, #tpu.memory_space<semaphore_mem>> -> memref<1x!tpu.dma_semaphore, #tpu.memory_space<semaphore_mem>>
        %dma_wait3A_1154 = tpu.memref_squeeze %dma_wait3A_1153 : memref<1x!tpu.dma_semaphore, #tpu.memory_space<semaphore_mem>> -> memref<!tpu.dma_semaphore, #tpu.memory_space<semaphore_mem>>
        %dma_wait3A_1155 = arith.constant 0 : i32
        %dma_wait3A_1156 = arith.constant 0 : i32
        %dma_wait3A_1157 = tpu.memref_slice %arg5[%mul3A_1140, %dma_wait3A_1142, %add3A, %dma_wait3A_1155, %dma_wait3A_1156] : memref<200x4x32x8x128xf32, #tpu.memory_space<hbm>> -> memref<4x1x1x8x128xf32, #tpu.memory_space<hbm>>
        %dma_wait3A_1158 = tpu.memref_squeeze %dma_wait3A_1157 : memref<4x1x1x8x128xf32, #tpu.memory_space<hbm>> -> memref<4x8x128xf32, #tpu.memory_space<hbm>>
        %dma_wait3A_1159 = arith.constant 0 : i32
        %dma_wait3A_1160 = arith.constant 24 : i32
        %dma_wait3A_1161 = arith.constant 0 : i32
        %dma_wait3A_1162 = tpu.memref_slice %arg9[%dma_wait3A_1141, %dma_wait3A_1159, %dma_wait3A_1160, %dma_wait3A_1161] : memref<2x4x32x129xf32, #tpu.memory_space<vmem>> -> memref<1x4x8x128xf32, #tpu.memory_space<vmem>>
        %dma_wait3A_1163 = tpu.memref_squeeze %dma_wait3A_1162 : memref<1x4x8x128xf32, #tpu.memory_space<vmem>> -> memref<4x8x128xf32, #tpu.memory_space<vmem>>
        tpu.wait_dma2 semaphore(%dma_wait3A_1154 : memref<!tpu.dma_semaphore, #tpu.memory_space<semaphore_mem>>) src(%dma_wait3A_1163 : memref<4x8x128xf32, #tpu.memory_space<vmem>>) dst(%dma_wait3A_1158 : memref<4x8x128xf32, #tpu.memory_space<hbm>>)
      } else {
      }
      %add3A_695 = arith.constant 1 : i32
      %add3A_696 = arith.addi %mul3A_671, %add3A_695 : i32
      %lt3A_697 = arith.constant 50 : i32
      %lt3A_698 = arith.cmpi slt, %add3A_696, %lt3A_697 : i32
      %convert_element_type3A_699 = arith.extui %lt3A_698 : i1 to i32
      %cond3A_700 = arith.constant 0 : i32
      %cond3A_701 = arith.cmpi ne, %convert_element_type3A_699, %cond3A_700 : i32
      scf.if %cond3A_701 {
        %dma_start3A_1057 = arith.constant 1 : i32
        %dma_start3A_1058 = arith.constant 1 : i32
        %dma_start3A_1059 = arith.constant 1 : i32
        %dma_start3A_1060 = arith.constant 0 : i32
        %dma_start3A_1061 = arith.constant 0 : i32
        %dma_start3A_1062 = tpu.memref_slice %arg8[%dma_start3A_1058, %dma_start3A_1060, %dma_start3A_1061] : memref<2x512x32xf32, #tpu.memory_space<vmem>> -> memref<1x512x32xf32, #tpu.memory_space<vmem>>
        %dma_start3A_1063 = tpu.memref_squeeze %dma_start3A_1062 : memref<1x512x32xf32, #tpu.memory_space<vmem>> -> memref<512x32xf32, #tpu.memory_space<vmem>>
        %dma_start3A_1064 = arith.constant 0 : i32
        %dma_start3A_1065 = tpu.memref_slice %arg7[%dma_start3A_1057, %dma_start3A_1064] : memref<2x512xi32, #tpu.memory_space<vmem>> -> memref<1x512xi32, #tpu.memory_space<vmem>>
        %dma_start3A_1066 = tpu.memref_squeeze %dma_start3A_1065 : memref<1x512xi32, #tpu.memory_space<vmem>> -> memref<512xi32, #tpu.memory_space<vmem>>
        %dma_start3A_1067 = arith.constant 0 : i32
        %dma_start3A_1068 = arith.constant 0 : i32
        %dma_start3A_1069 = tpu.memref_slice %arg3[%dma_start3A_1067, %dma_start3A_1068] : memref<100000x32xf32, #tpu.memory_space<hbm>> -> memref<100000x32xf32, #tpu.memory_space<hbm>>
        %dma_start3A_1070 = tpu.memref_slice %arg11[%dma_start3A_1059] : memref<2x!tpu.dma_semaphore, #tpu.memory_space<semaphore_mem>> -> memref<1x!tpu.dma_semaphore, #tpu.memory_space<semaphore_mem>>
        %dma_start3A_1071 = tpu.memref_squeeze %dma_start3A_1070 : memref<1x!tpu.dma_semaphore, #tpu.memory_space<semaphore_mem>> -> memref<!tpu.dma_semaphore, #tpu.memory_space<semaphore_mem>>
        tpu.enqueue_indirect_dma source(%dma_start3A_1069 : memref<100000x32xf32, #tpu.memory_space<hbm>>) target(%dma_start3A_1063 : memref<512x32xf32, #tpu.memory_space<vmem>>) offsets(%dma_start3A_1066 : memref<512xi32, #tpu.memory_space<vmem>>) semaphore(%dma_start3A_1071 : memref<!tpu.dma_semaphore, #tpu.memory_space<semaphore_mem>>)
      } else {
      }
      %mul3A_702 = arith.constant 4 : i32
      %mul3A_703 = arith.muli %mul3A_671, %mul3A_702 : i32
      %add3A_704 = arith.constant 0 : i32
      %add3A_705 = arith.addi %mul3A_703, %add3A_704 : i32
      %get3A = arith.index_cast %add3A_705 : i32 to index
      %get3A_706 = arith.constant 0 : index
      %get3A_707 = tpu.vector_load %arg10[%get3A, %get3A_706] {strides = array<i32>} : memref<200x32xf32, #tpu.memory_space<vmem>>, vector<16xf32>,
      %get3A_708 = arith.index_cast %add3A_705 : i32 to index
      %get3A_709 = arith.constant 16 : index
      %get3A_710 = tpu.vector_load %arg10[%get3A_708, %get3A_709] {strides = array<i32>} : memref<200x32xf32, #tpu.memory_space<vmem>>, vector<16xf32>,
      %broadcast_in_dim3A = arith.constant 0 : i32
      %broadcast_in_dim3A_711 = vector.broadcast %broadcast_in_dim3A : i32 to vector<16xi32>
      %parallel_loop3A = arith.constant 0 : i32
      %parallel_loop3A_712 = arith.constant 128 : i32
      %parallel_loop3A_713 = arith.constant 1 : i32
      scf.for %parallel_loop3A_1057 = %parallel_loop3A to %parallel_loop3A_712 step %parallel_loop3A_713  : i32 {
        %parallel_loop3A_1058 = arith.constant 0 : i32
        %parallel_loop3A_1059 = arith.addi %parallel_loop3A_1058, %parallel_loop3A_1057 : i32
        %parallel_loop3A_1060 = vector.broadcast %parallel_loop3A_1057 : i32 to vector<16xi32>
        %parallel_loop3A_1061 = arith.constant 0 : i32
        %parallel_loop3A_1062 = arith.index_cast %parallel_loop3A_1061 : i32 to index
        %parallel_loop3A_1063 = arith.index_cast %parallel_loop3A_1059 : i32 to index
        %parallel_loop3A_1064 = arith.constant 0 : index
        %parallel_loop3A_1065 = tpu.vector_load %arg8[%parallel_loop3A_1062, %parallel_loop3A_1063, %parallel_loop3A_1064] {strides = array<i32>} : memref<2x512x32xf32, #tpu.memory_space<vmem>>, vector<16xf32>,
        %parallel_loop3A_1066 = arith.addf %parallel_loop3A_1065, %get3A_707 : vector<16xf32>
        %parallel_loop3A_1067 = arith.constant 0 : i32
        %parallel_loop3A_1068 = arith.index_cast %parallel_loop3A_1067 : i32 to index
        %parallel_loop3A_1069 = arith.index_cast %parallel_loop3A_1059 : i32 to index
        %parallel_loop3A_1070 = arith.constant 16 : index
        %parallel_loop3A_1071 = tpu.vector_load %arg8[%parallel_loop3A_1068, %parallel_loop3A_1069, %parallel_loop3A_1070] {strides = array<i32>} : memref<2x512x32xf32, #tpu.memory_space<vmem>>, vector<16xf32>,
        %parallel_loop3A_1072 = arith.addf %parallel_loop3A_1071, %get3A_710 : vector<16xf32>
        %parallel_loop3A_1073 = arith.constant 0 : i32
        %parallel_loop3A_1074 = arith.constant 0 : i32
        %parallel_loop3A_1075 = arith.constant 0 : i32
        %parallel_loop3A_1076 = arith.constant 0 : i32
        %parallel_loop3A_1077 = tpu.memref_slice %arg9[%parallel_loop3A_1073, %parallel_loop3A_1074, %parallel_loop3A_1075, %parallel_loop3A_1076] : memref<2x4x32x129xf32, #tpu.memory_space<vmem>> -> memref<1x4x32x129xf32, #tpu.memory_space<vmem>>
        %parallel_loop3A_1078 = tpu.memref_squeeze %parallel_loop3A_1077 : memref<1x4x32x129xf32, #tpu.memory_space<vmem>> -> memref<4x32x129xf32, #tpu.memory_space<vmem>>
        tpu.vector_store_idx %parallel_loop3A_1078[%broadcast_in_dim3A_711, %iota3A, %parallel_loop3A_1060], %parallel_loop3A_1066 : memref<4x32x129xf32, #tpu.memory_space<vmem>>[vector<16xi32>, vector<16xi32>, vector<16xi32>], vector<16xf32>,
        %parallel_loop3A_1079 = arith.constant 16 : i32
        %parallel_loop3A_1080 = vector.broadcast %parallel_loop3A_1079 : i32 to vector<16xi32>
        %parallel_loop3A_1081 = arith.addi %iota3A, %parallel_loop3A_1080 : vector<16xi32>
        %parallel_loop3A_1082 = arith.constant 0 : i32
        %parallel_loop3A_1083 = arith.constant 0 : i32
        %parallel_loop3A_1084 = arith.constant 0 : i32
        %parallel_loop3A_1085 = arith.constant 0 : i32
        %parallel_loop3A_1086 = tpu.memref_slice %arg9[%parallel_loop3A_1082, %parallel_loop3A_1083, %parallel_loop3A_1084, %parallel_loop3A_1085] : memref<2x4x32x129xf32, #tpu.memory_space<vmem>> -> memref<1x4x32x129xf32, #tpu.memory_space<vmem>>
        %parallel_loop3A_1087 = tpu.memref_squeeze %parallel_loop3A_1086 : memref<1x4x32x129xf32, #tpu.memory_space<vmem>> -> memref<4x32x129xf32, #tpu.memory_space<vmem>>
        tpu.vector_store_idx %parallel_loop3A_1087[%broadcast_in_dim3A_711, %parallel_loop3A_1081, %parallel_loop3A_1060], %parallel_loop3A_1072 : memref<4x32x129xf32, #tpu.memory_space<vmem>>[vector<16xi32>, vector<16xi32>, vector<16xi32>], vector<16xf32>,
      } {sc.loop_unroll_factor = 4 : i64, sc.parallel_access}
      %mul3A_714 = arith.constant 4 : i32
      %mul3A_715 = arith.muli %mul3A_671, %mul3A_714 : i32
      %add3A_716 = arith.constant 1 : i32
      %add3A_717 = arith.addi %mul3A_715, %add3A_716 : i32
      %get3A_718 = arith.index_cast %add3A_717 : i32 to index
      %get3A_719 = arith.constant 0 : index
      %get3A_720 = tpu.vector_load %arg10[%get3A_718, %get3A_719] {strides = array<i32>} : memref<200x32xf32, #tpu.memory_space<vmem>>, vector<16xf32>,
      %get3A_721 = arith.index_cast %add3A_717 : i32 to index
      %get3A_722 = arith.constant 16 : index
      %get3A_723 = tpu.vector_load %arg10[%get3A_721, %get3A_722] {strides = array<i32>} : memref<200x32xf32, #tpu.memory_space<vmem>>, vector<16xf32>,
      %broadcast_in_dim3A_724 = arith.constant 1 : i32
      %broadcast_in_dim3A_725 = vector.broadcast %broadcast_in_dim3A_724 : i32 to vector<16xi32>
      %parallel_loop3A_726 = arith.constant 0 : i32
      %parallel_loop3A_727 = arith.constant 128 : i32
      %parallel_loop3A_728 = arith.constant 1 : i32
      scf.for %parallel_loop3A_1057 = %parallel_loop3A_726 to %parallel_loop3A_727 step %parallel_loop3A_728  : i32 {
        %parallel_loop3A_1058 = arith.constant 128 : i32
        %parallel_loop3A_1059 = arith.addi %parallel_loop3A_1058, %parallel_loop3A_1057 : i32
        %parallel_loop3A_1060 = vector.broadcast %parallel_loop3A_1057 : i32 to vector<16xi32>
        %parallel_loop3A_1061 = arith.constant 0 : i32
        %parallel_loop3A_1062 = arith.index_cast %parallel_loop3A_1061 : i32 to index
        %parallel_loop3A_1063 = arith.index_cast %parallel_loop3A_1059 : i32 to index
        %parallel_loop3A_1064 = arith.constant 0 : index
        %parallel_loop3A_1065 = tpu.vector_load %arg8[%parallel_loop3A_1062, %parallel_loop3A_1063, %parallel_loop3A_1064] {strides = array<i32>} : memref<2x512x32xf32, #tpu.memory_space<vmem>>, vector<16xf32>,
        %parallel_loop3A_1066 = arith.addf %parallel_loop3A_1065, %get3A_720 : vector<16xf32>
        %parallel_loop3A_1067 = arith.constant 0 : i32
        %parallel_loop3A_1068 = arith.index_cast %parallel_loop3A_1067 : i32 to index
        %parallel_loop3A_1069 = arith.index_cast %parallel_loop3A_1059 : i32 to index
        %parallel_loop3A_1070 = arith.constant 16 : index
        %parallel_loop3A_1071 = tpu.vector_load %arg8[%parallel_loop3A_1068, %parallel_loop3A_1069, %parallel_loop3A_1070] {strides = array<i32>} : memref<2x512x32xf32, #tpu.memory_space<vmem>>, vector<16xf32>,
        %parallel_loop3A_1072 = arith.addf %parallel_loop3A_1071, %get3A_723 : vector<16xf32>
        %parallel_loop3A_1073 = arith.constant 0 : i32
        %parallel_loop3A_1074 = arith.constant 0 : i32
        %parallel_loop3A_1075 = arith.constant 0 : i32
        %parallel_loop3A_1076 = arith.constant 0 : i32
        %parallel_loop3A_1077 = tpu.memref_slice %arg9[%parallel_loop3A_1073, %parallel_loop3A_1074, %parallel_loop3A_1075, %parallel_loop3A_1076] : memref<2x4x32x129xf32, #tpu.memory_space<vmem>> -> memref<1x4x32x129xf32, #tpu.memory_space<vmem>>
        %parallel_loop3A_1078 = tpu.memref_squeeze %parallel_loop3A_1077 : memref<1x4x32x129xf32, #tpu.memory_space<vmem>> -> memref<4x32x129xf32, #tpu.memory_space<vmem>>
        tpu.vector_store_idx %parallel_loop3A_1078[%broadcast_in_dim3A_725, %iota3A, %parallel_loop3A_1060], %parallel_loop3A_1066 : memref<4x32x129xf32, #tpu.memory_space<vmem>>[vector<16xi32>, vector<16xi32>, vector<16xi32>], vector<16xf32>,
        %parallel_loop3A_1079 = arith.constant 16 : i32
        %parallel_loop3A_1080 = vector.broadcast %parallel_loop3A_1079 : i32 to vector<16xi32>
        %parallel_loop3A_1081 = arith.addi %iota3A, %parallel_loop3A_1080 : vector<16xi32>
        %parallel_loop3A_1082 = arith.constant 0 : i32
        %parallel_loop3A_1083 = arith.constant 0 : i32
        %parallel_loop3A_1084 = arith.constant 0 : i32
        %parallel_loop3A_1085 = arith.constant 0 : i32
        %parallel_loop3A_1086 = tpu.memref_slice %arg9[%parallel_loop3A_1082, %parallel_loop3A_1083, %parallel_loop3A_1084, %parallel_loop3A_1085] : memref<2x4x32x129xf32, #tpu.memory_space<vmem>> -> memref<1x4x32x129xf32, #tpu.memory_space<vmem>>
        %parallel_loop3A_1087 = tpu.memref_squeeze %parallel_loop3A_1086 : memref<1x4x32x129xf32, #tpu.memory_space<vmem>> -> memref<4x32x129xf32, #tpu.memory_space<vmem>>
        tpu.vector_store_idx %parallel_loop3A_1087[%broadcast_in_dim3A_725, %parallel_loop3A_1081, %parallel_loop3A_1060], %parallel_loop3A_1072 : memref<4x32x129xf32, #tpu.memory_space<vmem>>[vector<16xi32>, vector<16xi32>, vector<16xi32>], vector<16xf32>,
      } {sc.loop_unroll_factor = 4 : i64, sc.parallel_access}
      %mul3A_729 = arith.constant 4 : i32
      %mul3A_730 = arith.muli %mul3A_671, %mul3A_729 : i32
      %add3A_731 = arith.constant 2 : i32
      %add3A_732 = arith.addi %mul3A_730, %add3A_731 : i32
      %get3A_733 = arith.index_cast %add3A_732 : i32 to index
      %get3A_734 = arith.constant 0 : index
      %get3A_735 = tpu.vector_load %arg10[%get3A_733, %get3A_734] {strides = array<i32>} : memref<200x32xf32, #tpu.memory_space<vmem>>, vector<16xf32>,
      %get3A_736 = arith.index_cast %add3A_732 : i32 to index
      %get3A_737 = arith.constant 16 : index
      %get3A_738 = tpu.vector_load %arg10[%get3A_736, %get3A_737] {strides = array<i32>} : memref<200x32xf32, #tpu.memory_space<vmem>>, vector<16xf32>,
      %broadcast_in_dim3A_739 = arith.constant 2 : i32
      %broadcast_in_dim3A_740 = vector.broadcast %broadcast_in_dim3A_739 : i32 to vector<16xi32>
      %parallel_loop3A_741 = arith.constant 0 : i32
      %parallel_loop3A_742 = arith.constant 128 : i32
      %parallel_loop3A_743 = arith.constant 1 : i32
      scf.for %parallel_loop3A_1057 = %parallel_loop3A_741 to %parallel_loop3A_742 step %parallel_loop3A_743  : i32 {
        %parallel_loop3A_1058 = arith.constant 256 : i32
        %parallel_loop3A_1059 = arith.addi %parallel_loop3A_1058, %parallel_loop3A_1057 : i32
        %parallel_loop3A_1060 = vector.broadcast %parallel_loop3A_1057 : i32 to vector<16xi32>
        %parallel_loop3A_1061 = arith.constant 0 : i32
        %parallel_loop3A_1062 = arith.index_cast %parallel_loop3A_1061 : i32 to index
        %parallel_loop3A_1063 = arith.index_cast %parallel_loop3A_1059 : i32 to index
        %parallel_loop3A_1064 = arith.constant 0 : index
        %parallel_loop3A_1065 = tpu.vector_load %arg8[%parallel_loop3A_1062, %parallel_loop3A_1063, %parallel_loop3A_1064] {strides = array<i32>} : memref<2x512x32xf32, #tpu.memory_space<vmem>>, vector<16xf32>,
        %parallel_loop3A_1066 = arith.addf %parallel_loop3A_1065, %get3A_735 : vector<16xf32>
        %parallel_loop3A_1067 = arith.constant 0 : i32
        %parallel_loop3A_1068 = arith.index_cast %parallel_loop3A_1067 : i32 to index
        %parallel_loop3A_1069 = arith.index_cast %parallel_loop3A_1059 : i32 to index
        %parallel_loop3A_1070 = arith.constant 16 : index
        %parallel_loop3A_1071 = tpu.vector_load %arg8[%parallel_loop3A_1068, %parallel_loop3A_1069, %parallel_loop3A_1070] {strides = array<i32>} : memref<2x512x32xf32, #tpu.memory_space<vmem>>, vector<16xf32>,
        %parallel_loop3A_1072 = arith.addf %parallel_loop3A_1071, %get3A_738 : vector<16xf32>
        %parallel_loop3A_1073 = arith.constant 0 : i32
        %parallel_loop3A_1074 = arith.constant 0 : i32
        %parallel_loop3A_1075 = arith.constant 0 : i32
        %parallel_loop3A_1076 = arith.constant 0 : i32
        %parallel_loop3A_1077 = tpu.memref_slice %arg9[%parallel_loop3A_1073, %parallel_loop3A_1074, %parallel_loop3A_1075, %parallel_loop3A_1076] : memref<2x4x32x129xf32, #tpu.memory_space<vmem>> -> memref<1x4x32x129xf32, #tpu.memory_space<vmem>>
        %parallel_loop3A_1078 = tpu.memref_squeeze %parallel_loop3A_1077 : memref<1x4x32x129xf32, #tpu.memory_space<vmem>> -> memref<4x32x129xf32, #tpu.memory_space<vmem>>
        tpu.vector_store_idx %parallel_loop3A_1078[%broadcast_in_dim3A_740, %iota3A, %parallel_loop3A_1060], %parallel_loop3A_1066 : memref<4x32x129xf32, #tpu.memory_space<vmem>>[vector<16xi32>, vector<16xi32>, vector<16xi32>], vector<16xf32>,
        %parallel_loop3A_1079 = arith.constant 16 : i32
        %parallel_loop3A_1080 = vector.broadcast %parallel_loop3A_1079 : i32 to vector<16xi32>
        %parallel_loop3A_1081 = arith.addi %iota3A, %parallel_loop3A_1080 : vector<16xi32>
        %parallel_loop3A_1082 = arith.constant 0 : i32
        %parallel_loop3A_1083 = arith.constant 0 : i32
        %parallel_loop3A_1084 = arith.constant 0 : i32
        %parallel_loop3A_1085 = arith.constant 0 : i32
        %parallel_loop3A_1086 = tpu.memref_slice %arg9[%parallel_loop3A_1082, %parallel_loop3A_1083, %parallel_loop3A_1084, %parallel_loop3A_1085] : memref<2x4x32x129xf32, #tpu.memory_space<vmem>> -> memref<1x4x32x129xf32, #tpu.memory_space<vmem>>
        %parallel_loop3A_1087 = tpu.memref_squeeze %parallel_loop3A_1086 : memref<1x4x32x129xf32, #tpu.memory_space<vmem>> -> memref<4x32x129xf32, #tpu.memory_space<vmem>>
        tpu.vector_store_idx %parallel_loop3A_1087[%broadcast_in_dim3A_740, %parallel_loop3A_1081, %parallel_loop3A_1060], %parallel_loop3A_1072 : memref<4x32x129xf32, #tpu.memory_space<vmem>>[vector<16xi32>, vector<16xi32>, vector<16xi32>], vector<16xf32>,
      } {sc.loop_unroll_factor = 4 : i64, sc.parallel_access}
      %mul3A_744 = arith.constant 4 : i32
      %mul3A_745 = arith.muli %mul3A_671, %mul3A_744 : i32
      %add3A_746 = arith.constant 3 : i32
      %add3A_747 = arith.addi %mul3A_745, %add3A_746 : i32
      %get3A_748 = arith.index_cast %add3A_747 : i32 to index
      %get3A_749 = arith.constant 0 : index
      %get3A_750 = tpu.vector_load %arg10[%get3A_748, %get3A_749] {strides = array<i32>} : memref<200x32xf32, #tpu.memory_space<vmem>>, vector<16xf32>,
      %get3A_751 = arith.index_cast %add3A_747 : i32 to index
      %get3A_752 = arith.constant 16 : index
      %get3A_753 = tpu.vector_load %arg10[%get3A_751, %get3A_752] {strides = array<i32>} : memref<200x32xf32, #tpu.memory_space<vmem>>, vector<16xf32>,
      %broadcast_in_dim3A_754 = arith.constant 3 : i32
      %broadcast_in_dim3A_755 = vector.broadcast %broadcast_in_dim3A_754 : i32 to vector<16xi32>
      %parallel_loop3A_756 = arith.constant 0 : i32
      %parallel_loop3A_757 = arith.constant 128 : i32
      %parallel_loop3A_758 = arith.constant 1 : i32
      scf.for %parallel_loop3A_1057 = %parallel_loop3A_756 to %parallel_loop3A_757 step %parallel_loop3A_758  : i32 {
        %parallel_loop3A_1058 = arith.constant 384 : i32
        %parallel_loop3A_1059 = arith.addi %parallel_loop3A_1058, %parallel_loop3A_1057 : i32
        %parallel_loop3A_1060 = vector.broadcast %parallel_loop3A_1057 : i32 to vector<16xi32>
        %parallel_loop3A_1061 = arith.constant 0 : i32
        %parallel_loop3A_1062 = arith.index_cast %parallel_loop3A_1061 : i32 to index
        %parallel_loop3A_1063 = arith.index_cast %parallel_loop3A_1059 : i32 to index
        %parallel_loop3A_1064 = arith.constant 0 : index
        %parallel_loop3A_1065 = tpu.vector_load %arg8[%parallel_loop3A_1062, %parallel_loop3A_1063, %parallel_loop3A_1064] {strides = array<i32>} : memref<2x512x32xf32, #tpu.memory_space<vmem>>, vector<16xf32>,
        %parallel_loop3A_1066 = arith.addf %parallel_loop3A_1065, %get3A_750 : vector<16xf32>
        %parallel_loop3A_1067 = arith.constant 0 : i32
        %parallel_loop3A_1068 = arith.index_cast %parallel_loop3A_1067 : i32 to index
        %parallel_loop3A_1069 = arith.index_cast %parallel_loop3A_1059 : i32 to index
        %parallel_loop3A_1070 = arith.constant 16 : index
        %parallel_loop3A_1071 = tpu.vector_load %arg8[%parallel_loop3A_1068, %parallel_loop3A_1069, %parallel_loop3A_1070] {strides = array<i32>} : memref<2x512x32xf32, #tpu.memory_space<vmem>>, vector<16xf32>,
        %parallel_loop3A_1072 = arith.addf %parallel_loop3A_1071, %get3A_753 : vector<16xf32>
        %parallel_loop3A_1073 = arith.constant 0 : i32
        %parallel_loop3A_1074 = arith.constant 0 : i32
        %parallel_loop3A_1075 = arith.constant 0 : i32
        %parallel_loop3A_1076 = arith.constant 0 : i32
        %parallel_loop3A_1077 = tpu.memref_slice %arg9[%parallel_loop3A_1073, %parallel_loop3A_1074, %parallel_loop3A_1075, %parallel_loop3A_1076] : memref<2x4x32x129xf32, #tpu.memory_space<vmem>> -> memref<1x4x32x129xf32, #tpu.memory_space<vmem>>
        %parallel_loop3A_1078 = tpu.memref_squeeze %parallel_loop3A_1077 : memref<1x4x32x129xf32, #tpu.memory_space<vmem>> -> memref<4x32x129xf32, #tpu.memory_space<vmem>>
        tpu.vector_store_idx %parallel_loop3A_1078[%broadcast_in_dim3A_755, %iota3A, %parallel_loop3A_1060], %parallel_loop3A_1066 : memref<4x32x129xf32, #tpu.memory_space<vmem>>[vector<16xi32>, vector<16xi32>, vector<16xi32>], vector<16xf32>,
        %parallel_loop3A_1079 = arith.constant 16 : i32
        %parallel_loop3A_1080 = vector.broadcast %parallel_loop3A_1079 : i32 to vector<16xi32>
        %parallel_loop3A_1081 = arith.addi %iota3A, %parallel_loop3A_1080 : vector<16xi32>
        %parallel_loop3A_1082 = arith.constant 0 : i32
        %parallel_loop3A_1083 = arith.constant 0 : i32
        %parallel_loop3A_1084 = arith.constant 0 : i32
        %parallel_loop3A_1085 = arith.constant 0 : i32
        %parallel_loop3A_1086 = tpu.memref_slice %arg9[%parallel_loop3A_1082, %parallel_loop3A_1083, %parallel_loop3A_1084, %parallel_loop3A_1085] : memref<2x4x32x129xf32, #tpu.memory_space<vmem>> -> memref<1x4x32x129xf32, #tpu.memory_space<vmem>>
        %parallel_loop3A_1087 = tpu.memref_squeeze %parallel_loop3A_1086 : memref<1x4x32x129xf32, #tpu.memory_space<vmem>> -> memref<4x32x129xf32, #tpu.memory_space<vmem>>
        tpu.vector_store_idx %parallel_loop3A_1087[%broadcast_in_dim3A_755, %parallel_loop3A_1081, %parallel_loop3A_1060], %parallel_loop3A_1072 : memref<4x32x129xf32, #tpu.memory_space<vmem>>[vector<16xi32>, vector<16xi32>, vector<16xi32>], vector<16xf32>,
      } {sc.loop_unroll_factor = 4 : i64, sc.parallel_access}
      %mul3A_759 = arith.constant 4 : i32
      %mul3A_760 = arith.muli %mul3A_671, %mul3A_759 : i32
      %dma_start3A_761 = arith.constant 0 : i32
      %dma_start3A_762 = arith.constant 0 : i32
      %dma_start3A_763 = arith.constant 0 : i32
      %dma_start3A_764 = arith.constant 0 : i32
      %dma_start3A_765 = arith.constant 0 : i32
      %dma_start3A_766 = arith.constant 0 : i32
      %dma_start3A_767 = tpu.memref_slice %arg9[%dma_start3A_761, %dma_start3A_764, %dma_start3A_765, %dma_start3A_766] : memref<2x4x32x129xf32, #tpu.memory_space<vmem>> -> memref<1x4x8x128xf32, #tpu.memory_space<vmem>>
      %dma_start3A_768 = tpu.memref_squeeze %dma_start3A_767 : memref<1x4x8x128xf32, #tpu.memory_space<vmem>> -> memref<4x8x128xf32, #tpu.memory_space<vmem>>
      %dma_start3A_769 = arith.constant 0 : i32
      %dma_start3A_770 = arith.constant 0 : i32
      %dma_start3A_771 = tpu.memref_slice %arg5[%mul3A_760, %dma_start3A_762, %add3A, %dma_start3A_769, %dma_start3A_770] : memref<200x4x32x8x128xf32, #tpu.memory_space<hbm>> -> memref<4x1x1x8x128xf32, #tpu.memory_space<hbm>>
      %dma_start3A_772 = tpu.memref_squeeze %dma_start3A_771 : memref<4x1x1x8x128xf32, #tpu.memory_space<hbm>> -> memref<4x8x128xf32, #tpu.memory_space<hbm>>
      %dma_start3A_773 = tpu.memref_slice %arg12[%dma_start3A_763] : memref<2x!tpu.dma_semaphore, #tpu.memory_space<semaphore_mem>> -> memref<1x!tpu.dma_semaphore, #tpu.memory_space<semaphore_mem>>
      %dma_start3A_774 = tpu.memref_squeeze %dma_start3A_773 : memref<1x!tpu.dma_semaphore, #tpu.memory_space<semaphore_mem>> -> memref<!tpu.dma_semaphore, #tpu.memory_space<semaphore_mem>>
      %dma_start3A_775 = arith.constant 0 : i32
      %dma_start3A_776 = arith.constant 0 : i32
      %dma_start3A_777 = tpu.memref_slice %arg5[%mul3A_760, %dma_start3A_762, %add3A, %dma_start3A_775, %dma_start3A_776] : memref<200x4x32x8x128xf32, #tpu.memory_space<hbm>> -> memref<4x1x1x8x128xf32, #tpu.memory_space<hbm>>
      %dma_start3A_778 = tpu.memref_squeeze %dma_start3A_777 : memref<4x1x1x8x128xf32, #tpu.memory_space<hbm>> -> memref<4x8x128xf32, #tpu.memory_space<hbm>>
      %dma_start3A_779 = arith.constant 0 : i32
      %dma_start3A_780 = arith.constant 0 : i32
      %dma_start3A_781 = arith.constant 0 : i32
      %dma_start3A_782 = tpu.memref_slice %arg9[%dma_start3A_761, %dma_start3A_779, %dma_start3A_780, %dma_start3A_781] : memref<2x4x32x129xf32, #tpu.memory_space<vmem>> -> memref<1x4x8x128xf32, #tpu.memory_space<vmem>>
      %dma_start3A_783 = tpu.memref_squeeze %dma_start3A_782 : memref<1x4x8x128xf32, #tpu.memory_space<vmem>> -> memref<4x8x128xf32, #tpu.memory_space<vmem>>
      tpu.enqueue_dma source(%dma_start3A_783 : memref<4x8x128xf32, #tpu.memory_space<vmem>>) target(%dma_start3A_778 : memref<4x8x128xf32, #tpu.memory_space<hbm>>) target_semaphore(%dma_start3A_774 : memref<!tpu.dma_semaphore, #tpu.memory_space<semaphore_mem>>)
      %mul3A_784 = arith.constant 4 : i32
      %mul3A_785 = arith.muli %mul3A_671, %mul3A_784 : i32
      %dma_start3A_786 = arith.constant 0 : i32
      %dma_start3A_787 = arith.constant 1 : i32
      %dma_start3A_788 = arith.constant 0 : i32
      %dma_start3A_789 = arith.constant 0 : i32
      %dma_start3A_790 = arith.constant 8 : i32
      %dma_start3A_791 = arith.constant 0 : i32
      %dma_start3A_792 = tpu.memref_slice %arg9[%dma_start3A_786, %dma_start3A_789, %dma_start3A_790, %dma_start3A_791] : memref<2x4x32x129xf32, #tpu.memory_space<vmem>> -> memref<1x4x8x128xf32, #tpu.memory_space<vmem>>
      %dma_start3A_793 = tpu.memref_squeeze %dma_start3A_792 : memref<1x4x8x128xf32, #tpu.memory_space<vmem>> -> memref<4x8x128xf32, #tpu.memory_space<vmem>>
      %dma_start3A_794 = arith.constant 0 : i32
      %dma_start3A_795 = arith.constant 0 : i32
      %dma_start3A_796 = tpu.memref_slice %arg5[%mul3A_785, %dma_start3A_787, %add3A, %dma_start3A_794, %dma_start3A_795] : memref<200x4x32x8x128xf32, #tpu.memory_space<hbm>> -> memref<4x1x1x8x128xf32, #tpu.memory_space<hbm>>
      %dma_start3A_797 = tpu.memref_squeeze %dma_start3A_796 : memref<4x1x1x8x128xf32, #tpu.memory_space<hbm>> -> memref<4x8x128xf32, #tpu.memory_space<hbm>>
      %dma_start3A_798 = tpu.memref_slice %arg12[%dma_start3A_788] : memref<2x!tpu.dma_semaphore, #tpu.memory_space<semaphore_mem>> -> memref<1x!tpu.dma_semaphore, #tpu.memory_space<semaphore_mem>>
      %dma_start3A_799 = tpu.memref_squeeze %dma_start3A_798 : memref<1x!tpu.dma_semaphore, #tpu.memory_space<semaphore_mem>> -> memref<!tpu.dma_semaphore, #tpu.memory_space<semaphore_mem>>
      %dma_start3A_800 = arith.constant 0 : i32
      %dma_start3A_801 = arith.constant 0 : i32
      %dma_start3A_802 = tpu.memref_slice %arg5[%mul3A_785, %dma_start3A_787, %add3A, %dma_start3A_800, %dma_start3A_801] : memref<200x4x32x8x128xf32, #tpu.memory_space<hbm>> -> memref<4x1x1x8x128xf32, #tpu.memory_space<hbm>>
      %dma_start3A_803 = tpu.memref_squeeze %dma_start3A_802 : memref<4x1x1x8x128xf32, #tpu.memory_space<hbm>> -> memref<4x8x128xf32, #tpu.memory_space<hbm>>
      %dma_start3A_804 = arith.constant 0 : i32
      %dma_start3A_805 = arith.constant 8 : i32
      %dma_start3A_806 = arith.constant 0 : i32
      %dma_start3A_807 = tpu.memref_slice %arg9[%dma_start3A_786, %dma_start3A_804, %dma_start3A_805, %dma_start3A_806] : memref<2x4x32x129xf32, #tpu.memory_space<vmem>> -> memref<1x4x8x128xf32, #tpu.memory_space<vmem>>
      %dma_start3A_808 = tpu.memref_squeeze %dma_start3A_807 : memref<1x4x8x128xf32, #tpu.memory_space<vmem>> -> memref<4x8x128xf32, #tpu.memory_space<vmem>>
      tpu.enqueue_dma source(%dma_start3A_808 : memref<4x8x128xf32, #tpu.memory_space<vmem>>) target(%dma_start3A_803 : memref<4x8x128xf32, #tpu.memory_space<hbm>>) target_semaphore(%dma_start3A_799 : memref<!tpu.dma_semaphore, #tpu.memory_space<semaphore_mem>>)
      %mul3A_809 = arith.constant 4 : i32
      %mul3A_810 = arith.muli %mul3A_671, %mul3A_809 : i32
      %dma_start3A_811 = arith.constant 0 : i32
      %dma_start3A_812 = arith.constant 2 : i32
      %dma_start3A_813 = arith.constant 0 : i32
      %dma_start3A_814 = arith.constant 0 : i32
      %dma_start3A_815 = arith.constant 16 : i32
      %dma_start3A_816 = arith.constant 0 : i32
      %dma_start3A_817 = tpu.memref_slice %arg9[%dma_start3A_811, %dma_start3A_814, %dma_start3A_815, %dma_start3A_816] : memref<2x4x32x129xf32, #tpu.memory_space<vmem>> -> memref<1x4x8x128xf32, #tpu.memory_space<vmem>>
      %dma_start3A_818 = tpu.memref_squeeze %dma_start3A_817 : memref<1x4x8x128xf32, #tpu.memory_space<vmem>> -> memref<4x8x128xf32, #tpu.memory_space<vmem>>
      %dma_start3A_819 = arith.constant 0 : i32
      %dma_start3A_820 = arith.constant 0 : i32
      %dma_start3A_821 = tpu.memref_slice %arg5[%mul3A_810, %dma_start3A_812, %add3A, %dma_start3A_819, %dma_start3A_820] : memref<200x4x32x8x128xf32, #tpu.memory_space<hbm>> -> memref<4x1x1x8x128xf32, #tpu.memory_space<hbm>>
      %dma_start3A_822 = tpu.memref_squeeze %dma_start3A_821 : memref<4x1x1x8x128xf32, #tpu.memory_space<hbm>> -> memref<4x8x128xf32, #tpu.memory_space<hbm>>
      %dma_start3A_823 = tpu.memref_slice %arg12[%dma_start3A_813] : memref<2x!tpu.dma_semaphore, #tpu.memory_space<semaphore_mem>> -> memref<1x!tpu.dma_semaphore, #tpu.memory_space<semaphore_mem>>
      %dma_start3A_824 = tpu.memref_squeeze %dma_start3A_823 : memref<1x!tpu.dma_semaphore, #tpu.memory_space<semaphore_mem>> -> memref<!tpu.dma_semaphore, #tpu.memory_space<semaphore_mem>>
      %dma_start3A_825 = arith.constant 0 : i32
      %dma_start3A_826 = arith.constant 0 : i32
      %dma_start3A_827 = tpu.memref_slice %arg5[%mul3A_810, %dma_start3A_812, %add3A, %dma_start3A_825, %dma_start3A_826] : memref<200x4x32x8x128xf32, #tpu.memory_space<hbm>> -> memref<4x1x1x8x128xf32, #tpu.memory_space<hbm>>
      %dma_start3A_828 = tpu.memref_squeeze %dma_start3A_827 : memref<4x1x1x8x128xf32, #tpu.memory_space<hbm>> -> memref<4x8x128xf32, #tpu.memory_space<hbm>>
      %dma_start3A_829 = arith.constant 0 : i32
      %dma_start3A_830 = arith.constant 16 : i32
      %dma_start3A_831 = arith.constant 0 : i32
      %dma_start3A_832 = tpu.memref_slice %arg9[%dma_start3A_811, %dma_start3A_829, %dma_start3A_830, %dma_start3A_831] : memref<2x4x32x129xf32, #tpu.memory_space<vmem>> -> memref<1x4x8x128xf32, #tpu.memory_space<vmem>>
      %dma_start3A_833 = tpu.memref_squeeze %dma_start3A_832 : memref<1x4x8x128xf32, #tpu.memory_space<vmem>> -> memref<4x8x128xf32, #tpu.memory_space<vmem>>
      tpu.enqueue_dma source(%dma_start3A_833 : memref<4x8x128xf32, #tpu.memory_space<vmem>>) target(%dma_start3A_828 : memref<4x8x128xf32, #tpu.memory_space<hbm>>) target_semaphore(%dma_start3A_824 : memref<!tpu.dma_semaphore, #tpu.memory_space<semaphore_mem>>)
      %mul3A_834 = arith.constant 4 : i32
      %mul3A_835 = arith.muli %mul3A_671, %mul3A_834 : i32
      %dma_start3A_836 = arith.constant 0 : i32
      %dma_start3A_837 = arith.constant 3 : i32
      %dma_start3A_838 = arith.constant 0 : i32
      %dma_start3A_839 = arith.constant 0 : i32
      %dma_start3A_840 = arith.constant 24 : i32
      %dma_start3A_841 = arith.constant 0 : i32
      %dma_start3A_842 = tpu.memref_slice %arg9[%dma_start3A_836, %dma_start3A_839, %dma_start3A_840, %dma_start3A_841] : memref<2x4x32x129xf32, #tpu.memory_space<vmem>> -> memref<1x4x8x128xf32, #tpu.memory_space<vmem>>
      %dma_start3A_843 = tpu.memref_squeeze %dma_start3A_842 : memref<1x4x8x128xf32, #tpu.memory_space<vmem>> -> memref<4x8x128xf32, #tpu.memory_space<vmem>>
      %dma_start3A_844 = arith.constant 0 : i32
      %dma_start3A_845 = arith.constant 0 : i32
      %dma_start3A_846 = tpu.memref_slice %arg5[%mul3A_835, %dma_start3A_837, %add3A, %dma_start3A_844, %dma_start3A_845] : memref<200x4x32x8x128xf32, #tpu.memory_space<hbm>> -> memref<4x1x1x8x128xf32, #tpu.memory_space<hbm>>
      %dma_start3A_847 = tpu.memref_squeeze %dma_start3A_846 : memref<4x1x1x8x128xf32, #tpu.memory_space<hbm>> -> memref<4x8x128xf32, #tpu.memory_space<hbm>>
      %dma_start3A_848 = tpu.memref_slice %arg12[%dma_start3A_838] : memref<2x!tpu.dma_semaphore, #tpu.memory_space<semaphore_mem>> -> memref<1x!tpu.dma_semaphore, #tpu.memory_space<semaphore_mem>>
      %dma_start3A_849 = tpu.memref_squeeze %dma_start3A_848 : memref<1x!tpu.dma_semaphore, #tpu.memory_space<semaphore_mem>> -> memref<!tpu.dma_semaphore, #tpu.memory_space<semaphore_mem>>
      %dma_start3A_850 = arith.constant 0 : i32
      %dma_start3A_851 = arith.constant 0 : i32
      %dma_start3A_852 = tpu.memref_slice %arg5[%mul3A_835, %dma_start3A_837, %add3A, %dma_start3A_850, %dma_start3A_851] : memref<200x4x32x8x128xf32, #tpu.memory_space<hbm>> -> memref<4x1x1x8x128xf32, #tpu.memory_space<hbm>>
      %dma_start3A_853 = tpu.memref_squeeze %dma_start3A_852 : memref<4x1x1x8x128xf32, #tpu.memory_space<hbm>> -> memref<4x8x128xf32, #tpu.memory_space<hbm>>
      %dma_start3A_854 = arith.constant 0 : i32
      %dma_start3A_855 = arith.constant 24 : i32
      %dma_start3A_856 = arith.constant 0 : i32
      %dma_start3A_857 = tpu.memref_slice %arg9[%dma_start3A_836, %dma_start3A_854, %dma_start3A_855, %dma_start3A_856] : memref<2x4x32x129xf32, #tpu.memory_space<vmem>> -> memref<1x4x8x128xf32, #tpu.memory_space<vmem>>
      %dma_start3A_858 = tpu.memref_squeeze %dma_start3A_857 : memref<1x4x8x128xf32, #tpu.memory_space<vmem>> -> memref<4x8x128xf32, #tpu.memory_space<vmem>>
      tpu.enqueue_dma source(%dma_start3A_858 : memref<4x8x128xf32, #tpu.memory_space<vmem>>) target(%dma_start3A_853 : memref<4x8x128xf32, #tpu.memory_space<hbm>>) target_semaphore(%dma_start3A_849 : memref<!tpu.dma_semaphore, #tpu.memory_space<semaphore_mem>>)
      %mul3A_859 = arith.constant 2 : i32
      %mul3A_860 = arith.muli %mul3A_859, %scan3A_669 : i32
      %add3A_861 = arith.constant 1 : i32
      %add3A_862 = arith.addi %mul3A_860, %add3A_861 : i32
      %dma_wait3A_863 = arith.constant 1 : i32
      %dma_wait3A_864 = arith.constant 1 : i32
      %dma_wait3A_865 = arith.constant 1 : i32
      %dma_wait3A_866 = arith.constant 0 : i32
      %dma_wait3A_867 = arith.constant 0 : i32
      %dma_wait3A_868 = tpu.memref_slice %arg8[%dma_wait3A_864, %dma_wait3A_866, %dma_wait3A_867] : memref<2x512x32xf32, #tpu.memory_space<vmem>> -> memref<1x512x32xf32, #tpu.memory_space<vmem>>
      %dma_wait3A_869 = tpu.memref_squeeze %dma_wait3A_868 : memref<1x512x32xf32, #tpu.memory_space<vmem>> -> memref<512x32xf32, #tpu.memory_space<vmem>>
      %dma_wait3A_870 = arith.constant 0 : i32
      %dma_wait3A_871 = tpu.memref_slice %arg7[%dma_wait3A_863, %dma_wait3A_870] : memref<2x512xi32, #tpu.memory_space<vmem>> -> memref<1x512xi32, #tpu.memory_space<vmem>>
      %dma_wait3A_872 = tpu.memref_squeeze %dma_wait3A_871 : memref<1x512xi32, #tpu.memory_space<vmem>> -> memref<512xi32, #tpu.memory_space<vmem>>
      %dma_wait3A_873 = arith.constant 0 : i32
      %dma_wait3A_874 = arith.constant 0 : i32
      %dma_wait3A_875 = tpu.memref_slice %arg3[%dma_wait3A_873, %dma_wait3A_874] : memref<100000x32xf32, #tpu.memory_space<hbm>> -> memref<100000x32xf32, #tpu.memory_space<hbm>>
      %dma_wait3A_876 = tpu.memref_slice %arg11[%dma_wait3A_865] : memref<2x!tpu.dma_semaphore, #tpu.memory_space<semaphore_mem>> -> memref<1x!tpu.dma_semaphore, #tpu.memory_space<semaphore_mem>>
      %dma_wait3A_877 = tpu.memref_squeeze %dma_wait3A_876 : memref<1x!tpu.dma_semaphore, #tpu.memory_space<semaphore_mem>> -> memref<!tpu.dma_semaphore, #tpu.memory_space<semaphore_mem>>
      tpu.wait_indirect_dma semaphore(%dma_wait3A_877 : memref<!tpu.dma_semaphore, #tpu.memory_space<semaphore_mem>>) src(%dma_wait3A_875 : memref<100000x32xf32, #tpu.memory_space<hbm>>) dst(%dma_wait3A_869 : memref<512x32xf32, #tpu.memory_space<vmem>>)
      %add3A_878 = arith.constant 1 : i32
      %add3A_879 = arith.addi %add3A_862, %add3A_878 : i32
      %lt3A_880 = arith.constant 50 : i32
      %lt3A_881 = arith.cmpi slt, %add3A_879, %lt3A_880 : i32
      %convert_element_type3A_882 = arith.extui %lt3A_881 : i1 to i32
      %cond3A_883 = arith.constant 0 : i32
      %cond3A_884 = arith.cmpi ne, %convert_element_type3A_882, %cond3A_883 : i32
      scf.if %cond3A_884 {
        %add3A_1057 = arith.constant 1 : i32
        %add3A_1058 = arith.addi %add3A_862, %add3A_1057 : i32
        %mul3A_1059 = arith.constant 4 : i32
        %mul3A_1060 = arith.muli %add3A_1058, %mul3A_1059 : i32
        %add3A_1061 = arith.constant 0 : i32
        %add3A_1062 = vector.broadcast %add3A_1061 : i32 to vector<16xi32>
        %add3A_1063 = arith.addi %iota3A, %add3A_1062 : vector<16xi32>
        %mul3A_1064 = arith.constant 200 : i32
        %mul3A_1065 = vector.broadcast %mul3A_1064 : i32 to vector<16xi32>
        %mul3A_1066 = arith.muli %add3A_1063, %mul3A_1065 : vector<16xi32>
        %add3A_1067 = arith.constant 0 : i32
        %add3A_1068 = arith.addi %mul3A_1060, %add3A_1067 : i32
        %add3A_1069 = vector.broadcast %add3A_1068 : i32 to vector<16xi32>
        %add3A_1070 = arith.addi %mul3A_1066, %add3A_1069 : vector<16xi32>
        %gather3A_1071 = tpu.vector_load_idx %arg6[%add3A_1070] : memref<25600xi32, #tpu.memory_space<vmem>>[vector<16xi32>], vector<16xi32>,
        %swap3A_1072 = arith.constant 0 : i32
        %swap3A_1073 = arith.index_cast %swap3A_1072 : i32 to index
        %swap3A_1074 = arith.constant 0 : index
        %swap3A_1075 = tpu.vector_load %arg7[%swap3A_1073, %swap3A_1074] {strides = array<i32>} : memref<2x512xi32, #tpu.memory_space<vmem>>, vector<16xi32>,
        tpu.vector_store %arg7[%swap3A_1073, %swap3A_1074], %gather3A_1071 {strides = array<i32>} : memref<2x512xi32, #tpu.memory_space<vmem>>, vector<16xi32>,
        %add3A_1076 = arith.constant 16 : i32
        %add3A_1077 = vector.broadcast %add3A_1076 : i32 to vector<16xi32>
        %add3A_1078 = arith.addi %iota3A, %add3A_1077 : vector<16xi32>
        %mul3A_1079 = arith.constant 200 : i32
        %mul3A_1080 = vector.broadcast %mul3A_1079 : i32 to vector<16xi32>
        %mul3A_1081 = arith.muli %add3A_1078, %mul3A_1080 : vector<16xi32>
        %add3A_1082 = arith.constant 0 : i32
        %add3A_1083 = arith.addi %mul3A_1060, %add3A_1082 : i32
        %add3A_1084 = vector.broadcast %add3A_1083 : i32 to vector<16xi32>
        %add3A_1085 = arith.addi %mul3A_1081, %add3A_1084 : vector<16xi32>
        %gather3A_1086 = tpu.vector_load_idx %arg6[%add3A_1085] : memref<25600xi32, #tpu.memory_space<vmem>>[vector<16xi32>], vector<16xi32>,
        %swap3A_1087 = arith.constant 0 : i32
        %swap3A_1088 = arith.index_cast %swap3A_1087 : i32 to index
        %swap3A_1089 = arith.constant 16 : index
        %swap3A_1090 = tpu.vector_load %arg7[%swap3A_1088, %swap3A_1089] {strides = array<i32>} : memref<2x512xi32, #tpu.memory_space<vmem>>, vector<16xi32>,
        tpu.vector_store %arg7[%swap3A_1088, %swap3A_1089], %gather3A_1086 {strides = array<i32>} : memref<2x512xi32, #tpu.memory_space<vmem>>, vector<16xi32>,
        %add3A_1091 = arith.constant 32 : i32
        %add3A_1092 = vector.broadcast %add3A_1091 : i32 to vector<16xi32>
        %add3A_1093 = arith.addi %iota3A, %add3A_1092 : vector<16xi32>
        %mul3A_1094 = arith.constant 200 : i32
        %mul3A_1095 = vector.broadcast %mul3A_1094 : i32 to vector<16xi32>
        %mul3A_1096 = arith.muli %add3A_1093, %mul3A_1095 : vector<16xi32>
        %add3A_1097 = arith.constant 0 : i32
        %add3A_1098 = arith.addi %mul3A_1060, %add3A_1097 : i32
        %add3A_1099 = vector.broadcast %add3A_1098 : i32 to vector<16xi32>
        %add3A_1100 = arith.addi %mul3A_1096, %add3A_1099 : vector<16xi32>
        %gather3A_1101 = tpu.vector_load_idx %arg6[%add3A_1100] : memref<25600xi32, #tpu.memory_space<vmem>>[vector<16xi32>], vector<16xi32>,
        %swap3A_1102 = arith.constant 0 : i32
        %swap3A_1103 = arith.index_cast %swap3A_1102 : i32 to index
        %swap3A_1104 = arith.constant 32 : index
        %swap3A_1105 = tpu.vector_load %arg7[%swap3A_1103, %swap3A_1104] {strides = array<i32>} : memref<2x512xi32, #tpu.memory_space<vmem>>, vector<16xi32>,
        tpu.vector_store %arg7[%swap3A_1103, %swap3A_1104], %gather3A_1101 {strides = array<i32>} : memref<2x512xi32, #tpu.memory_space<vmem>>, vector<16xi32>,
        %add3A_1106 = arith.constant 48 : i32
        %add3A_1107 = vector.broadcast %add3A_1106 : i32 to vector<16xi32>
        %add3A_1108 = arith.addi %iota3A, %add3A_1107 : vector<16xi32>
        %mul3A_1109 = arith.constant 200 : i32
        %mul3A_1110 = vector.broadcast %mul3A_1109 : i32 to vector<16xi32>
        %mul3A_1111 = arith.muli %add3A_1108, %mul3A_1110 : vector<16xi32>
        %add3A_1112 = arith.constant 0 : i32
        %add3A_1113 = arith.addi %mul3A_1060, %add3A_1112 : i32
        %add3A_1114 = vector.broadcast %add3A_1113 : i32 to vector<16xi32>
        %add3A_1115 = arith.addi %mul3A_1111, %add3A_1114 : vector<16xi32>
        %gather3A_1116 = tpu.vector_load_idx %arg6[%add3A_1115] : memref<25600xi32, #tpu.memory_space<vmem>>[vector<16xi32>], vector<16xi32>,
        %swap3A_1117 = arith.constant 0 : i32
        %swap3A_1118 = arith.index_cast %swap3A_1117 : i32 to index
        %swap3A_1119 = arith.constant 48 : index
        %swap3A_1120 = tpu.vector_load %arg7[%swap3A_1118, %swap3A_1119] {strides = array<i32>} : memref<2x512xi32, #tpu.memory_space<vmem>>, vector<16xi32>,
        tpu.vector_store %arg7[%swap3A_1118, %swap3A_1119], %gather3A_1116 {strides = array<i32>} : memref<2x512xi32, #tpu.memory_space<vmem>>, vector<16xi32>,
        %add3A_1121 = arith.constant 64 : i32
        %add3A_1122 = vector.broadcast %add3A_1121 : i32 to vector<16xi32>
        %add3A_1123 = arith.addi %iota3A, %add3A_1122 : vector<16xi32>
        %mul3A_1124 = arith.constant 200 : i32
        %mul3A_1125 = vector.broadcast %mul3A_1124 : i32 to vector<16xi32>
        %mul3A_1126 = arith.muli %add3A_1123, %mul3A_1125 : vector<16xi32>
        %add3A_1127 = arith.constant 0 : i32
        %add3A_1128 = arith.addi %mul3A_1060, %add3A_1127 : i32
        %add3A_1129 = vector.broadcast %add3A_1128 : i32 to vector<16xi32>
        %add3A_1130 = arith.addi %mul3A_1126, %add3A_1129 : vector<16xi32>
        %gather3A_1131 = tpu.vector_load_idx %arg6[%add3A_1130] : memref<25600xi32, #tpu.memory_space<vmem>>[vector<16xi32>], vector<16xi32>,
        %swap3A_1132 = arith.constant 0 : i32
        %swap3A_1133 = arith.index_cast %swap3A_1132 : i32 to index
        %swap3A_1134 = arith.constant 64 : index
        %swap3A_1135 = tpu.vector_load %arg7[%swap3A_1133, %swap3A_1134] {strides = array<i32>} : memref<2x512xi32, #tpu.memory_space<vmem>>, vector<16xi32>,
        tpu.vector_store %arg7[%swap3A_1133, %swap3A_1134], %gather3A_1131 {strides = array<i32>} : memref<2x512xi32, #tpu.memory_space<vmem>>, vector<16xi32>,
        %add3A_1136 = arith.constant 80 : i32
        %add3A_1137 = vector.broadcast %add3A_1136 : i32 to vector<16xi32>
        %add3A_1138 = arith.addi %iota3A, %add3A_1137 : vector<16xi32>
        %mul3A_1139 = arith.constant 200 : i32
        %mul3A_1140 = vector.broadcast %mul3A_1139 : i32 to vector<16xi32>
        %mul3A_1141 = arith.muli %add3A_1138, %mul3A_1140 : vector<16xi32>
        %add3A_1142 = arith.constant 0 : i32
        %add3A_1143 = arith.addi %mul3A_1060, %add3A_1142 : i32
        %add3A_1144 = vector.broadcast %add3A_1143 : i32 to vector<16xi32>
        %add3A_1145 = arith.addi %mul3A_1141, %add3A_1144 : vector<16xi32>
        %gather3A_1146 = tpu.vector_load_idx %arg6[%add3A_1145] : memref<25600xi32, #tpu.memory_space<vmem>>[vector<16xi32>], vector<16xi32>,
        %swap3A_1147 = arith.constant 0 : i32
        %swap3A_1148 = arith.index_cast %swap3A_1147 : i32 to index
        %swap3A_1149 = arith.constant 80 : index
        %swap3A_1150 = tpu.vector_load %arg7[%swap3A_1148, %swap3A_1149] {strides = array<i32>} : memref<2x512xi32, #tpu.memory_space<vmem>>, vector<16xi32>,
        tpu.vector_store %arg7[%swap3A_1148, %swap3A_1149], %gather3A_1146 {strides = array<i32>} : memref<2x512xi32, #tpu.memory_space<vmem>>, vector<16xi32>,
        %add3A_1151 = arith.constant 96 : i32
        %add3A_1152 = vector.broadcast %add3A_1151 : i32 to vector<16xi32>
        %add3A_1153 = arith.addi %iota3A, %add3A_1152 : vector<16xi32>
        %mul3A_1154 = arith.constant 200 : i32
        %mul3A_1155 = vector.broadcast %mul3A_1154 : i32 to vector<16xi32>
        %mul3A_1156 = arith.muli %add3A_1153, %mul3A_1155 : vector<16xi32>
        %add3A_1157 = arith.constant 0 : i32
        %add3A_1158 = arith.addi %mul3A_1060, %add3A_1157 : i32
        %add3A_1159 = vector.broadcast %add3A_1158 : i32 to vector<16xi32>
        %add3A_1160 = arith.addi %mul3A_1156, %add3A_1159 : vector<16xi32>
        %gather3A_1161 = tpu.vector_load_idx %arg6[%add3A_1160] : memref<25600xi32, #tpu.memory_space<vmem>>[vector<16xi32>], vector<16xi32>,
        %swap3A_1162 = arith.constant 0 : i32
        %swap3A_1163 = arith.index_cast %swap3A_1162 : i32 to index
        %swap3A_1164 = arith.constant 96 : index
        %swap3A_1165 = tpu.vector_load %arg7[%swap3A_1163, %swap3A_1164] {strides = array<i32>} : memref<2x512xi32, #tpu.memory_space<vmem>>, vector<16xi32>,
        tpu.vector_store %arg7[%swap3A_1163, %swap3A_1164], %gather3A_1161 {strides = array<i32>} : memref<2x512xi32, #tpu.memory_space<vmem>>, vector<16xi32>,
        %add3A_1166 = arith.constant 112 : i32
        %add3A_1167 = vector.broadcast %add3A_1166 : i32 to vector<16xi32>
        %add3A_1168 = arith.addi %iota3A, %add3A_1167 : vector<16xi32>
        %mul3A_1169 = arith.constant 200 : i32
        %mul3A_1170 = vector.broadcast %mul3A_1169 : i32 to vector<16xi32>
        %mul3A_1171 = arith.muli %add3A_1168, %mul3A_1170 : vector<16xi32>
        %add3A_1172 = arith.constant 0 : i32
        %add3A_1173 = arith.addi %mul3A_1060, %add3A_1172 : i32
        %add3A_1174 = vector.broadcast %add3A_1173 : i32 to vector<16xi32>
        %add3A_1175 = arith.addi %mul3A_1171, %add3A_1174 : vector<16xi32>
        %gather3A_1176 = tpu.vector_load_idx %arg6[%add3A_1175] : memref<25600xi32, #tpu.memory_space<vmem>>[vector<16xi32>], vector<16xi32>,
        %swap3A_1177 = arith.constant 0 : i32
        %swap3A_1178 = arith.index_cast %swap3A_1177 : i32 to index
        %swap3A_1179 = arith.constant 112 : index
        %swap3A_1180 = tpu.vector_load %arg7[%swap3A_1178, %swap3A_1179] {strides = array<i32>} : memref<2x512xi32, #tpu.memory_space<vmem>>, vector<16xi32>,
        tpu.vector_store %arg7[%swap3A_1178, %swap3A_1179], %gather3A_1176 {strides = array<i32>} : memref<2x512xi32, #tpu.memory_space<vmem>>, vector<16xi32>,
        %add3A_1181 = arith.constant 0 : i32
        %add3A_1182 = vector.broadcast %add3A_1181 : i32 to vector<16xi32>
        %add3A_1183 = arith.addi %iota3A, %add3A_1182 : vector<16xi32>
        %mul3A_1184 = arith.constant 200 : i32
        %mul3A_1185 = vector.broadcast %mul3A_1184 : i32 to vector<16xi32>
        %mul3A_1186 = arith.muli %add3A_1183, %mul3A_1185 : vector<16xi32>
        %add3A_1187 = arith.constant 1 : i32
        %add3A_1188 = arith.addi %mul3A_1060, %add3A_1187 : i32
        %add3A_1189 = vector.broadcast %add3A_1188 : i32 to vector<16xi32>
        %add3A_1190 = arith.addi %mul3A_1186, %add3A_1189 : vector<16xi32>
        %gather3A_1191 = tpu.vector_load_idx %arg6[%add3A_1190] : memref<25600xi32, #tpu.memory_space<vmem>>[vector<16xi32>], vector<16xi32>,
        %swap3A_1192 = arith.constant 0 : i32
        %swap3A_1193 = arith.index_cast %swap3A_1192 : i32 to index
        %swap3A_1194 = arith.constant 128 : index
        %swap3A_1195 = tpu.vector_load %arg7[%swap3A_1193, %swap3A_1194] {strides = array<i32>} : memref<2x512xi32, #tpu.memory_space<vmem>>, vector<16xi32>,
        tpu.vector_store %arg7[%swap3A_1193, %swap3A_1194], %gather3A_1191 {strides = array<i32>} : memref<2x512xi32, #tpu.memory_space<vmem>>, vector<16xi32>,
        %add3A_1196 = arith.constant 16 : i32
        %add3A_1197 = vector.broadcast %add3A_1196 : i32 to vector<16xi32>
        %add3A_1198 = arith.addi %iota3A, %add3A_1197 : vector<16xi32>
        %mul3A_1199 = arith.constant 200 : i32
        %mul3A_1200 = vector.broadcast %mul3A_1199 : i32 to vector<16xi32>
        %mul3A_1201 = arith.muli %add3A_1198, %mul3A_1200 : vector<16xi32>
        %add3A_1202 = arith.constant 1 : i32
        %add3A_1203 = arith.addi %mul3A_1060, %add3A_1202 : i32
        %add3A_1204 = vector.broadcast %add3A_1203 : i32 to vector<16xi32>
        %add3A_1205 = arith.addi %mul3A_1201, %add3A_1204 : vector<16xi32>
        %gather3A_1206 = tpu.vector_load_idx %arg6[%add3A_1205] : memref<25600xi32, #tpu.memory_space<vmem>>[vector<16xi32>], vector<16xi32>,
        %swap3A_1207 = arith.constant 0 : i32
        %swap3A_1208 = arith.index_cast %swap3A_1207 : i32 to index
        %swap3A_1209 = arith.constant 144 : index
        %swap3A_1210 = tpu.vector_load %arg7[%swap3A_1208, %swap3A_1209] {strides = array<i32>} : memref<2x512xi32, #tpu.memory_space<vmem>>, vector<16xi32>,
        tpu.vector_store %arg7[%swap3A_1208, %swap3A_1209], %gather3A_1206 {strides = array<i32>} : memref<2x512xi32, #tpu.memory_space<vmem>>, vector<16xi32>,
        %add3A_1211 = arith.constant 32 : i32
        %add3A_1212 = vector.broadcast %add3A_1211 : i32 to vector<16xi32>
        %add3A_1213 = arith.addi %iota3A, %add3A_1212 : vector<16xi32>
        %mul3A_1214 = arith.constant 200 : i32
        %mul3A_1215 = vector.broadcast %mul3A_1214 : i32 to vector<16xi32>
        %mul3A_1216 = arith.muli %add3A_1213, %mul3A_1215 : vector<16xi32>
        %add3A_1217 = arith.constant 1 : i32
        %add3A_1218 = arith.addi %mul3A_1060, %add3A_1217 : i32
        %add3A_1219 = vector.broadcast %add3A_1218 : i32 to vector<16xi32>
        %add3A_1220 = arith.addi %mul3A_1216, %add3A_1219 : vector<16xi32>
        %gather3A_1221 = tpu.vector_load_idx %arg6[%add3A_1220] : memref<25600xi32, #tpu.memory_space<vmem>>[vector<16xi32>], vector<16xi32>,
        %swap3A_1222 = arith.constant 0 : i32
        %swap3A_1223 = arith.index_cast %swap3A_1222 : i32 to index
        %swap3A_1224 = arith.constant 160 : index
        %swap3A_1225 = tpu.vector_load %arg7[%swap3A_1223, %swap3A_1224] {strides = array<i32>} : memref<2x512xi32, #tpu.memory_space<vmem>>, vector<16xi32>,
        tpu.vector_store %arg7[%swap3A_1223, %swap3A_1224], %gather3A_1221 {strides = array<i32>} : memref<2x512xi32, #tpu.memory_space<vmem>>, vector<16xi32>,
        %add3A_1226 = arith.constant 48 : i32
        %add3A_1227 = vector.broadcast %add3A_1226 : i32 to vector<16xi32>
        %add3A_1228 = arith.addi %iota3A, %add3A_1227 : vector<16xi32>
        %mul3A_1229 = arith.constant 200 : i32
        %mul3A_1230 = vector.broadcast %mul3A_1229 : i32 to vector<16xi32>
        %mul3A_1231 = arith.muli %add3A_1228, %mul3A_1230 : vector<16xi32>
        %add3A_1232 = arith.constant 1 : i32
        %add3A_1233 = arith.addi %mul3A_1060, %add3A_1232 : i32
        %add3A_1234 = vector.broadcast %add3A_1233 : i32 to vector<16xi32>
        %add3A_1235 = arith.addi %mul3A_1231, %add3A_1234 : vector<16xi32>
        %gather3A_1236 = tpu.vector_load_idx %arg6[%add3A_1235] : memref<25600xi32, #tpu.memory_space<vmem>>[vector<16xi32>], vector<16xi32>,
        %swap3A_1237 = arith.constant 0 : i32
        %swap3A_1238 = arith.index_cast %swap3A_1237 : i32 to index
        %swap3A_1239 = arith.constant 176 : index
        %swap3A_1240 = tpu.vector_load %arg7[%swap3A_1238, %swap3A_1239] {strides = array<i32>} : memref<2x512xi32, #tpu.memory_space<vmem>>, vector<16xi32>,
        tpu.vector_store %arg7[%swap3A_1238, %swap3A_1239], %gather3A_1236 {strides = array<i32>} : memref<2x512xi32, #tpu.memory_space<vmem>>, vector<16xi32>,
        %add3A_1241 = arith.constant 64 : i32
        %add3A_1242 = vector.broadcast %add3A_1241 : i32 to vector<16xi32>
        %add3A_1243 = arith.addi %iota3A, %add3A_1242 : vector<16xi32>
        %mul3A_1244 = arith.constant 200 : i32
        %mul3A_1245 = vector.broadcast %mul3A_1244 : i32 to vector<16xi32>
        %mul3A_1246 = arith.muli %add3A_1243, %mul3A_1245 : vector<16xi32>
        %add3A_1247 = arith.constant 1 : i32
        %add3A_1248 = arith.addi %mul3A_1060, %add3A_1247 : i32
        %add3A_1249 = vector.broadcast %add3A_1248 : i32 to vector<16xi32>
        %add3A_1250 = arith.addi %mul3A_1246, %add3A_1249 : vector<16xi32>
        %gather3A_1251 = tpu.vector_load_idx %arg6[%add3A_1250] : memref<25600xi32, #tpu.memory_space<vmem>>[vector<16xi32>], vector<16xi32>,
        %swap3A_1252 = arith.constant 0 : i32
        %swap3A_1253 = arith.index_cast %swap3A_1252 : i32 to index
        %swap3A_1254 = arith.constant 192 : index
        %swap3A_1255 = tpu.vector_load %arg7[%swap3A_1253, %swap3A_1254] {strides = array<i32>} : memref<2x512xi32, #tpu.memory_space<vmem>>, vector<16xi32>,
        tpu.vector_store %arg7[%swap3A_1253, %swap3A_1254], %gather3A_1251 {strides = array<i32>} : memref<2x512xi32, #tpu.memory_space<vmem>>, vector<16xi32>,
        %add3A_1256 = arith.constant 80 : i32
        %add3A_1257 = vector.broadcast %add3A_1256 : i32 to vector<16xi32>
        %add3A_1258 = arith.addi %iota3A, %add3A_1257 : vector<16xi32>
        %mul3A_1259 = arith.constant 200 : i32
        %mul3A_1260 = vector.broadcast %mul3A_1259 : i32 to vector<16xi32>
        %mul3A_1261 = arith.muli %add3A_1258, %mul3A_1260 : vector<16xi32>
        %add3A_1262 = arith.constant 1 : i32
        %add3A_1263 = arith.addi %mul3A_1060, %add3A_1262 : i32
        %add3A_1264 = vector.broadcast %add3A_1263 : i32 to vector<16xi32>
        %add3A_1265 = arith.addi %mul3A_1261, %add3A_1264 : vector<16xi32>
        %gather3A_1266 = tpu.vector_load_idx %arg6[%add3A_1265] : memref<25600xi32, #tpu.memory_space<vmem>>[vector<16xi32>], vector<16xi32>,
        %swap3A_1267 = arith.constant 0 : i32
        %swap3A_1268 = arith.index_cast %swap3A_1267 : i32 to index
        %swap3A_1269 = arith.constant 208 : index
        %swap3A_1270 = tpu.vector_load %arg7[%swap3A_1268, %swap3A_1269] {strides = array<i32>} : memref<2x512xi32, #tpu.memory_space<vmem>>, vector<16xi32>,
        tpu.vector_store %arg7[%swap3A_1268, %swap3A_1269], %gather3A_1266 {strides = array<i32>} : memref<2x512xi32, #tpu.memory_space<vmem>>, vector<16xi32>,
        %add3A_1271 = arith.constant 96 : i32
        %add3A_1272 = vector.broadcast %add3A_1271 : i32 to vector<16xi32>
        %add3A_1273 = arith.addi %iota3A, %add3A_1272 : vector<16xi32>
        %mul3A_1274 = arith.constant 200 : i32
        %mul3A_1275 = vector.broadcast %mul3A_1274 : i32 to vector<16xi32>
        %mul3A_1276 = arith.muli %add3A_1273, %mul3A_1275 : vector<16xi32>
        %add3A_1277 = arith.constant 1 : i32
        %add3A_1278 = arith.addi %mul3A_1060, %add3A_1277 : i32
        %add3A_1279 = vector.broadcast %add3A_1278 : i32 to vector<16xi32>
        %add3A_1280 = arith.addi %mul3A_1276, %add3A_1279 : vector<16xi32>
        %gather3A_1281 = tpu.vector_load_idx %arg6[%add3A_1280] : memref<25600xi32, #tpu.memory_space<vmem>>[vector<16xi32>], vector<16xi32>,
        %swap3A_1282 = arith.constant 0 : i32
        %swap3A_1283 = arith.index_cast %swap3A_1282 : i32 to index
        %swap3A_1284 = arith.constant 224 : index
        %swap3A_1285 = tpu.vector_load %arg7[%swap3A_1283, %swap3A_1284] {strides = array<i32>} : memref<2x512xi32, #tpu.memory_space<vmem>>, vector<16xi32>,
        tpu.vector_store %arg7[%swap3A_1283, %swap3A_1284], %gather3A_1281 {strides = array<i32>} : memref<2x512xi32, #tpu.memory_space<vmem>>, vector<16xi32>,
        %add3A_1286 = arith.constant 112 : i32
        %add3A_1287 = vector.broadcast %add3A_1286 : i32 to vector<16xi32>
        %add3A_1288 = arith.addi %iota3A, %add3A_1287 : vector<16xi32>
        %mul3A_1289 = arith.constant 200 : i32
        %mul3A_1290 = vector.broadcast %mul3A_1289 : i32 to vector<16xi32>
        %mul3A_1291 = arith.muli %add3A_1288, %mul3A_1290 : vector<16xi32>
        %add3A_1292 = arith.constant 1 : i32
        %add3A_1293 = arith.addi %mul3A_1060, %add3A_1292 : i32
        %add3A_1294 = vector.broadcast %add3A_1293 : i32 to vector<16xi32>
        %add3A_1295 = arith.addi %mul3A_1291, %add3A_1294 : vector<16xi32>
        %gather3A_1296 = tpu.vector_load_idx %arg6[%add3A_1295] : memref<25600xi32, #tpu.memory_space<vmem>>[vector<16xi32>], vector<16xi32>,
        %swap3A_1297 = arith.constant 0 : i32
        %swap3A_1298 = arith.index_cast %swap3A_1297 : i32 to index
        %swap3A_1299 = arith.constant 240 : index
        %swap3A_1300 = tpu.vector_load %arg7[%swap3A_1298, %swap3A_1299] {strides = array<i32>} : memref<2x512xi32, #tpu.memory_space<vmem>>, vector<16xi32>,
        tpu.vector_store %arg7[%swap3A_1298, %swap3A_1299], %gather3A_1296 {strides = array<i32>} : memref<2x512xi32, #tpu.memory_space<vmem>>, vector<16xi32>,
        %add3A_1301 = arith.constant 0 : i32
        %add3A_1302 = vector.broadcast %add3A_1301 : i32 to vector<16xi32>
        %add3A_1303 = arith.addi %iota3A, %add3A_1302 : vector<16xi32>
        %mul3A_1304 = arith.constant 200 : i32
        %mul3A_1305 = vector.broadcast %mul3A_1304 : i32 to vector<16xi32>
        %mul3A_1306 = arith.muli %add3A_1303, %mul3A_1305 : vector<16xi32>
        %add3A_1307 = arith.constant 2 : i32
        %add3A_1308 = arith.addi %mul3A_1060, %add3A_1307 : i32
        %add3A_1309 = vector.broadcast %add3A_1308 : i32 to vector<16xi32>
        %add3A_1310 = arith.addi %mul3A_1306, %add3A_1309 : vector<16xi32>
        %gather3A_1311 = tpu.vector_load_idx %arg6[%add3A_1310] : memref<25600xi32, #tpu.memory_space<vmem>>[vector<16xi32>], vector<16xi32>,
        %swap3A_1312 = arith.constant 0 : i32
        %swap3A_1313 = arith.index_cast %swap3A_1312 : i32 to index
        %swap3A_1314 = arith.constant 256 : index
        %swap3A_1315 = tpu.vector_load %arg7[%swap3A_1313, %swap3A_1314] {strides = array<i32>} : memref<2x512xi32, #tpu.memory_space<vmem>>, vector<16xi32>,
        tpu.vector_store %arg7[%swap3A_1313, %swap3A_1314], %gather3A_1311 {strides = array<i32>} : memref<2x512xi32, #tpu.memory_space<vmem>>, vector<16xi32>,
        %add3A_1316 = arith.constant 16 : i32
        %add3A_1317 = vector.broadcast %add3A_1316 : i32 to vector<16xi32>
        %add3A_1318 = arith.addi %iota3A, %add3A_1317 : vector<16xi32>
        %mul3A_1319 = arith.constant 200 : i32
        %mul3A_1320 = vector.broadcast %mul3A_1319 : i32 to vector<16xi32>
        %mul3A_1321 = arith.muli %add3A_1318, %mul3A_1320 : vector<16xi32>
        %add3A_1322 = arith.constant 2 : i32
        %add3A_1323 = arith.addi %mul3A_1060, %add3A_1322 : i32
        %add3A_1324 = vector.broadcast %add3A_1323 : i32 to vector<16xi32>
        %add3A_1325 = arith.addi %mul3A_1321, %add3A_1324 : vector<16xi32>
        %gather3A_1326 = tpu.vector_load_idx %arg6[%add3A_1325] : memref<25600xi32, #tpu.memory_space<vmem>>[vector<16xi32>], vector<16xi32>,
        %swap3A_1327 = arith.constant 0 : i32
        %swap3A_1328 = arith.index_cast %swap3A_1327 : i32 to index
        %swap3A_1329 = arith.constant 272 : index
        %swap3A_1330 = tpu.vector_load %arg7[%swap3A_1328, %swap3A_1329] {strides = array<i32>} : memref<2x512xi32, #tpu.memory_space<vmem>>, vector<16xi32>,
        tpu.vector_store %arg7[%swap3A_1328, %swap3A_1329], %gather3A_1326 {strides = array<i32>} : memref<2x512xi32, #tpu.memory_space<vmem>>, vector<16xi32>,
        %add3A_1331 = arith.constant 32 : i32
        %add3A_1332 = vector.broadcast %add3A_1331 : i32 to vector<16xi32>
        %add3A_1333 = arith.addi %iota3A, %add3A_1332 : vector<16xi32>
        %mul3A_1334 = arith.constant 200 : i32
        %mul3A_1335 = vector.broadcast %mul3A_1334 : i32 to vector<16xi32>
        %mul3A_1336 = arith.muli %add3A_1333, %mul3A_1335 : vector<16xi32>
        %add3A_1337 = arith.constant 2 : i32
        %add3A_1338 = arith.addi %mul3A_1060, %add3A_1337 : i32
        %add3A_1339 = vector.broadcast %add3A_1338 : i32 to vector<16xi32>
        %add3A_1340 = arith.addi %mul3A_1336, %add3A_1339 : vector<16xi32>
        %gather3A_1341 = tpu.vector_load_idx %arg6[%add3A_1340] : memref<25600xi32, #tpu.memory_space<vmem>>[vector<16xi32>], vector<16xi32>,
        %swap3A_1342 = arith.constant 0 : i32
        %swap3A_1343 = arith.index_cast %swap3A_1342 : i32 to index
        %swap3A_1344 = arith.constant 288 : index
        %swap3A_1345 = tpu.vector_load %arg7[%swap3A_1343, %swap3A_1344] {strides = array<i32>} : memref<2x512xi32, #tpu.memory_space<vmem>>, vector<16xi32>,
        tpu.vector_store %arg7[%swap3A_1343, %swap3A_1344], %gather3A_1341 {strides = array<i32>} : memref<2x512xi32, #tpu.memory_space<vmem>>, vector<16xi32>,
        %add3A_1346 = arith.constant 48 : i32
        %add3A_1347 = vector.broadcast %add3A_1346 : i32 to vector<16xi32>
        %add3A_1348 = arith.addi %iota3A, %add3A_1347 : vector<16xi32>
        %mul3A_1349 = arith.constant 200 : i32
        %mul3A_1350 = vector.broadcast %mul3A_1349 : i32 to vector<16xi32>
        %mul3A_1351 = arith.muli %add3A_1348, %mul3A_1350 : vector<16xi32>
        %add3A_1352 = arith.constant 2 : i32
        %add3A_1353 = arith.addi %mul3A_1060, %add3A_1352 : i32
        %add3A_1354 = vector.broadcast %add3A_1353 : i32 to vector<16xi32>
        %add3A_1355 = arith.addi %mul3A_1351, %add3A_1354 : vector<16xi32>
        %gather3A_1356 = tpu.vector_load_idx %arg6[%add3A_1355] : memref<25600xi32, #tpu.memory_space<vmem>>[vector<16xi32>], vector<16xi32>,
        %swap3A_1357 = arith.constant 0 : i32
        %swap3A_1358 = arith.index_cast %swap3A_1357 : i32 to index
        %swap3A_1359 = arith.constant 304 : index
        %swap3A_1360 = tpu.vector_load %arg7[%swap3A_1358, %swap3A_1359] {strides = array<i32>} : memref<2x512xi32, #tpu.memory_space<vmem>>, vector<16xi32>,
        tpu.vector_store %arg7[%swap3A_1358, %swap3A_1359], %gather3A_1356 {strides = array<i32>} : memref<2x512xi32, #tpu.memory_space<vmem>>, vector<16xi32>,
        %add3A_1361 = arith.constant 64 : i32
        %add3A_1362 = vector.broadcast %add3A_1361 : i32 to vector<16xi32>
        %add3A_1363 = arith.addi %iota3A, %add3A_1362 : vector<16xi32>
        %mul3A_1364 = arith.constant 200 : i32
        %mul3A_1365 = vector.broadcast %mul3A_1364 : i32 to vector<16xi32>
        %mul3A_1366 = arith.muli %add3A_1363, %mul3A_1365 : vector<16xi32>
        %add3A_1367 = arith.constant 2 : i32
        %add3A_1368 = arith.addi %mul3A_1060, %add3A_1367 : i32
        %add3A_1369 = vector.broadcast %add3A_1368 : i32 to vector<16xi32>
        %add3A_1370 = arith.addi %mul3A_1366, %add3A_1369 : vector<16xi32>
        %gather3A_1371 = tpu.vector_load_idx %arg6[%add3A_1370] : memref<25600xi32, #tpu.memory_space<vmem>>[vector<16xi32>], vector<16xi32>,
        %swap3A_1372 = arith.constant 0 : i32
        %swap3A_1373 = arith.index_cast %swap3A_1372 : i32 to index
        %swap3A_1374 = arith.constant 320 : index
        %swap3A_1375 = tpu.vector_load %arg7[%swap3A_1373, %swap3A_1374] {strides = array<i32>} : memref<2x512xi32, #tpu.memory_space<vmem>>, vector<16xi32>,
        tpu.vector_store %arg7[%swap3A_1373, %swap3A_1374], %gather3A_1371 {strides = array<i32>} : memref<2x512xi32, #tpu.memory_space<vmem>>, vector<16xi32>,
        %add3A_1376 = arith.constant 80 : i32
        %add3A_1377 = vector.broadcast %add3A_1376 : i32 to vector<16xi32>
        %add3A_1378 = arith.addi %iota3A, %add3A_1377 : vector<16xi32>
        %mul3A_1379 = arith.constant 200 : i32
        %mul3A_1380 = vector.broadcast %mul3A_1379 : i32 to vector<16xi32>
        %mul3A_1381 = arith.muli %add3A_1378, %mul3A_1380 : vector<16xi32>
        %add3A_1382 = arith.constant 2 : i32
        %add3A_1383 = arith.addi %mul3A_1060, %add3A_1382 : i32
        %add3A_1384 = vector.broadcast %add3A_1383 : i32 to vector<16xi32>
        %add3A_1385 = arith.addi %mul3A_1381, %add3A_1384 : vector<16xi32>
        %gather3A_1386 = tpu.vector_load_idx %arg6[%add3A_1385] : memref<25600xi32, #tpu.memory_space<vmem>>[vector<16xi32>], vector<16xi32>,
        %swap3A_1387 = arith.constant 0 : i32
        %swap3A_1388 = arith.index_cast %swap3A_1387 : i32 to index
        %swap3A_1389 = arith.constant 336 : index
        %swap3A_1390 = tpu.vector_load %arg7[%swap3A_1388, %swap3A_1389] {strides = array<i32>} : memref<2x512xi32, #tpu.memory_space<vmem>>, vector<16xi32>,
        tpu.vector_store %arg7[%swap3A_1388, %swap3A_1389], %gather3A_1386 {strides = array<i32>} : memref<2x512xi32, #tpu.memory_space<vmem>>, vector<16xi32>,
        %add3A_1391 = arith.constant 96 : i32
        %add3A_1392 = vector.broadcast %add3A_1391 : i32 to vector<16xi32>
        %add3A_1393 = arith.addi %iota3A, %add3A_1392 : vector<16xi32>
        %mul3A_1394 = arith.constant 200 : i32
        %mul3A_1395 = vector.broadcast %mul3A_1394 : i32 to vector<16xi32>
        %mul3A_1396 = arith.muli %add3A_1393, %mul3A_1395 : vector<16xi32>
        %add3A_1397 = arith.constant 2 : i32
        %add3A_1398 = arith.addi %mul3A_1060, %add3A_1397 : i32
        %add3A_1399 = vector.broadcast %add3A_1398 : i32 to vector<16xi32>
        %add3A_1400 = arith.addi %mul3A_1396, %add3A_1399 : vector<16xi32>
        %gather3A_1401 = tpu.vector_load_idx %arg6[%add3A_1400] : memref<25600xi32, #tpu.memory_space<vmem>>[vector<16xi32>], vector<16xi32>,
        %swap3A_1402 = arith.constant 0 : i32
        %swap3A_1403 = arith.index_cast %swap3A_1402 : i32 to index
        %swap3A_1404 = arith.constant 352 : index
        %swap3A_1405 = tpu.vector_load %arg7[%swap3A_1403, %swap3A_1404] {strides = array<i32>} : memref<2x512xi32, #tpu.memory_space<vmem>>, vector<16xi32>,
        tpu.vector_store %arg7[%swap3A_1403, %swap3A_1404], %gather3A_1401 {strides = array<i32>} : memref<2x512xi32, #tpu.memory_space<vmem>>, vector<16xi32>,
        %add3A_1406 = arith.constant 112 : i32
        %add3A_1407 = vector.broadcast %add3A_1406 : i32 to vector<16xi32>
        %add3A_1408 = arith.addi %iota3A, %add3A_1407 : vector<16xi32>
        %mul3A_1409 = arith.constant 200 : i32
        %mul3A_1410 = vector.broadcast %mul3A_1409 : i32 to vector<16xi32>
        %mul3A_1411 = arith.muli %add3A_1408, %mul3A_1410 : vector<16xi32>
        %add3A_1412 = arith.constant 2 : i32
        %add3A_1413 = arith.addi %mul3A_1060, %add3A_1412 : i32
        %add3A_1414 = vector.broadcast %add3A_1413 : i32 to vector<16xi32>
        %add3A_1415 = arith.addi %mul3A_1411, %add3A_1414 : vector<16xi32>
        %gather3A_1416 = tpu.vector_load_idx %arg6[%add3A_1415] : memref<25600xi32, #tpu.memory_space<vmem>>[vector<16xi32>], vector<16xi32>,
        %swap3A_1417 = arith.constant 0 : i32
        %swap3A_1418 = arith.index_cast %swap3A_1417 : i32 to index
        %swap3A_1419 = arith.constant 368 : index
        %swap3A_1420 = tpu.vector_load %arg7[%swap3A_1418, %swap3A_1419] {strides = array<i32>} : memref<2x512xi32, #tpu.memory_space<vmem>>, vector<16xi32>,
        tpu.vector_store %arg7[%swap3A_1418, %swap3A_1419], %gather3A_1416 {strides = array<i32>} : memref<2x512xi32, #tpu.memory_space<vmem>>, vector<16xi32>,
        %add3A_1421 = arith.constant 0 : i32
        %add3A_1422 = vector.broadcast %add3A_1421 : i32 to vector<16xi32>
        %add3A_1423 = arith.addi %iota3A, %add3A_1422 : vector<16xi32>
        %mul3A_1424 = arith.constant 200 : i32
        %mul3A_1425 = vector.broadcast %mul3A_1424 : i32 to vector<16xi32>
        %mul3A_1426 = arith.muli %add3A_1423, %mul3A_1425 : vector<16xi32>
        %add3A_1427 = arith.constant 3 : i32
        %add3A_1428 = arith.addi %mul3A_1060, %add3A_1427 : i32
        %add3A_1429 = vector.broadcast %add3A_1428 : i32 to vector<16xi32>
        %add3A_1430 = arith.addi %mul3A_1426, %add3A_1429 : vector<16xi32>
        %gather3A_1431 = tpu.vector_load_idx %arg6[%add3A_1430] : memref<25600xi32, #tpu.memory_space<vmem>>[vector<16xi32>], vector<16xi32>,
        %swap3A_1432 = arith.constant 0 : i32
        %swap3A_1433 = arith.index_cast %swap3A_1432 : i32 to index
        %swap3A_1434 = arith.constant 384 : index
        %swap3A_1435 = tpu.vector_load %arg7[%swap3A_1433, %swap3A_1434] {strides = array<i32>} : memref<2x512xi32, #tpu.memory_space<vmem>>, vector<16xi32>,
        tpu.vector_store %arg7[%swap3A_1433, %swap3A_1434], %gather3A_1431 {strides = array<i32>} : memref<2x512xi32, #tpu.memory_space<vmem>>, vector<16xi32>,
        %add3A_1436 = arith.constant 16 : i32
        %add3A_1437 = vector.broadcast %add3A_1436 : i32 to vector<16xi32>
        %add3A_1438 = arith.addi %iota3A, %add3A_1437 : vector<16xi32>
        %mul3A_1439 = arith.constant 200 : i32
        %mul3A_1440 = vector.broadcast %mul3A_1439 : i32 to vector<16xi32>
        %mul3A_1441 = arith.muli %add3A_1438, %mul3A_1440 : vector<16xi32>
        %add3A_1442 = arith.constant 3 : i32
        %add3A_1443 = arith.addi %mul3A_1060, %add3A_1442 : i32
        %add3A_1444 = vector.broadcast %add3A_1443 : i32 to vector<16xi32>
        %add3A_1445 = arith.addi %mul3A_1441, %add3A_1444 : vector<16xi32>
        %gather3A_1446 = tpu.vector_load_idx %arg6[%add3A_1445] : memref<25600xi32, #tpu.memory_space<vmem>>[vector<16xi32>], vector<16xi32>,
        %swap3A_1447 = arith.constant 0 : i32
        %swap3A_1448 = arith.index_cast %swap3A_1447 : i32 to index
        %swap3A_1449 = arith.constant 400 : index
        %swap3A_1450 = tpu.vector_load %arg7[%swap3A_1448, %swap3A_1449] {strides = array<i32>} : memref<2x512xi32, #tpu.memory_space<vmem>>, vector<16xi32>,
        tpu.vector_store %arg7[%swap3A_1448, %swap3A_1449], %gather3A_1446 {strides = array<i32>} : memref<2x512xi32, #tpu.memory_space<vmem>>, vector<16xi32>,
        %add3A_1451 = arith.constant 32 : i32
        %add3A_1452 = vector.broadcast %add3A_1451 : i32 to vector<16xi32>
        %add3A_1453 = arith.addi %iota3A, %add3A_1452 : vector<16xi32>
        %mul3A_1454 = arith.constant 200 : i32
        %mul3A_1455 = vector.broadcast %mul3A_1454 : i32 to vector<16xi32>
        %mul3A_1456 = arith.muli %add3A_1453, %mul3A_1455 : vector<16xi32>
        %add3A_1457 = arith.constant 3 : i32
        %add3A_1458 = arith.addi %mul3A_1060, %add3A_1457 : i32
        %add3A_1459 = vector.broadcast %add3A_1458 : i32 to vector<16xi32>
        %add3A_1460 = arith.addi %mul3A_1456, %add3A_1459 : vector<16xi32>
        %gather3A_1461 = tpu.vector_load_idx %arg6[%add3A_1460] : memref<25600xi32, #tpu.memory_space<vmem>>[vector<16xi32>], vector<16xi32>,
        %swap3A_1462 = arith.constant 0 : i32
        %swap3A_1463 = arith.index_cast %swap3A_1462 : i32 to index
        %swap3A_1464 = arith.constant 416 : index
        %swap3A_1465 = tpu.vector_load %arg7[%swap3A_1463, %swap3A_1464] {strides = array<i32>} : memref<2x512xi32, #tpu.memory_space<vmem>>, vector<16xi32>,
        tpu.vector_store %arg7[%swap3A_1463, %swap3A_1464], %gather3A_1461 {strides = array<i32>} : memref<2x512xi32, #tpu.memory_space<vmem>>, vector<16xi32>,
        %add3A_1466 = arith.constant 48 : i32
        %add3A_1467 = vector.broadcast %add3A_1466 : i32 to vector<16xi32>
        %add3A_1468 = arith.addi %iota3A, %add3A_1467 : vector<16xi32>
        %mul3A_1469 = arith.constant 200 : i32
        %mul3A_1470 = vector.broadcast %mul3A_1469 : i32 to vector<16xi32>
        %mul3A_1471 = arith.muli %add3A_1468, %mul3A_1470 : vector<16xi32>
        %add3A_1472 = arith.constant 3 : i32
        %add3A_1473 = arith.addi %mul3A_1060, %add3A_1472 : i32
        %add3A_1474 = vector.broadcast %add3A_1473 : i32 to vector<16xi32>
        %add3A_1475 = arith.addi %mul3A_1471, %add3A_1474 : vector<16xi32>
        %gather3A_1476 = tpu.vector_load_idx %arg6[%add3A_1475] : memref<25600xi32, #tpu.memory_space<vmem>>[vector<16xi32>], vector<16xi32>,
        %swap3A_1477 = arith.constant 0 : i32
        %swap3A_1478 = arith.index_cast %swap3A_1477 : i32 to index
        %swap3A_1479 = arith.constant 432 : index
        %swap3A_1480 = tpu.vector_load %arg7[%swap3A_1478, %swap3A_1479] {strides = array<i32>} : memref<2x512xi32, #tpu.memory_space<vmem>>, vector<16xi32>,
        tpu.vector_store %arg7[%swap3A_1478, %swap3A_1479], %gather3A_1476 {strides = array<i32>} : memref<2x512xi32, #tpu.memory_space<vmem>>, vector<16xi32>,
        %add3A_1481 = arith.constant 64 : i32
        %add3A_1482 = vector.broadcast %add3A_1481 : i32 to vector<16xi32>
        %add3A_1483 = arith.addi %iota3A, %add3A_1482 : vector<16xi32>
        %mul3A_1484 = arith.constant 200 : i32
        %mul3A_1485 = vector.broadcast %mul3A_1484 : i32 to vector<16xi32>
        %mul3A_1486 = arith.muli %add3A_1483, %mul3A_1485 : vector<16xi32>
        %add3A_1487 = arith.constant 3 : i32
        %add3A_1488 = arith.addi %mul3A_1060, %add3A_1487 : i32
        %add3A_1489 = vector.broadcast %add3A_1488 : i32 to vector<16xi32>
        %add3A_1490 = arith.addi %mul3A_1486, %add3A_1489 : vector<16xi32>
        %gather3A_1491 = tpu.vector_load_idx %arg6[%add3A_1490] : memref<25600xi32, #tpu.memory_space<vmem>>[vector<16xi32>], vector<16xi32>,
        %swap3A_1492 = arith.constant 0 : i32
        %swap3A_1493 = arith.index_cast %swap3A_1492 : i32 to index
        %swap3A_1494 = arith.constant 448 : index
        %swap3A_1495 = tpu.vector_load %arg7[%swap3A_1493, %swap3A_1494] {strides = array<i32>} : memref<2x512xi32, #tpu.memory_space<vmem>>, vector<16xi32>,
        tpu.vector_store %arg7[%swap3A_1493, %swap3A_1494], %gather3A_1491 {strides = array<i32>} : memref<2x512xi32, #tpu.memory_space<vmem>>, vector<16xi32>,
        %add3A_1496 = arith.constant 80 : i32
        %add3A_1497 = vector.broadcast %add3A_1496 : i32 to vector<16xi32>
        %add3A_1498 = arith.addi %iota3A, %add3A_1497 : vector<16xi32>
        %mul3A_1499 = arith.constant 200 : i32
        %mul3A_1500 = vector.broadcast %mul3A_1499 : i32 to vector<16xi32>
        %mul3A_1501 = arith.muli %add3A_1498, %mul3A_1500 : vector<16xi32>
        %add3A_1502 = arith.constant 3 : i32
        %add3A_1503 = arith.addi %mul3A_1060, %add3A_1502 : i32
        %add3A_1504 = vector.broadcast %add3A_1503 : i32 to vector<16xi32>
        %add3A_1505 = arith.addi %mul3A_1501, %add3A_1504 : vector<16xi32>
        %gather3A_1506 = tpu.vector_load_idx %arg6[%add3A_1505] : memref<25600xi32, #tpu.memory_space<vmem>>[vector<16xi32>], vector<16xi32>,
        %swap3A_1507 = arith.constant 0 : i32
        %swap3A_1508 = arith.index_cast %swap3A_1507 : i32 to index
        %swap3A_1509 = arith.constant 464 : index
        %swap3A_1510 = tpu.vector_load %arg7[%swap3A_1508, %swap3A_1509] {strides = array<i32>} : memref<2x512xi32, #tpu.memory_space<vmem>>, vector<16xi32>,
        tpu.vector_store %arg7[%swap3A_1508, %swap3A_1509], %gather3A_1506 {strides = array<i32>} : memref<2x512xi32, #tpu.memory_space<vmem>>, vector<16xi32>,
        %add3A_1511 = arith.constant 96 : i32
        %add3A_1512 = vector.broadcast %add3A_1511 : i32 to vector<16xi32>
        %add3A_1513 = arith.addi %iota3A, %add3A_1512 : vector<16xi32>
        %mul3A_1514 = arith.constant 200 : i32
        %mul3A_1515 = vector.broadcast %mul3A_1514 : i32 to vector<16xi32>
        %mul3A_1516 = arith.muli %add3A_1513, %mul3A_1515 : vector<16xi32>
        %add3A_1517 = arith.constant 3 : i32
        %add3A_1518 = arith.addi %mul3A_1060, %add3A_1517 : i32
        %add3A_1519 = vector.broadcast %add3A_1518 : i32 to vector<16xi32>
        %add3A_1520 = arith.addi %mul3A_1516, %add3A_1519 : vector<16xi32>
        %gather3A_1521 = tpu.vector_load_idx %arg6[%add3A_1520] : memref<25600xi32, #tpu.memory_space<vmem>>[vector<16xi32>], vector<16xi32>,
        %swap3A_1522 = arith.constant 0 : i32
        %swap3A_1523 = arith.index_cast %swap3A_1522 : i32 to index
        %swap3A_1524 = arith.constant 480 : index
        %swap3A_1525 = tpu.vector_load %arg7[%swap3A_1523, %swap3A_1524] {strides = array<i32>} : memref<2x512xi32, #tpu.memory_space<vmem>>, vector<16xi32>,
        tpu.vector_store %arg7[%swap3A_1523, %swap3A_1524], %gather3A_1521 {strides = array<i32>} : memref<2x512xi32, #tpu.memory_space<vmem>>, vector<16xi32>,
        %add3A_1526 = arith.constant 112 : i32
        %add3A_1527 = vector.broadcast %add3A_1526 : i32 to vector<16xi32>
        %add3A_1528 = arith.addi %iota3A, %add3A_1527 : vector<16xi32>
        %mul3A_1529 = arith.constant 200 : i32
        %mul3A_1530 = vector.broadcast %mul3A_1529 : i32 to vector<16xi32>
        %mul3A_1531 = arith.muli %add3A_1528, %mul3A_1530 : vector<16xi32>
        %add3A_1532 = arith.constant 3 : i32
        %add3A_1533 = arith.addi %mul3A_1060, %add3A_1532 : i32
        %add3A_1534 = vector.broadcast %add3A_1533 : i32 to vector<16xi32>
        %add3A_1535 = arith.addi %mul3A_1531, %add3A_1534 : vector<16xi32>
        %gather3A_1536 = tpu.vector_load_idx %arg6[%add3A_1535] : memref<25600xi32, #tpu.memory_space<vmem>>[vector<16xi32>], vector<16xi32>,
        %swap3A_1537 = arith.constant 0 : i32
        %swap3A_1538 = arith.index_cast %swap3A_1537 : i32 to index
        %swap3A_1539 = arith.constant 496 : index
        %swap3A_1540 = tpu.vector_load %arg7[%swap3A_1538, %swap3A_1539] {strides = array<i32>} : memref<2x512xi32, #tpu.memory_space<vmem>>, vector<16xi32>,
        tpu.vector_store %arg7[%swap3A_1538, %swap3A_1539], %gather3A_1536 {strides = array<i32>} : memref<2x512xi32, #tpu.memory_space<vmem>>, vector<16xi32>,
      } else {
      }
      %ge3A_885 = arith.constant 2 : i32
      %ge3A_886 = arith.cmpi sge, %add3A_862, %ge3A_885 : i32
      %convert_element_type3A_887 = arith.extui %ge3A_886 : i1 to i32
      %cond3A_888 = arith.constant 0 : i32
      %cond3A_889 = arith.cmpi ne, %convert_element_type3A_887, %cond3A_888 : i32
      scf.if %cond3A_889 {
        %sub3A = arith.constant 2 : i32
        %sub3A_1057 = arith.subi %add3A_862, %sub3A : i32
        %mul3A_1058 = arith.constant 4 : i32
        %mul3A_1059 = arith.muli %sub3A_1057, %mul3A_1058 : i32
        %dma_wait3A_1060 = arith.constant 1 : i32
        %dma_wait3A_1061 = arith.constant 0 : i32
        %dma_wait3A_1062 = arith.constant 1 : i32
        %dma_wait3A_1063 = arith.constant 0 : i32
        %dma_wait3A_1064 = arith.constant 0 : i32
        %dma_wait3A_1065 = arith.constant 0 : i32
        %dma_wait3A_1066 = tpu.memref_slice %arg9[%dma_wait3A_1060, %dma_wait3A_1063, %dma_wait3A_1064, %dma_wait3A_1065] : memref<2x4x32x129xf32, #tpu.memory_space<vmem>> -> memref<1x4x8x128xf32, #tpu.memory_space<vmem>>
        %dma_wait3A_1067 = tpu.memref_squeeze %dma_wait3A_1066 : memref<1x4x8x128xf32, #tpu.memory_space<vmem>> -> memref<4x8x128xf32, #tpu.memory_space<vmem>>
        %dma_wait3A_1068 = arith.constant 0 : i32
        %dma_wait3A_1069 = arith.constant 0 : i32
        %dma_wait3A_1070 = tpu.memref_slice %arg5[%mul3A_1059, %dma_wait3A_1061, %add3A, %dma_wait3A_1068, %dma_wait3A_1069] : memref<200x4x32x8x128xf32, #tpu.memory_space<hbm>> -> memref<4x1x1x8x128xf32, #tpu.memory_space<hbm>>
        %dma_wait3A_1071 = tpu.memref_squeeze %dma_wait3A_1070 : memref<4x1x1x8x128xf32, #tpu.memory_space<hbm>> -> memref<4x8x128xf32, #tpu.memory_space<hbm>>
        %dma_wait3A_1072 = tpu.memref_slice %arg12[%dma_wait3A_1062] : memref<2x!tpu.dma_semaphore, #tpu.memory_space<semaphore_mem>> -> memref<1x!tpu.dma_semaphore, #tpu.memory_space<semaphore_mem>>
        %dma_wait3A_1073 = tpu.memref_squeeze %dma_wait3A_1072 : memref<1x!tpu.dma_semaphore, #tpu.memory_space<semaphore_mem>> -> memref<!tpu.dma_semaphore, #tpu.memory_space<semaphore_mem>>
        %dma_wait3A_1074 = arith.constant 0 : i32
        %dma_wait3A_1075 = arith.constant 0 : i32
        %dma_wait3A_1076 = tpu.memref_slice %arg5[%mul3A_1059, %dma_wait3A_1061, %add3A, %dma_wait3A_1074, %dma_wait3A_1075] : memref<200x4x32x8x128xf32, #tpu.memory_space<hbm>> -> memref<4x1x1x8x128xf32, #tpu.memory_space<hbm>>
        %dma_wait3A_1077 = tpu.memref_squeeze %dma_wait3A_1076 : memref<4x1x1x8x128xf32, #tpu.memory_space<hbm>> -> memref<4x8x128xf32, #tpu.memory_space<hbm>>
        %dma_wait3A_1078 = arith.constant 0 : i32
        %dma_wait3A_1079 = arith.constant 0 : i32
        %dma_wait3A_1080 = arith.constant 0 : i32
        %dma_wait3A_1081 = tpu.memref_slice %arg9[%dma_wait3A_1060, %dma_wait3A_1078, %dma_wait3A_1079, %dma_wait3A_1080] : memref<2x4x32x129xf32, #tpu.memory_space<vmem>> -> memref<1x4x8x128xf32, #tpu.memory_space<vmem>>
        %dma_wait3A_1082 = tpu.memref_squeeze %dma_wait3A_1081 : memref<1x4x8x128xf32, #tpu.memory_space<vmem>> -> memref<4x8x128xf32, #tpu.memory_space<vmem>>
        tpu.wait_dma2 semaphore(%dma_wait3A_1073 : memref<!tpu.dma_semaphore, #tpu.memory_space<semaphore_mem>>) src(%dma_wait3A_1082 : memref<4x8x128xf32, #tpu.memory_space<vmem>>) dst(%dma_wait3A_1077 : memref<4x8x128xf32, #tpu.memory_space<hbm>>)
        %sub3A_1083 = arith.constant 2 : i32
        %sub3A_1084 = arith.subi %add3A_862, %sub3A_1083 : i32
        %mul3A_1085 = arith.constant 4 : i32
        %mul3A_1086 = arith.muli %sub3A_1084, %mul3A_1085 : i32
        %dma_wait3A_1087 = arith.constant 1 : i32
        %dma_wait3A_1088 = arith.constant 1 : i32
        %dma_wait3A_1089 = arith.constant 1 : i32
        %dma_wait3A_1090 = arith.constant 0 : i32
        %dma_wait3A_1091 = arith.constant 8 : i32
        %dma_wait3A_1092 = arith.constant 0 : i32
        %dma_wait3A_1093 = tpu.memref_slice %arg9[%dma_wait3A_1087, %dma_wait3A_1090, %dma_wait3A_1091, %dma_wait3A_1092] : memref<2x4x32x129xf32, #tpu.memory_space<vmem>> -> memref<1x4x8x128xf32, #tpu.memory_space<vmem>>
        %dma_wait3A_1094 = tpu.memref_squeeze %dma_wait3A_1093 : memref<1x4x8x128xf32, #tpu.memory_space<vmem>> -> memref<4x8x128xf32, #tpu.memory_space<vmem>>
        %dma_wait3A_1095 = arith.constant 0 : i32
        %dma_wait3A_1096 = arith.constant 0 : i32
        %dma_wait3A_1097 = tpu.memref_slice %arg5[%mul3A_1086, %dma_wait3A_1088, %add3A, %dma_wait3A_1095, %dma_wait3A_1096] : memref<200x4x32x8x128xf32, #tpu.memory_space<hbm>> -> memref<4x1x1x8x128xf32, #tpu.memory_space<hbm>>
        %dma_wait3A_1098 = tpu.memref_squeeze %dma_wait3A_1097 : memref<4x1x1x8x128xf32, #tpu.memory_space<hbm>> -> memref<4x8x128xf32, #tpu.memory_space<hbm>>
        %dma_wait3A_1099 = tpu.memref_slice %arg12[%dma_wait3A_1089] : memref<2x!tpu.dma_semaphore, #tpu.memory_space<semaphore_mem>> -> memref<1x!tpu.dma_semaphore, #tpu.memory_space<semaphore_mem>>
        %dma_wait3A_1100 = tpu.memref_squeeze %dma_wait3A_1099 : memref<1x!tpu.dma_semaphore, #tpu.memory_space<semaphore_mem>> -> memref<!tpu.dma_semaphore, #tpu.memory_space<semaphore_mem>>
        %dma_wait3A_1101 = arith.constant 0 : i32
        %dma_wait3A_1102 = arith.constant 0 : i32
        %dma_wait3A_1103 = tpu.memref_slice %arg5[%mul3A_1086, %dma_wait3A_1088, %add3A, %dma_wait3A_1101, %dma_wait3A_1102] : memref<200x4x32x8x128xf32, #tpu.memory_space<hbm>> -> memref<4x1x1x8x128xf32, #tpu.memory_space<hbm>>
        %dma_wait3A_1104 = tpu.memref_squeeze %dma_wait3A_1103 : memref<4x1x1x8x128xf32, #tpu.memory_space<hbm>> -> memref<4x8x128xf32, #tpu.memory_space<hbm>>
        %dma_wait3A_1105 = arith.constant 0 : i32
        %dma_wait3A_1106 = arith.constant 8 : i32
        %dma_wait3A_1107 = arith.constant 0 : i32
        %dma_wait3A_1108 = tpu.memref_slice %arg9[%dma_wait3A_1087, %dma_wait3A_1105, %dma_wait3A_1106, %dma_wait3A_1107] : memref<2x4x32x129xf32, #tpu.memory_space<vmem>> -> memref<1x4x8x128xf32, #tpu.memory_space<vmem>>
        %dma_wait3A_1109 = tpu.memref_squeeze %dma_wait3A_1108 : memref<1x4x8x128xf32, #tpu.memory_space<vmem>> -> memref<4x8x128xf32, #tpu.memory_space<vmem>>
        tpu.wait_dma2 semaphore(%dma_wait3A_1100 : memref<!tpu.dma_semaphore, #tpu.memory_space<semaphore_mem>>) src(%dma_wait3A_1109 : memref<4x8x128xf32, #tpu.memory_space<vmem>>) dst(%dma_wait3A_1104 : memref<4x8x128xf32, #tpu.memory_space<hbm>>)
        %sub3A_1110 = arith.constant 2 : i32
        %sub3A_1111 = arith.subi %add3A_862, %sub3A_1110 : i32
        %mul3A_1112 = arith.constant 4 : i32
        %mul3A_1113 = arith.muli %sub3A_1111, %mul3A_1112 : i32
        %dma_wait3A_1114 = arith.constant 1 : i32
        %dma_wait3A_1115 = arith.constant 2 : i32
        %dma_wait3A_1116 = arith.constant 1 : i32
        %dma_wait3A_1117 = arith.constant 0 : i32
        %dma_wait3A_1118 = arith.constant 16 : i32
        %dma_wait3A_1119 = arith.constant 0 : i32
        %dma_wait3A_1120 = tpu.memref_slice %arg9[%dma_wait3A_1114, %dma_wait3A_1117, %dma_wait3A_1118, %dma_wait3A_1119] : memref<2x4x32x129xf32, #tpu.memory_space<vmem>> -> memref<1x4x8x128xf32, #tpu.memory_space<vmem>>
        %dma_wait3A_1121 = tpu.memref_squeeze %dma_wait3A_1120 : memref<1x4x8x128xf32, #tpu.memory_space<vmem>> -> memref<4x8x128xf32, #tpu.memory_space<vmem>>
        %dma_wait3A_1122 = arith.constant 0 : i32
        %dma_wait3A_1123 = arith.constant 0 : i32
        %dma_wait3A_1124 = tpu.memref_slice %arg5[%mul3A_1113, %dma_wait3A_1115, %add3A, %dma_wait3A_1122, %dma_wait3A_1123] : memref<200x4x32x8x128xf32, #tpu.memory_space<hbm>> -> memref<4x1x1x8x128xf32, #tpu.memory_space<hbm>>
        %dma_wait3A_1125 = tpu.memref_squeeze %dma_wait3A_1124 : memref<4x1x1x8x128xf32, #tpu.memory_space<hbm>> -> memref<4x8x128xf32, #tpu.memory_space<hbm>>
        %dma_wait3A_1126 = tpu.memref_slice %arg12[%dma_wait3A_1116] : memref<2x!tpu.dma_semaphore, #tpu.memory_space<semaphore_mem>> -> memref<1x!tpu.dma_semaphore, #tpu.memory_space<semaphore_mem>>
        %dma_wait3A_1127 = tpu.memref_squeeze %dma_wait3A_1126 : memref<1x!tpu.dma_semaphore, #tpu.memory_space<semaphore_mem>> -> memref<!tpu.dma_semaphore, #tpu.memory_space<semaphore_mem>>
        %dma_wait3A_1128 = arith.constant 0 : i32
        %dma_wait3A_1129 = arith.constant 0 : i32
        %dma_wait3A_1130 = tpu.memref_slice %arg5[%mul3A_1113, %dma_wait3A_1115, %add3A, %dma_wait3A_1128, %dma_wait3A_1129] : memref<200x4x32x8x128xf32, #tpu.memory_space<hbm>> -> memref<4x1x1x8x128xf32, #tpu.memory_space<hbm>>
        %dma_wait3A_1131 = tpu.memref_squeeze %dma_wait3A_1130 : memref<4x1x1x8x128xf32, #tpu.memory_space<hbm>> -> memref<4x8x128xf32, #tpu.memory_space<hbm>>
        %dma_wait3A_1132 = arith.constant 0 : i32
        %dma_wait3A_1133 = arith.constant 16 : i32
        %dma_wait3A_1134 = arith.constant 0 : i32
        %dma_wait3A_1135 = tpu.memref_slice %arg9[%dma_wait3A_1114, %dma_wait3A_1132, %dma_wait3A_1133, %dma_wait3A_1134] : memref<2x4x32x129xf32, #tpu.memory_space<vmem>> -> memref<1x4x8x128xf32, #tpu.memory_space<vmem>>
        %dma_wait3A_1136 = tpu.memref_squeeze %dma_wait3A_1135 : memref<1x4x8x128xf32, #tpu.memory_space<vmem>> -> memref<4x8x128xf32, #tpu.memory_space<vmem>>
        tpu.wait_dma2 semaphore(%dma_wait3A_1127 : memref<!tpu.dma_semaphore, #tpu.memory_space<semaphore_mem>>) src(%dma_wait3A_1136 : memref<4x8x128xf32, #tpu.memory_space<vmem>>) dst(%dma_wait3A_1131 : memref<4x8x128xf32, #tpu.memory_space<hbm>>)
        %sub3A_1137 = arith.constant 2 : i32
        %sub3A_1138 = arith.subi %add3A_862, %sub3A_1137 : i32
        %mul3A_1139 = arith.constant 4 : i32
        %mul3A_1140 = arith.muli %sub3A_1138, %mul3A_1139 : i32
        %dma_wait3A_1141 = arith.constant 1 : i32
        %dma_wait3A_1142 = arith.constant 3 : i32
        %dma_wait3A_1143 = arith.constant 1 : i32
        %dma_wait3A_1144 = arith.constant 0 : i32
        %dma_wait3A_1145 = arith.constant 24 : i32
        %dma_wait3A_1146 = arith.constant 0 : i32
        %dma_wait3A_1147 = tpu.memref_slice %arg9[%dma_wait3A_1141, %dma_wait3A_1144, %dma_wait3A_1145, %dma_wait3A_1146] : memref<2x4x32x129xf32, #tpu.memory_space<vmem>> -> memref<1x4x8x128xf32, #tpu.memory_space<vmem>>
        %dma_wait3A_1148 = tpu.memref_squeeze %dma_wait3A_1147 : memref<1x4x8x128xf32, #tpu.memory_space<vmem>> -> memref<4x8x128xf32, #tpu.memory_space<vmem>>
        %dma_wait3A_1149 = arith.constant 0 : i32
        %dma_wait3A_1150 = arith.constant 0 : i32
        %dma_wait3A_1151 = tpu.memref_slice %arg5[%mul3A_1140, %dma_wait3A_1142, %add3A, %dma_wait3A_1149, %dma_wait3A_1150] : memref<200x4x32x8x128xf32, #tpu.memory_space<hbm>> -> memref<4x1x1x8x128xf32, #tpu.memory_space<hbm>>
        %dma_wait3A_1152 = tpu.memref_squeeze %dma_wait3A_1151 : memref<4x1x1x8x128xf32, #tpu.memory_space<hbm>> -> memref<4x8x128xf32, #tpu.memory_space<hbm>>
        %dma_wait3A_1153 = tpu.memref_slice %arg12[%dma_wait3A_1143] : memref<2x!tpu.dma_semaphore, #tpu.memory_space<semaphore_mem>> -> memref<1x!tpu.dma_semaphore, #tpu.memory_space<semaphore_mem>>
        %dma_wait3A_1154 = tpu.memref_squeeze %dma_wait3A_1153 : memref<1x!tpu.dma_semaphore, #tpu.memory_space<semaphore_mem>> -> memref<!tpu.dma_semaphore, #tpu.memory_space<semaphore_mem>>
        %dma_wait3A_1155 = arith.constant 0 : i32
        %dma_wait3A_1156 = arith.constant 0 : i32
        %dma_wait3A_1157 = tpu.memref_slice %arg5[%mul3A_1140, %dma_wait3A_1142, %add3A, %dma_wait3A_1155, %dma_wait3A_1156] : memref<200x4x32x8x128xf32, #tpu.memory_space<hbm>> -> memref<4x1x1x8x128xf32, #tpu.memory_space<hbm>>
        %dma_wait3A_1158 = tpu.memref_squeeze %dma_wait3A_1157 : memref<4x1x1x8x128xf32, #tpu.memory_space<hbm>> -> memref<4x8x128xf32, #tpu.memory_space<hbm>>
        %dma_wait3A_1159 = arith.constant 0 : i32
        %dma_wait3A_1160 = arith.constant 24 : i32
        %dma_wait3A_1161 = arith.constant 0 : i32
        %dma_wait3A_1162 = tpu.memref_slice %arg9[%dma_wait3A_1141, %dma_wait3A_1159, %dma_wait3A_1160, %dma_wait3A_1161] : memref<2x4x32x129xf32, #tpu.memory_space<vmem>> -> memref<1x4x8x128xf32, #tpu.memory_space<vmem>>
        %dma_wait3A_1163 = tpu.memref_squeeze %dma_wait3A_1162 : memref<1x4x8x128xf32, #tpu.memory_space<vmem>> -> memref<4x8x128xf32, #tpu.memory_space<vmem>>
        tpu.wait_dma2 semaphore(%dma_wait3A_1154 : memref<!tpu.dma_semaphore, #tpu.memory_space<semaphore_mem>>) src(%dma_wait3A_1163 : memref<4x8x128xf32, #tpu.memory_space<vmem>>) dst(%dma_wait3A_1158 : memref<4x8x128xf32, #tpu.memory_space<hbm>>)
      } else {
      }
      %add3A_890 = arith.constant 1 : i32
      %add3A_891 = arith.addi %add3A_862, %add3A_890 : i32
      %lt3A_892 = arith.constant 50 : i32
      %lt3A_893 = arith.cmpi slt, %add3A_891, %lt3A_892 : i32
      %convert_element_type3A_894 = arith.extui %lt3A_893 : i1 to i32
      %cond3A_895 = arith.constant 0 : i32
      %cond3A_896 = arith.cmpi ne, %convert_element_type3A_894, %cond3A_895 : i32
      scf.if %cond3A_896 {
        %dma_start3A_1057 = arith.constant 0 : i32
        %dma_start3A_1058 = arith.constant 0 : i32
        %dma_start3A_1059 = arith.constant 0 : i32
        %dma_start3A_1060 = arith.constant 0 : i32
        %dma_start3A_1061 = arith.constant 0 : i32
        %dma_start3A_1062 = tpu.memref_slice %arg8[%dma_start3A_1058, %dma_start3A_1060, %dma_start3A_1061] : memref<2x512x32xf32, #tpu.memory_space<vmem>> -> memref<1x512x32xf32, #tpu.memory_space<vmem>>
        %dma_start3A_1063 = tpu.memref_squeeze %dma_start3A_1062 : memref<1x512x32xf32, #tpu.memory_space<vmem>> -> memref<512x32xf32, #tpu.memory_space<vmem>>
        %dma_start3A_1064 = arith.constant 0 : i32
        %dma_start3A_1065 = tpu.memref_slice %arg7[%dma_start3A_1057, %dma_start3A_1064] : memref<2x512xi32, #tpu.memory_space<vmem>> -> memref<1x512xi32, #tpu.memory_space<vmem>>
        %dma_start3A_1066 = tpu.memref_squeeze %dma_start3A_1065 : memref<1x512xi32, #tpu.memory_space<vmem>> -> memref<512xi32, #tpu.memory_space<vmem>>
        %dma_start3A_1067 = arith.constant 0 : i32
        %dma_start3A_1068 = arith.constant 0 : i32
        %dma_start3A_1069 = tpu.memref_slice %arg3[%dma_start3A_1067, %dma_start3A_1068] : memref<100000x32xf32, #tpu.memory_space<hbm>> -> memref<100000x32xf32, #tpu.memory_space<hbm>>
        %dma_start3A_1070 = tpu.memref_slice %arg11[%dma_start3A_1059] : memref<2x!tpu.dma_semaphore, #tpu.memory_space<semaphore_mem>> -> memref<1x!tpu.dma_semaphore, #tpu.memory_space<semaphore_mem>>
        %dma_start3A_1071 = tpu.memref_squeeze %dma_start3A_1070 : memref<1x!tpu.dma_semaphore, #tpu.memory_space<semaphore_mem>> -> memref<!tpu.dma_semaphore, #tpu.memory_space<semaphore_mem>>
        tpu.enqueue_indirect_dma source(%dma_start3A_1069 : memref<100000x32xf32, #tpu.memory_space<hbm>>) target(%dma_start3A_1063 : memref<512x32xf32, #tpu.memory_space<vmem>>) offsets(%dma_start3A_1066 : memref<512xi32, #tpu.memory_space<vmem>>) semaphore(%dma_start3A_1071 : memref<!tpu.dma_semaphore, #tpu.memory_space<semaphore_mem>>)
      } else {
      }
      %mul3A_897 = arith.constant 4 : i32
      %mul3A_898 = arith.muli %add3A_862, %mul3A_897 : i32
      %add3A_899 = arith.constant 0 : i32
      %add3A_900 = arith.addi %mul3A_898, %add3A_899 : i32
      %get3A_901 = arith.index_cast %add3A_900 : i32 to index
      %get3A_902 = arith.constant 0 : index
      %get3A_903 = tpu.vector_load %arg10[%get3A_901, %get3A_902] {strides = array<i32>} : memref<200x32xf32, #tpu.memory_space<vmem>>, vector<16xf32>,
      %get3A_904 = arith.index_cast %add3A_900 : i32 to index
      %get3A_905 = arith.constant 16 : index
      %get3A_906 = tpu.vector_load %arg10[%get3A_904, %get3A_905] {strides = array<i32>} : memref<200x32xf32, #tpu.memory_space<vmem>>, vector<16xf32>,
      %broadcast_in_dim3A_907 = arith.constant 0 : i32
      %broadcast_in_dim3A_908 = vector.broadcast %broadcast_in_dim3A_907 : i32 to vector<16xi32>
      %parallel_loop3A_909 = arith.constant 0 : i32
      %parallel_loop3A_910 = arith.constant 128 : i32
      %parallel_loop3A_911 = arith.constant 1 : i32
      scf.for %parallel_loop3A_1057 = %parallel_loop3A_909 to %parallel_loop3A_910 step %parallel_loop3A_911  : i32 {
        %parallel_loop3A_1058 = arith.constant 0 : i32
        %parallel_loop3A_1059 = arith.addi %parallel_loop3A_1058, %parallel_loop3A_1057 : i32
        %parallel_loop3A_1060 = vector.broadcast %parallel_loop3A_1057 : i32 to vector<16xi32>
        %parallel_loop3A_1061 = arith.constant 1 : i32
        %parallel_loop3A_1062 = arith.index_cast %parallel_loop3A_1061 : i32 to index
        %parallel_loop3A_1063 = arith.index_cast %parallel_loop3A_1059 : i32 to index
        %parallel_loop3A_1064 = arith.constant 0 : index
        %parallel_loop3A_1065 = tpu.vector_load %arg8[%parallel_loop3A_1062, %parallel_loop3A_1063, %parallel_loop3A_1064] {strides = array<i32>} : memref<2x512x32xf32, #tpu.memory_space<vmem>>, vector<16xf32>,
        %parallel_loop3A_1066 = arith.addf %parallel_loop3A_1065, %get3A_903 : vector<16xf32>
        %parallel_loop3A_1067 = arith.constant 1 : i32
        %parallel_loop3A_1068 = arith.index_cast %parallel_loop3A_1067 : i32 to index
        %parallel_loop3A_1069 = arith.index_cast %parallel_loop3A_1059 : i32 to index
        %parallel_loop3A_1070 = arith.constant 16 : index
        %parallel_loop3A_1071 = tpu.vector_load %arg8[%parallel_loop3A_1068, %parallel_loop3A_1069, %parallel_loop3A_1070] {strides = array<i32>} : memref<2x512x32xf32, #tpu.memory_space<vmem>>, vector<16xf32>,
        %parallel_loop3A_1072 = arith.addf %parallel_loop3A_1071, %get3A_906 : vector<16xf32>
        %parallel_loop3A_1073 = arith.constant 1 : i32
        %parallel_loop3A_1074 = arith.constant 0 : i32
        %parallel_loop3A_1075 = arith.constant 0 : i32
        %parallel_loop3A_1076 = arith.constant 0 : i32
        %parallel_loop3A_1077 = tpu.memref_slice %arg9[%parallel_loop3A_1073, %parallel_loop3A_1074, %parallel_loop3A_1075, %parallel_loop3A_1076] : memref<2x4x32x129xf32, #tpu.memory_space<vmem>> -> memref<1x4x32x129xf32, #tpu.memory_space<vmem>>
        %parallel_loop3A_1078 = tpu.memref_squeeze %parallel_loop3A_1077 : memref<1x4x32x129xf32, #tpu.memory_space<vmem>> -> memref<4x32x129xf32, #tpu.memory_space<vmem>>
        tpu.vector_store_idx %parallel_loop3A_1078[%broadcast_in_dim3A_908, %iota3A, %parallel_loop3A_1060], %parallel_loop3A_1066 : memref<4x32x129xf32, #tpu.memory_space<vmem>>[vector<16xi32>, vector<16xi32>, vector<16xi32>], vector<16xf32>,
        %parallel_loop3A_1079 = arith.constant 16 : i32
        %parallel_loop3A_1080 = vector.broadcast %parallel_loop3A_1079 : i32 to vector<16xi32>
        %parallel_loop3A_1081 = arith.addi %iota3A, %parallel_loop3A_1080 : vector<16xi32>
        %parallel_loop3A_1082 = arith.constant 1 : i32
        %parallel_loop3A_1083 = arith.constant 0 : i32
        %parallel_loop3A_1084 = arith.constant 0 : i32
        %parallel_loop3A_1085 = arith.constant 0 : i32
        %parallel_loop3A_1086 = tpu.memref_slice %arg9[%parallel_loop3A_1082, %parallel_loop3A_1083, %parallel_loop3A_1084, %parallel_loop3A_1085] : memref<2x4x32x129xf32, #tpu.memory_space<vmem>> -> memref<1x4x32x129xf32, #tpu.memory_space<vmem>>
        %parallel_loop3A_1087 = tpu.memref_squeeze %parallel_loop3A_1086 : memref<1x4x32x129xf32, #tpu.memory_space<vmem>> -> memref<4x32x129xf32, #tpu.memory_space<vmem>>
        tpu.vector_store_idx %parallel_loop3A_1087[%broadcast_in_dim3A_908, %parallel_loop3A_1081, %parallel_loop3A_1060], %parallel_loop3A_1072 : memref<4x32x129xf32, #tpu.memory_space<vmem>>[vector<16xi32>, vector<16xi32>, vector<16xi32>], vector<16xf32>,
      } {sc.loop_unroll_factor = 4 : i64, sc.parallel_access}
      %mul3A_912 = arith.constant 4 : i32
      %mul3A_913 = arith.muli %add3A_862, %mul3A_912 : i32
      %add3A_914 = arith.constant 1 : i32
      %add3A_915 = arith.addi %mul3A_913, %add3A_914 : i32
      %get3A_916 = arith.index_cast %add3A_915 : i32 to index
      %get3A_917 = arith.constant 0 : index
      %get3A_918 = tpu.vector_load %arg10[%get3A_916, %get3A_917] {strides = array<i32>} : memref<200x32xf32, #tpu.memory_space<vmem>>, vector<16xf32>,
      %get3A_919 = arith.index_cast %add3A_915 : i32 to index
      %get3A_920 = arith.constant 16 : index
      %get3A_921 = tpu.vector_load %arg10[%get3A_919, %get3A_920] {strides = array<i32>} : memref<200x32xf32, #tpu.memory_space<vmem>>, vector<16xf32>,
      %broadcast_in_dim3A_922 = arith.constant 1 : i32
      %broadcast_in_dim3A_923 = vector.broadcast %broadcast_in_dim3A_922 : i32 to vector<16xi32>
      %parallel_loop3A_924 = arith.constant 0 : i32
      %parallel_loop3A_925 = arith.constant 128 : i32
      %parallel_loop3A_926 = arith.constant 1 : i32
      scf.for %parallel_loop3A_1057 = %parallel_loop3A_924 to %parallel_loop3A_925 step %parallel_loop3A_926  : i32 {
        %parallel_loop3A_1058 = arith.constant 128 : i32
        %parallel_loop3A_1059 = arith.addi %parallel_loop3A_1058, %parallel_loop3A_1057 : i32
        %parallel_loop3A_1060 = vector.broadcast %parallel_loop3A_1057 : i32 to vector<16xi32>
        %parallel_loop3A_1061 = arith.constant 1 : i32
        %parallel_loop3A_1062 = arith.index_cast %parallel_loop3A_1061 : i32 to index
        %parallel_loop3A_1063 = arith.index_cast %parallel_loop3A_1059 : i32 to index
        %parallel_loop3A_1064 = arith.constant 0 : index
        %parallel_loop3A_1065 = tpu.vector_load %arg8[%parallel_loop3A_1062, %parallel_loop3A_1063, %parallel_loop3A_1064] {strides = array<i32>} : memref<2x512x32xf32, #tpu.memory_space<vmem>>, vector<16xf32>,
        %parallel_loop3A_1066 = arith.addf %parallel_loop3A_1065, %get3A_918 : vector<16xf32>
        %parallel_loop3A_1067 = arith.constant 1 : i32
        %parallel_loop3A_1068 = arith.index_cast %parallel_loop3A_1067 : i32 to index
        %parallel_loop3A_1069 = arith.index_cast %parallel_loop3A_1059 : i32 to index
        %parallel_loop3A_1070 = arith.constant 16 : index
        %parallel_loop3A_1071 = tpu.vector_load %arg8[%parallel_loop3A_1068, %parallel_loop3A_1069, %parallel_loop3A_1070] {strides = array<i32>} : memref<2x512x32xf32, #tpu.memory_space<vmem>>, vector<16xf32>,
        %parallel_loop3A_1072 = arith.addf %parallel_loop3A_1071, %get3A_921 : vector<16xf32>
        %parallel_loop3A_1073 = arith.constant 1 : i32
        %parallel_loop3A_1074 = arith.constant 0 : i32
        %parallel_loop3A_1075 = arith.constant 0 : i32
        %parallel_loop3A_1076 = arith.constant 0 : i32
        %parallel_loop3A_1077 = tpu.memref_slice %arg9[%parallel_loop3A_1073, %parallel_loop3A_1074, %parallel_loop3A_1075, %parallel_loop3A_1076] : memref<2x4x32x129xf32, #tpu.memory_space<vmem>> -> memref<1x4x32x129xf32, #tpu.memory_space<vmem>>
        %parallel_loop3A_1078 = tpu.memref_squeeze %parallel_loop3A_1077 : memref<1x4x32x129xf32, #tpu.memory_space<vmem>> -> memref<4x32x129xf32, #tpu.memory_space<vmem>>
        tpu.vector_store_idx %parallel_loop3A_1078[%broadcast_in_dim3A_923, %iota3A, %parallel_loop3A_1060], %parallel_loop3A_1066 : memref<4x32x129xf32, #tpu.memory_space<vmem>>[vector<16xi32>, vector<16xi32>, vector<16xi32>], vector<16xf32>,
        %parallel_loop3A_1079 = arith.constant 16 : i32
        %parallel_loop3A_1080 = vector.broadcast %parallel_loop3A_1079 : i32 to vector<16xi32>
        %parallel_loop3A_1081 = arith.addi %iota3A, %parallel_loop3A_1080 : vector<16xi32>
        %parallel_loop3A_1082 = arith.constant 1 : i32
        %parallel_loop3A_1083 = arith.constant 0 : i32
        %parallel_loop3A_1084 = arith.constant 0 : i32
        %parallel_loop3A_1085 = arith.constant 0 : i32
        %parallel_loop3A_1086 = tpu.memref_slice %arg9[%parallel_loop3A_1082, %parallel_loop3A_1083, %parallel_loop3A_1084, %parallel_loop3A_1085] : memref<2x4x32x129xf32, #tpu.memory_space<vmem>> -> memref<1x4x32x129xf32, #tpu.memory_space<vmem>>
        %parallel_loop3A_1087 = tpu.memref_squeeze %parallel_loop3A_1086 : memref<1x4x32x129xf32, #tpu.memory_space<vmem>> -> memref<4x32x129xf32, #tpu.memory_space<vmem>>
        tpu.vector_store_idx %parallel_loop3A_1087[%broadcast_in_dim3A_923, %parallel_loop3A_1081, %parallel_loop3A_1060], %parallel_loop3A_1072 : memref<4x32x129xf32, #tpu.memory_space<vmem>>[vector<16xi32>, vector<16xi32>, vector<16xi32>], vector<16xf32>,
      } {sc.loop_unroll_factor = 4 : i64, sc.parallel_access}
      %mul3A_927 = arith.constant 4 : i32
      %mul3A_928 = arith.muli %add3A_862, %mul3A_927 : i32
      %add3A_929 = arith.constant 2 : i32
      %add3A_930 = arith.addi %mul3A_928, %add3A_929 : i32
      %get3A_931 = arith.index_cast %add3A_930 : i32 to index
      %get3A_932 = arith.constant 0 : index
      %get3A_933 = tpu.vector_load %arg10[%get3A_931, %get3A_932] {strides = array<i32>} : memref<200x32xf32, #tpu.memory_space<vmem>>, vector<16xf32>,
      %get3A_934 = arith.index_cast %add3A_930 : i32 to index
      %get3A_935 = arith.constant 16 : index
      %get3A_936 = tpu.vector_load %arg10[%get3A_934, %get3A_935] {strides = array<i32>} : memref<200x32xf32, #tpu.memory_space<vmem>>, vector<16xf32>,
      %broadcast_in_dim3A_937 = arith.constant 2 : i32
      %broadcast_in_dim3A_938 = vector.broadcast %broadcast_in_dim3A_937 : i32 to vector<16xi32>
      %parallel_loop3A_939 = arith.constant 0 : i32
      %parallel_loop3A_940 = arith.constant 128 : i32
      %parallel_loop3A_941 = arith.constant 1 : i32
      scf.for %parallel_loop3A_1057 = %parallel_loop3A_939 to %parallel_loop3A_940 step %parallel_loop3A_941  : i32 {
        %parallel_loop3A_1058 = arith.constant 256 : i32
        %parallel_loop3A_1059 = arith.addi %parallel_loop3A_1058, %parallel_loop3A_1057 : i32
        %parallel_loop3A_1060 = vector.broadcast %parallel_loop3A_1057 : i32 to vector<16xi32>
        %parallel_loop3A_1061 = arith.constant 1 : i32
        %parallel_loop3A_1062 = arith.index_cast %parallel_loop3A_1061 : i32 to index
        %parallel_loop3A_1063 = arith.index_cast %parallel_loop3A_1059 : i32 to index
        %parallel_loop3A_1064 = arith.constant 0 : index
        %parallel_loop3A_1065 = tpu.vector_load %arg8[%parallel_loop3A_1062, %parallel_loop3A_1063, %parallel_loop3A_1064] {strides = array<i32>} : memref<2x512x32xf32, #tpu.memory_space<vmem>>, vector<16xf32>,
        %parallel_loop3A_1066 = arith.addf %parallel_loop3A_1065, %get3A_933 : vector<16xf32>
        %parallel_loop3A_1067 = arith.constant 1 : i32
        %parallel_loop3A_1068 = arith.index_cast %parallel_loop3A_1067 : i32 to index
        %parallel_loop3A_1069 = arith.index_cast %parallel_loop3A_1059 : i32 to index
        %parallel_loop3A_1070 = arith.constant 16 : index
        %parallel_loop3A_1071 = tpu.vector_load %arg8[%parallel_loop3A_1068, %parallel_loop3A_1069, %parallel_loop3A_1070] {strides = array<i32>} : memref<2x512x32xf32, #tpu.memory_space<vmem>>, vector<16xf32>,
        %parallel_loop3A_1072 = arith.addf %parallel_loop3A_1071, %get3A_936 : vector<16xf32>
        %parallel_loop3A_1073 = arith.constant 1 : i32
        %parallel_loop3A_1074 = arith.constant 0 : i32
        %parallel_loop3A_1075 = arith.constant 0 : i32
        %parallel_loop3A_1076 = arith.constant 0 : i32
        %parallel_loop3A_1077 = tpu.memref_slice %arg9[%parallel_loop3A_1073, %parallel_loop3A_1074, %parallel_loop3A_1075, %parallel_loop3A_1076] : memref<2x4x32x129xf32, #tpu.memory_space<vmem>> -> memref<1x4x32x129xf32, #tpu.memory_space<vmem>>
        %parallel_loop3A_1078 = tpu.memref_squeeze %parallel_loop3A_1077 : memref<1x4x32x129xf32, #tpu.memory_space<vmem>> -> memref<4x32x129xf32, #tpu.memory_space<vmem>>
        tpu.vector_store_idx %parallel_loop3A_1078[%broadcast_in_dim3A_938, %iota3A, %parallel_loop3A_1060], %parallel_loop3A_1066 : memref<4x32x129xf32, #tpu.memory_space<vmem>>[vector<16xi32>, vector<16xi32>, vector<16xi32>], vector<16xf32>,
        %parallel_loop3A_1079 = arith.constant 16 : i32
        %parallel_loop3A_1080 = vector.broadcast %parallel_loop3A_1079 : i32 to vector<16xi32>
        %parallel_loop3A_1081 = arith.addi %iota3A, %parallel_loop3A_1080 : vector<16xi32>
        %parallel_loop3A_1082 = arith.constant 1 : i32
        %parallel_loop3A_1083 = arith.constant 0 : i32
        %parallel_loop3A_1084 = arith.constant 0 : i32
        %parallel_loop3A_1085 = arith.constant 0 : i32
        %parallel_loop3A_1086 = tpu.memref_slice %arg9[%parallel_loop3A_1082, %parallel_loop3A_1083, %parallel_loop3A_1084, %parallel_loop3A_1085] : memref<2x4x32x129xf32, #tpu.memory_space<vmem>> -> memref<1x4x32x129xf32, #tpu.memory_space<vmem>>
        %parallel_loop3A_1087 = tpu.memref_squeeze %parallel_loop3A_1086 : memref<1x4x32x129xf32, #tpu.memory_space<vmem>> -> memref<4x32x129xf32, #tpu.memory_space<vmem>>
        tpu.vector_store_idx %parallel_loop3A_1087[%broadcast_in_dim3A_938, %parallel_loop3A_1081, %parallel_loop3A_1060], %parallel_loop3A_1072 : memref<4x32x129xf32, #tpu.memory_space<vmem>>[vector<16xi32>, vector<16xi32>, vector<16xi32>], vector<16xf32>,
      } {sc.loop_unroll_factor = 4 : i64, sc.parallel_access}
      %mul3A_942 = arith.constant 4 : i32
      %mul3A_943 = arith.muli %add3A_862, %mul3A_942 : i32
      %add3A_944 = arith.constant 3 : i32
      %add3A_945 = arith.addi %mul3A_943, %add3A_944 : i32
      %get3A_946 = arith.index_cast %add3A_945 : i32 to index
      %get3A_947 = arith.constant 0 : index
      %get3A_948 = tpu.vector_load %arg10[%get3A_946, %get3A_947] {strides = array<i32>} : memref<200x32xf32, #tpu.memory_space<vmem>>, vector<16xf32>,
      %get3A_949 = arith.index_cast %add3A_945 : i32 to index
      %get3A_950 = arith.constant 16 : index
      %get3A_951 = tpu.vector_load %arg10[%get3A_949, %get3A_950] {strides = array<i32>} : memref<200x32xf32, #tpu.memory_space<vmem>>, vector<16xf32>,
      %broadcast_in_dim3A_952 = arith.constant 3 : i32
      %broadcast_in_dim3A_953 = vector.broadcast %broadcast_in_dim3A_952 : i32 to vector<16xi32>
      %parallel_loop3A_954 = arith.constant 0 : i32
      %parallel_loop3A_955 = arith.constant 128 : i32
      %parallel_loop3A_956 = arith.constant 1 : i32
      scf.for %parallel_loop3A_1057 = %parallel_loop3A_954 to %parallel_loop3A_955 step %parallel_loop3A_956  : i32 {
        %parallel_loop3A_1058 = arith.constant 384 : i32
        %parallel_loop3A_1059 = arith.addi %parallel_loop3A_1058, %parallel_loop3A_1057 : i32
        %parallel_loop3A_1060 = vector.broadcast %parallel_loop3A_1057 : i32 to vector<16xi32>
        %parallel_loop3A_1061 = arith.constant 1 : i32
        %parallel_loop3A_1062 = arith.index_cast %parallel_loop3A_1061 : i32 to index
        %parallel_loop3A_1063 = arith.index_cast %parallel_loop3A_1059 : i32 to index
        %parallel_loop3A_1064 = arith.constant 0 : index
        %parallel_loop3A_1065 = tpu.vector_load %arg8[%parallel_loop3A_1062, %parallel_loop3A_1063, %parallel_loop3A_1064] {strides = array<i32>} : memref<2x512x32xf32, #tpu.memory_space<vmem>>, vector<16xf32>,
        %parallel_loop3A_1066 = arith.addf %parallel_loop3A_1065, %get3A_948 : vector<16xf32>
        %parallel_loop3A_1067 = arith.constant 1 : i32
        %parallel_loop3A_1068 = arith.index_cast %parallel_loop3A_1067 : i32 to index
        %parallel_loop3A_1069 = arith.index_cast %parallel_loop3A_1059 : i32 to index
        %parallel_loop3A_1070 = arith.constant 16 : index
        %parallel_loop3A_1071 = tpu.vector_load %arg8[%parallel_loop3A_1068, %parallel_loop3A_1069, %parallel_loop3A_1070] {strides = array<i32>} : memref<2x512x32xf32, #tpu.memory_space<vmem>>, vector<16xf32>,
        %parallel_loop3A_1072 = arith.addf %parallel_loop3A_1071, %get3A_951 : vector<16xf32>
        %parallel_loop3A_1073 = arith.constant 1 : i32
        %parallel_loop3A_1074 = arith.constant 0 : i32
        %parallel_loop3A_1075 = arith.constant 0 : i32
        %parallel_loop3A_1076 = arith.constant 0 : i32
        %parallel_loop3A_1077 = tpu.memref_slice %arg9[%parallel_loop3A_1073, %parallel_loop3A_1074, %parallel_loop3A_1075, %parallel_loop3A_1076] : memref<2x4x32x129xf32, #tpu.memory_space<vmem>> -> memref<1x4x32x129xf32, #tpu.memory_space<vmem>>
        %parallel_loop3A_1078 = tpu.memref_squeeze %parallel_loop3A_1077 : memref<1x4x32x129xf32, #tpu.memory_space<vmem>> -> memref<4x32x129xf32, #tpu.memory_space<vmem>>
        tpu.vector_store_idx %parallel_loop3A_1078[%broadcast_in_dim3A_953, %iota3A, %parallel_loop3A_1060], %parallel_loop3A_1066 : memref<4x32x129xf32, #tpu.memory_space<vmem>>[vector<16xi32>, vector<16xi32>, vector<16xi32>], vector<16xf32>,
        %parallel_loop3A_1079 = arith.constant 16 : i32
        %parallel_loop3A_1080 = vector.broadcast %parallel_loop3A_1079 : i32 to vector<16xi32>
        %parallel_loop3A_1081 = arith.addi %iota3A, %parallel_loop3A_1080 : vector<16xi32>
        %parallel_loop3A_1082 = arith.constant 1 : i32
        %parallel_loop3A_1083 = arith.constant 0 : i32
        %parallel_loop3A_1084 = arith.constant 0 : i32
        %parallel_loop3A_1085 = arith.constant 0 : i32
        %parallel_loop3A_1086 = tpu.memref_slice %arg9[%parallel_loop3A_1082, %parallel_loop3A_1083, %parallel_loop3A_1084, %parallel_loop3A_1085] : memref<2x4x32x129xf32, #tpu.memory_space<vmem>> -> memref<1x4x32x129xf32, #tpu.memory_space<vmem>>
        %parallel_loop3A_1087 = tpu.memref_squeeze %parallel_loop3A_1086 : memref<1x4x32x129xf32, #tpu.memory_space<vmem>> -> memref<4x32x129xf32, #tpu.memory_space<vmem>>
        tpu.vector_store_idx %parallel_loop3A_1087[%broadcast_in_dim3A_953, %parallel_loop3A_1081, %parallel_loop3A_1060], %parallel_loop3A_1072 : memref<4x32x129xf32, #tpu.memory_space<vmem>>[vector<16xi32>, vector<16xi32>, vector<16xi32>], vector<16xf32>,
      } {sc.loop_unroll_factor = 4 : i64, sc.parallel_access}
      %mul3A_957 = arith.constant 4 : i32
      %mul3A_958 = arith.muli %add3A_862, %mul3A_957 : i32
      %dma_start3A_959 = arith.constant 1 : i32
      %dma_start3A_960 = arith.constant 0 : i32
      %dma_start3A_961 = arith.constant 1 : i32
      %dma_start3A_962 = arith.constant 0 : i32
      %dma_start3A_963 = arith.constant 0 : i32
      %dma_start3A_964 = arith.constant 0 : i32
      %dma_start3A_965 = tpu.memref_slice %arg9[%dma_start3A_959, %dma_start3A_962, %dma_start3A_963, %dma_start3A_964] : memref<2x4x32x129xf32, #tpu.memory_space<vmem>> -> memref<1x4x8x128xf32, #tpu.memory_space<vmem>>
      %dma_start3A_966 = tpu.memref_squeeze %dma_start3A_965 : memref<1x4x8x128xf32, #tpu.memory_space<vmem>> -> memref<4x8x128xf32, #tpu.memory_space<vmem>>
      %dma_start3A_967 = arith.constant 0 : i32
      %dma_start3A_968 = arith.constant 0 : i32
      %dma_start3A_969 = tpu.memref_slice %arg5[%mul3A_958, %dma_start3A_960, %add3A, %dma_start3A_967, %dma_start3A_968] : memref<200x4x32x8x128xf32, #tpu.memory_space<hbm>> -> memref<4x1x1x8x128xf32, #tpu.memory_space<hbm>>
      %dma_start3A_970 = tpu.memref_squeeze %dma_start3A_969 : memref<4x1x1x8x128xf32, #tpu.memory_space<hbm>> -> memref<4x8x128xf32, #tpu.memory_space<hbm>>
      %dma_start3A_971 = tpu.memref_slice %arg12[%dma_start3A_961] : memref<2x!tpu.dma_semaphore, #tpu.memory_space<semaphore_mem>> -> memref<1x!tpu.dma_semaphore, #tpu.memory_space<semaphore_mem>>
      %dma_start3A_972 = tpu.memref_squeeze %dma_start3A_971 : memref<1x!tpu.dma_semaphore, #tpu.memory_space<semaphore_mem>> -> memref<!tpu.dma_semaphore, #tpu.memory_space<semaphore_mem>>
      %dma_start3A_973 = arith.constant 0 : i32
      %dma_start3A_974 = arith.constant 0 : i32
      %dma_start3A_975 = tpu.memref_slice %arg5[%mul3A_958, %dma_start3A_960, %add3A, %dma_start3A_973, %dma_start3A_974] : memref<200x4x32x8x128xf32, #tpu.memory_space<hbm>> -> memref<4x1x1x8x128xf32, #tpu.memory_space<hbm>>
      %dma_start3A_976 = tpu.memref_squeeze %dma_start3A_975 : memref<4x1x1x8x128xf32, #tpu.memory_space<hbm>> -> memref<4x8x128xf32, #tpu.memory_space<hbm>>
      %dma_start3A_977 = arith.constant 0 : i32
      %dma_start3A_978 = arith.constant 0 : i32
      %dma_start3A_979 = arith.constant 0 : i32
      %dma_start3A_980 = tpu.memref_slice %arg9[%dma_start3A_959, %dma_start3A_977, %dma_start3A_978, %dma_start3A_979] : memref<2x4x32x129xf32, #tpu.memory_space<vmem>> -> memref<1x4x8x128xf32, #tpu.memory_space<vmem>>
      %dma_start3A_981 = tpu.memref_squeeze %dma_start3A_980 : memref<1x4x8x128xf32, #tpu.memory_space<vmem>> -> memref<4x8x128xf32, #tpu.memory_space<vmem>>
      tpu.enqueue_dma source(%dma_start3A_981 : memref<4x8x128xf32, #tpu.memory_space<vmem>>) target(%dma_start3A_976 : memref<4x8x128xf32, #tpu.memory_space<hbm>>) target_semaphore(%dma_start3A_972 : memref<!tpu.dma_semaphore, #tpu.memory_space<semaphore_mem>>)
      %mul3A_982 = arith.constant 4 : i32
      %mul3A_983 = arith.muli %add3A_862, %mul3A_982 : i32
      %dma_start3A_984 = arith.constant 1 : i32
      %dma_start3A_985 = arith.constant 1 : i32
      %dma_start3A_986 = arith.constant 1 : i32
      %dma_start3A_987 = arith.constant 0 : i32
      %dma_start3A_988 = arith.constant 8 : i32
      %dma_start3A_989 = arith.constant 0 : i32
      %dma_start3A_990 = tpu.memref_slice %arg9[%dma_start3A_984, %dma_start3A_987, %dma_start3A_988, %dma_start3A_989] : memref<2x4x32x129xf32, #tpu.memory_space<vmem>> -> memref<1x4x8x128xf32, #tpu.memory_space<vmem>>
      %dma_start3A_991 = tpu.memref_squeeze %dma_start3A_990 : memref<1x4x8x128xf32, #tpu.memory_space<vmem>> -> memref<4x8x128xf32, #tpu.memory_space<vmem>>
      %dma_start3A_992 = arith.constant 0 : i32
      %dma_start3A_993 = arith.constant 0 : i32
      %dma_start3A_994 = tpu.memref_slice %arg5[%mul3A_983, %dma_start3A_985, %add3A, %dma_start3A_992, %dma_start3A_993] : memref<200x4x32x8x128xf32, #tpu.memory_space<hbm>> -> memref<4x1x1x8x128xf32, #tpu.memory_space<hbm>>
      %dma_start3A_995 = tpu.memref_squeeze %dma_start3A_994 : memref<4x1x1x8x128xf32, #tpu.memory_space<hbm>> -> memref<4x8x128xf32, #tpu.memory_space<hbm>>
      %dma_start3A_996 = tpu.memref_slice %arg12[%dma_start3A_986] : memref<2x!tpu.dma_semaphore, #tpu.memory_space<semaphore_mem>> -> memref<1x!tpu.dma_semaphore, #tpu.memory_space<semaphore_mem>>
      %dma_start3A_997 = tpu.memref_squeeze %dma_start3A_996 : memref<1x!tpu.dma_semaphore, #tpu.memory_space<semaphore_mem>> -> memref<!tpu.dma_semaphore, #tpu.memory_space<semaphore_mem>>
      %dma_start3A_998 = arith.constant 0 : i32
      %dma_start3A_999 = arith.constant 0 : i32
      %dma_start3A_1000 = tpu.memref_slice %arg5[%mul3A_983, %dma_start3A_985, %add3A, %dma_start3A_998, %dma_start3A_999] : memref<200x4x32x8x128xf32, #tpu.memory_space<hbm>> -> memref<4x1x1x8x128xf32, #tpu.memory_space<hbm>>
      %dma_start3A_1001 = tpu.memref_squeeze %dma_start3A_1000 : memref<4x1x1x8x128xf32, #tpu.memory_space<hbm>> -> memref<4x8x128xf32, #tpu.memory_space<hbm>>
      %dma_start3A_1002 = arith.constant 0 : i32
      %dma_start3A_1003 = arith.constant 8 : i32
      %dma_start3A_1004 = arith.constant 0 : i32
      %dma_start3A_1005 = tpu.memref_slice %arg9[%dma_start3A_984, %dma_start3A_1002, %dma_start3A_1003, %dma_start3A_1004] : memref<2x4x32x129xf32, #tpu.memory_space<vmem>> -> memref<1x4x8x128xf32, #tpu.memory_space<vmem>>
      %dma_start3A_1006 = tpu.memref_squeeze %dma_start3A_1005 : memref<1x4x8x128xf32, #tpu.memory_space<vmem>> -> memref<4x8x128xf32, #tpu.memory_space<vmem>>
      tpu.enqueue_dma source(%dma_start3A_1006 : memref<4x8x128xf32, #tpu.memory_space<vmem>>) target(%dma_start3A_1001 : memref<4x8x128xf32, #tpu.memory_space<hbm>>) target_semaphore(%dma_start3A_997 : memref<!tpu.dma_semaphore, #tpu.memory_space<semaphore_mem>>)
      %mul3A_1007 = arith.constant 4 : i32
      %mul3A_1008 = arith.muli %add3A_862, %mul3A_1007 : i32
      %dma_start3A_1009 = arith.constant 1 : i32
      %dma_start3A_1010 = arith.constant 2 : i32
      %dma_start3A_1011 = arith.constant 1 : i32
      %dma_start3A_1012 = arith.constant 0 : i32
      %dma_start3A_1013 = arith.constant 16 : i32
      %dma_start3A_1014 = arith.constant 0 : i32
      %dma_start3A_1015 = tpu.memref_slice %arg9[%dma_start3A_1009, %dma_start3A_1012, %dma_start3A_1013, %dma_start3A_1014] : memref<2x4x32x129xf32, #tpu.memory_space<vmem>> -> memref<1x4x8x128xf32, #tpu.memory_space<vmem>>
      %dma_start3A_1016 = tpu.memref_squeeze %dma_start3A_1015 : memref<1x4x8x128xf32, #tpu.memory_space<vmem>> -> memref<4x8x128xf32, #tpu.memory_space<vmem>>
      %dma_start3A_1017 = arith.constant 0 : i32
      %dma_start3A_1018 = arith.constant 0 : i32
      %dma_start3A_1019 = tpu.memref_slice %arg5[%mul3A_1008, %dma_start3A_1010, %add3A, %dma_start3A_1017, %dma_start3A_1018] : memref<200x4x32x8x128xf32, #tpu.memory_space<hbm>> -> memref<4x1x1x8x128xf32, #tpu.memory_space<hbm>>
      %dma_start3A_1020 = tpu.memref_squeeze %dma_start3A_1019 : memref<4x1x1x8x128xf32, #tpu.memory_space<hbm>> -> memref<4x8x128xf32, #tpu.memory_space<hbm>>
      %dma_start3A_1021 = tpu.memref_slice %arg12[%dma_start3A_1011] : memref<2x!tpu.dma_semaphore, #tpu.memory_space<semaphore_mem>> -> memref<1x!tpu.dma_semaphore, #tpu.memory_space<semaphore_mem>>
      %dma_start3A_1022 = tpu.memref_squeeze %dma_start3A_1021 : memref<1x!tpu.dma_semaphore, #tpu.memory_space<semaphore_mem>> -> memref<!tpu.dma_semaphore, #tpu.memory_space<semaphore_mem>>
      %dma_start3A_1023 = arith.constant 0 : i32
      %dma_start3A_1024 = arith.constant 0 : i32
      %dma_start3A_1025 = tpu.memref_slice %arg5[%mul3A_1008, %dma_start3A_1010, %add3A, %dma_start3A_1023, %dma_start3A_1024] : memref<200x4x32x8x128xf32, #tpu.memory_space<hbm>> -> memref<4x1x1x8x128xf32, #tpu.memory_space<hbm>>
      %dma_start3A_1026 = tpu.memref_squeeze %dma_start3A_1025 : memref<4x1x1x8x128xf32, #tpu.memory_space<hbm>> -> memref<4x8x128xf32, #tpu.memory_space<hbm>>
      %dma_start3A_1027 = arith.constant 0 : i32
      %dma_start3A_1028 = arith.constant 16 : i32
      %dma_start3A_1029 = arith.constant 0 : i32
      %dma_start3A_1030 = tpu.memref_slice %arg9[%dma_start3A_1009, %dma_start3A_1027, %dma_start3A_1028, %dma_start3A_1029] : memref<2x4x32x129xf32, #tpu.memory_space<vmem>> -> memref<1x4x8x128xf32, #tpu.memory_space<vmem>>
      %dma_start3A_1031 = tpu.memref_squeeze %dma_start3A_1030 : memref<1x4x8x128xf32, #tpu.memory_space<vmem>> -> memref<4x8x128xf32, #tpu.memory_space<vmem>>
      tpu.enqueue_dma source(%dma_start3A_1031 : memref<4x8x128xf32, #tpu.memory_space<vmem>>) target(%dma_start3A_1026 : memref<4x8x128xf32, #tpu.memory_space<hbm>>) target_semaphore(%dma_start3A_1022 : memref<!tpu.dma_semaphore, #tpu.memory_space<semaphore_mem>>)
      %mul3A_1032 = arith.constant 4 : i32
      %mul3A_1033 = arith.muli %add3A_862, %mul3A_1032 : i32
      %dma_start3A_1034 = arith.constant 1 : i32
      %dma_start3A_1035 = arith.constant 3 : i32
      %dma_start3A_1036 = arith.constant 1 : i32
      %dma_start3A_1037 = arith.constant 0 : i32
      %dma_start3A_1038 = arith.constant 24 : i32
      %dma_start3A_1039 = arith.constant 0 : i32
      %dma_start3A_1040 = tpu.memref_slice %arg9[%dma_start3A_1034, %dma_start3A_1037, %dma_start3A_1038, %dma_start3A_1039] : memref<2x4x32x129xf32, #tpu.memory_space<vmem>> -> memref<1x4x8x128xf32, #tpu.memory_space<vmem>>
      %dma_start3A_1041 = tpu.memref_squeeze %dma_start3A_1040 : memref<1x4x8x128xf32, #tpu.memory_space<vmem>> -> memref<4x8x128xf32, #tpu.memory_space<vmem>>
      %dma_start3A_1042 = arith.constant 0 : i32
      %dma_start3A_1043 = arith.constant 0 : i32
      %dma_start3A_1044 = tpu.memref_slice %arg5[%mul3A_1033, %dma_start3A_1035, %add3A, %dma_start3A_1042, %dma_start3A_1043] : memref<200x4x32x8x128xf32, #tpu.memory_space<hbm>> -> memref<4x1x1x8x128xf32, #tpu.memory_space<hbm>>
      %dma_start3A_1045 = tpu.memref_squeeze %dma_start3A_1044 : memref<4x1x1x8x128xf32, #tpu.memory_space<hbm>> -> memref<4x8x128xf32, #tpu.memory_space<hbm>>
      %dma_start3A_1046 = tpu.memref_slice %arg12[%dma_start3A_1036] : memref<2x!tpu.dma_semaphore, #tpu.memory_space<semaphore_mem>> -> memref<1x!tpu.dma_semaphore, #tpu.memory_space<semaphore_mem>>
      %dma_start3A_1047 = tpu.memref_squeeze %dma_start3A_1046 : memref<1x!tpu.dma_semaphore, #tpu.memory_space<semaphore_mem>> -> memref<!tpu.dma_semaphore, #tpu.memory_space<semaphore_mem>>
      %dma_start3A_1048 = arith.constant 0 : i32
      %dma_start3A_1049 = arith.constant 0 : i32
      %dma_start3A_1050 = tpu.memref_slice %arg5[%mul3A_1033, %dma_start3A_1035, %add3A, %dma_start3A_1048, %dma_start3A_1049] : memref<200x4x32x8x128xf32, #tpu.memory_space<hbm>> -> memref<4x1x1x8x128xf32, #tpu.memory_space<hbm>>
      %dma_start3A_1051 = tpu.memref_squeeze %dma_start3A_1050 : memref<4x1x1x8x128xf32, #tpu.memory_space<hbm>> -> memref<4x8x128xf32, #tpu.memory_space<hbm>>
      %dma_start3A_1052 = arith.constant 0 : i32
      %dma_start3A_1053 = arith.constant 24 : i32
      %dma_start3A_1054 = arith.constant 0 : i32
      %dma_start3A_1055 = tpu.memref_slice %arg9[%dma_start3A_1034, %dma_start3A_1052, %dma_start3A_1053, %dma_start3A_1054] : memref<2x4x32x129xf32, #tpu.memory_space<vmem>> -> memref<1x4x8x128xf32, #tpu.memory_space<vmem>>
      %dma_start3A_1056 = tpu.memref_squeeze %dma_start3A_1055 : memref<1x4x8x128xf32, #tpu.memory_space<vmem>> -> memref<4x8x128xf32, #tpu.memory_space<vmem>>
      tpu.enqueue_dma source(%dma_start3A_1056 : memref<4x8x128xf32, #tpu.memory_space<vmem>>) target(%dma_start3A_1051 : memref<4x8x128xf32, #tpu.memory_space<hbm>>) target_semaphore(%dma_start3A_1047 : memref<!tpu.dma_semaphore, #tpu.memory_space<semaphore_mem>>)
    }
    %scan3A_469 = arith.constant 25 : i32
    %dma_wait3A = arith.constant 0 : i32
    %dma_wait3A_470 = arith.constant 0 : i32
    %dma_wait3A_471 = arith.constant 0 : i32
    %dma_wait3A_472 = arith.constant 0 : i32
    %dma_wait3A_473 = arith.constant 0 : i32
    %dma_wait3A_474 = arith.constant 0 : i32
    %dma_wait3A_475 = tpu.memref_slice %arg9[%dma_wait3A, %dma_wait3A_472, %dma_wait3A_473, %dma_wait3A_474] : memref<2x4x32x129xf32, #tpu.memory_space<vmem>> -> memref<1x4x8x128xf32, #tpu.memory_space<vmem>>
    %dma_wait3A_476 = tpu.memref_squeeze %dma_wait3A_475 : memref<1x4x8x128xf32, #tpu.memory_space<vmem>> -> memref<4x8x128xf32, #tpu.memory_space<vmem>>
    %dma_wait3A_477 = arith.constant 192 : i32
    %dma_wait3A_478 = arith.constant 0 : i32
    %dma_wait3A_479 = arith.constant 0 : i32
    %dma_wait3A_480 = tpu.memref_slice %arg5[%dma_wait3A_477, %dma_wait3A_470, %add3A, %dma_wait3A_478, %dma_wait3A_479] : memref<200x4x32x8x128xf32, #tpu.memory_space<hbm>> -> memref<4x1x1x8x128xf32, #tpu.memory_space<hbm>>
    %dma_wait3A_481 = tpu.memref_squeeze %dma_wait3A_480 : memref<4x1x1x8x128xf32, #tpu.memory_space<hbm>> -> memref<4x8x128xf32, #tpu.memory_space<hbm>>
    %dma_wait3A_482 = tpu.memref_slice %arg12[%dma_wait3A_471] : memref<2x!tpu.dma_semaphore, #tpu.memory_space<semaphore_mem>> -> memref<1x!tpu.dma_semaphore, #tpu.memory_space<semaphore_mem>>
    %dma_wait3A_483 = tpu.memref_squeeze %dma_wait3A_482 : memref<1x!tpu.dma_semaphore, #tpu.memory_space<semaphore_mem>> -> memref<!tpu.dma_semaphore, #tpu.memory_space<semaphore_mem>>
    %dma_wait3A_484 = arith.constant 192 : i32
    %dma_wait3A_485 = arith.constant 0 : i32
    %dma_wait3A_486 = arith.constant 0 : i32
    %dma_wait3A_487 = tpu.memref_slice %arg5[%dma_wait3A_484, %dma_wait3A_470, %add3A, %dma_wait3A_485, %dma_wait3A_486] : memref<200x4x32x8x128xf32, #tpu.memory_space<hbm>> -> memref<4x1x1x8x128xf32, #tpu.memory_space<hbm>>
    %dma_wait3A_488 = tpu.memref_squeeze %dma_wait3A_487 : memref<4x1x1x8x128xf32, #tpu.memory_space<hbm>> -> memref<4x8x128xf32, #tpu.memory_space<hbm>>
    %dma_wait3A_489 = arith.constant 0 : i32
    %dma_wait3A_490 = arith.constant 0 : i32
    %dma_wait3A_491 = arith.constant 0 : i32
    %dma_wait3A_492 = tpu.memref_slice %arg9[%dma_wait3A, %dma_wait3A_489, %dma_wait3A_490, %dma_wait3A_491] : memref<2x4x32x129xf32, #tpu.memory_space<vmem>> -> memref<1x4x8x128xf32, #tpu.memory_space<vmem>>
    %dma_wait3A_493 = tpu.memref_squeeze %dma_wait3A_492 : memref<1x4x8x128xf32, #tpu.memory_space<vmem>> -> memref<4x8x128xf32, #tpu.memory_space<vmem>>
    tpu.wait_dma2 semaphore(%dma_wait3A_483 : memref<!tpu.dma_semaphore, #tpu.memory_space<semaphore_mem>>) src(%dma_wait3A_493 : memref<4x8x128xf32, #tpu.memory_space<vmem>>) dst(%dma_wait3A_488 : memref<4x8x128xf32, #tpu.memory_space<hbm>>)
    %dma_wait3A_494 = arith.constant 0 : i32
    %dma_wait3A_495 = arith.constant 1 : i32
    %dma_wait3A_496 = arith.constant 0 : i32
    %dma_wait3A_497 = arith.constant 0 : i32
    %dma_wait3A_498 = arith.constant 8 : i32
    %dma_wait3A_499 = arith.constant 0 : i32
    %dma_wait3A_500 = tpu.memref_slice %arg9[%dma_wait3A_494, %dma_wait3A_497, %dma_wait3A_498, %dma_wait3A_499] : memref<2x4x32x129xf32, #tpu.memory_space<vmem>> -> memref<1x4x8x128xf32, #tpu.memory_space<vmem>>
    %dma_wait3A_501 = tpu.memref_squeeze %dma_wait3A_500 : memref<1x4x8x128xf32, #tpu.memory_space<vmem>> -> memref<4x8x128xf32, #tpu.memory_space<vmem>>
    %dma_wait3A_502 = arith.constant 192 : i32
    %dma_wait3A_503 = arith.constant 0 : i32
    %dma_wait3A_504 = arith.constant 0 : i32
    %dma_wait3A_505 = tpu.memref_slice %arg5[%dma_wait3A_502, %dma_wait3A_495, %add3A, %dma_wait3A_503, %dma_wait3A_504] : memref<200x4x32x8x128xf32, #tpu.memory_space<hbm>> -> memref<4x1x1x8x128xf32, #tpu.memory_space<hbm>>
    %dma_wait3A_506 = tpu.memref_squeeze %dma_wait3A_505 : memref<4x1x1x8x128xf32, #tpu.memory_space<hbm>> -> memref<4x8x128xf32, #tpu.memory_space<hbm>>
    %dma_wait3A_507 = tpu.memref_slice %arg12[%dma_wait3A_496] : memref<2x!tpu.dma_semaphore, #tpu.memory_space<semaphore_mem>> -> memref<1x!tpu.dma_semaphore, #tpu.memory_space<semaphore_mem>>
    %dma_wait3A_508 = tpu.memref_squeeze %dma_wait3A_507 : memref<1x!tpu.dma_semaphore, #tpu.memory_space<semaphore_mem>> -> memref<!tpu.dma_semaphore, #tpu.memory_space<semaphore_mem>>
    %dma_wait3A_509 = arith.constant 192 : i32
    %dma_wait3A_510 = arith.constant 0 : i32
    %dma_wait3A_511 = arith.constant 0 : i32
    %dma_wait3A_512 = tpu.memref_slice %arg5[%dma_wait3A_509, %dma_wait3A_495, %add3A, %dma_wait3A_510, %dma_wait3A_511] : memref<200x4x32x8x128xf32, #tpu.memory_space<hbm>> -> memref<4x1x1x8x128xf32, #tpu.memory_space<hbm>>
    %dma_wait3A_513 = tpu.memref_squeeze %dma_wait3A_512 : memref<4x1x1x8x128xf32, #tpu.memory_space<hbm>> -> memref<4x8x128xf32, #tpu.memory_space<hbm>>
    %dma_wait3A_514 = arith.constant 0 : i32
    %dma_wait3A_515 = arith.constant 8 : i32
    %dma_wait3A_516 = arith.constant 0 : i32
    %dma_wait3A_517 = tpu.memref_slice %arg9[%dma_wait3A_494, %dma_wait3A_514, %dma_wait3A_515, %dma_wait3A_516] : memref<2x4x32x129xf32, #tpu.memory_space<vmem>> -> memref<1x4x8x128xf32, #tpu.memory_space<vmem>>
    %dma_wait3A_518 = tpu.memref_squeeze %dma_wait3A_517 : memref<1x4x8x128xf32, #tpu.memory_space<vmem>> -> memref<4x8x128xf32, #tpu.memory_space<vmem>>
    tpu.wait_dma2 semaphore(%dma_wait3A_508 : memref<!tpu.dma_semaphore, #tpu.memory_space<semaphore_mem>>) src(%dma_wait3A_518 : memref<4x8x128xf32, #tpu.memory_space<vmem>>) dst(%dma_wait3A_513 : memref<4x8x128xf32, #tpu.memory_space<hbm>>)
    %dma_wait3A_519 = arith.constant 0 : i32
    %dma_wait3A_520 = arith.constant 2 : i32
    %dma_wait3A_521 = arith.constant 0 : i32
    %dma_wait3A_522 = arith.constant 0 : i32
    %dma_wait3A_523 = arith.constant 16 : i32
    %dma_wait3A_524 = arith.constant 0 : i32
    %dma_wait3A_525 = tpu.memref_slice %arg9[%dma_wait3A_519, %dma_wait3A_522, %dma_wait3A_523, %dma_wait3A_524] : memref<2x4x32x129xf32, #tpu.memory_space<vmem>> -> memref<1x4x8x128xf32, #tpu.memory_space<vmem>>
    %dma_wait3A_526 = tpu.memref_squeeze %dma_wait3A_525 : memref<1x4x8x128xf32, #tpu.memory_space<vmem>> -> memref<4x8x128xf32, #tpu.memory_space<vmem>>
    %dma_wait3A_527 = arith.constant 192 : i32
    %dma_wait3A_528 = arith.constant 0 : i32
    %dma_wait3A_529 = arith.constant 0 : i32
    %dma_wait3A_530 = tpu.memref_slice %arg5[%dma_wait3A_527, %dma_wait3A_520, %add3A, %dma_wait3A_528, %dma_wait3A_529] : memref<200x4x32x8x128xf32, #tpu.memory_space<hbm>> -> memref<4x1x1x8x128xf32, #tpu.memory_space<hbm>>
    %dma_wait3A_531 = tpu.memref_squeeze %dma_wait3A_530 : memref<4x1x1x8x128xf32, #tpu.memory_space<hbm>> -> memref<4x8x128xf32, #tpu.memory_space<hbm>>
    %dma_wait3A_532 = tpu.memref_slice %arg12[%dma_wait3A_521] : memref<2x!tpu.dma_semaphore, #tpu.memory_space<semaphore_mem>> -> memref<1x!tpu.dma_semaphore, #tpu.memory_space<semaphore_mem>>
    %dma_wait3A_533 = tpu.memref_squeeze %dma_wait3A_532 : memref<1x!tpu.dma_semaphore, #tpu.memory_space<semaphore_mem>> -> memref<!tpu.dma_semaphore, #tpu.memory_space<semaphore_mem>>
    %dma_wait3A_534 = arith.constant 192 : i32
    %dma_wait3A_535 = arith.constant 0 : i32
    %dma_wait3A_536 = arith.constant 0 : i32
    %dma_wait3A_537 = tpu.memref_slice %arg5[%dma_wait3A_534, %dma_wait3A_520, %add3A, %dma_wait3A_535, %dma_wait3A_536] : memref<200x4x32x8x128xf32, #tpu.memory_space<hbm>> -> memref<4x1x1x8x128xf32, #tpu.memory_space<hbm>>
    %dma_wait3A_538 = tpu.memref_squeeze %dma_wait3A_537 : memref<4x1x1x8x128xf32, #tpu.memory_space<hbm>> -> memref<4x8x128xf32, #tpu.memory_space<hbm>>
    %dma_wait3A_539 = arith.constant 0 : i32
    %dma_wait3A_540 = arith.constant 16 : i32
    %dma_wait3A_541 = arith.constant 0 : i32
    %dma_wait3A_542 = tpu.memref_slice %arg9[%dma_wait3A_519, %dma_wait3A_539, %dma_wait3A_540, %dma_wait3A_541] : memref<2x4x32x129xf32, #tpu.memory_space<vmem>> -> memref<1x4x8x128xf32, #tpu.memory_space<vmem>>
    %dma_wait3A_543 = tpu.memref_squeeze %dma_wait3A_542 : memref<1x4x8x128xf32, #tpu.memory_space<vmem>> -> memref<4x8x128xf32, #tpu.memory_space<vmem>>
    tpu.wait_dma2 semaphore(%dma_wait3A_533 : memref<!tpu.dma_semaphore, #tpu.memory_space<semaphore_mem>>) src(%dma_wait3A_543 : memref<4x8x128xf32, #tpu.memory_space<vmem>>) dst(%dma_wait3A_538 : memref<4x8x128xf32, #tpu.memory_space<hbm>>)
    %dma_wait3A_544 = arith.constant 0 : i32
    %dma_wait3A_545 = arith.constant 3 : i32
    %dma_wait3A_546 = arith.constant 0 : i32
    %dma_wait3A_547 = arith.constant 0 : i32
    %dma_wait3A_548 = arith.constant 24 : i32
    %dma_wait3A_549 = arith.constant 0 : i32
    %dma_wait3A_550 = tpu.memref_slice %arg9[%dma_wait3A_544, %dma_wait3A_547, %dma_wait3A_548, %dma_wait3A_549] : memref<2x4x32x129xf32, #tpu.memory_space<vmem>> -> memref<1x4x8x128xf32, #tpu.memory_space<vmem>>
    %dma_wait3A_551 = tpu.memref_squeeze %dma_wait3A_550 : memref<1x4x8x128xf32, #tpu.memory_space<vmem>> -> memref<4x8x128xf32, #tpu.memory_space<vmem>>
    %dma_wait3A_552 = arith.constant 192 : i32
    %dma_wait3A_553 = arith.constant 0 : i32
    %dma_wait3A_554 = arith.constant 0 : i32
    %dma_wait3A_555 = tpu.memref_slice %arg5[%dma_wait3A_552, %dma_wait3A_545, %add3A, %dma_wait3A_553, %dma_wait3A_554] : memref<200x4x32x8x128xf32, #tpu.memory_space<hbm>> -> memref<4x1x1x8x128xf32, #tpu.memory_space<hbm>>
    %dma_wait3A_556 = tpu.memref_squeeze %dma_wait3A_555 : memref<4x1x1x8x128xf32, #tpu.memory_space<hbm>> -> memref<4x8x128xf32, #tpu.memory_space<hbm>>
    %dma_wait3A_557 = tpu.memref_slice %arg12[%dma_wait3A_546] : memref<2x!tpu.dma_semaphore, #tpu.memory_space<semaphore_mem>> -> memref<1x!tpu.dma_semaphore, #tpu.memory_space<semaphore_mem>>
    %dma_wait3A_558 = tpu.memref_squeeze %dma_wait3A_557 : memref<1x!tpu.dma_semaphore, #tpu.memory_space<semaphore_mem>> -> memref<!tpu.dma_semaphore, #tpu.memory_space<semaphore_mem>>
    %dma_wait3A_559 = arith.constant 192 : i32
    %dma_wait3A_560 = arith.constant 0 : i32
    %dma_wait3A_561 = arith.constant 0 : i32
    %dma_wait3A_562 = tpu.memref_slice %arg5[%dma_wait3A_559, %dma_wait3A_545, %add3A, %dma_wait3A_560, %dma_wait3A_561] : memref<200x4x32x8x128xf32, #tpu.memory_space<hbm>> -> memref<4x1x1x8x128xf32, #tpu.memory_space<hbm>>
    %dma_wait3A_563 = tpu.memref_squeeze %dma_wait3A_562 : memref<4x1x1x8x128xf32, #tpu.memory_space<hbm>> -> memref<4x8x128xf32, #tpu.memory_space<hbm>>
    %dma_wait3A_564 = arith.constant 0 : i32
    %dma_wait3A_565 = arith.constant 24 : i32
    %dma_wait3A_566 = arith.constant 0 : i32
    %dma_wait3A_567 = tpu.memref_slice %arg9[%dma_wait3A_544, %dma_wait3A_564, %dma_wait3A_565, %dma_wait3A_566] : memref<2x4x32x129xf32, #tpu.memory_space<vmem>> -> memref<1x4x8x128xf32, #tpu.memory_space<vmem>>
    %dma_wait3A_568 = tpu.memref_squeeze %dma_wait3A_567 : memref<1x4x8x128xf32, #tpu.memory_space<vmem>> -> memref<4x8x128xf32, #tpu.memory_space<vmem>>
    tpu.wait_dma2 semaphore(%dma_wait3A_558 : memref<!tpu.dma_semaphore, #tpu.memory_space<semaphore_mem>>) src(%dma_wait3A_568 : memref<4x8x128xf32, #tpu.memory_space<vmem>>) dst(%dma_wait3A_563 : memref<4x8x128xf32, #tpu.memory_space<hbm>>)
    %dma_wait3A_569 = arith.constant 1 : i32
    %dma_wait3A_570 = arith.constant 0 : i32
    %dma_wait3A_571 = arith.constant 1 : i32
    %dma_wait3A_572 = arith.constant 0 : i32
    %dma_wait3A_573 = arith.constant 0 : i32
    %dma_wait3A_574 = arith.constant 0 : i32
    %dma_wait3A_575 = tpu.memref_slice %arg9[%dma_wait3A_569, %dma_wait3A_572, %dma_wait3A_573, %dma_wait3A_574] : memref<2x4x32x129xf32, #tpu.memory_space<vmem>> -> memref<1x4x8x128xf32, #tpu.memory_space<vmem>>
    %dma_wait3A_576 = tpu.memref_squeeze %dma_wait3A_575 : memref<1x4x8x128xf32, #tpu.memory_space<vmem>> -> memref<4x8x128xf32, #tpu.memory_space<vmem>>
    %dma_wait3A_577 = arith.constant 196 : i32
    %dma_wait3A_578 = arith.constant 0 : i32
    %dma_wait3A_579 = arith.constant 0 : i32
    %dma_wait3A_580 = tpu.memref_slice %arg5[%dma_wait3A_577, %dma_wait3A_570, %add3A, %dma_wait3A_578, %dma_wait3A_579] : memref<200x4x32x8x128xf32, #tpu.memory_space<hbm>> -> memref<4x1x1x8x128xf32, #tpu.memory_space<hbm>>
    %dma_wait3A_581 = tpu.memref_squeeze %dma_wait3A_580 : memref<4x1x1x8x128xf32, #tpu.memory_space<hbm>> -> memref<4x8x128xf32, #tpu.memory_space<hbm>>
    %dma_wait3A_582 = tpu.memref_slice %arg12[%dma_wait3A_571] : memref<2x!tpu.dma_semaphore, #tpu.memory_space<semaphore_mem>> -> memref<1x!tpu.dma_semaphore, #tpu.memory_space<semaphore_mem>>
    %dma_wait3A_583 = tpu.memref_squeeze %dma_wait3A_582 : memref<1x!tpu.dma_semaphore, #tpu.memory_space<semaphore_mem>> -> memref<!tpu.dma_semaphore, #tpu.memory_space<semaphore_mem>>
    %dma_wait3A_584 = arith.constant 196 : i32
    %dma_wait3A_585 = arith.constant 0 : i32
    %dma_wait3A_586 = arith.constant 0 : i32
    %dma_wait3A_587 = tpu.memref_slice %arg5[%dma_wait3A_584, %dma_wait3A_570, %add3A, %dma_wait3A_585, %dma_wait3A_586] : memref<200x4x32x8x128xf32, #tpu.memory_space<hbm>> -> memref<4x1x1x8x128xf32, #tpu.memory_space<hbm>>
    %dma_wait3A_588 = tpu.memref_squeeze %dma_wait3A_587 : memref<4x1x1x8x128xf32, #tpu.memory_space<hbm>> -> memref<4x8x128xf32, #tpu.memory_space<hbm>>
    %dma_wait3A_589 = arith.constant 0 : i32
    %dma_wait3A_590 = arith.constant 0 : i32
    %dma_wait3A_591 = arith.constant 0 : i32
    %dma_wait3A_592 = tpu.memref_slice %arg9[%dma_wait3A_569, %dma_wait3A_589, %dma_wait3A_590, %dma_wait3A_591] : memref<2x4x32x129xf32, #tpu.memory_space<vmem>> -> memref<1x4x8x128xf32, #tpu.memory_space<vmem>>
    %dma_wait3A_593 = tpu.memref_squeeze %dma_wait3A_592 : memref<1x4x8x128xf32, #tpu.memory_space<vmem>> -> memref<4x8x128xf32, #tpu.memory_space<vmem>>
    tpu.wait_dma2 semaphore(%dma_wait3A_583 : memref<!tpu.dma_semaphore, #tpu.memory_space<semaphore_mem>>) src(%dma_wait3A_593 : memref<4x8x128xf32, #tpu.memory_space<vmem>>) dst(%dma_wait3A_588 : memref<4x8x128xf32, #tpu.memory_space<hbm>>)
    %dma_wait3A_594 = arith.constant 1 : i32
    %dma_wait3A_595 = arith.constant 1 : i32
    %dma_wait3A_596 = arith.constant 1 : i32
    %dma_wait3A_597 = arith.constant 0 : i32
    %dma_wait3A_598 = arith.constant 8 : i32
    %dma_wait3A_599 = arith.constant 0 : i32
    %dma_wait3A_600 = tpu.memref_slice %arg9[%dma_wait3A_594, %dma_wait3A_597, %dma_wait3A_598, %dma_wait3A_599] : memref<2x4x32x129xf32, #tpu.memory_space<vmem>> -> memref<1x4x8x128xf32, #tpu.memory_space<vmem>>
    %dma_wait3A_601 = tpu.memref_squeeze %dma_wait3A_600 : memref<1x4x8x128xf32, #tpu.memory_space<vmem>> -> memref<4x8x128xf32, #tpu.memory_space<vmem>>
    %dma_wait3A_602 = arith.constant 196 : i32
    %dma_wait3A_603 = arith.constant 0 : i32
    %dma_wait3A_604 = arith.constant 0 : i32
    %dma_wait3A_605 = tpu.memref_slice %arg5[%dma_wait3A_602, %dma_wait3A_595, %add3A, %dma_wait3A_603, %dma_wait3A_604] : memref<200x4x32x8x128xf32, #tpu.memory_space<hbm>> -> memref<4x1x1x8x128xf32, #tpu.memory_space<hbm>>
    %dma_wait3A_606 = tpu.memref_squeeze %dma_wait3A_605 : memref<4x1x1x8x128xf32, #tpu.memory_space<hbm>> -> memref<4x8x128xf32, #tpu.memory_space<hbm>>
    %dma_wait3A_607 = tpu.memref_slice %arg12[%dma_wait3A_596] : memref<2x!tpu.dma_semaphore, #tpu.memory_space<semaphore_mem>> -> memref<1x!tpu.dma_semaphore, #tpu.memory_space<semaphore_mem>>
    %dma_wait3A_608 = tpu.memref_squeeze %dma_wait3A_607 : memref<1x!tpu.dma_semaphore, #tpu.memory_space<semaphore_mem>> -> memref<!tpu.dma_semaphore, #tpu.memory_space<semaphore_mem>>
    %dma_wait3A_609 = arith.constant 196 : i32
    %dma_wait3A_610 = arith.constant 0 : i32
    %dma_wait3A_611 = arith.constant 0 : i32
    %dma_wait3A_612 = tpu.memref_slice %arg5[%dma_wait3A_609, %dma_wait3A_595, %add3A, %dma_wait3A_610, %dma_wait3A_611] : memref<200x4x32x8x128xf32, #tpu.memory_space<hbm>> -> memref<4x1x1x8x128xf32, #tpu.memory_space<hbm>>
    %dma_wait3A_613 = tpu.memref_squeeze %dma_wait3A_612 : memref<4x1x1x8x128xf32, #tpu.memory_space<hbm>> -> memref<4x8x128xf32, #tpu.memory_space<hbm>>
    %dma_wait3A_614 = arith.constant 0 : i32
    %dma_wait3A_615 = arith.constant 8 : i32
    %dma_wait3A_616 = arith.constant 0 : i32
    %dma_wait3A_617 = tpu.memref_slice %arg9[%dma_wait3A_594, %dma_wait3A_614, %dma_wait3A_615, %dma_wait3A_616] : memref<2x4x32x129xf32, #tpu.memory_space<vmem>> -> memref<1x4x8x128xf32, #tpu.memory_space<vmem>>
    %dma_wait3A_618 = tpu.memref_squeeze %dma_wait3A_617 : memref<1x4x8x128xf32, #tpu.memory_space<vmem>> -> memref<4x8x128xf32, #tpu.memory_space<vmem>>
    tpu.wait_dma2 semaphore(%dma_wait3A_608 : memref<!tpu.dma_semaphore, #tpu.memory_space<semaphore_mem>>) src(%dma_wait3A_618 : memref<4x8x128xf32, #tpu.memory_space<vmem>>) dst(%dma_wait3A_613 : memref<4x8x128xf32, #tpu.memory_space<hbm>>)
    %dma_wait3A_619 = arith.constant 1 : i32
    %dma_wait3A_620 = arith.constant 2 : i32
    %dma_wait3A_621 = arith.constant 1 : i32
    %dma_wait3A_622 = arith.constant 0 : i32
    %dma_wait3A_623 = arith.constant 16 : i32
    %dma_wait3A_624 = arith.constant 0 : i32
    %dma_wait3A_625 = tpu.memref_slice %arg9[%dma_wait3A_619, %dma_wait3A_622, %dma_wait3A_623, %dma_wait3A_624] : memref<2x4x32x129xf32, #tpu.memory_space<vmem>> -> memref<1x4x8x128xf32, #tpu.memory_space<vmem>>
    %dma_wait3A_626 = tpu.memref_squeeze %dma_wait3A_625 : memref<1x4x8x128xf32, #tpu.memory_space<vmem>> -> memref<4x8x128xf32, #tpu.memory_space<vmem>>
    %dma_wait3A_627 = arith.constant 196 : i32
    %dma_wait3A_628 = arith.constant 0 : i32
    %dma_wait3A_629 = arith.constant 0 : i32
    %dma_wait3A_630 = tpu.memref_slice %arg5[%dma_wait3A_627, %dma_wait3A_620, %add3A, %dma_wait3A_628, %dma_wait3A_629] : memref<200x4x32x8x128xf32, #tpu.memory_space<hbm>> -> memref<4x1x1x8x128xf32, #tpu.memory_space<hbm>>
    %dma_wait3A_631 = tpu.memref_squeeze %dma_wait3A_630 : memref<4x1x1x8x128xf32, #tpu.memory_space<hbm>> -> memref<4x8x128xf32, #tpu.memory_space<hbm>>
    %dma_wait3A_632 = tpu.memref_slice %arg12[%dma_wait3A_621] : memref<2x!tpu.dma_semaphore, #tpu.memory_space<semaphore_mem>> -> memref<1x!tpu.dma_semaphore, #tpu.memory_space<semaphore_mem>>
    %dma_wait3A_633 = tpu.memref_squeeze %dma_wait3A_632 : memref<1x!tpu.dma_semaphore, #tpu.memory_space<semaphore_mem>> -> memref<!tpu.dma_semaphore, #tpu.memory_space<semaphore_mem>>
    %dma_wait3A_634 = arith.constant 196 : i32
    %dma_wait3A_635 = arith.constant 0 : i32
    %dma_wait3A_636 = arith.constant 0 : i32
    %dma_wait3A_637 = tpu.memref_slice %arg5[%dma_wait3A_634, %dma_wait3A_620, %add3A, %dma_wait3A_635, %dma_wait3A_636] : memref<200x4x32x8x128xf32, #tpu.memory_space<hbm>> -> memref<4x1x1x8x128xf32, #tpu.memory_space<hbm>>
    %dma_wait3A_638 = tpu.memref_squeeze %dma_wait3A_637 : memref<4x1x1x8x128xf32, #tpu.memory_space<hbm>> -> memref<4x8x128xf32, #tpu.memory_space<hbm>>
    %dma_wait3A_639 = arith.constant 0 : i32
    %dma_wait3A_640 = arith.constant 16 : i32
    %dma_wait3A_641 = arith.constant 0 : i32
    %dma_wait3A_642 = tpu.memref_slice %arg9[%dma_wait3A_619, %dma_wait3A_639, %dma_wait3A_640, %dma_wait3A_641] : memref<2x4x32x129xf32, #tpu.memory_space<vmem>> -> memref<1x4x8x128xf32, #tpu.memory_space<vmem>>
    %dma_wait3A_643 = tpu.memref_squeeze %dma_wait3A_642 : memref<1x4x8x128xf32, #tpu.memory_space<vmem>> -> memref<4x8x128xf32, #tpu.memory_space<vmem>>
    tpu.wait_dma2 semaphore(%dma_wait3A_633 : memref<!tpu.dma_semaphore, #tpu.memory_space<semaphore_mem>>) src(%dma_wait3A_643 : memref<4x8x128xf32, #tpu.memory_space<vmem>>) dst(%dma_wait3A_638 : memref<4x8x128xf32, #tpu.memory_space<hbm>>)
    %dma_wait3A_644 = arith.constant 1 : i32
    %dma_wait3A_645 = arith.constant 3 : i32
    %dma_wait3A_646 = arith.constant 1 : i32
    %dma_wait3A_647 = arith.constant 0 : i32
    %dma_wait3A_648 = arith.constant 24 : i32
    %dma_wait3A_649 = arith.constant 0 : i32
    %dma_wait3A_650 = tpu.memref_slice %arg9[%dma_wait3A_644, %dma_wait3A_647, %dma_wait3A_648, %dma_wait3A_649] : memref<2x4x32x129xf32, #tpu.memory_space<vmem>> -> memref<1x4x8x128xf32, #tpu.memory_space<vmem>>
    %dma_wait3A_651 = tpu.memref_squeeze %dma_wait3A_650 : memref<1x4x8x128xf32, #tpu.memory_space<vmem>> -> memref<4x8x128xf32, #tpu.memory_space<vmem>>
    %dma_wait3A_652 = arith.constant 196 : i32
    %dma_wait3A_653 = arith.constant 0 : i32
    %dma_wait3A_654 = arith.constant 0 : i32
    %dma_wait3A_655 = tpu.memref_slice %arg5[%dma_wait3A_652, %dma_wait3A_645, %add3A, %dma_wait3A_653, %dma_wait3A_654] : memref<200x4x32x8x128xf32, #tpu.memory_space<hbm>> -> memref<4x1x1x8x128xf32, #tpu.memory_space<hbm>>
    %dma_wait3A_656 = tpu.memref_squeeze %dma_wait3A_655 : memref<4x1x1x8x128xf32, #tpu.memory_space<hbm>> -> memref<4x8x128xf32, #tpu.memory_space<hbm>>
    %dma_wait3A_657 = tpu.memref_slice %arg12[%dma_wait3A_646] : memref<2x!tpu.dma_semaphore, #tpu.memory_space<semaphore_mem>> -> memref<1x!tpu.dma_semaphore, #tpu.memory_space<semaphore_mem>>
    %dma_wait3A_658 = tpu.memref_squeeze %dma_wait3A_657 : memref<1x!tpu.dma_semaphore, #tpu.memory_space<semaphore_mem>> -> memref<!tpu.dma_semaphore, #tpu.memory_space<semaphore_mem>>
    %dma_wait3A_659 = arith.constant 196 : i32
    %dma_wait3A_660 = arith.constant 0 : i32
    %dma_wait3A_661 = arith.constant 0 : i32
    %dma_wait3A_662 = tpu.memref_slice %arg5[%dma_wait3A_659, %dma_wait3A_645, %add3A, %dma_wait3A_660, %dma_wait3A_661] : memref<200x4x32x8x128xf32, #tpu.memory_space<hbm>> -> memref<4x1x1x8x128xf32, #tpu.memory_space<hbm>>
    %dma_wait3A_663 = tpu.memref_squeeze %dma_wait3A_662 : memref<4x1x1x8x128xf32, #tpu.memory_space<hbm>> -> memref<4x8x128xf32, #tpu.memory_space<hbm>>
    %dma_wait3A_664 = arith.constant 0 : i32
    %dma_wait3A_665 = arith.constant 24 : i32
    %dma_wait3A_666 = arith.constant 0 : i32
    %dma_wait3A_667 = tpu.memref_slice %arg9[%dma_wait3A_644, %dma_wait3A_664, %dma_wait3A_665, %dma_wait3A_666] : memref<2x4x32x129xf32, #tpu.memory_space<vmem>> -> memref<1x4x8x128xf32, #tpu.memory_space<vmem>>
    %dma_wait3A_668 = tpu.memref_squeeze %dma_wait3A_667 : memref<1x4x8x128xf32, #tpu.memory_space<vmem>> -> memref<4x8x128xf32, #tpu.memory_space<vmem>>
    tpu.wait_dma2 semaphore(%dma_wait3A_658 : memref<!tpu.dma_semaphore, #tpu.memory_space<semaphore_mem>>) src(%dma_wait3A_668 : memref<4x8x128xf32, #tpu.memory_space<vmem>>) dst(%dma_wait3A_663 : memref<4x8x128xf32, #tpu.memory_space<hbm>>)
    return
  }
}

</mosaic_0001>

<sc_bundles>
// kernel: kernel.3.cloned.1.call-start
scs
__scs_entry_jumppad:
0x0: {  	(pc) =	sbr.rel $0x88, $3  }
0x1: {  	(tag) =	ssettag $0x0;
	lr =	simm.s32 $0x1  }
0x2: {  	[smem:$0x3F9E] =	sst lr;
	_ =	strace $0xD0000000  }
0x3: {  	_ = 	snop  }
0x4: {  	_ = 	snop  }
0x5: {  	_ = 	snop  }
0x6: {  	_ = 	snop  }
0x7: {  	_ = 	snop  }
__scs_overlays_trampoline_lowered:
0x8: {  	[smem:$0x3FAD] =	sst s0  }
0x9: {  	[smem:$0x3FAE] =	sst s1  }
0xa: {  	[smem:$0x3FAF] =	sst s2  }
0xb: {  	[smem:$0x3FB0] =	sst s3  }
0xc: {  	[smem:$0x3FB1] =	sst s4  }
0xd: {  	[smem:$0x3FB2] =	sst s5  }
0xe: {  	[smem:$0x3FB3] =	sst s6  }
0xf: {  	[smem:$0x3FB4] =	sst s7  }
0x10: {  	[smem:$0x3FB5] =	sst s8  }
0x11: {  	[smem:$0x3FB6] =	sst s9;
	s0 =	simm.s32 @!p0 $0x0  }
0x12: {  	s1 =	sld [smem:$0x3F9C];
	s0 =	simm.s32 @p0 $0x1  }
0x13: {  	[smem:$0x3FB7] =	sst s0;
	s0 =	simm.s32 @!p1 $0x0  }
0x14: {  	s2 =	sld [smem:$0x3F9B];
	s0 =	simm.s32 @p1 $0x1  }
0x15: {  	[smem:$0x3FB8] =	sst s0;
	s0 =	simm.s32 @!p2 $0x0  }
0x16: {  	s3 =	sld [smem:$0x3FDB];
	s0 =	simm.s32 @p2 $0x1  }
0x17: {  	s4 =	simm.s32 $0x1BF5;
	[smem:$0x3FBA] =	sst s0  }
0x18: {  	s0 =	sld [smem:$0x3F9D];
	_ =	swait.ge [sflag:s4], $0x0  }
0x19: {  	s7 =	sld [smem:$0x3F9E]  }
0x1a: {  	s8 =	sadd.s32 $0xFFFFE003, lr  }
0x1b: {  	s9 =	sadd.s32 $0xFFFFFEF7, lr;
	s5 =	simm.s32 $0xFFFFFFFF;
	p2 =	slt.u32 s8, $0xFFFFF086  }
0x1c: {  	p1 =	slt.u32 s9, $0xF7A;
	s5 =	simm.s32 @!p2 $0x0  }
0x1d: {  	s5 =	simm.s32 @p1 $0x1;
	p0 =	seq.s32 s7, s2  }
0x1e: {  	s7 =	smul.u32 @!p0 $0xF7A, s2;
	p2 =	seq.s32 @!p0 s5, $0x0  }
0x1f: {  	s9 =	smul.u32 $0xF7A, s1;
	s8 =	simm.s32 @!p0 $0x1BF5;
	p2 =	por !p2, p0  }
0x20: {  	[sflag:s8] =	ssyncset.s32 @!p0 $0xFFFFF086;
	s6 =	sadd.s32 @!p0 s3, s7;
	s7 =	simm.s32 @!p0 $0x108  }
0x21: {  	s3 =	sadd.s32 s3, s9;
	s6 =	sadd.s32 @!p0 $0x88, s6;
	s7 =	simm.s32 @p2 $0x1082  }
0x22: {  	[simem:s7], [sflag:s8] =	dma.local @!p0 [hbm:s6], $0xF7A  }
0x23: {  	s9 =	sor.u32 $0xD0000000, s2;
	s6 =	simm.s32 $0x108;
	_ =	swait.ge @!p0 [sflag:s8], $0x0  }
0x24: {  	s3 =	sadd.s32 $0x88, s3;
	s6 =	simm.s32 @!p1 $0x1082;
	[sflag:s4] =	ssyncset.s32 $0xFFFFF086  }
0x25: {  	[simem:s6], [sflag:s4] =	dma.local [hbm:s3], $0xF7A  }
0x26: {  	[smem:$0x3F9E] =	sst s1;
	(tag) =	ssettag s2;
	_ =	strace s9  }
0x27: {  	s1 =	sld [smem:$0x3FAE]  }
0x28: {  	s2 =	sld [smem:$0x3FAF]  }
0x29: {  	s4 =	sld [smem:$0x3FB1]  }
0x2a: {  	p0 =	seq.s32 s5, $0x0;
	s5 =	sld [smem:$0x3FB2]  }
0x2b: {  	s6 =	sld [smem:$0x3FB3]  }
0x2c: {  	s7 =	sld [smem:$0x3FB4]  }
0x2d: {  	s3 =	simm.s32 $0x108;
	s8 =	sld [smem:$0x3FB5]  }
0x2e: {  	s3 =	simm.s32 @!p0 $0x1082;
	s9 =	sld [smem:$0x3FB6]  }
0x2f: {  	lr =	sadd.s32 s0, s3;
	s0 =	sld [smem:$0x3FAD]  }
0x30: {  	s3 =	sld [smem:$0x3FB0]  }
0x31: {  	[smem:$0x3FB9] =	sst s10  }
0x32: {  	s10 =	sld [smem:$0x3FB7];
	_ =	sdelay $0x3  }
0x33: {  	p0 =	seq.s32 s10, $0x1;
	s10 =	sld [smem:$0x3FB9];
	_ =	sdelay $0x3  }
0x34: {  	[smem:$0x3FB9] =	sst s10  }
0x35: {  	s10 =	sld [smem:$0x3FB8];
	_ =	sdelay $0x3  }
0x36: {  	p1 =	seq.s32 s10, $0x1;
	s10 =	sld [smem:$0x3FB9];
	_ =	sdelay $0x3  }
0x37: {  	[smem:$0x3FB9] =	sst s10  }
0x38: {  	s10 =	sld [smem:$0x3FBA]  }
0x39: {  	_ = 	snop;
	(pc) =	sbr.ind lr, $3  }
0x3a: {  	_ = 	snop  }
0x3b: {  	_ = 	snop  }
0x3c: {  	p2 =	seq.s32 s10, $0x1;
	s10 =	sld [smem:$0x3FB9]  }
0x3d: {  	_ =	shalt  }
0x3e: {  	_ =	shalt  }
0x3f: {  	_ =	shalt  }
0x40: {  	_ =	shalt  }
0x41: {  	_ =	shalt  }
0x42: {  	_ =	shalt  }
0x43: {  	_ =	shalt  }
0x44: {  	_ =	shalt  }
0x45: {  	_ =	shalt  }
0x46: {  	_ =	shalt  }
0x47: {  	_ =	shalt  }
0x48: {  	_ =	shalt  }
0x49: {  	_ =	shalt  }
0x4a: {  	_ =	shalt  }
0x4b: {  	_ =	shalt  }
0x4c: {  	_ =	shalt  }
0x4d: {  	_ =	shalt  }
0x4e: {  	_ =	shalt  }
0x4f: {  	_ =	shalt  }
0x50: {  	_ =	shalt  }
0x51: {  	_ =	shalt  }
0x52: {  	_ =	shalt  }
0x53: {  	_ =	shalt  }
0x54: {  	_ =	shalt  }
0x55: {  	_ =	shalt  }
0x56: {  	_ =	shalt  }
0x57: {  	_ =	shalt  }
0x58: {  	_ =	shalt  }
0x59: {  	_ =	shalt  }
0x5a: {  	_ =	shalt  }
0x5b: {  	_ =	shalt  }
0x5c: {  	_ =	shalt  }
0x5d: {  	_ =	shalt  }
0x5e: {  	_ =	shalt  }
0x5f: {  	_ =	shalt  }
0x60: {  	_ =	shalt  }
0x61: {  	_ =	shalt  }
0x62: {  	_ =	shalt  }
0x63: {  	_ =	shalt  }
0x64: {  	_ =	shalt  }
0x65: {  	_ =	shalt  }
0x66: {  	_ =	shalt  }
0x67: {  	_ =	shalt  }
0x68: {  	_ =	shalt  }
0x69: {  	_ =	shalt  }
0x6a: {  	_ =	shalt  }
0x6b: {  	_ =	shalt  }
0x6c: {  	_ =	shalt  }
0x6d: {  	_ =	shalt  }
0x6e: {  	_ =	shalt  }
0x6f: {  	_ =	shalt  }
0x70: {  	_ =	shalt  }
0x71: {  	_ =	shalt  }
0x72: {  	_ =	shalt  }
0x73: {  	_ =	shalt  }
0x74: {  	_ =	shalt  }
0x75: {  	_ =	shalt  }
0x76: {  	_ =	shalt  }
0x77: {  	_ =	shalt  }
0x78: {  	_ =	shalt  }
0x79: {  	_ =	shalt  }
0x7a: {  	_ =	shalt  }
0x7b: {  	_ =	shalt  }
0x7c: {  	_ =	shalt  }
0x7d: {  	_ =	shalt  }
0x7e: {  	_ =	shalt  }
0x7f: {  	_ =	shalt  }
0x80: {  	_ =	shalt  }
0x81: {  	_ =	shalt  }
0x82: {  	_ =	shalt  }
0x83: {  	_ =	shalt  }
0x84: {  	_ =	shalt  }
0x85: {  	_ =	shalt  }
0x86: {  	_ =	shalt  }
0x87: {  	_ =	shalt  }
.Lfunc_end0:
.L_simem_size_0:
called_computation_lowered:
.L_overlay_start_0:
0x88: {  	s2 =	sld [smem:$0x3FD9]  }
0x89: {  	s3 =	sld [smem:$0x3FFE];
	_ =	sdelay $0x1  }
0x8a: {  	s1 =	srdreg.scid  }
0x8b: {  	s0 =	sand.u32 $0x1, s1  }
0x8c: {  	s17 =	sshll.u32 s0, $0xA;
	s2 =	sadd.s32 s3, s2  }
0x8d: {  	s2 =	sadd.s32 s2, s17  }
0x8e: {  	[smem:$0x3FC5] =	sst s2  }
0x8f: {  	_ = 	snop  }
0x90: {  	s2 =	sld [smem:$0x3FD0];
	(tm) =	ssettm $0x1  }
0x91: {  	s18 =	sld [smem:$0x3FFB];
	_ =	sdelay $0x3  }
0x92: {  	_ =	strace s18  }
0x93: {  	s3 =	sld [smem:$0x3FFC];
	_ =	sdelay $0x3  }
0x94: {  	_ =	strace s3  }
0x95: {  	s3 =	sld [smem:$0x3FFD];
	_ =	sdelay $0x3  }
0x96: {  	_ =	strace s3  }
0x97: {  	_ =	strace $0x8FFFFFFF  }
0x98: {  	s19 =	sld [smem:$0x3FDB];
	_ =	sdelay $0x1  }
0x99: {  	s4 =	simm.s32 $_scs_section_size  }
0x9a: {  	s5 =	simm.s32 $_size__tile_overlayer_lowered;
	s6 =	simm.s32 $_tile_overlayer_lowered  }
0x9b: {  	s22 =	simm.s32 $0x1BFF;
	s21 =	sshll.u32 s6, $0x1;
	s3 =	sadd.s32 s4, s19  }
0x9c: {  	s7 =	simm.s32 $0x0;
	s20 =	sshll.u32 s5, $0x1;
	s5 =	sadd.s32 s21, s3  }
0x9d: {  	[timem:s7], [sflag:s22] =	dma.local [hbm:s5], s20  }
0x9e: {  	_ =	swait.ge [sflag:s22], s20  }
0x9f: {  	s4 =	ssub.s32 $0x0, s20;
	[sflag:s22] =	ssyncset.done $0x0  }
0xa0: {  	[sflag:s22] =	ssyncadd.s32 s4;
	_ =	sdelay $0x1  }
0xa1: {  	s23 =	simm.s32 $0x1B8B  }
0xa2: {  	_ =	swait.ge [sflag:s23], $0x1  }
0xa3: {  	[sflag:s23] =	ssyncset.done $0x0  }
0xa4: {  	s25 =	simm.s32 $0x1B8E;
	s24 =	sld [smem:$0x3FFE];
	[sflag:s23] =	ssyncadd.s32 $0xFFFFFFFF  }
0xa5: {  	s26 =	simm.s32 $execute0_lowered;
	[smem:$0x3FD2] =	sst s25  }
0xa6: {  	s5 =	sshll.u32 s26, $0x1;
	_ =	strace $0x80000046;
	[dreg:$0x1] =	wrdreg $0xFFFFFFFF  }
0xa7: {  	s28 =	simm.s32 $_size_execute0_lowered;
	s3 =	sadd.s32 s3, s5;
	[dreg:$0x0] =	wrdreg $0x0  }
0xa8: {  	s5 =	sshll.u32 s28, $0x1;
	[dreg:$0x2] =	wrdreg s3  }
0xa9: {  	[dreg:$0x3] =	wrdreg s5  }
0xaa: {  	[dreg:$0x4] =	wrdreg $0xC0  }
0xab: {  	_ =	task [dreg:s7], $0x5FFFF  }
0xac: {  	[dreg:$0x1] =	wrdreg $0xFFFFFFFF  }
0xad: {  	[dreg:$0x0] =	wrdreg $0x60  }
0xae: {  	[dreg:$0x2] =	wrdreg s24  }
0xaf: {  	[dreg:$0x3] =	wrdreg s2  }
0xb0: {  	[dreg:$0x4] =	wrdreg $0x9  }
0xb1: {  	_ =	task.clear_ibuf [dreg:s7], $0x5FFFF;
	_ =	strace $0x90000046  }
0xb2: {  	s29 =	simm.s32 $0x9;
	_ =	strace $0x80000048  }
0xb3: {  	_ =	swait.ge [sflag:s29], $0x1  }
0xb4: {  	[sflag:s29] =	ssyncadd.s32 $0xFFFFFFFF  }
0xb5: {  	_ =	strace $0x90000048  }
0xb6: {  	_ =	sfence  }
0xb7: {  	s30 =	sld [smem:$0x0];
	_ =	sdelay $0x2  }
0xb8: {  	s31 =	sshll.u32 s1, $0xD;
	s1 =	sshrl.u32 s1, $0x2  }
0xb9: {  	s3 =	sand.u32 $0x4000, s31;
	s1 =	sadd.s32 s1, s30  }
0xba: {  	s0 =	sor.u32 s3, s0;
	s1 =	sshll.u32 s1, $0x11  }
0xbb: {  	s0 =	sor.u32 s1, s0  }
0xbc: {  	s0 =	sadd.s32 $0x8F2B, s0  }
0xbd: {  	[sflag:s0] =	ssyncadd.remote.s32 $0x1  }
0xbe: {  	_ =	sfence.sel $0xFFFF  }
0xbf: {  	[dreg:$0x0] =	wrdreg $0xFFFFFFFF;
	(pc) =	sbr.abs _section_cstart, $3  }
0xc0: {  	[dreg:$0x1] =	wrdreg $0xFFFFFFFF  }
0xc1: {  	_ =	task.clear_ibuf [dreg:s7], $0x2FFFF;
	_ =	strace $0x9FFFFFFF  }
0xc2: {  	(tm) =	ssettm $0x7FFFFFFF  }
0xc3: {  	_ =	shalt  }
tec
execute0_lowered:
.L_overlay_start_1:
0x0: {  	(tag) =	ssettag $0x1  }
0x1: {  	v27 =	vlaneseq.u32  }
0x2: {  	s0 =	rddreg [dreg:$0x0];
	s1 =	srdreg.scid;
	v0 =	vmul.u32 $0xC8, v27  }
0x3: {  	s3 =	stileid.u32;
	s2 =	rddreg [dreg:$0x1];
	s14 =	simm.s32 $0x200  }
0x4: {  	s17 =	simm.s32 $0x1;
	s20 =	simm.s32 $0xE800;
	s22 =	simm.s32 $0x2;
	v27 =	vmul.u32 $0x88, v27;
	v1 =	vadd.s32 $0xC80, v0;
	v2 =	vadd.s32 $0x1900, v0  }
0x5: {  	s23 =	simm.s32 $0x12C00;
	s28 =	simm.s32 $0x13BF0;
	s29 =	simm.s32 $0x139D0;
	v3 =	vadd.s32 $0x2580, v0;
	v4 =	vadd.s32 $0x3200, v0;
	v5 =	vadd.s32 $0x3E80, v0  }
0x6: {  	s30 =	simm.s32 $0x13948;
	s31 =	simm.s32 $0x138C0;
	s13 =	simm.s32 $0x16780;
	v6 =	vadd.s32 $0x4B00, v0;
	v7 =	vadd.s32 $0x5780, v0;
	v8 =	vor.u32 $0x1, v0  }
0x7: {  	s11 =	simm.s32 $0x16918;
	s16 =	simm.s32 $0x0;
	s1 =	sand.u32 $0x1, s1;
	v9 =	vadd.s32 $0xC81, v0;
	v10 =	vadd.s32 $0x1901, v0;
	v11 =	vadd.s32 $0x2581, v0  }
0x8: {  	s4 =	sshll.u32 s3, $0x1;
	s3 =	simm.s32 $0x0;
	s8 =	sadd.s32 $0x1000, s2;
	v12 =	vadd.s32 $0x3201, v0;
	v13 =	vadd.s32 $0x3E81, v0;
	v14 =	vadd.s32 $0x4B01, v0  }
0x9: {  	s9 =	sadd.s32 $0x2000, s2;
	s5 =	sor.u32 s1, s4;
	s1 =	ssub.s32 $0x2, s1;
	v15 =	vadd.s32 $0x5781, v0;
	v16 =	vor.u32 $0x2, v0;
	v17 =	vadd.s32 $0xC82, v0  }
0xa: {  	s10 =	sadd.s32 $0x3000, s2;
	[smem:$0x7FF] =	sst s3;
	s7 =	sshrl.u32 s1, $0x1;
	v18 =	vadd.s32 $0x1902, v0;
	v19 =	vadd.s32 $0x2582, v0;
	v20 =	vadd.s32 $0x3202, v0  }
0xb: {  	s4 =	smul.u32 $0xC80, s5;
	_ =	strace $0x80000047;
	v21 =	vadd.s32 $0x3E82, v0;
	v22 =	vadd.s32 $0x4B02, v0;
	v23 =	vadd.s32 $0x5782, v0;
	s25 =	ssub.s32 s1, s7  }
0xc: {  	v24 =	vor.u32 $0x3, v0;
	v25 =	vadd.s32 $0xC83, v0;
	v26 =	vadd.s32 $0x1903, v0;
	s7 =	sshll.u32 s5, $0xA;
	s1 =	simm.s32 $0x16A28;
	s5 =	simm.s32 $0x16808  }
0xd: {  	v28 =	vadd.s32 $0x2583, v0;
	v29 =	vadd.s32 $0x3203, v0;
	v30 =	vadd.s32 $0x3E83, v0;
	s6 =	sadd.s32 s4, s0;
	s4 =	sadd.s32 $0x19A00, s0;
	s0 =	sadd.s32 $0x600, s0  }
0xe: {  	v31 =	vadd.s32 $0x4B03, v0;
	v32 =	vadd.s32 $0x5783, v0;
	v33 =	vadd.s32 $0x880, v27;
	[dreg:$0x3] =	wrdreg s0;
	s26 =	sadd.s32 $0xA00, s6;
	s0 =	smax.u32 s25, $0x1  }
0xf: {  	v34 =	vadd.s32 $0x1100, v27;
	v35 =	vadd.s32 $0x1980, v27;
	v36 =	vadd.s32 $0x2200, v27;
	s25 =	simm.s32 $0x149C0;
	s6 =	simm.s32 $0x16890;
	[dreg:$0x4] =	wrdreg s26  }
0x10: {  	v37 =	vadd.s32 $0x2A80, v27;
	v38 =	vadd.s32 $0x3300, v27;
	v39 =	vadd.s32 $0x3B80, v27;
	[dreg:$0x5] =	wrdreg s0;
	s26 =	simm.s32 $0x13C78;
	s0 =	simm.s32 $0x169A0  }
.LBB2_1:
0x11: {  	[dreg:$0x6] =	wrdreg s16  }
0x12: {  	s12 =	rddreg [dreg:$0x4];
	s15 =	simm.s32 $0x5  }
0x13: {  	[tilespmem:s3], [sflag:$0x5] =	stream.linear.gather [hbm4b:s12+s3], $0x6400, $0x38;
	[tilespmem:$0x18900] =	vst v63  }
0x14: {  	_ =	swait.ge [sflag:s15], $0x6400  }
0x15: {  	[sflag:s15] =	ssyncset.done $0x0  }
0x16: {  	s19 =	simm.s32 $0x17000;
	s18 =	rddreg [dreg:$0x3];
	[sflag:s15] =	ssyncadd.s32 $0xFFFF9C00  }
0x17: {  	[tilespmem:s19], [sflag:$0x5] =	stream.linear.gather [hbm4b:s18+s3], $0x1900, $0x38;
	[tilespmem:$0x18900] =	vst v63  }
0x18: {  	_ =	swait.ge [sflag:s15], $0x1900  }
0x19: {  	[sflag:s15] =	ssyncset.done $0x0  }
0x1a: {  	[sflag:s15] =	ssyncadd.s32 $0xFFFFE700  }
0x1b: {  	v40 =	vld.idx.msk [tilespmem:v0+s3+$0x0], $0xffff;
	_ =	sdelay $0x4  }
0x1c: {  	[tilespmem:$0x6400] =	vst v40  }
0x1d: {  	v40 =	vld.idx.msk [tilespmem:v1+s3+$0x0], $0xffff;
	_ =	sdelay $0x4  }
0x1e: {  	[tilespmem:$0x6410] =	vst v40  }
0x1f: {  	v40 =	vld.idx.msk [tilespmem:v2+s3+$0x0], $0xffff;
	_ =	sdelay $0x4  }
0x20: {  	[tilespmem:$0x6420] =	vst v40  }
0x21: {  	v40 =	vld.idx.msk [tilespmem:v3+s3+$0x0], $0xffff;
	_ =	sdelay $0x4  }
0x22: {  	[tilespmem:$0x6430] =	vst v40  }
0x23: {  	v40 =	vld.idx.msk [tilespmem:v4+s3+$0x0], $0xffff;
	_ =	sdelay $0x4  }
0x24: {  	[tilespmem:$0x6440] =	vst v40  }
0x25: {  	v40 =	vld.idx.msk [tilespmem:v5+s3+$0x0], $0xffff;
	_ =	sdelay $0x4  }
0x26: {  	[tilespmem:$0x6450] =	vst v40  }
0x27: {  	v40 =	vld.idx.msk [tilespmem:v6+s3+$0x0], $0xffff;
	_ =	sdelay $0x4  }
0x28: {  	[tilespmem:$0x6460] =	vst v40  }
0x29: {  	v40 =	vld.idx.msk [tilespmem:v7+s3+$0x0], $0xffff;
	_ =	sdelay $0x4  }
0x2a: {  	[tilespmem:$0x6470] =	vst v40  }
0x2b: {  	v40 =	vld.idx.msk [tilespmem:v8+s3+$0x0], $0xffff;
	_ =	sdelay $0x4  }
0x2c: {  	[tilespmem:$0x6480] =	vst v40  }
0x2d: {  	v40 =	vld.idx.msk [tilespmem:v9+s3+$0x0], $0xffff;
	_ =	sdelay $0x4  }
0x2e: {  	[tilespmem:$0x6490] =	vst v40  }
0x2f: {  	v40 =	vld.idx.msk [tilespmem:v10+s3+$0x0], $0xffff;
	_ =	sdelay $0x4  }
0x30: {  	[tilespmem:$0x64A0] =	vst v40  }
0x31: {  	v40 =	vld.idx.msk [tilespmem:v11+s3+$0x0], $0xffff;
	_ =	sdelay $0x4  }
0x32: {  	[tilespmem:$0x64B0] =	vst v40  }
0x33: {  	v40 =	vld.idx.msk [tilespmem:v12+s3+$0x0], $0xffff;
	_ =	sdelay $0x4  }
0x34: {  	[tilespmem:$0x64C0] =	vst v40  }
0x35: {  	v40 =	vld.idx.msk [tilespmem:v13+s3+$0x0], $0xffff;
	_ =	sdelay $0x4  }
0x36: {  	[tilespmem:$0x64D0] =	vst v40  }
0x37: {  	v40 =	vld.idx.msk [tilespmem:v14+s3+$0x0], $0xffff;
	_ =	sdelay $0x4  }
0x38: {  	[tilespmem:$0x64E0] =	vst v40  }
0x39: {  	v40 =	vld.idx.msk [tilespmem:v15+s3+$0x0], $0xffff;
	_ =	sdelay $0x4  }
0x3a: {  	[tilespmem:$0x64F0] =	vst v40  }
0x3b: {  	v40 =	vld.idx.msk [tilespmem:v16+s3+$0x0], $0xffff;
	_ =	sdelay $0x4  }
0x3c: {  	[tilespmem:$0x6500] =	vst v40  }
0x3d: {  	v40 =	vld.idx.msk [tilespmem:v17+s3+$0x0], $0xffff;
	_ =	sdelay $0x4  }
0x3e: {  	[tilespmem:$0x6510] =	vst v40  }
0x3f: {  	v40 =	vld.idx.msk [tilespmem:v18+s3+$0x0], $0xffff;
	_ =	sdelay $0x4  }
0x40: {  	[tilespmem:$0x6520] =	vst v40  }
0x41: {  	v40 =	vld.idx.msk [tilespmem:v19+s3+$0x0], $0xffff;
	_ =	sdelay $0x4  }
0x42: {  	[tilespmem:$0x6530] =	vst v40  }
0x43: {  	v40 =	vld.idx.msk [tilespmem:v20+s3+$0x0], $0xffff;
	_ =	sdelay $0x4  }
0x44: {  	[tilespmem:$0x6540] =	vst v40  }
0x45: {  	v40 =	vld.idx.msk [tilespmem:v21+s3+$0x0], $0xffff;
	_ =	sdelay $0x4  }
0x46: {  	[tilespmem:$0x6550] =	vst v40  }
0x47: {  	v40 =	vld.idx.msk [tilespmem:v22+s3+$0x0], $0xffff;
	_ =	sdelay $0x4  }
0x48: {  	[tilespmem:$0x6560] =	vst v40  }
0x49: {  	v40 =	vld.idx.msk [tilespmem:v23+s3+$0x0], $0xffff;
	_ =	sdelay $0x4  }
0x4a: {  	[tilespmem:$0x6570] =	vst v40  }
0x4b: {  	v40 =	vld.idx.msk [tilespmem:v24+s3+$0x0], $0xffff;
	_ =	sdelay $0x4  }
0x4c: {  	[tilespmem:$0x6580] =	vst v40  }
0x4d: {  	v40 =	vld.idx.msk [tilespmem:v25+s3+$0x0], $0xffff;
	_ =	sdelay $0x4  }
0x4e: {  	[tilespmem:$0x6590] =	vst v40  }
0x4f: {  	v40 =	vld.idx.msk [tilespmem:v26+s3+$0x0], $0xffff;
	_ =	sdelay $0x4  }
0x50: {  	[tilespmem:$0x65A0] =	vst v40  }
0x51: {  	v40 =	vld.idx.msk [tilespmem:v28+s3+$0x0], $0xffff;
	_ =	sdelay $0x4  }
0x52: {  	[tilespmem:$0x65B0] =	vst v40  }
0x53: {  	v40 =	vld.idx.msk [tilespmem:v29+s3+$0x0], $0xffff;
	_ =	sdelay $0x4  }
0x54: {  	[tilespmem:$0x65C0] =	vst v40  }
0x55: {  	v40 =	vld.idx.msk [tilespmem:v30+s3+$0x0], $0xffff;
	_ =	sdelay $0x4  }
0x56: {  	[tilespmem:$0x65D0] =	vst v40  }
0x57: {  	v40 =	vld.idx.msk [tilespmem:v31+s3+$0x0], $0xffff;
	_ =	sdelay $0x4  }
0x58: {  	[tilespmem:$0x65E0] =	vst v40  }
0x59: {  	v40 =	vld.idx.msk [tilespmem:v32+s3+$0x0], $0xffff;
	_ =	sdelay $0x4  }
0x5a: {  	s21 =	simm.s32 $0x6400;
	s24 =	simm.s32 $0x6800;
	s12 =	simm.s32 $0x0;
	[tilespmem:$0x65F0] =	vst v40  }
0x5b: {  	[tilespmem:s24], [sflag:$0x1] =	stream.indirect.gather [hbm4b:s4+s14], $0x20, s21, s14, $0xb8;
	[tilespmem:$0x18900] =	vst v63  }
.LBB2_2:
0x5c: {  	s15 =	sshllo.u32 s12, $0x1  }
0x5d: {  	s16 =	sshll.u32 s15, $0x2  }
0x5e: {  	v40 =	vadd.s32 s16, v0;
	_ =	sdelay $0x1  }
0x5f: {  	_ =	swait.ge [sflag:s17], $0x4000  }
0x60: {  	[sflag:s17] =	ssyncset.done $0x0  }
0x61: {  	[sflag:s17] =	ssyncadd.s32 $0xFFFFC000  }
0x62: {  	v40 =	vld.idx.msk [tilespmem:v40+s3+$0x0], $0xffff  }
0x63: {  	v41 =	vadd.s32 s16, v1;
	_ =	sdelay $0x3  }
0x64: {  	[tilespmem:$0x6600] =	vst v40  }
0x65: {  	v40 =	vld.idx.msk [tilespmem:v41+s3+$0x0], $0xffff  }
0x66: {  	v54 =	vadd.s32 s16, v2;
	_ =	sdelay $0x3  }
0x67: {  	[tilespmem:$0x6610] =	vst v40  }
0x68: {  	v40 =	vld.idx.msk [tilespmem:v54+s3+$0x0], $0xffff  }
0x69: {  	v55 =	vadd.s32 s16, v3;
	_ =	sdelay $0x3  }
0x6a: {  	[tilespmem:$0x6620] =	vst v40  }
0x6b: {  	v40 =	vld.idx.msk [tilespmem:v55+s3+$0x0], $0xffff  }
0x6c: {  	v56 =	vadd.s32 s16, v4;
	_ =	sdelay $0x3  }
0x6d: {  	[tilespmem:$0x6630] =	vst v40  }
0x6e: {  	v40 =	vld.idx.msk [tilespmem:v56+s3+$0x0], $0xffff  }
0x6f: {  	v57 =	vadd.s32 s16, v5;
	_ =	sdelay $0x3  }
0x70: {  	[tilespmem:$0x6640] =	vst v40  }
0x71: {  	v40 =	vld.idx.msk [tilespmem:v57+s3+$0x0], $0xffff  }
0x72: {  	v58 =	vadd.s32 s16, v6;
	_ =	sdelay $0x3  }
0x73: {  	[tilespmem:$0x6650] =	vst v40  }
0x74: {  	v40 =	vld.idx.msk [tilespmem:v58+s3+$0x0], $0xffff  }
0x75: {  	v59 =	vadd.s32 s16, v7;
	_ =	sdelay $0x3  }
0x76: {  	[tilespmem:$0x6660] =	vst v40  }
0x77: {  	s18 =	sor.u32 $0x1, s16;
	v40 =	vld.idx.msk [tilespmem:v59+s3+$0x0], $0xffff  }
0x78: {  	v60 =	vadd.s32 s18, v0;
	_ =	sdelay $0x3  }
0x79: {  	[tilespmem:$0x6670] =	vst v40  }
0x7a: {  	v40 =	vld.idx.msk [tilespmem:v60+s3+$0x0], $0xffff  }
0x7b: {  	v61 =	vadd.s32 s18, v1;
	_ =	sdelay $0x3  }
0x7c: {  	[tilespmem:$0x6680] =	vst v40  }
0x7d: {  	v40 =	vld.idx.msk [tilespmem:v61+s3+$0x0], $0xffff  }
0x7e: {  	v62 =	vadd.s32 s18, v2;
	_ =	sdelay $0x3  }
0x7f: {  	[tilespmem:$0x6690] =	vst v40  }
0x80: {  	v40 =	vld.idx.msk [tilespmem:v62+s3+$0x0], $0xffff  }
0x81: {  	v63 =	vadd.s32 s18, v3;
	_ =	sdelay $0x3  }
0x82: {  	[tilespmem:$0x66A0] =	vst v40  }
0x83: {  	v40 =	vld.idx.msk [tilespmem:v63+s3+$0x0], $0xffff  }
0x84: {  	v44 =	vadd.s32 s18, v4;
	_ =	sdelay $0x3  }
0x85: {  	[tilespmem:$0x66B0] =	vst v40  }
0x86: {  	v40 =	vld.idx.msk [tilespmem:v44+s3+$0x0], $0xffff  }
0x87: {  	v45 =	vadd.s32 s18, v5;
	_ =	sdelay $0x3  }
0x88: {  	[tilespmem:$0x66C0] =	vst v40  }
0x89: {  	v40 =	vld.idx.msk [tilespmem:v45+s3+$0x0], $0xffff  }
0x8a: {  	v46 =	vadd.s32 s18, v6;
	_ =	sdelay $0x3  }
0x8b: {  	[tilespmem:$0x66D0] =	vst v40  }
0x8c: {  	v40 =	vld.idx.msk [tilespmem:v46+s3+$0x0], $0xffff  }
0x8d: {  	v47 =	vadd.s32 s18, v7;
	_ =	sdelay $0x3  }
0x8e: {  	[tilespmem:$0x66E0] =	vst v40  }
0x8f: {  	s16 =	sor.u32 $0x2, s16;
	v40 =	vld.idx.msk [tilespmem:v47+s3+$0x0], $0xffff  }
0x90: {  	v48 =	vadd.s32 s16, v0;
	_ =	sdelay $0x3  }
0x91: {  	[tilespmem:$0x66F0] =	vst v40  }
0x92: {  	v40 =	vld.idx.msk [tilespmem:v48+s3+$0x0], $0xffff  }
0x93: {  	v49 =	vadd.s32 s16, v1;
	_ =	sdelay $0x3  }
0x94: {  	[tilespmem:$0x6700] =	vst v40  }
0x95: {  	v40 =	vld.idx.msk [tilespmem:v49+s3+$0x0], $0xffff  }
0x96: {  	v50 =	vadd.s32 s16, v2;
	_ =	sdelay $0x3  }
0x97: {  	[tilespmem:$0x6710] =	vst v40  }
0x98: {  	v40 =	vld.idx.msk [tilespmem:v50+s3+$0x0], $0xffff  }
0x99: {  	v51 =	vadd.s32 s16, v3;
	_ =	sdelay $0x3  }
0x9a: {  	[tilespmem:$0x6720] =	vst v40  }
0x9b: {  	v40 =	vld.idx.msk [tilespmem:v51+s3+$0x0], $0xffff  }
0x9c: {  	v52 =	vadd.s32 s16, v4;
	_ =	sdelay $0x3  }
0x9d: {  	[tilespmem:$0x6730] =	vst v40  }
0x9e: {  	v40 =	vld.idx.msk [tilespmem:v52+s3+$0x0], $0xffff  }
0x9f: {  	v53 =	vadd.s32 s16, v5;
	_ =	sdelay $0x3  }
0xa0: {  	[tilespmem:$0x6740] =	vst v40  }
0xa1: {  	v40 =	vld.idx.msk [tilespmem:v53+s3+$0x0], $0xffff  }
0xa2: {  	v54 =	vadd.s32 s16, v6;
	_ =	sdelay $0x3  }
0xa3: {  	[tilespmem:$0x6750] =	vst v40  }
0xa4: {  	v40 =	vld.idx.msk [tilespmem:v54+s3+$0x0], $0xffff  }
0xa5: {  	v55 =	vadd.s32 s16, v7;
	_ =	sdelay $0x3  }
0xa6: {  	[tilespmem:$0x6760] =	vst v40  }
0xa7: {  	s24 =	sshllo.u32 s15, $0x2;
	v40 =	vld.idx.msk [tilespmem:v55+s3+$0x0], $0xffff  }
0xa8: {  	v56 =	vadd.s32 s24, v0;
	_ =	sdelay $0x3  }
0xa9: {  	[tilespmem:$0x6770] =	vst v40  }
0xaa: {  	v40 =	vld.idx.msk [tilespmem:v56+s3+$0x0], $0xffff  }
0xab: {  	v57 =	vadd.s32 s24, v1;
	_ =	sdelay $0x3  }
0xac: {  	[tilespmem:$0x6780] =	vst v40  }
0xad: {  	v40 =	vld.idx.msk [tilespmem:v57+s3+$0x0], $0xffff  }
0xae: {  	v58 =	vadd.s32 s24, v2;
	_ =	sdelay $0x3  }
0xaf: {  	[tilespmem:$0x6790] =	vst v40  }
0xb0: {  	v40 =	vld.idx.msk [tilespmem:v58+s3+$0x0], $0xffff  }
0xb1: {  	v59 =	vadd.s32 s24, v3;
	_ =	sdelay $0x3  }
0xb2: {  	[tilespmem:$0x67A0] =	vst v40  }
0xb3: {  	v40 =	vld.idx.msk [tilespmem:v59+s3+$0x0], $0xffff  }
0xb4: {  	v60 =	vadd.s32 s24, v4;
	_ =	sdelay $0x3  }
0xb5: {  	[tilespmem:$0x67B0] =	vst v40  }
0xb6: {  	v40 =	vld.idx.msk [tilespmem:v60+s3+$0x0], $0xffff  }
0xb7: {  	v61 =	vadd.s32 s24, v5;
	_ =	sdelay $0x3  }
0xb8: {  	[tilespmem:$0x67C0] =	vst v40  }
0xb9: {  	v40 =	vld.idx.msk [tilespmem:v61+s3+$0x0], $0xffff  }
0xba: {  	v62 =	vadd.s32 s24, v6;
	_ =	sdelay $0x3  }
0xbb: {  	[tilespmem:$0x67D0] =	vst v40  }
0xbc: {  	v40 =	vld.idx.msk [tilespmem:v62+s3+$0x0], $0xffff  }
0xbd: {  	v63 =	vadd.s32 s24, v7;
	_ =	sdelay $0x3  }
0xbe: {  	[tilespmem:$0x67E0] =	vst v40  }
0xbf: {  	v40 =	vld.idx.msk [tilespmem:v63+s3+$0x0], $0xffff;
	_ =	sdelay $0x3  }
0xc0: {  	p0 =	seq.s32 s12, $0x0  }
0xc1: {  	s16 =	simm.s32 @!p0 $0x3;
	[tilespmem:$0x67F0] =	vst v40  }
0xc2: {  	_ =	swait.ge @!p0 [sflag:s16], $0x1000  }
0xc3: {  	[sflag:s16] =	ssyncset.done @!p0 $0x0  }
0xc4: {  	[sflag:s16] =	ssyncadd.s32 @!p0 $0xFFFFF000  }
0xc5: {  	_ =	swait.ge @!p0 [sflag:s16], $0x1000  }
0xc6: {  	[sflag:s16] =	ssyncset.done @!p0 $0x0  }
0xc7: {  	[sflag:s16] =	ssyncadd.s32 @!p0 $0xFFFFF000  }
0xc8: {  	_ =	swait.ge @!p0 [sflag:s16], $0x1000  }
0xc9: {  	[sflag:s16] =	ssyncset.done @!p0 $0x0  }
0xca: {  	[sflag:s16] =	ssyncadd.s32 @!p0 $0xFFFFF000  }
0xcb: {  	_ =	swait.ge @!p0 [sflag:s16], $0x1000  }
0xcc: {  	s19 =	simm.s32 $0xA800;
	s21 =	sshll.u32 s12, $0x8;
	[sflag:s16] =	ssyncset.done @!p0 $0x0  }
0xcd: {  	s18 =	simm.s32 $0x6600;
	[sflag:s16] =	ssyncadd.s32 @!p0 $0xFFFFF000;
	s16 =	sand.u32 $0x3FFFFF00, s21  }
0xce: {  	[tilespmem:s19], [sflag:$0x2] =	stream.indirect.gather [hbm4b:s4+s14], $0x20, s18, s14, $0xb8;
	[tilespmem:$0x18900] =	vst v63  }
0xcf: {  	v41 =	vld [tilespmem:s16+$0x17000]  }
0xd0: {  	s18 =	simm.s32 $0x6840;
	s19 =	simm.s32 $0x3;
	v40 =	vld [tilespmem:s16+$0x17010]  }
0xd1: {  	v42 =	vmov s19;
	v44 =	vld [tilespmem:s18+$0x20]  }
0xd2: {  	s24 =	simm.s32 $0x0;
	v46 =	vld [tilespmem:s18+$0x30];
	v42 =	vand.u32 $0x7F, v42  }
0xd3: {  	v43 =	vmov s24;
	v47 =	vld [tilespmem:s18+$0xFFFFFFC0];
	v49 =	vadd.s32 v27, v42  }
0xd4: {  	v43 =	vand.u32 $0x7C, v43;
	s21 =	simm.s32 $0x1;
	v51 =	vld [tilespmem:s18+$0xFFFFFFD0];
	v56 =	vadd.s32 v33, v42  }
0xd5: {  	v48 =	vadd.s32 v27, v43;
	v45 =	vmov s21;
	v50 =	vld [tilespmem:s18+$0xFFFFFFE0]  }
0xd6: {  	s24 =	simm.s32 $0x2;
	v53 =	vand.u32 $0x7D, v45;
	v42 =	vadd.s32 v33, v43;
	v43 =	vld [tilespmem:s18+$0xFFFFFFF0];
	v54 =	vadd.f32 v44, v41  }
0xd7: {  	v55 =	vmov s24;
	v45 =	vld [tilespmem:s18+$0x0];
	v44 =	vadd.s32 v27, v53;
	v57 =	vadd.f32 v46, v40  }
0xd8: {  	s21 =	simm.s32 $0x7;
	v52 =	vadd.f32 v47, v41;
	v46 =	vadd.s32 v33, v53;
	v47 =	vld [tilespmem:s18+$0x10];
	v53 =	vand.u32 $0x7E, v55;
	s18 =	simm.s32 $0x68C0;
	[tilespmem:v49+s20+$0x0] =	vst.idx.msk $0xffff, v54  }
0xd9: {  	s19 =	simm.s32 $0x4;
	v55 =	vmov s21;
	s21 =	simm.s32 $0x8;
	v49 =	vld [tilespmem:s18+$0x20];
	v54 =	vadd.f32 v51, v40;
	v51 =	vadd.s32 v27, v53;
	[tilespmem:v56+s20+$0x0] =	vst.idx.msk $0xffff, v57  }
.LBB2_3:
0xda: {  	p0 =	slt.u32 s21, $0x7C;
	v56 =	vld [tilespmem:s18+$0x30];
	v55 =	vand.u32 $0x7F, v55;
	[tilespmem:v48+s20+$0x0] =	vst.idx.msk $0xffff, v52;
	v48 =	vadd.f32 v50, v41;
	v52 =	vadd.s32 v33, v53  }
0xdb: {  	v50 =	vmov s19;
	v53 =	vld [tilespmem:s18+$0xFFFFFFC0];
	v57 =	vadd.s32 v27, v55;
	[tilespmem:v42+s20+$0x0] =	vst.idx.msk $0xffff, v54;
	v42 =	vadd.f32 v43, v40  }
0xdc: {  	s24 =	sadd.s32 $0x1, s19;
	v43 =	vand.u32 $0x7C, v50;
	v58 =	vadd.s32 v33, v55;
	v54 =	vld [tilespmem:s18+$0xFFFFFFD0];
	[tilespmem:v44+s20+$0x0] =	vst.idx.msk $0xffff, v48;
	v44 =	vadd.f32 v45, v41  }
.Ltmp0:
0xdd: {  	v48 =	vadd.s32 v27, v43;
	v45 =	vmov s24;
	v50 =	vld [tilespmem:s18+$0xFFFFFFE0];
	[tilespmem:v46+s20+$0x0] =	vst.idx.msk $0xffff, v42;
	v46 =	vadd.f32 v47, v40;
	(pc) =	sbr.rel @p0 .LBB2_3-.Ltmp0, $4  }
0xde: {  	s24 =	sadd.s32 $0x2, s19;
	s19 =	smov.u32 s21;
	v42 =	vadd.s32 v33, v43;
	v47 =	vand.u32 $0x7D, v45;
	v43 =	vld [tilespmem:s18+$0xFFFFFFF0];
	v49 =	vadd.f32 v49, v41;
	[tilespmem:v51+s20+$0x0] =	vst.idx.msk $0xffff, v44  }
0xdf: {  	v44 =	vadd.s32 v27, v47;
	v51 =	vmov s24;
	v45 =	vld [tilespmem:s18+$0x0];
	v56 =	vadd.f32 v56, v40;
	[tilespmem:v52+s20+$0x0] =	vst.idx.msk $0xffff, v46  }
0xe0: {  	s24 =	sadd.s32 $0x3, s21;
	v46 =	vadd.s32 v33, v47;
	v52 =	vadd.f32 v53, v41;
	v47 =	vld [tilespmem:s18+$0x10];
	v53 =	vand.u32 $0x7E, v51;
	[tilespmem:v57+s20+$0x0] =	vst.idx.msk $0xffff, v49;
	s18 =	sadd.s32 $0x80, s18  }
0xe1: {  	s21 =	sadd.s32 $0x4, s21;
	v55 =	vmov s24;
	v49 =	vld [tilespmem:s18+$0x20];
	v54 =	vadd.f32 v54, v40;
	v51 =	vadd.s32 v27, v53;
	[tilespmem:v58+s20+$0x0] =	vst.idx.msk $0xffff, v56  }
0xe2: {  	_ =	sdelay $0x3  }
0xe3: {  	v56 =	vld [tilespmem:s18+$0x30];
	v55 =	vand.u32 $0x7F, v55;
	[tilespmem:v48+s20+$0x0] =	vst.idx.msk $0xffff, v52;
	v62 =	vadd.f32 v50, v41;
	v50 =	vadd.s32 v33, v53  }
0xe4: {  	v63 =	vmov s19;
	v53 =	vld [tilespmem:s18+$0xFFFFFFC0];
	v57 =	vadd.s32 v27, v55;
	[tilespmem:v42+s20+$0x0] =	vst.idx.msk $0xffff, v54;
	v59 =	vadd.f32 v43, v40  }
0xe5: {  	s21 =	sadd.s32 $0x1, s19;
	v43 =	vld [tilespmem:s18+$0xFFFFFFD0];
	v52 =	vand.u32 $0x7C, v63;
	v54 =	vadd.s32 v33, v55;
	[tilespmem:v44+s20+$0x0] =	vst.idx.msk $0xffff, v62;
	v60 =	vadd.f32 v45, v41  }
0xe6: {  	v61 =	vmov s21;
	v55 =	vld [tilespmem:s18+$0xFFFFFFE0];
	v45 =	vadd.s32 v27, v52;
	[tilespmem:v46+s20+$0x0] =	vst.idx.msk $0xffff, v59;
	v62 =	vadd.f32 v47, v40  }
0xe7: {  	s21 =	sadd.s32 $0x2, s19;
	v48 =	vand.u32 $0x7D, v61;
	v46 =	vadd.s32 v33, v52;
	v47 =	vld [tilespmem:s18+$0xFFFFFFF0];
	v49 =	vadd.f32 v49, v41;
	[tilespmem:v51+s20+$0x0] =	vst.idx.msk $0xffff, v60  }
0xe8: {  	v63 =	vmov s21;
	v44 =	vadd.s32 v27, v48;
	v52 =	vld [tilespmem:s18+$0x0];
	v56 =	vadd.f32 v56, v40;
	[tilespmem:v50+s20+$0x0] =	vst.idx.msk $0xffff, v62  }
0xe9: {  	v61 =	vld [tilespmem:s18+$0x10];
	v48 =	vadd.s32 v33, v48;
	v51 =	vand.u32 $0x7E, v63;
	v60 =	vadd.f32 v53, v41;
	[tilespmem:v57+s20+$0x0] =	vst.idx.msk $0xffff, v49  }
0xea: {  	v62 =	vadd.s32 v27, v51;
	v43 =	vadd.f32 v43, v40;
	[tilespmem:v54+s20+$0x0] =	vst.idx.msk $0xffff, v56  }
0xeb: {  	v53 =	vadd.s32 v33, v51;
	v63 =	vadd.f32 v55, v41;
	[tilespmem:v45+s20+$0x0] =	vst.idx.msk $0xffff, v60  }
0xec: {  	[tilespmem:v46+s20+$0x0] =	vst.idx.msk $0xffff, v43;
	v54 =	vadd.f32 v47, v40  }
0xed: {  	[tilespmem:v44+s20+$0x0] =	vst.idx.msk $0xffff, v63;
	v55 =	vadd.f32 v52, v41  }
0xee: {  	v56 =	vadd.f32 v61, v40;
	[tilespmem:v48+s20+$0x0] =	vst.idx.msk $0xffff, v54  }
0xef: {  	[tilespmem:v62+s20+$0x0] =	vst.idx.msk $0xffff, v55  }
0xf0: {  	[tilespmem:v53+s20+$0x0] =	vst.idx.msk $0xffff, v56  }
0xf1: {  	v41 =	vld [tilespmem:s16+$0x17020]  }
0xf2: {  	s24 =	simm.s32 $0x3;
	s18 =	simm.s32 $0x7870;
	v40 =	vld [tilespmem:s16+$0x17030]  }
0xf3: {  	v57 =	vmov s24;
	v44 =	vld [tilespmem:s18+$0xFFFFFFF0]  }
0xf4: {  	s21 =	simm.s32 $0x0;
	v42 =	vand.u32 $0x7F, v57;
	v46 =	vld [tilespmem:s18+$0x0]  }
0xf5: {  	v58 =	vmov s21;
	v49 =	vadd.s32 v34, v42;
	v47 =	vld [tilespmem:s18+$0xFFFFFF90]  }
0xf6: {  	s24 =	simm.s32 $0x1;
	v43 =	vand.u32 $0x7C, v58;
	v56 =	vadd.s32 v35, v42;
	v51 =	vld [tilespmem:s18+$0xFFFFFFA0]  }
0xf7: {  	v59 =	vmov s24;
	v48 =	vadd.s32 v34, v43;
	v50 =	vld [tilespmem:s18+$0xFFFFFFB0]  }
0xf8: {  	s21 =	simm.s32 $0x2;
	v60 =	vand.u32 $0x7D, v59;
	v42 =	vadd.s32 v35, v43;
	v43 =	vld [tilespmem:s18+$0xFFFFFFC0];
	v61 =	vadd.f32 v44, v41  }
0xf9: {  	v62 =	vmov s21;
	v45 =	vld [tilespmem:s18+$0xFFFFFFD0];
	v44 =	vadd.s32 v34, v60;
	v63 =	vadd.f32 v46, v40  }
0xfa: {  	s24 =	simm.s32 $0x7;
	v53 =	vand.u32 $0x7E, v62;
	v52 =	vadd.f32 v47, v41;
	v46 =	vadd.s32 v35, v60;
	v47 =	vld [tilespmem:s18+$0xFFFFFFE0];
	s18 =	simm.s32 $0x78F0;
	[tilespmem:v49+s20+$0x0] =	vst.idx.msk $0xffff, v61  }
0xfb: {  	s19 =	simm.s32 $0x4;
	v55 =	vmov s24;
	s21 =	simm.s32 $0x8;
	v54 =	vadd.f32 v51, v40;
	v51 =	vadd.s32 v34, v53;
	v49 =	vld [tilespmem:s18+$0xFFFFFFF0];
	[tilespmem:v56+s20+$0x0] =	vst.idx.msk $0xffff, v63  }
.LBB2_5:
0xfc: {  	p0 =	slt.u32 s21, $0x7C;
	v56 =	vld [tilespmem:s18+$0x0];
	v55 =	vand.u32 $0x7F, v55;
	[tilespmem:v48+s20+$0x0] =	vst.idx.msk $0xffff, v52;
	v48 =	vadd.f32 v50, v41;
	v52 =	vadd.s32 v35, v53  }
0xfd: {  	v50 =	vmov s19;
	v53 =	vld [tilespmem:s18+$0xFFFFFF90];
	v57 =	vadd.s32 v34, v55;
	[tilespmem:v42+s20+$0x0] =	vst.idx.msk $0xffff, v54;
	v42 =	vadd.f32 v43, v40  }
0xfe: {  	s24 =	sadd.s32 $0x1, s19;
	v43 =	vand.u32 $0x7C, v50;
	v58 =	vadd.s32 v35, v55;
	v54 =	vld [tilespmem:s18+$0xFFFFFFA0];
	[tilespmem:v44+s20+$0x0] =	vst.idx.msk $0xffff, v48;
	v44 =	vadd.f32 v45, v41  }
.Ltmp1:
0xff: {  	v48 =	vadd.s32 v34, v43;
	v45 =	vmov s24;
	v50 =	vld [tilespmem:s18+$0xFFFFFFB0];
	[tilespmem:v46+s20+$0x0] =	vst.idx.msk $0xffff, v42;
	v46 =	vadd.f32 v47, v40;
	(pc) =	sbr.rel @p0 .LBB2_5-.Ltmp1, $4  }
0x100: {  	s24 =	sadd.s32 $0x2, s19;
	s19 =	smov.u32 s21;
	v42 =	vadd.s32 v35, v43;
	v47 =	vand.u32 $0x7D, v45;
	v43 =	vld [tilespmem:s18+$0xFFFFFFC0];
	v49 =	vadd.f32 v49, v41;
	[tilespmem:v51+s20+$0x0] =	vst.idx.msk $0xffff, v44  }
0x101: {  	v44 =	vadd.s32 v34, v47;
	v51 =	vmov s24;
	v45 =	vld [tilespmem:s18+$0xFFFFFFD0];
	v56 =	vadd.f32 v56, v40;
	[tilespmem:v52+s20+$0x0] =	vst.idx.msk $0xffff, v46  }
0x102: {  	s24 =	sadd.s32 $0x3, s21;
	v46 =	vadd.s32 v35, v47;
	v52 =	vadd.f32 v53, v41;
	v47 =	vld [tilespmem:s18+$0xFFFFFFE0];
	v53 =	vand.u32 $0x7E, v51;
	[tilespmem:v57+s20+$0x0] =	vst.idx.msk $0xffff, v49;
	s18 =	sadd.s32 $0x80, s18  }
0x103: {  	s21 =	sadd.s32 $0x4, s21;
	v55 =	vmov s24;
	v49 =	vld [tilespmem:s18+$0xFFFFFFF0];
	v54 =	vadd.f32 v54, v40;
	v51 =	vadd.s32 v34, v53;
	[tilespmem:v58+s20+$0x0] =	vst.idx.msk $0xffff, v56  }
0x104: {  	_ =	sdelay $0x3  }
0x105: {  	v56 =	vld [tilespmem:s18+$0x0];
	v55 =	vand.u32 $0x7F, v55;
	[tilespmem:v48+s20+$0x0] =	vst.idx.msk $0xffff, v52;
	v62 =	vadd.f32 v50, v41;
	v50 =	vadd.s32 v35, v53  }
0x106: {  	v63 =	vmov s19;
	v53 =	vld [tilespmem:s18+$0xFFFFFF90];
	v57 =	vadd.s32 v34, v55;
	[tilespmem:v42+s20+$0x0] =	vst.idx.msk $0xffff, v54;
	v59 =	vadd.f32 v43, v40  }
0x107: {  	s21 =	sadd.s32 $0x1, s19;
	v43 =	vld [tilespmem:s18+$0xFFFFFFA0];
	v52 =	vand.u32 $0x7C, v63;
	v54 =	vadd.s32 v35, v55;
	[tilespmem:v44+s20+$0x0] =	vst.idx.msk $0xffff, v62;
	v60 =	vadd.f32 v45, v41  }
0x108: {  	v61 =	vmov s21;
	v55 =	vld [tilespmem:s18+$0xFFFFFFB0];
	v45 =	vadd.s32 v34, v52;
	[tilespmem:v46+s20+$0x0] =	vst.idx.msk $0xffff, v59;
	v62 =	vadd.f32 v47, v40  }
0x109: {  	s21 =	sadd.s32 $0x2, s19;
	v48 =	vand.u32 $0x7D, v61;
	v46 =	vadd.s32 v35, v52;
	v47 =	vld [tilespmem:s18+$0xFFFFFFC0];
	v49 =	vadd.f32 v49, v41;
	[tilespmem:v51+s20+$0x0] =	vst.idx.msk $0xffff, v60  }
0x10a: {  	v63 =	vmov s21;
	v44 =	vadd.s32 v34, v48;
	v52 =	vld [tilespmem:s18+$0xFFFFFFD0];
	v56 =	vadd.f32 v56, v40;
	[tilespmem:v50+s20+$0x0] =	vst.idx.msk $0xffff, v62  }
0x10b: {  	v61 =	vld [tilespmem:s18+$0xFFFFFFE0];
	v48 =	vadd.s32 v35, v48;
	v51 =	vand.u32 $0x7E, v63;
	v60 =	vadd.f32 v53, v41;
	[tilespmem:v57+s20+$0x0] =	vst.idx.msk $0xffff, v49  }
0x10c: {  	v62 =	vadd.s32 v34, v51;
	v43 =	vadd.f32 v43, v40;
	[tilespmem:v54+s20+$0x0] =	vst.idx.msk $0xffff, v56  }
0x10d: {  	v53 =	vadd.s32 v35, v51;
	v63 =	vadd.f32 v55, v41;
	[tilespmem:v45+s20+$0x0] =	vst.idx.msk $0xffff, v60  }
0x10e: {  	[tilespmem:v46+s20+$0x0] =	vst.idx.msk $0xffff, v43;
	v54 =	vadd.f32 v47, v40  }
0x10f: {  	[tilespmem:v44+s20+$0x0] =	vst.idx.msk $0xffff, v63;
	v55 =	vadd.f32 v52, v41  }
0x110: {  	v56 =	vadd.f32 v61, v40;
	[tilespmem:v48+s20+$0x0] =	vst.idx.msk $0xffff, v54  }
0x111: {  	[tilespmem:v62+s20+$0x0] =	vst.idx.msk $0xffff, v55  }
0x112: {  	[tilespmem:v53+s20+$0x0] =	vst.idx.msk $0xffff, v56  }
0x113: {  	v41 =	vld [tilespmem:s16+$0x17040]  }
0x114: {  	s24 =	simm.s32 $0x3;
	s18 =	simm.s32 $0x8870;
	v40 =	vld [tilespmem:s16+$0x17050]  }
0x115: {  	v57 =	vmov s24;
	v44 =	vld [tilespmem:s18+$0xFFFFFFF0]  }
0x116: {  	s21 =	simm.s32 $0x0;
	v42 =	vand.u32 $0x7F, v57;
	v46 =	vld [tilespmem:s18+$0x0]  }
0x117: {  	v58 =	vmov s21;
	v49 =	vadd.s32 v36, v42;
	v47 =	vld [tilespmem:s18+$0xFFFFFF90]  }
0x118: {  	s24 =	simm.s32 $0x1;
	v43 =	vand.u32 $0x7C, v58;
	v56 =	vadd.s32 v37, v42;
	v51 =	vld [tilespmem:s18+$0xFFFFFFA0]  }
0x119: {  	v59 =	vmov s24;
	v48 =	vadd.s32 v36, v43;
	v50 =	vld [tilespmem:s18+$0xFFFFFFB0]  }
0x11a: {  	s21 =	simm.s32 $0x2;
	v60 =	vand.u32 $0x7D, v59;
	v42 =	vadd.s32 v37, v43;
	v43 =	vld [tilespmem:s18+$0xFFFFFFC0];
	v61 =	vadd.f32 v44, v41  }
0x11b: {  	v62 =	vmov s21;
	v45 =	vld [tilespmem:s18+$0xFFFFFFD0];
	v44 =	vadd.s32 v36, v60;
	v63 =	vadd.f32 v46, v40  }
0x11c: {  	s24 =	simm.s32 $0x7;
	v53 =	vand.u32 $0x7E, v62;
	v52 =	vadd.f32 v47, v41;
	v46 =	vadd.s32 v37, v60;
	v47 =	vld [tilespmem:s18+$0xFFFFFFE0];
	s18 =	simm.s32 $0x88F0;
	[tilespmem:v49+s20+$0x0] =	vst.idx.msk $0xffff, v61  }
0x11d: {  	s19 =	simm.s32 $0x4;
	v55 =	vmov s24;
	s21 =	simm.s32 $0x8;
	v54 =	vadd.f32 v51, v40;
	v51 =	vadd.s32 v36, v53;
	v49 =	vld [tilespmem:s18+$0xFFFFFFF0];
	[tilespmem:v56+s20+$0x0] =	vst.idx.msk $0xffff, v63  }
.LBB2_7:
0x11e: {  	p0 =	slt.u32 s21, $0x7C;
	v56 =	vld [tilespmem:s18+$0x0];
	v55 =	vand.u32 $0x7F, v55;
	[tilespmem:v48+s20+$0x0] =	vst.idx.msk $0xffff, v52;
	v48 =	vadd.f32 v50, v41;
	v52 =	vadd.s32 v37, v53  }
0x11f: {  	v50 =	vmov s19;
	v53 =	vld [tilespmem:s18+$0xFFFFFF90];
	v57 =	vadd.s32 v36, v55;
	[tilespmem:v42+s20+$0x0] =	vst.idx.msk $0xffff, v54;
	v42 =	vadd.f32 v43, v40  }
0x120: {  	s24 =	sadd.s32 $0x1, s19;
	v43 =	vand.u32 $0x7C, v50;
	v58 =	vadd.s32 v37, v55;
	v54 =	vld [tilespmem:s18+$0xFFFFFFA0];
	[tilespmem:v44+s20+$0x0] =	vst.idx.msk $0xffff, v48;
	v44 =	vadd.f32 v45, v41  }
.Ltmp2:
0x121: {  	v48 =	vadd.s32 v36, v43;
	v45 =	vmov s24;
	v50 =	vld [tilespmem:s18+$0xFFFFFFB0];
	[tilespmem:v46+s20+$0x0] =	vst.idx.msk $0xffff, v42;
	v46 =	vadd.f32 v47, v40;
	(pc) =	sbr.rel @p0 .LBB2_7-.Ltmp2, $4  }
0x122: {  	s24 =	sadd.s32 $0x2, s19;
	s19 =	smov.u32 s21;
	v42 =	vadd.s32 v37, v43;
	v47 =	vand.u32 $0x7D, v45;
	v43 =	vld [tilespmem:s18+$0xFFFFFFC0];
	v49 =	vadd.f32 v49, v41;
	[tilespmem:v51+s20+$0x0] =	vst.idx.msk $0xffff, v44  }
0x123: {  	v44 =	vadd.s32 v36, v47;
	v51 =	vmov s24;
	v45 =	vld [tilespmem:s18+$0xFFFFFFD0];
	v56 =	vadd.f32 v56, v40;
	[tilespmem:v52+s20+$0x0] =	vst.idx.msk $0xffff, v46  }
0x124: {  	s24 =	sadd.s32 $0x3, s21;
	v46 =	vadd.s32 v37, v47;
	v52 =	vadd.f32 v53, v41;
	v47 =	vld [tilespmem:s18+$0xFFFFFFE0];
	v53 =	vand.u32 $0x7E, v51;
	[tilespmem:v57+s20+$0x0] =	vst.idx.msk $0xffff, v49;
	s18 =	sadd.s32 $0x80, s18  }
0x125: {  	s21 =	sadd.s32 $0x4, s21;
	v55 =	vmov s24;
	v49 =	vld [tilespmem:s18+$0xFFFFFFF0];
	v54 =	vadd.f32 v54, v40;
	v51 =	vadd.s32 v36, v53;
	[tilespmem:v58+s20+$0x0] =	vst.idx.msk $0xffff, v56  }
0x126: {  	_ =	sdelay $0x3  }
0x127: {  	v56 =	vld [tilespmem:s18+$0x0];
	v55 =	vand.u32 $0x7F, v55;
	[tilespmem:v48+s20+$0x0] =	vst.idx.msk $0xffff, v52;
	v62 =	vadd.f32 v50, v41;
	v50 =	vadd.s32 v37, v53  }
0x128: {  	v63 =	vmov s19;
	v53 =	vld [tilespmem:s18+$0xFFFFFF90];
	v57 =	vadd.s32 v36, v55;
	[tilespmem:v42+s20+$0x0] =	vst.idx.msk $0xffff, v54;
	v59 =	vadd.f32 v43, v40  }
0x129: {  	s21 =	sadd.s32 $0x1, s19;
	v43 =	vld [tilespmem:s18+$0xFFFFFFA0];
	v52 =	vand.u32 $0x7C, v63;
	v54 =	vadd.s32 v37, v55;
	[tilespmem:v44+s20+$0x0] =	vst.idx.msk $0xffff, v62;
	v60 =	vadd.f32 v45, v41  }
0x12a: {  	v61 =	vmov s21;
	v55 =	vld [tilespmem:s18+$0xFFFFFFB0];
	v45 =	vadd.s32 v36, v52;
	[tilespmem:v46+s20+$0x0] =	vst.idx.msk $0xffff, v59;
	v62 =	vadd.f32 v47, v40  }
0x12b: {  	s24 =	sadd.s32 $0x2, s19;
	v48 =	vand.u32 $0x7D, v61;
	v46 =	vadd.s32 v37, v52;
	v47 =	vld [tilespmem:s18+$0xFFFFFFC0];
	v49 =	vadd.f32 v49, v41;
	[tilespmem:v51+s20+$0x0] =	vst.idx.msk $0xffff, v60  }
0x12c: {  	v63 =	vmov s24;
	v44 =	vadd.s32 v36, v48;
	v52 =	vld [tilespmem:s18+$0xFFFFFFD0];
	v56 =	vadd.f32 v56, v40;
	[tilespmem:v50+s20+$0x0] =	vst.idx.msk $0xffff, v62  }
0x12d: {  	v61 =	vld [tilespmem:s18+$0xFFFFFFE0];
	v48 =	vadd.s32 v37, v48;
	v51 =	vand.u32 $0x7E, v63;
	v60 =	vadd.f32 v53, v41;
	[tilespmem:v57+s20+$0x0] =	vst.idx.msk $0xffff, v49  }
0x12e: {  	v62 =	vadd.s32 v36, v51;
	v43 =	vadd.f32 v43, v40;
	[tilespmem:v54+s20+$0x0] =	vst.idx.msk $0xffff, v56  }
0x12f: {  	v53 =	vadd.s32 v37, v51;
	v63 =	vadd.f32 v55, v41;
	[tilespmem:v45+s20+$0x0] =	vst.idx.msk $0xffff, v60  }
0x130: {  	[tilespmem:v46+s20+$0x0] =	vst.idx.msk $0xffff, v43;
	v54 =	vadd.f32 v47, v40  }
0x131: {  	[tilespmem:v44+s20+$0x0] =	vst.idx.msk $0xffff, v63;
	v55 =	vadd.f32 v52, v41  }
0x132: {  	v56 =	vadd.f32 v61, v40;
	[tilespmem:v48+s20+$0x0] =	vst.idx.msk $0xffff, v54  }
0x133: {  	[tilespmem:v62+s20+$0x0] =	vst.idx.msk $0xffff, v55  }
0x134: {  	[tilespmem:v53+s20+$0x0] =	vst.idx.msk $0xffff, v56  }
0x135: {  	v41 =	vld [tilespmem:s16+$0x17060]  }
0x136: {  	s21 =	simm.s32 $0x3;
	v40 =	vld [tilespmem:s16+$0x17070];
	s16 =	simm.s32 $0x9870  }
0x137: {  	v57 =	vmov s21;
	v44 =	vld [tilespmem:s16+$0xFFFFFFF0]  }
0x138: {  	s24 =	simm.s32 $0x0;
	v42 =	vand.u32 $0x7F, v57;
	v46 =	vld [tilespmem:s16+$0x0]  }
0x139: {  	v58 =	vmov s24;
	v49 =	vadd.s32 v38, v42;
	v47 =	vld [tilespmem:s16+$0xFFFFFF90]  }
0x13a: {  	s19 =	simm.s32 $0x1;
	v43 =	vand.u32 $0x7C, v58;
	v56 =	vadd.s32 v39, v42;
	v51 =	vld [tilespmem:s16+$0xFFFFFFA0]  }
0x13b: {  	v59 =	vmov s19;
	v48 =	vadd.s32 v38, v43;
	v50 =	vld [tilespmem:s16+$0xFFFFFFB0]  }
0x13c: {  	s21 =	simm.s32 $0x2;
	v60 =	vand.u32 $0x7D, v59;
	v42 =	vadd.s32 v39, v43;
	v43 =	vld [tilespmem:s16+$0xFFFFFFC0];
	v61 =	vadd.f32 v44, v41  }
0x13d: {  	v62 =	vmov s21;
	v45 =	vld [tilespmem:s16+$0xFFFFFFD0];
	v44 =	vadd.s32 v38, v60;
	v63 =	vadd.f32 v46, v40  }
0x13e: {  	s24 =	simm.s32 $0x7;
	v53 =	vand.u32 $0x7E, v62;
	v52 =	vadd.f32 v47, v41;
	v46 =	vadd.s32 v39, v60;
	v47 =	vld [tilespmem:s16+$0xFFFFFFE0];
	s16 =	simm.s32 $0x98F0;
	[tilespmem:v49+s20+$0x0] =	vst.idx.msk $0xffff, v61  }
0x13f: {  	s18 =	simm.s32 $0x4;
	s19 =	simm.s32 $0x8;
	v55 =	vmov s24;
	v54 =	vadd.f32 v51, v40;
	v51 =	vadd.s32 v38, v53;
	v49 =	vld [tilespmem:s16+$0xFFFFFFF0];
	[tilespmem:v56+s20+$0x0] =	vst.idx.msk $0xffff, v63  }
.LBB2_9:
0x140: {  	p0 =	slt.u32 s19, $0x7C;
	v56 =	vld [tilespmem:s16+$0x0];
	v55 =	vand.u32 $0x7F, v55;
	[tilespmem:v48+s20+$0x0] =	vst.idx.msk $0xffff, v52;
	v48 =	vadd.f32 v50, v41;
	v52 =	vadd.s32 v39, v53  }
0x141: {  	v50 =	vmov s18;
	v53 =	vld [tilespmem:s16+$0xFFFFFF90];
	v57 =	vadd.s32 v38, v55;
	[tilespmem:v42+s20+$0x0] =	vst.idx.msk $0xffff, v54;
	v42 =	vadd.f32 v43, v40  }
0x142: {  	s21 =	sadd.s32 $0x1, s18;
	v43 =	vand.u32 $0x7C, v50;
	v58 =	vadd.s32 v39, v55;
	v54 =	vld [tilespmem:s16+$0xFFFFFFA0];
	[tilespmem:v44+s20+$0x0] =	vst.idx.msk $0xffff, v48;
	v44 =	vadd.f32 v45, v41  }
.Ltmp3:
0x143: {  	v48 =	vadd.s32 v38, v43;
	v45 =	vmov s21;
	v50 =	vld [tilespmem:s16+$0xFFFFFFB0];
	[tilespmem:v46+s20+$0x0] =	vst.idx.msk $0xffff, v42;
	v46 =	vadd.f32 v47, v40;
	(pc) =	sbr.rel @p0 .LBB2_9-.Ltmp3, $4  }
0x144: {  	s21 =	sadd.s32 $0x2, s18;
	s18 =	smov.u32 s19;
	v42 =	vadd.s32 v39, v43;
	v47 =	vand.u32 $0x7D, v45;
	v43 =	vld [tilespmem:s16+$0xFFFFFFC0];
	v49 =	vadd.f32 v49, v41;
	[tilespmem:v51+s20+$0x0] =	vst.idx.msk $0xffff, v44  }
0x145: {  	v44 =	vadd.s32 v38, v47;
	v51 =	vmov s21;
	v45 =	vld [tilespmem:s16+$0xFFFFFFD0];
	v56 =	vadd.f32 v56, v40;
	[tilespmem:v52+s20+$0x0] =	vst.idx.msk $0xffff, v46  }
0x146: {  	s21 =	sadd.s32 $0x3, s19;
	v46 =	vadd.s32 v39, v47;
	v52 =	vadd.f32 v53, v41;
	v47 =	vld [tilespmem:s16+$0xFFFFFFE0];
	v53 =	vand.u32 $0x7E, v51;
	[tilespmem:v57+s20+$0x0] =	vst.idx.msk $0xffff, v49;
	s16 =	sadd.s32 $0x80, s16  }
0x147: {  	s19 =	sadd.s32 $0x4, s19;
	v55 =	vmov s21;
	v49 =	vld [tilespmem:s16+$0xFFFFFFF0];
	v54 =	vadd.f32 v54, v40;
	v51 =	vadd.s32 v38, v53;
	[tilespmem:v58+s20+$0x0] =	vst.idx.msk $0xffff, v56  }
0x148: {  	_ =	sdelay $0x3  }
0x149: {  	v56 =	vld [tilespmem:s16+$0x0];
	v55 =	vand.u32 $0x7F, v55;
	[tilespmem:v48+s20+$0x0] =	vst.idx.msk $0xffff, v52;
	v62 =	vadd.f32 v50, v41;
	v50 =	vadd.s32 v39, v53  }
0x14a: {  	v63 =	vmov s18;
	v53 =	vld [tilespmem:s16+$0xFFFFFF90];
	v57 =	vadd.s32 v38, v55;
	[tilespmem:v42+s20+$0x0] =	vst.idx.msk $0xffff, v54;
	v60 =	vadd.f32 v43, v40  }
0x14b: {  	s19 =	sadd.s32 $0x1, s18;
	v43 =	vld [tilespmem:s16+$0xFFFFFFA0];
	v52 =	vand.u32 $0x7C, v63;
	v54 =	vadd.s32 v39, v55;
	[tilespmem:v44+s20+$0x0] =	vst.idx.msk $0xffff, v62;
	v61 =	vadd.f32 v45, v41  }
0x14c: {  	v55 =	vld [tilespmem:s16+$0xFFFFFFB0];
	v45 =	vadd.s32 v38, v52;
	v62 =	vmov s19;
	[tilespmem:v46+s20+$0x0] =	vst.idx.msk $0xffff, v60;
	v63 =	vadd.f32 v47, v40  }
0x14d: {  	s19 =	sadd.s32 $0x2, s18;
	v46 =	vadd.s32 v39, v52;
	v47 =	vld [tilespmem:s16+$0xFFFFFFC0];
	v48 =	vand.u32 $0x7D, v62;
	v49 =	vadd.f32 v49, v41;
	[tilespmem:v51+s20+$0x0] =	vst.idx.msk $0xffff, v61  }
0x14e: {  	v60 =	vmov s19;
	v44 =	vadd.s32 v38, v48;
	v61 =	vld [tilespmem:s16+$0xFFFFFFD0];
	v56 =	vadd.f32 v56, v40;
	[tilespmem:v50+s20+$0x0] =	vst.idx.msk $0xffff, v63  }
0x14f: {  	v48 =	vadd.s32 v39, v48;
	v51 =	vand.u32 $0x7E, v60;
	v62 =	vadd.f32 v53, v41;
	v63 =	vld [tilespmem:s16+$0xFFFFFFE0];
	[tilespmem:v57+s20+$0x0] =	vst.idx.msk $0xffff, v49  }
0x150: {  	v53 =	vadd.s32 v38, v51;
	v43 =	vadd.f32 v43, v40;
	[tilespmem:v54+s20+$0x0] =	vst.idx.msk $0xffff, v56  }
0x151: {  	v57 =	vadd.s32 v39, v51;
	[tilespmem:v45+s20+$0x0] =	vst.idx.msk $0xffff, v62;
	v56 =	vadd.f32 v55, v41  }
0x152: {  	[tilespmem:v46+s20+$0x0] =	vst.idx.msk $0xffff, v43;
	v58 =	vadd.f32 v47, v40  }
0x153: {  	s21 =	sshll.u32 s12, $0x14;
	[tilespmem:v44+s20+$0x0] =	vst.idx.msk $0xffff, v56;
	v59 =	vadd.f32 v61, v41  }
0x154: {  	s16 =	sor.u32 s7, s21;
	[tilespmem:v48+s20+$0x0] =	vst.idx.msk $0xffff, v58;
	v60 =	vadd.f32 v63, v40  }
0x155: {  	s16 =	sshrl.u32 s16, $0x3;
	[tilespmem:v53+s20+$0x0] =	vst.idx.msk $0xffff, v59  }
0x156: {  	s18 =	sadd.s32 s2, s16;
	[tilespmem:v57+s20+$0x0] =	vst.idx.msk $0xffff, v60  }
0x157: {  	[hbm4b:s18+s3] =	stream.linear.scatter [tilespmem:s20], [sflag:$0x3], $0x80, $0x38;
	[tilespmem:$0x18900] =	vst v63  }
0x158: {  	s21 =	simm.s32 $0xE888;
	s24 =	sadd.s32 $0x10, s18  }
0x159: {  	[hbm4b:s24+s3] =	stream.linear.scatter [tilespmem:s21], [sflag:$0x3], $0x80, $0x38;
	[tilespmem:$0x18900] =	vst v63  }
0x15a: {  	s21 =	sadd.s32 $0x20, s18;
	s24 =	simm.s32 $0xE910  }
0x15b: {  	[hbm4b:s21+s3] =	stream.linear.scatter [tilespmem:s24], [sflag:$0x3], $0x80, $0x38;
	[tilespmem:$0x18900] =	vst v63  }
0x15c: {  	s21 =	sadd.s32 $0x30, s18;
	s24 =	simm.s32 $0xE998  }
0x15d: {  	[hbm4b:s21+s3] =	stream.linear.scatter [tilespmem:s24], [sflag:$0x3], $0x80, $0x38;
	[tilespmem:$0x18900] =	vst v63  }
0x15e: {  	s21 =	sadd.s32 $0x40, s18;
	s24 =	simm.s32 $0xEA20  }
0x15f: {  	[hbm4b:s21+s3] =	stream.linear.scatter [tilespmem:s24], [sflag:$0x3], $0x80, $0x38;
	[tilespmem:$0x18900] =	vst v63  }
0x160: {  	s21 =	sadd.s32 $0x50, s18;
	s24 =	simm.s32 $0xEAA8  }
0x161: {  	[hbm4b:s21+s3] =	stream.linear.scatter [tilespmem:s24], [sflag:$0x3], $0x80, $0x38;
	[tilespmem:$0x18900] =	vst v63  }
0x162: {  	s21 =	sadd.s32 $0x60, s18;
	s24 =	simm.s32 $0xEB30  }
0x163: {  	[hbm4b:s21+s3] =	stream.linear.scatter [tilespmem:s24], [sflag:$0x3], $0x80, $0x38;
	[tilespmem:$0x18900] =	vst v63  }
0x164: {  	s21 =	sadd.s32 $0x70, s18;
	s24 =	simm.s32 $0xEBB8  }
0x165: {  	[hbm4b:s21+s3] =	stream.linear.scatter [tilespmem:s24], [sflag:$0x3], $0x80, $0x38;
	[tilespmem:$0x18900] =	vst v63  }
0x166: {  	s21 =	sadd.s32 $0x4000, s18;
	s24 =	simm.s32 $0xF900  }
0x167: {  	[hbm4b:s21+s3] =	stream.linear.scatter [tilespmem:s24], [sflag:$0x3], $0x80, $0x38;
	[tilespmem:$0x18900] =	vst v63  }
0x168: {  	s21 =	sadd.s32 $0x4010, s18;
	s24 =	simm.s32 $0xF988  }
0x169: {  	[hbm4b:s21+s3] =	stream.linear.scatter [tilespmem:s24], [sflag:$0x3], $0x80, $0x38;
	[tilespmem:$0x18900] =	vst v63  }
0x16a: {  	s21 =	sadd.s32 $0x4020, s18;
	s24 =	simm.s32 $0xFA10  }
0x16b: {  	[hbm4b:s21+s3] =	stream.linear.scatter [tilespmem:s24], [sflag:$0x3], $0x80, $0x38;
	[tilespmem:$0x18900] =	vst v63  }
0x16c: {  	s21 =	sadd.s32 $0x4030, s18;
	s24 =	simm.s32 $0xFA98  }
0x16d: {  	[hbm4b:s21+s3] =	stream.linear.scatter [tilespmem:s24], [sflag:$0x3], $0x80, $0x38;
	[tilespmem:$0x18900] =	vst v63  }
0x16e: {  	s21 =	sadd.s32 $0x4040, s18;
	s24 =	simm.s32 $0xFB20  }
0x16f: {  	[hbm4b:s21+s3] =	stream.linear.scatter [tilespmem:s24], [sflag:$0x3], $0x80, $0x38;
	[tilespmem:$0x18900] =	vst v63  }
0x170: {  	s21 =	sadd.s32 $0x4050, s18;
	s24 =	simm.s32 $0xFBA8  }
0x171: {  	[hbm4b:s21+s3] =	stream.linear.scatter [tilespmem:s24], [sflag:$0x3], $0x80, $0x38;
	[tilespmem:$0x18900] =	vst v63  }
0x172: {  	s21 =	sadd.s32 $0x4060, s18;
	s24 =	simm.s32 $0xFC30  }
0x173: {  	[hbm4b:s21+s3] =	stream.linear.scatter [tilespmem:s24], [sflag:$0x3], $0x80, $0x38;
	[tilespmem:$0x18900] =	vst v63  }
0x174: {  	s21 =	sadd.s32 $0x4070, s18;
	s24 =	simm.s32 $0xFCB8  }
0x175: {  	[hbm4b:s21+s3] =	stream.linear.scatter [tilespmem:s24], [sflag:$0x3], $0x80, $0x38;
	[tilespmem:$0x18900] =	vst v63  }
0x176: {  	s21 =	sadd.s32 $0x8000, s18;
	s24 =	simm.s32 $0x10A00  }
0x177: {  	[hbm4b:s21+s3] =	stream.linear.scatter [tilespmem:s24], [sflag:$0x3], $0x80, $0x38;
	[tilespmem:$0x18900] =	vst v63  }
0x178: {  	s21 =	sadd.s32 $0x8010, s18;
	s24 =	simm.s32 $0x10A88  }
0x179: {  	[hbm4b:s21+s3] =	stream.linear.scatter [tilespmem:s24], [sflag:$0x3], $0x80, $0x38;
	[tilespmem:$0x18900] =	vst v63  }
0x17a: {  	s21 =	sadd.s32 $0x8020, s18;
	s24 =	simm.s32 $0x10B10  }
0x17b: {  	[hbm4b:s21+s3] =	stream.linear.scatter [tilespmem:s24], [sflag:$0x3], $0x80, $0x38;
	[tilespmem:$0x18900] =	vst v63  }
0x17c: {  	s21 =	sadd.s32 $0x8030, s18;
	s24 =	simm.s32 $0x10B98  }
0x17d: {  	[hbm4b:s21+s3] =	stream.linear.scatter [tilespmem:s24], [sflag:$0x3], $0x80, $0x38;
	[tilespmem:$0x18900] =	vst v63  }
0x17e: {  	s21 =	sadd.s32 $0x8040, s18;
	s24 =	simm.s32 $0x10C20  }
0x17f: {  	[hbm4b:s21+s3] =	stream.linear.scatter [tilespmem:s24], [sflag:$0x3], $0x80, $0x38;
	[tilespmem:$0x18900] =	vst v63  }
0x180: {  	s21 =	sadd.s32 $0x8050, s18;
	s24 =	simm.s32 $0x10CA8  }
0x181: {  	[hbm4b:s21+s3] =	stream.linear.scatter [tilespmem:s24], [sflag:$0x3], $0x80, $0x38;
	[tilespmem:$0x18900] =	vst v63  }
0x182: {  	s21 =	sadd.s32 $0x8060, s18;
	s24 =	simm.s32 $0x10D30  }
0x183: {  	[hbm4b:s21+s3] =	stream.linear.scatter [tilespmem:s24], [sflag:$0x3], $0x80, $0x38;
	[tilespmem:$0x18900] =	vst v63  }
0x184: {  	s21 =	sadd.s32 $0x8070, s18;
	s24 =	simm.s32 $0x10DB8  }
0x185: {  	[hbm4b:s21+s3] =	stream.linear.scatter [tilespmem:s24], [sflag:$0x3], $0x80, $0x38;
	[tilespmem:$0x18900] =	vst v63  }
0x186: {  	s21 =	sadd.s32 $0xC000, s18;
	s24 =	simm.s32 $0x11B00  }
0x187: {  	[hbm4b:s21+s3] =	stream.linear.scatter [tilespmem:s24], [sflag:$0x3], $0x80, $0x38;
	[tilespmem:$0x18900] =	vst v63  }
0x188: {  	s21 =	sadd.s32 $0xC010, s18;
	s24 =	simm.s32 $0x11B88  }
0x189: {  	[hbm4b:s21+s3] =	stream.linear.scatter [tilespmem:s24], [sflag:$0x3], $0x80, $0x38;
	[tilespmem:$0x18900] =	vst v63  }
0x18a: {  	s21 =	sadd.s32 $0xC020, s18;
	s24 =	simm.s32 $0x11C10  }
0x18b: {  	[hbm4b:s21+s3] =	stream.linear.scatter [tilespmem:s24], [sflag:$0x3], $0x80, $0x38;
	[tilespmem:$0x18900] =	vst v63  }
0x18c: {  	s21 =	sadd.s32 $0xC030, s18;
	s24 =	simm.s32 $0x11C98  }
0x18d: {  	[hbm4b:s21+s3] =	stream.linear.scatter [tilespmem:s24], [sflag:$0x3], $0x80, $0x38;
	[tilespmem:$0x18900] =	vst v63  }
0x18e: {  	s21 =	sadd.s32 $0xC040, s18;
	s24 =	simm.s32 $0x11D20  }
0x18f: {  	[hbm4b:s21+s3] =	stream.linear.scatter [tilespmem:s24], [sflag:$0x3], $0x80, $0x38;
	[tilespmem:$0x18900] =	vst v63  }
0x190: {  	s21 =	sadd.s32 $0xC050, s18;
	s24 =	simm.s32 $0x11DA8  }
0x191: {  	[hbm4b:s21+s3] =	stream.linear.scatter [tilespmem:s24], [sflag:$0x3], $0x80, $0x38;
	[tilespmem:$0x18900] =	vst v63  }
0x192: {  	s21 =	sadd.s32 $0xC060, s18;
	s24 =	simm.s32 $0x11E30  }
0x193: {  	[hbm4b:s21+s3] =	stream.linear.scatter [tilespmem:s24], [sflag:$0x3], $0x80, $0x38;
	[tilespmem:$0x18900] =	vst v63  }
0x194: {  	s18 =	sadd.s32 $0xC070, s18;
	s21 =	simm.s32 $0x11EB8  }
0x195: {  	[hbm4b:s18+s3] =	stream.linear.scatter [tilespmem:s21], [sflag:$0x3], $0x80, $0x38;
	[tilespmem:$0x18900] =	vst v63  }
0x196: {  	s24 =	simm.s32 $0xEC40;
	s18 =	sadd.s32 s16, s8  }
0x197: {  	[hbm4b:s18+s3] =	stream.linear.scatter [tilespmem:s24], [sflag:$0x3], $0x80, $0x38;
	[tilespmem:$0x18900] =	vst v63  }
0x198: {  	s21 =	sadd.s32 $0x10, s18;
	s24 =	simm.s32 $0xECC8  }
0x199: {  	[hbm4b:s21+s3] =	stream.linear.scatter [tilespmem:s24], [sflag:$0x3], $0x80, $0x38;
	[tilespmem:$0x18900] =	vst v63  }
0x19a: {  	s21 =	sadd.s32 $0x20, s18;
	s24 =	simm.s32 $0xED50  }
0x19b: {  	[hbm4b:s21+s3] =	stream.linear.scatter [tilespmem:s24], [sflag:$0x3], $0x80, $0x38;
	[tilespmem:$0x18900] =	vst v63  }
0x19c: {  	s21 =	sadd.s32 $0x30, s18;
	s24 =	simm.s32 $0xEDD8  }
0x19d: {  	[hbm4b:s21+s3] =	stream.linear.scatter [tilespmem:s24], [sflag:$0x3], $0x80, $0x38;
	[tilespmem:$0x18900] =	vst v63  }
0x19e: {  	s21 =	sadd.s32 $0x40, s18;
	s24 =	simm.s32 $0xEE60  }
0x19f: {  	[hbm4b:s21+s3] =	stream.linear.scatter [tilespmem:s24], [sflag:$0x3], $0x80, $0x38;
	[tilespmem:$0x18900] =	vst v63  }
0x1a0: {  	s21 =	sadd.s32 $0x50, s18;
	s24 =	simm.s32 $0xEEE8  }
0x1a1: {  	[hbm4b:s21+s3] =	stream.linear.scatter [tilespmem:s24], [sflag:$0x3], $0x80, $0x38;
	[tilespmem:$0x18900] =	vst v63  }
0x1a2: {  	s21 =	sadd.s32 $0x60, s18;
	s24 =	simm.s32 $0xEF70  }
0x1a3: {  	[hbm4b:s21+s3] =	stream.linear.scatter [tilespmem:s24], [sflag:$0x3], $0x80, $0x38;
	[tilespmem:$0x18900] =	vst v63  }
0x1a4: {  	s21 =	sadd.s32 $0x70, s18;
	s24 =	simm.s32 $0xEFF8  }
0x1a5: {  	[hbm4b:s21+s3] =	stream.linear.scatter [tilespmem:s24], [sflag:$0x3], $0x80, $0x38;
	[tilespmem:$0x18900] =	vst v63  }
0x1a6: {  	s21 =	sadd.s32 $0x4000, s18;
	s24 =	simm.s32 $0xFD40  }
0x1a7: {  	[hbm4b:s21+s3] =	stream.linear.scatter [tilespmem:s24], [sflag:$0x3], $0x80, $0x38;
	[tilespmem:$0x18900] =	vst v63  }
0x1a8: {  	s21 =	sadd.s32 $0x4010, s18;
	s24 =	simm.s32 $0xFDC8  }
0x1a9: {  	[hbm4b:s21+s3] =	stream.linear.scatter [tilespmem:s24], [sflag:$0x3], $0x80, $0x38;
	[tilespmem:$0x18900] =	vst v63  }
0x1aa: {  	s21 =	sadd.s32 $0x4020, s18;
	s24 =	simm.s32 $0xFE50  }
0x1ab: {  	[hbm4b:s21+s3] =	stream.linear.scatter [tilespmem:s24], [sflag:$0x3], $0x80, $0x38;
	[tilespmem:$0x18900] =	vst v63  }
0x1ac: {  	s21 =	sadd.s32 $0x4030, s18;
	s24 =	simm.s32 $0xFED8  }
0x1ad: {  	[hbm4b:s21+s3] =	stream.linear.scatter [tilespmem:s24], [sflag:$0x3], $0x80, $0x38;
	[tilespmem:$0x18900] =	vst v63  }
0x1ae: {  	s21 =	sadd.s32 $0x4040, s18;
	s24 =	simm.s32 $0xFF60  }
0x1af: {  	[hbm4b:s21+s3] =	stream.linear.scatter [tilespmem:s24], [sflag:$0x3], $0x80, $0x38;
	[tilespmem:$0x18900] =	vst v63  }
0x1b0: {  	s21 =	sadd.s32 $0x4050, s18;
	s24 =	simm.s32 $0xFFE8  }
0x1b1: {  	[hbm4b:s21+s3] =	stream.linear.scatter [tilespmem:s24], [sflag:$0x3], $0x80, $0x38;
	[tilespmem:$0x18900] =	vst v63  }
0x1b2: {  	s21 =	sadd.s32 $0x4060, s18;
	s24 =	simm.s32 $0x10070  }
0x1b3: {  	[hbm4b:s21+s3] =	stream.linear.scatter [tilespmem:s24], [sflag:$0x3], $0x80, $0x38;
	[tilespmem:$0x18900] =	vst v63  }
0x1b4: {  	s21 =	sadd.s32 $0x4070, s18;
	s24 =	simm.s32 $0x100F8  }
0x1b5: {  	[hbm4b:s21+s3] =	stream.linear.scatter [tilespmem:s24], [sflag:$0x3], $0x80, $0x38;
	[tilespmem:$0x18900] =	vst v63  }
0x1b6: {  	s21 =	sadd.s32 $0x8000, s18;
	s24 =	simm.s32 $0x10E40  }
0x1b7: {  	[hbm4b:s21+s3] =	stream.linear.scatter [tilespmem:s24], [sflag:$0x3], $0x80, $0x38;
	[tilespmem:$0x18900] =	vst v63  }
0x1b8: {  	s21 =	sadd.s32 $0x8010, s18;
	s24 =	simm.s32 $0x10EC8  }
0x1b9: {  	[hbm4b:s21+s3] =	stream.linear.scatter [tilespmem:s24], [sflag:$0x3], $0x80, $0x38;
	[tilespmem:$0x18900] =	vst v63  }
0x1ba: {  	s21 =	sadd.s32 $0x8020, s18;
	s24 =	simm.s32 $0x10F50  }
0x1bb: {  	[hbm4b:s21+s3] =	stream.linear.scatter [tilespmem:s24], [sflag:$0x3], $0x80, $0x38;
	[tilespmem:$0x18900] =	vst v63  }
0x1bc: {  	s21 =	sadd.s32 $0x8030, s18;
	s24 =	simm.s32 $0x10FD8  }
0x1bd: {  	[hbm4b:s21+s3] =	stream.linear.scatter [tilespmem:s24], [sflag:$0x3], $0x80, $0x38;
	[tilespmem:$0x18900] =	vst v63  }
0x1be: {  	s21 =	sadd.s32 $0x8040, s18;
	s24 =	simm.s32 $0x11060  }
0x1bf: {  	[hbm4b:s21+s3] =	stream.linear.scatter [tilespmem:s24], [sflag:$0x3], $0x80, $0x38;
	[tilespmem:$0x18900] =	vst v63  }
0x1c0: {  	s21 =	sadd.s32 $0x8050, s18;
	s24 =	simm.s32 $0x110E8  }
0x1c1: {  	[hbm4b:s21+s3] =	stream.linear.scatter [tilespmem:s24], [sflag:$0x3], $0x80, $0x38;
	[tilespmem:$0x18900] =	vst v63  }
0x1c2: {  	s21 =	sadd.s32 $0x8060, s18;
	s24 =	simm.s32 $0x11170  }
0x1c3: {  	[hbm4b:s21+s3] =	stream.linear.scatter [tilespmem:s24], [sflag:$0x3], $0x80, $0x38;
	[tilespmem:$0x18900] =	vst v63  }
0x1c4: {  	s21 =	sadd.s32 $0x8070, s18;
	s24 =	simm.s32 $0x111F8  }
0x1c5: {  	[hbm4b:s21+s3] =	stream.linear.scatter [tilespmem:s24], [sflag:$0x3], $0x80, $0x38;
	[tilespmem:$0x18900] =	vst v63  }
0x1c6: {  	s21 =	sadd.s32 $0xC000, s18;
	s24 =	simm.s32 $0x11F40  }
0x1c7: {  	[hbm4b:s21+s3] =	stream.linear.scatter [tilespmem:s24], [sflag:$0x3], $0x80, $0x38;
	[tilespmem:$0x18900] =	vst v63  }
0x1c8: {  	s21 =	sadd.s32 $0xC010, s18;
	s24 =	simm.s32 $0x11FC8  }
0x1c9: {  	[hbm4b:s21+s3] =	stream.linear.scatter [tilespmem:s24], [sflag:$0x3], $0x80, $0x38;
	[tilespmem:$0x18900] =	vst v63  }
0x1ca: {  	s21 =	sadd.s32 $0xC020, s18;
	s24 =	simm.s32 $0x12050  }
0x1cb: {  	[hbm4b:s21+s3] =	stream.linear.scatter [tilespmem:s24], [sflag:$0x3], $0x80, $0x38;
	[tilespmem:$0x18900] =	vst v63  }
0x1cc: {  	s21 =	sadd.s32 $0xC030, s18;
	s24 =	simm.s32 $0x120D8  }
0x1cd: {  	[hbm4b:s21+s3] =	stream.linear.scatter [tilespmem:s24], [sflag:$0x3], $0x80, $0x38;
	[tilespmem:$0x18900] =	vst v63  }
0x1ce: {  	s21 =	sadd.s32 $0xC040, s18;
	s24 =	simm.s32 $0x12160  }
0x1cf: {  	[hbm4b:s21+s3] =	stream.linear.scatter [tilespmem:s24], [sflag:$0x3], $0x80, $0x38;
	[tilespmem:$0x18900] =	vst v63  }
0x1d0: {  	s21 =	sadd.s32 $0xC050, s18;
	s24 =	simm.s32 $0x121E8  }
0x1d1: {  	[hbm4b:s21+s3] =	stream.linear.scatter [tilespmem:s24], [sflag:$0x3], $0x80, $0x38;
	[tilespmem:$0x18900] =	vst v63  }
0x1d2: {  	s21 =	sadd.s32 $0xC060, s18;
	s24 =	simm.s32 $0x12270  }
0x1d3: {  	[hbm4b:s21+s3] =	stream.linear.scatter [tilespmem:s24], [sflag:$0x3], $0x80, $0x38;
	[tilespmem:$0x18900] =	vst v63  }
0x1d4: {  	s18 =	sadd.s32 $0xC070, s18;
	s21 =	simm.s32 $0x122F8  }
0x1d5: {  	[hbm4b:s18+s3] =	stream.linear.scatter [tilespmem:s21], [sflag:$0x3], $0x80, $0x38;
	[tilespmem:$0x18900] =	vst v63  }
0x1d6: {  	s24 =	simm.s32 $0xF080;
	s18 =	sadd.s32 s16, s9  }
0x1d7: {  	[hbm4b:s18+s3] =	stream.linear.scatter [tilespmem:s24], [sflag:$0x3], $0x80, $0x38;
	[tilespmem:$0x18900] =	vst v63  }
0x1d8: {  	s21 =	sadd.s32 $0x10, s18;
	s24 =	simm.s32 $0xF108  }
0x1d9: {  	[hbm4b:s21+s3] =	stream.linear.scatter [tilespmem:s24], [sflag:$0x3], $0x80, $0x38;
	[tilespmem:$0x18900] =	vst v63  }
0x1da: {  	s21 =	sadd.s32 $0x20, s18;
	s24 =	simm.s32 $0xF190  }
0x1db: {  	[hbm4b:s21+s3] =	stream.linear.scatter [tilespmem:s24], [sflag:$0x3], $0x80, $0x38;
	[tilespmem:$0x18900] =	vst v63  }
0x1dc: {  	s21 =	sadd.s32 $0x30, s18;
	s24 =	simm.s32 $0xF218  }
0x1dd: {  	[hbm4b:s21+s3] =	stream.linear.scatter [tilespmem:s24], [sflag:$0x3], $0x80, $0x38;
	[tilespmem:$0x18900] =	vst v63  }
0x1de: {  	s21 =	sadd.s32 $0x40, s18;
	s24 =	simm.s32 $0xF2A0  }
0x1df: {  	[hbm4b:s21+s3] =	stream.linear.scatter [tilespmem:s24], [sflag:$0x3], $0x80, $0x38;
	[tilespmem:$0x18900] =	vst v63  }
0x1e0: {  	s21 =	sadd.s32 $0x50, s18;
	s24 =	simm.s32 $0xF328  }
0x1e1: {  	[hbm4b:s21+s3] =	stream.linear.scatter [tilespmem:s24], [sflag:$0x3], $0x80, $0x38;
	[tilespmem:$0x18900] =	vst v63  }
0x1e2: {  	s21 =	sadd.s32 $0x60, s18;
	s24 =	simm.s32 $0xF3B0  }
0x1e3: {  	[hbm4b:s21+s3] =	stream.linear.scatter [tilespmem:s24], [sflag:$0x3], $0x80, $0x38;
	[tilespmem:$0x18900] =	vst v63  }
0x1e4: {  	s21 =	sadd.s32 $0x70, s18;
	s24 =	simm.s32 $0xF438  }
0x1e5: {  	[hbm4b:s21+s3] =	stream.linear.scatter [tilespmem:s24], [sflag:$0x3], $0x80, $0x38;
	[tilespmem:$0x18900] =	vst v63  }
0x1e6: {  	s21 =	sadd.s32 $0x4000, s18;
	s24 =	simm.s32 $0x10180  }
0x1e7: {  	[hbm4b:s21+s3] =	stream.linear.scatter [tilespmem:s24], [sflag:$0x3], $0x80, $0x38;
	[tilespmem:$0x18900] =	vst v63  }
0x1e8: {  	s21 =	sadd.s32 $0x4010, s18;
	s24 =	simm.s32 $0x10208  }
0x1e9: {  	[hbm4b:s21+s3] =	stream.linear.scatter [tilespmem:s24], [sflag:$0x3], $0x80, $0x38;
	[tilespmem:$0x18900] =	vst v63  }
0x1ea: {  	s21 =	sadd.s32 $0x4020, s18;
	s24 =	simm.s32 $0x10290  }
0x1eb: {  	[hbm4b:s21+s3] =	stream.linear.scatter [tilespmem:s24], [sflag:$0x3], $0x80, $0x38;
	[tilespmem:$0x18900] =	vst v63  }
0x1ec: {  	s21 =	sadd.s32 $0x4030, s18;
	s24 =	simm.s32 $0x10318  }
0x1ed: {  	[hbm4b:s21+s3] =	stream.linear.scatter [tilespmem:s24], [sflag:$0x3], $0x80, $0x38;
	[tilespmem:$0x18900] =	vst v63  }
0x1ee: {  	s21 =	sadd.s32 $0x4040, s18;
	s24 =	simm.s32 $0x103A0  }
0x1ef: {  	[hbm4b:s21+s3] =	stream.linear.scatter [tilespmem:s24], [sflag:$0x3], $0x80, $0x38;
	[tilespmem:$0x18900] =	vst v63  }
0x1f0: {  	s21 =	sadd.s32 $0x4050, s18;
	s24 =	simm.s32 $0x10428  }
0x1f1: {  	[hbm4b:s21+s3] =	stream.linear.scatter [tilespmem:s24], [sflag:$0x3], $0x80, $0x38;
	[tilespmem:$0x18900] =	vst v63  }
0x1f2: {  	s21 =	sadd.s32 $0x4060, s18;
	s24 =	simm.s32 $0x104B0  }
0x1f3: {  	[hbm4b:s21+s3] =	stream.linear.scatter [tilespmem:s24], [sflag:$0x3], $0x80, $0x38;
	[tilespmem:$0x18900] =	vst v63  }
0x1f4: {  	s21 =	sadd.s32 $0x4070, s18;
	s24 =	simm.s32 $0x10538  }
0x1f5: {  	[hbm4b:s21+s3] =	stream.linear.scatter [tilespmem:s24], [sflag:$0x3], $0x80, $0x38;
	[tilespmem:$0x18900] =	vst v63  }
0x1f6: {  	s21 =	sadd.s32 $0x8000, s18;
	s24 =	simm.s32 $0x11280  }
0x1f7: {  	[hbm4b:s21+s3] =	stream.linear.scatter [tilespmem:s24], [sflag:$0x3], $0x80, $0x38;
	[tilespmem:$0x18900] =	vst v63  }
0x1f8: {  	s21 =	sadd.s32 $0x8010, s18;
	s24 =	simm.s32 $0x11308  }
0x1f9: {  	[hbm4b:s21+s3] =	stream.linear.scatter [tilespmem:s24], [sflag:$0x3], $0x80, $0x38;
	[tilespmem:$0x18900] =	vst v63  }
0x1fa: {  	s21 =	sadd.s32 $0x8020, s18;
	s24 =	simm.s32 $0x11390  }
0x1fb: {  	[hbm4b:s21+s3] =	stream.linear.scatter [tilespmem:s24], [sflag:$0x3], $0x80, $0x38;
	[tilespmem:$0x18900] =	vst v63  }
0x1fc: {  	s21 =	sadd.s32 $0x8030, s18;
	s24 =	simm.s32 $0x11418  }
0x1fd: {  	[hbm4b:s21+s3] =	stream.linear.scatter [tilespmem:s24], [sflag:$0x3], $0x80, $0x38;
	[tilespmem:$0x18900] =	vst v63  }
0x1fe: {  	s21 =	sadd.s32 $0x8040, s18;
	s24 =	simm.s32 $0x114A0  }
0x1ff: {  	[hbm4b:s21+s3] =	stream.linear.scatter [tilespmem:s24], [sflag:$0x3], $0x80, $0x38;
	[tilespmem:$0x18900] =	vst v63  }
0x200: {  	s21 =	sadd.s32 $0x8050, s18;
	s24 =	simm.s32 $0x11528  }
0x201: {  	[hbm4b:s21+s3] =	stream.linear.scatter [tilespmem:s24], [sflag:$0x3], $0x80, $0x38;
	[tilespmem:$0x18900] =	vst v63  }
0x202: {  	s21 =	sadd.s32 $0x8060, s18;
	s24 =	simm.s32 $0x115B0  }
0x203: {  	[hbm4b:s21+s3] =	stream.linear.scatter [tilespmem:s24], [sflag:$0x3], $0x80, $0x38;
	[tilespmem:$0x18900] =	vst v63  }
0x204: {  	s21 =	sadd.s32 $0x8070, s18;
	s24 =	simm.s32 $0x11638  }
0x205: {  	[hbm4b:s21+s3] =	stream.linear.scatter [tilespmem:s24], [sflag:$0x3], $0x80, $0x38;
	[tilespmem:$0x18900] =	vst v63  }
0x206: {  	s21 =	sadd.s32 $0xC000, s18;
	s24 =	simm.s32 $0x12380  }
0x207: {  	[hbm4b:s21+s3] =	stream.linear.scatter [tilespmem:s24], [sflag:$0x3], $0x80, $0x38;
	[tilespmem:$0x18900] =	vst v63  }
0x208: {  	s21 =	sadd.s32 $0xC010, s18;
	s24 =	simm.s32 $0x12408  }
0x209: {  	[hbm4b:s21+s3] =	stream.linear.scatter [tilespmem:s24], [sflag:$0x3], $0x80, $0x38;
	[tilespmem:$0x18900] =	vst v63  }
0x20a: {  	s21 =	sadd.s32 $0xC020, s18;
	s24 =	simm.s32 $0x12490  }
0x20b: {  	[hbm4b:s21+s3] =	stream.linear.scatter [tilespmem:s24], [sflag:$0x3], $0x80, $0x38;
	[tilespmem:$0x18900] =	vst v63  }
0x20c: {  	s21 =	sadd.s32 $0xC030, s18;
	s24 =	simm.s32 $0x12518  }
0x20d: {  	[hbm4b:s21+s3] =	stream.linear.scatter [tilespmem:s24], [sflag:$0x3], $0x80, $0x38;
	[tilespmem:$0x18900] =	vst v63  }
0x20e: {  	s21 =	sadd.s32 $0xC040, s18;
	s24 =	simm.s32 $0x125A0  }
0x20f: {  	[hbm4b:s21+s3] =	stream.linear.scatter [tilespmem:s24], [sflag:$0x3], $0x80, $0x38;
	[tilespmem:$0x18900] =	vst v63  }
0x210: {  	s21 =	sadd.s32 $0xC050, s18;
	s24 =	simm.s32 $0x12628  }
0x211: {  	[hbm4b:s21+s3] =	stream.linear.scatter [tilespmem:s24], [sflag:$0x3], $0x80, $0x38;
	[tilespmem:$0x18900] =	vst v63  }
0x212: {  	s21 =	sadd.s32 $0xC060, s18;
	s24 =	simm.s32 $0x126B0  }
0x213: {  	[hbm4b:s21+s3] =	stream.linear.scatter [tilespmem:s24], [sflag:$0x3], $0x80, $0x38;
	[tilespmem:$0x18900] =	vst v63  }
0x214: {  	s18 =	sadd.s32 $0xC070, s18;
	s24 =	simm.s32 $0x12738  }
0x215: {  	[hbm4b:s18+s3] =	stream.linear.scatter [tilespmem:s24], [sflag:$0x3], $0x80, $0x38;
	[tilespmem:$0x18900] =	vst v63  }
0x216: {  	s19 =	simm.s32 $0xF4C0;
	s16 =	sadd.s32 s16, s10  }
0x217: {  	[hbm4b:s16+s3] =	stream.linear.scatter [tilespmem:s19], [sflag:$0x3], $0x80, $0x38;
	[tilespmem:$0x18900] =	vst v63  }
0x218: {  	s21 =	sadd.s32 $0x10, s16;
	s24 =	simm.s32 $0xF548  }
0x219: {  	[hbm4b:s21+s3] =	stream.linear.scatter [tilespmem:s24], [sflag:$0x3], $0x80, $0x38;
	[tilespmem:$0x18900] =	vst v63  }
0x21a: {  	s21 =	sadd.s32 $0x20, s16;
	s24 =	simm.s32 $0xF5D0  }
0x21b: {  	[hbm4b:s21+s3] =	stream.linear.scatter [tilespmem:s24], [sflag:$0x3], $0x80, $0x38;
	[tilespmem:$0x18900] =	vst v63  }
0x21c: {  	s21 =	sadd.s32 $0x30, s16;
	s24 =	simm.s32 $0xF658  }
0x21d: {  	[hbm4b:s21+s3] =	stream.linear.scatter [tilespmem:s24], [sflag:$0x3], $0x80, $0x38;
	[tilespmem:$0x18900] =	vst v63  }
0x21e: {  	s21 =	sadd.s32 $0x40, s16;
	s24 =	simm.s32 $0xF6E0  }
0x21f: {  	[hbm4b:s21+s3] =	stream.linear.scatter [tilespmem:s24], [sflag:$0x3], $0x80, $0x38;
	[tilespmem:$0x18900] =	vst v63  }
0x220: {  	s21 =	sadd.s32 $0x50, s16;
	s24 =	simm.s32 $0xF768  }
0x221: {  	[hbm4b:s21+s3] =	stream.linear.scatter [tilespmem:s24], [sflag:$0x3], $0x80, $0x38;
	[tilespmem:$0x18900] =	vst v63  }
0x222: {  	s21 =	sadd.s32 $0x60, s16;
	s24 =	simm.s32 $0xF7F0  }
0x223: {  	[hbm4b:s21+s3] =	stream.linear.scatter [tilespmem:s24], [sflag:$0x3], $0x80, $0x38;
	[tilespmem:$0x18900] =	vst v63  }
0x224: {  	s21 =	sadd.s32 $0x70, s16;
	s24 =	simm.s32 $0xF878  }
0x225: {  	[hbm4b:s21+s3] =	stream.linear.scatter [tilespmem:s24], [sflag:$0x3], $0x80, $0x38;
	[tilespmem:$0x18900] =	vst v63  }
0x226: {  	s21 =	sadd.s32 $0x4000, s16;
	s24 =	simm.s32 $0x105C0  }
0x227: {  	[hbm4b:s21+s3] =	stream.linear.scatter [tilespmem:s24], [sflag:$0x3], $0x80, $0x38;
	[tilespmem:$0x18900] =	vst v63  }
0x228: {  	s21 =	sadd.s32 $0x4010, s16;
	s24 =	simm.s32 $0x10648  }
0x229: {  	[hbm4b:s21+s3] =	stream.linear.scatter [tilespmem:s24], [sflag:$0x3], $0x80, $0x38;
	[tilespmem:$0x18900] =	vst v63  }
0x22a: {  	s21 =	sadd.s32 $0x4020, s16;
	s24 =	simm.s32 $0x106D0  }
0x22b: {  	[hbm4b:s21+s3] =	stream.linear.scatter [tilespmem:s24], [sflag:$0x3], $0x80, $0x38;
	[tilespmem:$0x18900] =	vst v63  }
0x22c: {  	s21 =	sadd.s32 $0x4030, s16;
	s24 =	simm.s32 $0x10758  }
0x22d: {  	[hbm4b:s21+s3] =	stream.linear.scatter [tilespmem:s24], [sflag:$0x3], $0x80, $0x38;
	[tilespmem:$0x18900] =	vst v63  }
0x22e: {  	s21 =	sadd.s32 $0x4040, s16;
	s24 =	simm.s32 $0x107E0  }
0x22f: {  	[hbm4b:s21+s3] =	stream.linear.scatter [tilespmem:s24], [sflag:$0x3], $0x80, $0x38;
	[tilespmem:$0x18900] =	vst v63  }
0x230: {  	s21 =	sadd.s32 $0x4050, s16;
	s24 =	simm.s32 $0x10868  }
0x231: {  	[hbm4b:s21+s3] =	stream.linear.scatter [tilespmem:s24], [sflag:$0x3], $0x80, $0x38;
	[tilespmem:$0x18900] =	vst v63  }
0x232: {  	s21 =	sadd.s32 $0x4060, s16;
	s24 =	simm.s32 $0x108F0  }
0x233: {  	[hbm4b:s21+s3] =	stream.linear.scatter [tilespmem:s24], [sflag:$0x3], $0x80, $0x38;
	[tilespmem:$0x18900] =	vst v63  }
0x234: {  	s21 =	sadd.s32 $0x4070, s16;
	s24 =	simm.s32 $0x10978  }
0x235: {  	[hbm4b:s21+s3] =	stream.linear.scatter [tilespmem:s24], [sflag:$0x3], $0x80, $0x38;
	[tilespmem:$0x18900] =	vst v63  }
0x236: {  	s21 =	sadd.s32 $0x8000, s16;
	s24 =	simm.s32 $0x116C0  }
0x237: {  	[hbm4b:s21+s3] =	stream.linear.scatter [tilespmem:s24], [sflag:$0x3], $0x80, $0x38;
	[tilespmem:$0x18900] =	vst v63  }
0x238: {  	s21 =	sadd.s32 $0x8010, s16;
	s24 =	simm.s32 $0x11748  }
0x239: {  	[hbm4b:s21+s3] =	stream.linear.scatter [tilespmem:s24], [sflag:$0x3], $0x80, $0x38;
	[tilespmem:$0x18900] =	vst v63  }
0x23a: {  	s21 =	sadd.s32 $0x8020, s16;
	s24 =	simm.s32 $0x117D0  }
0x23b: {  	[hbm4b:s21+s3] =	stream.linear.scatter [tilespmem:s24], [sflag:$0x3], $0x80, $0x38;
	[tilespmem:$0x18900] =	vst v63  }
0x23c: {  	s21 =	sadd.s32 $0x8030, s16;
	s24 =	simm.s32 $0x11858  }
0x23d: {  	[hbm4b:s21+s3] =	stream.linear.scatter [tilespmem:s24], [sflag:$0x3], $0x80, $0x38;
	[tilespmem:$0x18900] =	vst v63  }
0x23e: {  	s21 =	sadd.s32 $0x8040, s16;
	s24 =	simm.s32 $0x118E0  }
0x23f: {  	[hbm4b:s21+s3] =	stream.linear.scatter [tilespmem:s24], [sflag:$0x3], $0x80, $0x38;
	[tilespmem:$0x18900] =	vst v63  }
0x240: {  	s21 =	sadd.s32 $0x8050, s16;
	s24 =	simm.s32 $0x11968  }
0x241: {  	[hbm4b:s21+s3] =	stream.linear.scatter [tilespmem:s24], [sflag:$0x3], $0x80, $0x38;
	[tilespmem:$0x18900] =	vst v63  }
0x242: {  	s21 =	sadd.s32 $0x8060, s16;
	s24 =	simm.s32 $0x119F0  }
0x243: {  	[hbm4b:s21+s3] =	stream.linear.scatter [tilespmem:s24], [sflag:$0x3], $0x80, $0x38;
	[tilespmem:$0x18900] =	vst v63  }
0x244: {  	s21 =	sadd.s32 $0x8070, s16;
	s24 =	simm.s32 $0x11A78  }
0x245: {  	[hbm4b:s21+s3] =	stream.linear.scatter [tilespmem:s24], [sflag:$0x3], $0x80, $0x38;
	[tilespmem:$0x18900] =	vst v63  }
0x246: {  	s21 =	sadd.s32 $0xC000, s16;
	s24 =	simm.s32 $0x127C0  }
0x247: {  	[hbm4b:s21+s3] =	stream.linear.scatter [tilespmem:s24], [sflag:$0x3], $0x80, $0x38;
	[tilespmem:$0x18900] =	vst v63  }
0x248: {  	s21 =	sadd.s32 $0xC010, s16;
	s24 =	simm.s32 $0x12848  }
0x249: {  	[hbm4b:s21+s3] =	stream.linear.scatter [tilespmem:s24], [sflag:$0x3], $0x80, $0x38;
	[tilespmem:$0x18900] =	vst v63  }
0x24a: {  	s21 =	sadd.s32 $0xC020, s16;
	s24 =	simm.s32 $0x128D0  }
0x24b: {  	[hbm4b:s21+s3] =	stream.linear.scatter [tilespmem:s24], [sflag:$0x3], $0x80, $0x38;
	[tilespmem:$0x18900] =	vst v63  }
0x24c: {  	s21 =	sadd.s32 $0xC030, s16;
	s24 =	simm.s32 $0x12958  }
0x24d: {  	[hbm4b:s21+s3] =	stream.linear.scatter [tilespmem:s24], [sflag:$0x3], $0x80, $0x38;
	[tilespmem:$0x18900] =	vst v63  }
0x24e: {  	s21 =	sadd.s32 $0xC040, s16;
	s24 =	simm.s32 $0x129E0  }
0x24f: {  	[hbm4b:s21+s3] =	stream.linear.scatter [tilespmem:s24], [sflag:$0x3], $0x80, $0x38;
	[tilespmem:$0x18900] =	vst v63  }
0x250: {  	p0 =	seq.s32 s12, $0x18;
	s21 =	sadd.s32 $0xC050, s16;
	s24 =	simm.s32 $0x12A68  }
0x251: {  	[hbm4b:s21+s3] =	stream.linear.scatter [tilespmem:s24], [sflag:$0x3], $0x80, $0x38;
	[tilespmem:$0x18900] =	vst v63  }
0x252: {  	v40 =	vlaneseq.u32 @!p0;
	s18 =	sshll.u32 @!p0 s12, $0x3;
	s19 =	sadd.s32 $0xC060, s16;
	s21 =	simm.s32 $0x12AF0  }
0x253: {  	v40 =	vmul.u32 @!p0 $0xC8, v40;
	[hbm4b:s19+s3] =	stream.linear.scatter [tilespmem:s21], [sflag:$0x3], $0x80, $0x38;
	[tilespmem:$0x18900] =	vst v63  }
0x254: {  	s19 =	sadd.s32 @!p0 $0x8, s18  }
0x255: {  	s16 =	sadd.s32 $0xC070, s16;
	s24 =	simm.s32 $0x12B78;
	v41 =	vadd.s32 @!p0 s19, v40  }
0x256: {  	[hbm4b:s16+s3] =	stream.linear.scatter [tilespmem:s24], [sflag:$0x3], $0x80, $0x38;
	[tilespmem:$0x18900] =	vst v63  }
0x257: {  	_ =	swait.ge [sflag:s22], $0x4000  }
0x258: {  	[sflag:s22] =	ssyncset.done $0x0  }
0x259: {  	s16 =	simm.s32 @!p0 $0x0;
	[sflag:s22] =	ssyncadd.s32 $0xFFFFC000  }
0x25a: {  	v42 =	vadd.s32 @!p0 $0xC80, v40;
	v41 =	vld.idx.msk @!p0 [tilespmem:v41+s16+$0x0], $0xffff  }
0x25b: {  	v43 =	vadd.s32 @!p0 s19, v42;
	_ =	sdelay $0x3  }
0x25c: {  	[tilespmem:$0x6400] =	vst @!p0 v41  }
0x25d: {  	v41 =	vld.idx.msk @!p0 [tilespmem:v43+s16+$0x0], $0xffff;
	v43 =	vadd.s32 @!p0 $0x1900, v40  }
0x25e: {  	v44 =	vadd.s32 @!p0 s19, v43;
	_ =	sdelay $0x3  }
0x25f: {  	[tilespmem:$0x6410] =	vst @!p0 v41  }
0x260: {  	v41 =	vld.idx.msk @!p0 [tilespmem:v44+s16+$0x0], $0xffff;
	v44 =	vadd.s32 @!p0 $0x2580, v40  }
0x261: {  	v45 =	vadd.s32 @!p0 s19, v44;
	_ =	sdelay $0x3  }
0x262: {  	[tilespmem:$0x6420] =	vst @!p0 v41  }
0x263: {  	v41 =	vld.idx.msk @!p0 [tilespmem:v45+s16+$0x0], $0xffff;
	v45 =	vadd.s32 @!p0 $0x3200, v40  }
0x264: {  	v46 =	vadd.s32 @!p0 s19, v45;
	_ =	sdelay $0x3  }
0x265: {  	[tilespmem:$0x6430] =	vst @!p0 v41  }
0x266: {  	v41 =	vld.idx.msk @!p0 [tilespmem:v46+s16+$0x0], $0xffff;
	v46 =	vadd.s32 @!p0 $0x3E80, v40  }
0x267: {  	v47 =	vadd.s32 @!p0 s19, v46;
	_ =	sdelay $0x3  }
0x268: {  	[tilespmem:$0x6440] =	vst @!p0 v41  }
0x269: {  	v41 =	vld.idx.msk @!p0 [tilespmem:v47+s16+$0x0], $0xffff;
	v47 =	vadd.s32 @!p0 $0x4B00, v40  }
0x26a: {  	v48 =	vadd.s32 @!p0 s19, v47;
	_ =	sdelay $0x3  }
0x26b: {  	[tilespmem:$0x6450] =	vst @!p0 v41  }
0x26c: {  	v41 =	vld.idx.msk @!p0 [tilespmem:v48+s16+$0x0], $0xffff;
	v48 =	vadd.s32 @!p0 $0x5780, v40  }
0x26d: {  	v49 =	vadd.s32 @!p0 s19, v48;
	_ =	sdelay $0x3  }
0x26e: {  	[tilespmem:$0x6460] =	vst @!p0 v41  }
0x26f: {  	s19 =	sadd.s32 @!p0 $0x9, s18;
	v41 =	vld.idx.msk @!p0 [tilespmem:v49+s16+$0x0], $0xffff  }
0x270: {  	v49 =	vadd.s32 @!p0 s19, v40;
	_ =	sdelay $0x3  }
0x271: {  	[tilespmem:$0x6470] =	vst @!p0 v41  }
0x272: {  	v41 =	vld.idx.msk @!p0 [tilespmem:v49+s16+$0x0], $0xffff  }
0x273: {  	v49 =	vadd.s32 @!p0 s19, v42;
	_ =	sdelay $0x3  }
0x274: {  	[tilespmem:$0x6480] =	vst @!p0 v41  }
0x275: {  	v41 =	vld.idx.msk @!p0 [tilespmem:v49+s16+$0x0], $0xffff  }
0x276: {  	v49 =	vadd.s32 @!p0 s19, v43;
	_ =	sdelay $0x3  }
0x277: {  	[tilespmem:$0x6490] =	vst @!p0 v41  }
0x278: {  	v41 =	vld.idx.msk @!p0 [tilespmem:v49+s16+$0x0], $0xffff  }
0x279: {  	v49 =	vadd.s32 @!p0 s19, v44;
	_ =	sdelay $0x3  }
0x27a: {  	[tilespmem:$0x64A0] =	vst @!p0 v41  }
0x27b: {  	v41 =	vld.idx.msk @!p0 [tilespmem:v49+s16+$0x0], $0xffff  }
0x27c: {  	v49 =	vadd.s32 @!p0 s19, v45;
	_ =	sdelay $0x3  }
0x27d: {  	[tilespmem:$0x64B0] =	vst @!p0 v41  }
0x27e: {  	v41 =	vld.idx.msk @!p0 [tilespmem:v49+s16+$0x0], $0xffff  }
0x27f: {  	v49 =	vadd.s32 @!p0 s19, v46;
	_ =	sdelay $0x3  }
0x280: {  	[tilespmem:$0x64C0] =	vst @!p0 v41  }
0x281: {  	v41 =	vld.idx.msk @!p0 [tilespmem:v49+s16+$0x0], $0xffff  }
0x282: {  	v49 =	vadd.s32 @!p0 s19, v47;
	_ =	sdelay $0x3  }
0x283: {  	[tilespmem:$0x64D0] =	vst @!p0 v41  }
0x284: {  	v41 =	vld.idx.msk @!p0 [tilespmem:v49+s16+$0x0], $0xffff  }
0x285: {  	v49 =	vadd.s32 @!p0 s19, v48;
	_ =	sdelay $0x3  }
0x286: {  	[tilespmem:$0x64E0] =	vst @!p0 v41  }
0x287: {  	s19 =	sadd.s32 @!p0 $0xA, s18;
	v41 =	vld.idx.msk @!p0 [tilespmem:v49+s16+$0x0], $0xffff  }
0x288: {  	v49 =	vadd.s32 @!p0 s19, v40;
	_ =	sdelay $0x3  }
0x289: {  	[tilespmem:$0x64F0] =	vst @!p0 v41  }
0x28a: {  	v41 =	vld.idx.msk @!p0 [tilespmem:v49+s16+$0x0], $0xffff  }
0x28b: {  	v49 =	vadd.s32 @!p0 s19, v42;
	_ =	sdelay $0x3  }
0x28c: {  	[tilespmem:$0x6500] =	vst @!p0 v41  }
0x28d: {  	v41 =	vld.idx.msk @!p0 [tilespmem:v49+s16+$0x0], $0xffff  }
0x28e: {  	v49 =	vadd.s32 @!p0 s19, v43;
	_ =	sdelay $0x3  }
0x28f: {  	[tilespmem:$0x6510] =	vst @!p0 v41  }
0x290: {  	v41 =	vld.idx.msk @!p0 [tilespmem:v49+s16+$0x0], $0xffff  }
0x291: {  	v49 =	vadd.s32 @!p0 s19, v44;
	_ =	sdelay $0x3  }
0x292: {  	[tilespmem:$0x6520] =	vst @!p0 v41  }
0x293: {  	v41 =	vld.idx.msk @!p0 [tilespmem:v49+s16+$0x0], $0xffff  }
0x294: {  	v49 =	vadd.s32 @!p0 s19, v45;
	_ =	sdelay $0x3  }
0x295: {  	[tilespmem:$0x6530] =	vst @!p0 v41  }
0x296: {  	v41 =	vld.idx.msk @!p0 [tilespmem:v49+s16+$0x0], $0xffff  }
0x297: {  	v49 =	vadd.s32 @!p0 s19, v46;
	_ =	sdelay $0x3  }
0x298: {  	[tilespmem:$0x6540] =	vst @!p0 v41  }
0x299: {  	v41 =	vld.idx.msk @!p0 [tilespmem:v49+s16+$0x0], $0xffff  }
0x29a: {  	v49 =	vadd.s32 @!p0 s19, v47;
	_ =	sdelay $0x3  }
0x29b: {  	[tilespmem:$0x6550] =	vst @!p0 v41  }
0x29c: {  	v41 =	vld.idx.msk @!p0 [tilespmem:v49+s16+$0x0], $0xffff  }
0x29d: {  	v49 =	vadd.s32 @!p0 s19, v48;
	_ =	sdelay $0x3  }
0x29e: {  	[tilespmem:$0x6560] =	vst @!p0 v41  }
0x29f: {  	s18 =	sadd.s32 @!p0 $0xB, s18;
	v41 =	vld.idx.msk @!p0 [tilespmem:v49+s16+$0x0], $0xffff  }
0x2a0: {  	v40 =	vadd.s32 @!p0 s18, v40;
	_ =	sdelay $0x3  }
0x2a1: {  	[tilespmem:$0x6570] =	vst @!p0 v41  }
0x2a2: {  	v40 =	vld.idx.msk @!p0 [tilespmem:v40+s16+$0x0], $0xffff  }
0x2a3: {  	v41 =	vadd.s32 @!p0 s18, v42;
	_ =	sdelay $0x3  }
0x2a4: {  	[tilespmem:$0x6580] =	vst @!p0 v40  }
0x2a5: {  	v40 =	vld.idx.msk @!p0 [tilespmem:v41+s16+$0x0], $0xffff  }
0x2a6: {  	v41 =	vadd.s32 @!p0 s18, v43;
	_ =	sdelay $0x3  }
0x2a7: {  	[tilespmem:$0x6590] =	vst @!p0 v40  }
0x2a8: {  	v40 =	vld.idx.msk @!p0 [tilespmem:v41+s16+$0x0], $0xffff  }
0x2a9: {  	v41 =	vadd.s32 @!p0 s18, v44;
	_ =	sdelay $0x3  }
0x2aa: {  	[tilespmem:$0x65A0] =	vst @!p0 v40  }
0x2ab: {  	v40 =	vld.idx.msk @!p0 [tilespmem:v41+s16+$0x0], $0xffff  }
0x2ac: {  	v41 =	vadd.s32 @!p0 s18, v45;
	_ =	sdelay $0x3  }
0x2ad: {  	[tilespmem:$0x65B0] =	vst @!p0 v40  }
0x2ae: {  	v40 =	vld.idx.msk @!p0 [tilespmem:v41+s16+$0x0], $0xffff  }
0x2af: {  	v41 =	vadd.s32 @!p0 s18, v46;
	_ =	sdelay $0x3  }
0x2b0: {  	[tilespmem:$0x65C0] =	vst @!p0 v40  }
0x2b1: {  	v40 =	vld.idx.msk @!p0 [tilespmem:v41+s16+$0x0], $0xffff  }
0x2b2: {  	v41 =	vadd.s32 @!p0 s18, v47;
	_ =	sdelay $0x3  }
0x2b3: {  	[tilespmem:$0x65D0] =	vst @!p0 v40  }
0x2b4: {  	v40 =	vld.idx.msk @!p0 [tilespmem:v41+s16+$0x0], $0xffff  }
0x2b5: {  	v41 =	vadd.s32 @!p0 s18, v48;
	_ =	sdelay $0x3  }
0x2b6: {  	[tilespmem:$0x65E0] =	vst @!p0 v40  }
0x2b7: {  	v40 =	vld.idx.msk @!p0 [tilespmem:v41+s16+$0x0], $0xffff;
	_ =	sdelay $0x2  }
0x2b8: {  	p1 =	seq.s32 @!p0 s12, $0x0  }
0x2b9: {  	p1 =	por p0, !p1  }
0x2ba: {  	s16 =	simm.s32 @p1 $0x4;
	[tilespmem:$0x65F0] =	vst @!p0 v40  }
0x2bb: {  	_ =	swait.ge @p1 [sflag:s16], $0x1000  }
0x2bc: {  	[sflag:s16] =	ssyncset.done @p1 $0x0  }
0x2bd: {  	[sflag:s16] =	ssyncadd.s32 @p1 $0xFFFFF000  }
0x2be: {  	_ =	swait.ge @p1 [sflag:s16], $0x1000  }
0x2bf: {  	[sflag:s16] =	ssyncset.done @p1 $0x0  }
0x2c0: {  	[sflag:s16] =	ssyncadd.s32 @p1 $0xFFFFF000  }
0x2c1: {  	_ =	swait.ge @p1 [sflag:s16], $0x1000  }
0x2c2: {  	[sflag:s16] =	ssyncset.done @p1 $0x0  }
0x2c3: {  	[sflag:s16] =	ssyncadd.s32 @p1 $0xFFFFF000  }
0x2c4: {  	p0 =	seq.s32 @p1 s12, $0x18;
	_ =	swait.ge @p1 [sflag:s16], $0x1000  }
0x2c5: {  	s21 =	sshll.u32 s15, $0x7;
	p0 =	por !p1, !p0;
	[sflag:s16] =	ssyncset.done @p1 $0x0  }
0x2c6: {  	s18 =	simm.s32 @p0 $0x6800;
	[sflag:s16] =	ssyncadd.s32 @p1 $0xFFFFF000;
	s16 =	simm.s32 @p0 $0x6400  }
0x2c7: {  	[tilespmem:s18], [sflag:$0x1] =	stream.indirect.gather @p0 [hbm4b:s4+s14], $0x20, s16, s14, $0xb8;
	[tilespmem:$0x18900] =	vst v63  }
0x2c8: {  	s16 =	sand.u32 $0x3FFFFF80, s21  }
0x2c9: {  	v41 =	vld [tilespmem:s16+$0x17000]  }
0x2ca: {  	s24 =	simm.s32 $0x3;
	s18 =	simm.s32 $0xA870;
	v40 =	vld [tilespmem:s16+$0x17010]  }
0x2cb: {  	v61 =	vmov s24;
	v62 =	vld [tilespmem:s18+$0xFFFFFFF0]  }
0x2cc: {  	v42 =	vand.u32 $0x7F, v61;
	s21 =	simm.s32 $0x0;
	v63 =	vld [tilespmem:s18+$0x0]  }
0x2cd: {  	v49 =	vadd.s32 v27, v42;
	v58 =	vmov s21;
	v47 =	vld [tilespmem:s18+$0xFFFFFF90]  }
0x2ce: {  	s24 =	simm.s32 $0x1;
	v56 =	vadd.s32 v33, v42;
	v51 =	vld [tilespmem:s18+$0xFFFFFFA0];
	v43 =	vand.u32 $0x7C, v58  }
0x2cf: {  	v59 =	vmov s24;
	v50 =	vld [tilespmem:s18+$0xFFFFFFB0];
	v48 =	vadd.s32 v27, v43  }
0x2d0: {  	v60 =	vand.u32 $0x7D, v59;
	s21 =	simm.s32 $0x2;
	v42 =	vadd.s32 v33, v43;
	v43 =	vld [tilespmem:s18+$0xFFFFFFC0];
	v61 =	vadd.f32 v62, v41  }
0x2d1: {  	v44 =	vadd.s32 v27, v60;
	v45 =	vld [tilespmem:s18+$0xFFFFFFD0];
	v62 =	vmov s21;
	v63 =	vadd.f32 v63, v40  }
0x2d2: {  	s24 =	simm.s32 $0x7;
	v46 =	vadd.s32 v33, v60;
	v52 =	vadd.f32 v47, v41;
	v47 =	vld [tilespmem:s18+$0xFFFFFFE0];
	s18 =	simm.s32 $0xA8F0;
	v53 =	vand.u32 $0x7E, v62;
	[tilespmem:v49+s23+$0x0] =	vst.idx.msk $0xffff, v61  }
0x2d3: {  	v55 =	vmov s24;
	s19 =	simm.s32 $0x4;
	s21 =	simm.s32 $0x8;
	v54 =	vadd.f32 v51, v40;
	v49 =	vld [tilespmem:s18+$0xFFFFFFF0];
	v51 =	vadd.s32 v27, v53;
	[tilespmem:v56+s23+$0x0] =	vst.idx.msk $0xffff, v63  }
.LBB2_11:
0x2d4: {  	p0 =	slt.u32 s21, $0x7C;
	v56 =	vld [tilespmem:s18+$0x0];
	v55 =	vand.u32 $0x7F, v55;
	[tilespmem:v48+s23+$0x0] =	vst.idx.msk $0xffff, v52;
	v48 =	vadd.f32 v50, v41;
	v52 =	vadd.s32 v33, v53  }
0x2d5: {  	v50 =	vmov s19;
	v53 =	vld [tilespmem:s18+$0xFFFFFF90];
	v57 =	vadd.s32 v27, v55;
	[tilespmem:v42+s23+$0x0] =	vst.idx.msk $0xffff, v54;
	v42 =	vadd.f32 v43, v40  }
0x2d6: {  	s24 =	sadd.s32 $0x1, s19;
	v43 =	vand.u32 $0x7C, v50;
	v58 =	vadd.s32 v33, v55;
	v54 =	vld [tilespmem:s18+$0xFFFFFFA0];
	[tilespmem:v44+s23+$0x0] =	vst.idx.msk $0xffff, v48;
	v44 =	vadd.f32 v45, v41  }
.Ltmp4:
0x2d7: {  	v48 =	vadd.s32 v27, v43;
	v45 =	vmov s24;
	v50 =	vld [tilespmem:s18+$0xFFFFFFB0];
	[tilespmem:v46+s23+$0x0] =	vst.idx.msk $0xffff, v42;
	v46 =	vadd.f32 v47, v40;
	(pc) =	sbr.rel @p0 .LBB2_11-.Ltmp4, $4  }
0x2d8: {  	s24 =	sadd.s32 $0x2, s19;
	s19 =	smov.u32 s21;
	v42 =	vadd.s32 v33, v43;
	v47 =	vand.u32 $0x7D, v45;
	v43 =	vld [tilespmem:s18+$0xFFFFFFC0];
	v49 =	vadd.f32 v49, v41;
	[tilespmem:v51+s23+$0x0] =	vst.idx.msk $0xffff, v44  }
0x2d9: {  	v44 =	vadd.s32 v27, v47;
	v51 =	vmov s24;
	v45 =	vld [tilespmem:s18+$0xFFFFFFD0];
	v56 =	vadd.f32 v56, v40;
	[tilespmem:v52+s23+$0x0] =	vst.idx.msk $0xffff, v46  }
0x2da: {  	s24 =	sadd.s32 $0x3, s21;
	v46 =	vadd.s32 v33, v47;
	v52 =	vadd.f32 v53, v41;
	v47 =	vld [tilespmem:s18+$0xFFFFFFE0];
	v53 =	vand.u32 $0x7E, v51;
	[tilespmem:v57+s23+$0x0] =	vst.idx.msk $0xffff, v49;
	s18 =	sadd.s32 $0x80, s18  }
0x2db: {  	s21 =	sadd.s32 $0x4, s21;
	v55 =	vmov s24;
	v49 =	vld [tilespmem:s18+$0xFFFFFFF0];
	v54 =	vadd.f32 v54, v40;
	v51 =	vadd.s32 v27, v53;
	[tilespmem:v58+s23+$0x0] =	vst.idx.msk $0xffff, v56  }
0x2dc: {  	_ =	sdelay $0x3  }
0x2dd: {  	v56 =	vld [tilespmem:s18+$0x0];
	v55 =	vand.u32 $0x7F, v55;
	[tilespmem:v48+s23+$0x0] =	vst.idx.msk $0xffff, v52;
	v62 =	vadd.f32 v50, v41;
	v50 =	vadd.s32 v33, v53  }
0x2de: {  	v63 =	vmov s19;
	v53 =	vld [tilespmem:s18+$0xFFFFFF90];
	v57 =	vadd.s32 v27, v55;
	[tilespmem:v42+s23+$0x0] =	vst.idx.msk $0xffff, v54;
	v59 =	vadd.f32 v43, v40  }
0x2df: {  	s21 =	sadd.s32 $0x1, s19;
	v43 =	vld [tilespmem:s18+$0xFFFFFFA0];
	v52 =	vand.u32 $0x7C, v63;
	v54 =	vadd.s32 v33, v55;
	[tilespmem:v44+s23+$0x0] =	vst.idx.msk $0xffff, v62;
	v60 =	vadd.f32 v45, v41  }
0x2e0: {  	v61 =	vmov s21;
	v55 =	vld [tilespmem:s18+$0xFFFFFFB0];
	v45 =	vadd.s32 v27, v52;
	[tilespmem:v46+s23+$0x0] =	vst.idx.msk $0xffff, v59;
	v62 =	vadd.f32 v47, v40  }
0x2e1: {  	s21 =	sadd.s32 $0x2, s19;
	v48 =	vand.u32 $0x7D, v61;
	v46 =	vadd.s32 v33, v52;
	v47 =	vld [tilespmem:s18+$0xFFFFFFC0];
	v49 =	vadd.f32 v49, v41;
	[tilespmem:v51+s23+$0x0] =	vst.idx.msk $0xffff, v60  }
0x2e2: {  	v63 =	vmov s21;
	v44 =	vadd.s32 v27, v48;
	v52 =	vld [tilespmem:s18+$0xFFFFFFD0];
	v56 =	vadd.f32 v56, v40;
	[tilespmem:v50+s23+$0x0] =	vst.idx.msk $0xffff, v62  }
0x2e3: {  	v61 =	vld [tilespmem:s18+$0xFFFFFFE0];
	v48 =	vadd.s32 v33, v48;
	v51 =	vand.u32 $0x7E, v63;
	v60 =	vadd.f32 v53, v41;
	[tilespmem:v57+s23+$0x0] =	vst.idx.msk $0xffff, v49  }
0x2e4: {  	v62 =	vadd.s32 v27, v51;
	v43 =	vadd.f32 v43, v40;
	[tilespmem:v54+s23+$0x0] =	vst.idx.msk $0xffff, v56  }
0x2e5: {  	v53 =	vadd.s32 v33, v51;
	v63 =	vadd.f32 v55, v41;
	[tilespmem:v45+s23+$0x0] =	vst.idx.msk $0xffff, v60  }
0x2e6: {  	[tilespmem:v46+s23+$0x0] =	vst.idx.msk $0xffff, v43;
	v54 =	vadd.f32 v47, v40  }
0x2e7: {  	[tilespmem:v44+s23+$0x0] =	vst.idx.msk $0xffff, v63;
	v55 =	vadd.f32 v52, v41  }
0x2e8: {  	v56 =	vadd.f32 v61, v40;
	[tilespmem:v48+s23+$0x0] =	vst.idx.msk $0xffff, v54  }
0x2e9: {  	[tilespmem:v62+s23+$0x0] =	vst.idx.msk $0xffff, v55  }
0x2ea: {  	[tilespmem:v53+s23+$0x0] =	vst.idx.msk $0xffff, v56  }
0x2eb: {  	v41 =	vld [tilespmem:s16+$0x17020]  }
0x2ec: {  	s24 =	simm.s32 $0x3;
	s18 =	simm.s32 $0xB800;
	v40 =	vld [tilespmem:s16+$0x17030]  }
0x2ed: {  	v57 =	vmov s24;
	v44 =	vld [tilespmem:s18+$0x60]  }
0x2ee: {  	s21 =	simm.s32 $0x0;
	v42 =	vand.u32 $0x7F, v57;
	v46 =	vld [tilespmem:s18+$0x70]  }
0x2ef: {  	v58 =	vmov s21;
	v49 =	vadd.s32 v34, v42;
	v47 =	vld [tilespmem:s18+$0x0]  }
0x2f0: {  	s24 =	simm.s32 $0x1;
	v43 =	vand.u32 $0x7C, v58;
	v56 =	vadd.s32 v35, v42;
	v51 =	vld [tilespmem:s18+$0x10]  }
0x2f1: {  	v59 =	vmov s24;
	v48 =	vadd.s32 v34, v43;
	v50 =	vld [tilespmem:s18+$0x20]  }
0x2f2: {  	s21 =	simm.s32 $0x2;
	v60 =	vand.u32 $0x7D, v59;
	v42 =	vadd.s32 v35, v43;
	v43 =	vld [tilespmem:s18+$0x30];
	v61 =	vadd.f32 v44, v41  }
0x2f3: {  	v62 =	vmov s21;
	v45 =	vld [tilespmem:s18+$0x40];
	v44 =	vadd.s32 v34, v60;
	v63 =	vadd.f32 v46, v40  }
0x2f4: {  	s24 =	simm.s32 $0x7;
	v53 =	vand.u32 $0x7E, v62;
	v52 =	vadd.f32 v47, v41;
	v46 =	vadd.s32 v35, v60;
	v47 =	vld [tilespmem:s18+$0x50];
	s18 =	simm.s32 $0xB880;
	[tilespmem:v49+s23+$0x0] =	vst.idx.msk $0xffff, v61  }
0x2f5: {  	s19 =	simm.s32 $0x4;
	v55 =	vmov s24;
	s21 =	simm.s32 $0x8;
	v54 =	vadd.f32 v51, v40;
	v51 =	vadd.s32 v34, v53;
	v49 =	vld [tilespmem:s18+$0x60];
	[tilespmem:v56+s23+$0x0] =	vst.idx.msk $0xffff, v63  }
.LBB2_13:
0x2f6: {  	p0 =	slt.u32 s21, $0x7C;
	v56 =	vld [tilespmem:s18+$0x70];
	v55 =	vand.u32 $0x7F, v55;
	[tilespmem:v48+s23+$0x0] =	vst.idx.msk $0xffff, v52;
	v48 =	vadd.f32 v50, v41;
	v52 =	vadd.s32 v35, v53  }
0x2f7: {  	v50 =	vmov s19;
	v53 =	vld [tilespmem:s18+$0x0];
	v57 =	vadd.s32 v34, v55;
	[tilespmem:v42+s23+$0x0] =	vst.idx.msk $0xffff, v54;
	v42 =	vadd.f32 v43, v40  }
0x2f8: {  	s24 =	sadd.s32 $0x1, s19;
	v43 =	vand.u32 $0x7C, v50;
	v58 =	vadd.s32 v35, v55;
	v54 =	vld [tilespmem:s18+$0x10];
	[tilespmem:v44+s23+$0x0] =	vst.idx.msk $0xffff, v48;
	v44 =	vadd.f32 v45, v41  }
.Ltmp5:
0x2f9: {  	v48 =	vadd.s32 v34, v43;
	v45 =	vmov s24;
	v50 =	vld [tilespmem:s18+$0x20];
	[tilespmem:v46+s23+$0x0] =	vst.idx.msk $0xffff, v42;
	v46 =	vadd.f32 v47, v40;
	(pc) =	sbr.rel @p0 .LBB2_13-.Ltmp5, $4  }
0x2fa: {  	s24 =	sadd.s32 $0x2, s19;
	s19 =	smov.u32 s21;
	v42 =	vadd.s32 v35, v43;
	v47 =	vand.u32 $0x7D, v45;
	v43 =	vld [tilespmem:s18+$0x30];
	v49 =	vadd.f32 v49, v41;
	[tilespmem:v51+s23+$0x0] =	vst.idx.msk $0xffff, v44  }
0x2fb: {  	v44 =	vadd.s32 v34, v47;
	v51 =	vmov s24;
	v45 =	vld [tilespmem:s18+$0x40];
	v56 =	vadd.f32 v56, v40;
	[tilespmem:v52+s23+$0x0] =	vst.idx.msk $0xffff, v46  }
0x2fc: {  	s24 =	sadd.s32 $0x3, s21;
	v46 =	vadd.s32 v35, v47;
	v52 =	vadd.f32 v53, v41;
	v47 =	vld [tilespmem:s18+$0x50];
	v53 =	vand.u32 $0x7E, v51;
	[tilespmem:v57+s23+$0x0] =	vst.idx.msk $0xffff, v49;
	s18 =	sadd.s32 $0x80, s18  }
0x2fd: {  	s21 =	sadd.s32 $0x4, s21;
	v55 =	vmov s24;
	v49 =	vld [tilespmem:s18+$0x60];
	v54 =	vadd.f32 v54, v40;
	v51 =	vadd.s32 v34, v53;
	[tilespmem:v58+s23+$0x0] =	vst.idx.msk $0xffff, v56  }
0x2fe: {  	_ =	sdelay $0x3  }
0x2ff: {  	v56 =	vld [tilespmem:s18+$0x70];
	v55 =	vand.u32 $0x7F, v55;
	[tilespmem:v48+s23+$0x0] =	vst.idx.msk $0xffff, v52;
	v62 =	vadd.f32 v50, v41;
	v50 =	vadd.s32 v35, v53  }
0x300: {  	v63 =	vmov s19;
	v53 =	vld [tilespmem:s18+$0x0];
	v57 =	vadd.s32 v34, v55;
	[tilespmem:v42+s23+$0x0] =	vst.idx.msk $0xffff, v54;
	v59 =	vadd.f32 v43, v40  }
0x301: {  	s21 =	sadd.s32 $0x1, s19;
	v43 =	vld [tilespmem:s18+$0x10];
	v52 =	vand.u32 $0x7C, v63;
	v54 =	vadd.s32 v35, v55;
	[tilespmem:v44+s23+$0x0] =	vst.idx.msk $0xffff, v62;
	v60 =	vadd.f32 v45, v41  }
0x302: {  	v61 =	vmov s21;
	v55 =	vld [tilespmem:s18+$0x20];
	v45 =	vadd.s32 v34, v52;
	[tilespmem:v46+s23+$0x0] =	vst.idx.msk $0xffff, v59;
	v62 =	vadd.f32 v47, v40  }
0x303: {  	s21 =	sadd.s32 $0x2, s19;
	v48 =	vand.u32 $0x7D, v61;
	v46 =	vadd.s32 v35, v52;
	v47 =	vld [tilespmem:s18+$0x30];
	v49 =	vadd.f32 v49, v41;
	[tilespmem:v51+s23+$0x0] =	vst.idx.msk $0xffff, v60  }
0x304: {  	v63 =	vmov s21;
	v44 =	vadd.s32 v34, v48;
	v52 =	vld [tilespmem:s18+$0x40];
	v56 =	vadd.f32 v56, v40;
	[tilespmem:v50+s23+$0x0] =	vst.idx.msk $0xffff, v62  }
0x305: {  	v61 =	vld [tilespmem:s18+$0x50];
	v48 =	vadd.s32 v35, v48;
	v51 =	vand.u32 $0x7E, v63;
	v60 =	vadd.f32 v53, v41;
	[tilespmem:v57+s23+$0x0] =	vst.idx.msk $0xffff, v49  }
0x306: {  	v62 =	vadd.s32 v34, v51;
	v43 =	vadd.f32 v43, v40;
	[tilespmem:v54+s23+$0x0] =	vst.idx.msk $0xffff, v56  }
0x307: {  	v53 =	vadd.s32 v35, v51;
	v63 =	vadd.f32 v55, v41;
	[tilespmem:v45+s23+$0x0] =	vst.idx.msk $0xffff, v60  }
0x308: {  	[tilespmem:v46+s23+$0x0] =	vst.idx.msk $0xffff, v43;
	v54 =	vadd.f32 v47, v40  }
0x309: {  	[tilespmem:v44+s23+$0x0] =	vst.idx.msk $0xffff, v63;
	v55 =	vadd.f32 v52, v41  }
0x30a: {  	v56 =	vadd.f32 v61, v40;
	[tilespmem:v48+s23+$0x0] =	vst.idx.msk $0xffff, v54  }
0x30b: {  	[tilespmem:v62+s23+$0x0] =	vst.idx.msk $0xffff, v55  }
0x30c: {  	[tilespmem:v53+s23+$0x0] =	vst.idx.msk $0xffff, v56  }
0x30d: {  	v41 =	vld [tilespmem:s16+$0x17040]  }
0x30e: {  	s24 =	simm.s32 $0x3;
	s18 =	simm.s32 $0xC800;
	v40 =	vld [tilespmem:s16+$0x17050]  }
0x30f: {  	v57 =	vmov s24;
	v44 =	vld [tilespmem:s18+$0x60]  }
0x310: {  	s21 =	simm.s32 $0x0;
	v42 =	vand.u32 $0x7F, v57;
	v46 =	vld [tilespmem:s18+$0x70]  }
0x311: {  	v58 =	vmov s21;
	v49 =	vadd.s32 v36, v42;
	v47 =	vld [tilespmem:s18+$0x0]  }
0x312: {  	s24 =	simm.s32 $0x1;
	v43 =	vand.u32 $0x7C, v58;
	v56 =	vadd.s32 v37, v42;
	v51 =	vld [tilespmem:s18+$0x10]  }
0x313: {  	v59 =	vmov s24;
	v48 =	vadd.s32 v36, v43;
	v50 =	vld [tilespmem:s18+$0x20]  }
0x314: {  	s21 =	simm.s32 $0x2;
	v60 =	vand.u32 $0x7D, v59;
	v42 =	vadd.s32 v37, v43;
	v43 =	vld [tilespmem:s18+$0x30];
	v61 =	vadd.f32 v44, v41  }
0x315: {  	v62 =	vmov s21;
	v45 =	vld [tilespmem:s18+$0x40];
	v44 =	vadd.s32 v36, v60;
	v63 =	vadd.f32 v46, v40  }
0x316: {  	s24 =	simm.s32 $0x7;
	v53 =	vand.u32 $0x7E, v62;
	v52 =	vadd.f32 v47, v41;
	v46 =	vadd.s32 v37, v60;
	v47 =	vld [tilespmem:s18+$0x50];
	s18 =	simm.s32 $0xC880;
	[tilespmem:v49+s23+$0x0] =	vst.idx.msk $0xffff, v61  }
0x317: {  	s19 =	simm.s32 $0x4;
	v55 =	vmov s24;
	s21 =	simm.s32 $0x8;
	v54 =	vadd.f32 v51, v40;
	v51 =	vadd.s32 v36, v53;
	v49 =	vld [tilespmem:s18+$0x60];
	[tilespmem:v56+s23+$0x0] =	vst.idx.msk $0xffff, v63  }
.LBB2_15:
0x318: {  	p0 =	slt.u32 s21, $0x7C;
	v56 =	vld [tilespmem:s18+$0x70];
	v55 =	vand.u32 $0x7F, v55;
	[tilespmem:v48+s23+$0x0] =	vst.idx.msk $0xffff, v52;
	v48 =	vadd.f32 v50, v41;
	v52 =	vadd.s32 v37, v53  }
0x319: {  	v50 =	vmov s19;
	v53 =	vld [tilespmem:s18+$0x0];
	v57 =	vadd.s32 v36, v55;
	[tilespmem:v42+s23+$0x0] =	vst.idx.msk $0xffff, v54;
	v42 =	vadd.f32 v43, v40  }
0x31a: {  	s24 =	sadd.s32 $0x1, s19;
	v43 =	vand.u32 $0x7C, v50;
	v58 =	vadd.s32 v37, v55;
	v54 =	vld [tilespmem:s18+$0x10];
	[tilespmem:v44+s23+$0x0] =	vst.idx.msk $0xffff, v48;
	v44 =	vadd.f32 v45, v41  }
.Ltmp6:
0x31b: {  	v48 =	vadd.s32 v36, v43;
	v45 =	vmov s24;
	v50 =	vld [tilespmem:s18+$0x20];
	[tilespmem:v46+s23+$0x0] =	vst.idx.msk $0xffff, v42;
	v46 =	vadd.f32 v47, v40;
	(pc) =	sbr.rel @p0 .LBB2_15-.Ltmp6, $4  }
0x31c: {  	s24 =	sadd.s32 $0x2, s19;
	s19 =	smov.u32 s21;
	v42 =	vadd.s32 v37, v43;
	v47 =	vand.u32 $0x7D, v45;
	v43 =	vld [tilespmem:s18+$0x30];
	v49 =	vadd.f32 v49, v41;
	[tilespmem:v51+s23+$0x0] =	vst.idx.msk $0xffff, v44  }
0x31d: {  	v44 =	vadd.s32 v36, v47;
	v51 =	vmov s24;
	v45 =	vld [tilespmem:s18+$0x40];
	v56 =	vadd.f32 v56, v40;
	[tilespmem:v52+s23+$0x0] =	vst.idx.msk $0xffff, v46  }
0x31e: {  	s24 =	sadd.s32 $0x3, s21;
	v46 =	vadd.s32 v37, v47;
	v52 =	vadd.f32 v53, v41;
	v47 =	vld [tilespmem:s18+$0x50];
	v53 =	vand.u32 $0x7E, v51;
	[tilespmem:v57+s23+$0x0] =	vst.idx.msk $0xffff, v49;
	s18 =	sadd.s32 $0x80, s18  }
0x31f: {  	s21 =	sadd.s32 $0x4, s21;
	v55 =	vmov s24;
	v49 =	vld [tilespmem:s18+$0x60];
	v54 =	vadd.f32 v54, v40;
	v51 =	vadd.s32 v36, v53;
	[tilespmem:v58+s23+$0x0] =	vst.idx.msk $0xffff, v56  }
0x320: {  	_ =	sdelay $0x3  }
0x321: {  	v56 =	vld [tilespmem:s18+$0x70];
	v55 =	vand.u32 $0x7F, v55;
	[tilespmem:v48+s23+$0x0] =	vst.idx.msk $0xffff, v52;
	v62 =	vadd.f32 v50, v41;
	v50 =	vadd.s32 v37, v53  }
0x322: {  	v63 =	vmov s19;
	v53 =	vld [tilespmem:s18+$0x0];
	v57 =	vadd.s32 v36, v55;
	[tilespmem:v42+s23+$0x0] =	vst.idx.msk $0xffff, v54;
	v59 =	vadd.f32 v43, v40  }
0x323: {  	s21 =	sadd.s32 $0x1, s19;
	v43 =	vld [tilespmem:s18+$0x10];
	v52 =	vand.u32 $0x7C, v63;
	v54 =	vadd.s32 v37, v55;
	[tilespmem:v44+s23+$0x0] =	vst.idx.msk $0xffff, v62;
	v60 =	vadd.f32 v45, v41  }
0x324: {  	v61 =	vmov s21;
	v55 =	vld [tilespmem:s18+$0x20];
	v45 =	vadd.s32 v36, v52;
	[tilespmem:v46+s23+$0x0] =	vst.idx.msk $0xffff, v59;
	v62 =	vadd.f32 v47, v40  }
0x325: {  	s24 =	sadd.s32 $0x2, s19;
	v48 =	vand.u32 $0x7D, v61;
	v46 =	vadd.s32 v37, v52;
	v47 =	vld [tilespmem:s18+$0x30];
	v49 =	vadd.f32 v49, v41;
	[tilespmem:v51+s23+$0x0] =	vst.idx.msk $0xffff, v60  }
0x326: {  	v63 =	vmov s24;
	v44 =	vadd.s32 v36, v48;
	v52 =	vld [tilespmem:s18+$0x40];
	v56 =	vadd.f32 v56, v40;
	[tilespmem:v50+s23+$0x0] =	vst.idx.msk $0xffff, v62  }
0x327: {  	v61 =	vld [tilespmem:s18+$0x50];
	v48 =	vadd.s32 v37, v48;
	v51 =	vand.u32 $0x7E, v63;
	v60 =	vadd.f32 v53, v41;
	[tilespmem:v57+s23+$0x0] =	vst.idx.msk $0xffff, v49  }
0x328: {  	v62 =	vadd.s32 v36, v51;
	v43 =	vadd.f32 v43, v40;
	[tilespmem:v54+s23+$0x0] =	vst.idx.msk $0xffff, v56  }
0x329: {  	v53 =	vadd.s32 v37, v51;
	v63 =	vadd.f32 v55, v41;
	[tilespmem:v45+s23+$0x0] =	vst.idx.msk $0xffff, v60  }
0x32a: {  	[tilespmem:v46+s23+$0x0] =	vst.idx.msk $0xffff, v43;
	v54 =	vadd.f32 v47, v40  }
0x32b: {  	[tilespmem:v44+s23+$0x0] =	vst.idx.msk $0xffff, v63;
	v55 =	vadd.f32 v52, v41  }
0x32c: {  	v56 =	vadd.f32 v61, v40;
	[tilespmem:v48+s23+$0x0] =	vst.idx.msk $0xffff, v54  }
0x32d: {  	[tilespmem:v62+s23+$0x0] =	vst.idx.msk $0xffff, v55  }
0x32e: {  	[tilespmem:v53+s23+$0x0] =	vst.idx.msk $0xffff, v56  }
0x32f: {  	v41 =	vld [tilespmem:s16+$0x17060]  }
0x330: {  	s21 =	simm.s32 $0x3;
	v40 =	vld [tilespmem:s16+$0x17070];
	s16 =	simm.s32 $0xD800  }
0x331: {  	v57 =	vmov s21;
	v44 =	vld [tilespmem:s16+$0x60]  }
0x332: {  	s24 =	simm.s32 $0x0;
	v42 =	vand.u32 $0x7F, v57;
	v46 =	vld [tilespmem:s16+$0x70]  }
0x333: {  	v58 =	vmov s24;
	v49 =	vadd.s32 v38, v42;
	v47 =	vld [tilespmem:s16+$0x0]  }
0x334: {  	s19 =	simm.s32 $0x1;
	v43 =	vand.u32 $0x7C, v58;
	v56 =	vadd.s32 v39, v42;
	v51 =	vld [tilespmem:s16+$0x10]  }
0x335: {  	v59 =	vmov s19;
	v48 =	vadd.s32 v38, v43;
	v50 =	vld [tilespmem:s16+$0x20]  }
0x336: {  	s21 =	simm.s32 $0x2;
	v60 =	vand.u32 $0x7D, v59;
	v42 =	vadd.s32 v39, v43;
	v43 =	vld [tilespmem:s16+$0x30];
	v61 =	vadd.f32 v44, v41  }
0x337: {  	v62 =	vmov s21;
	v45 =	vld [tilespmem:s16+$0x40];
	v44 =	vadd.s32 v38, v60;
	v63 =	vadd.f32 v46, v40  }
0x338: {  	s24 =	simm.s32 $0x7;
	v53 =	vand.u32 $0x7E, v62;
	v52 =	vadd.f32 v47, v41;
	v46 =	vadd.s32 v39, v60;
	v47 =	vld [tilespmem:s16+$0x50];
	s16 =	simm.s32 $0xD880;
	[tilespmem:v49+s23+$0x0] =	vst.idx.msk $0xffff, v61  }
0x339: {  	s18 =	simm.s32 $0x4;
	s19 =	simm.s32 $0x8;
	v55 =	vmov s24;
	v54 =	vadd.f32 v51, v40;
	v51 =	vadd.s32 v38, v53;
	v49 =	vld [tilespmem:s16+$0x60];
	[tilespmem:v56+s23+$0x0] =	vst.idx.msk $0xffff, v63  }
.LBB2_17:
0x33a: {  	p0 =	slt.u32 s19, $0x7C;
	v56 =	vld [tilespmem:s16+$0x70];
	v55 =	vand.u32 $0x7F, v55;
	[tilespmem:v48+s23+$0x0] =	vst.idx.msk $0xffff, v52;
	v48 =	vadd.f32 v50, v41;
	v52 =	vadd.s32 v39, v53  }
0x33b: {  	v50 =	vmov s18;
	v53 =	vld [tilespmem:s16+$0x0];
	v57 =	vadd.s32 v38, v55;
	[tilespmem:v42+s23+$0x0] =	vst.idx.msk $0xffff, v54;
	v42 =	vadd.f32 v43, v40  }
0x33c: {  	s21 =	sadd.s32 $0x1, s18;
	v43 =	vand.u32 $0x7C, v50;
	v58 =	vadd.s32 v39, v55;
	v54 =	vld [tilespmem:s16+$0x10];
	[tilespmem:v44+s23+$0x0] =	vst.idx.msk $0xffff, v48;
	v44 =	vadd.f32 v45, v41  }
.Ltmp7:
0x33d: {  	v48 =	vadd.s32 v38, v43;
	v45 =	vmov s21;
	v50 =	vld [tilespmem:s16+$0x20];
	[tilespmem:v46+s23+$0x0] =	vst.idx.msk $0xffff, v42;
	v46 =	vadd.f32 v47, v40;
	(pc) =	sbr.rel @p0 .LBB2_17-.Ltmp7, $4  }
0x33e: {  	s21 =	sadd.s32 $0x2, s18;
	s18 =	smov.u32 s19;
	v42 =	vadd.s32 v39, v43;
	v47 =	vand.u32 $0x7D, v45;
	v43 =	vld [tilespmem:s16+$0x30];
	v49 =	vadd.f32 v49, v41;
	[tilespmem:v51+s23+$0x0] =	vst.idx.msk $0xffff, v44  }
0x33f: {  	v44 =	vadd.s32 v38, v47;
	v51 =	vmov s21;
	v45 =	vld [tilespmem:s16+$0x40];
	v56 =	vadd.f32 v56, v40;
	[tilespmem:v52+s23+$0x0] =	vst.idx.msk $0xffff, v46  }
0x340: {  	s21 =	sadd.s32 $0x3, s19;
	v46 =	vadd.s32 v39, v47;
	v52 =	vadd.f32 v53, v41;
	v47 =	vld [tilespmem:s16+$0x50];
	v53 =	vand.u32 $0x7E, v51;
	[tilespmem:v57+s23+$0x0] =	vst.idx.msk $0xffff, v49;
	s16 =	sadd.s32 $0x80, s16  }
0x341: {  	s19 =	sadd.s32 $0x4, s19;
	v55 =	vmov s21;
	v49 =	vld [tilespmem:s16+$0x60];
	v54 =	vadd.f32 v54, v40;
	v51 =	vadd.s32 v38, v53;
	[tilespmem:v58+s23+$0x0] =	vst.idx.msk $0xffff, v56  }
0x342: {  	_ =	sdelay $0x3  }
0x343: {  	v56 =	vld [tilespmem:s16+$0x70];
	v55 =	vand.u32 $0x7F, v55;
	[tilespmem:v48+s23+$0x0] =	vst.idx.msk $0xffff, v52;
	v60 =	vadd.f32 v50, v41;
	v50 =	vadd.s32 v39, v53  }
0x344: {  	v61 =	vmov s18;
	v62 =	vld [tilespmem:s16+$0x0];
	v57 =	vadd.s32 v38, v55;
	[tilespmem:v42+s23+$0x0] =	vst.idx.msk $0xffff, v54;
	v63 =	vadd.f32 v43, v40  }
0x345: {  	s19 =	sadd.s32 $0x1, s18;
	v43 =	vld [tilespmem:s16+$0x10];
	v52 =	vand.u32 $0x7C, v61;
	v54 =	vadd.s32 v39, v55;
	[tilespmem:v44+s23+$0x0] =	vst.idx.msk $0xffff, v60;
	v58 =	vadd.f32 v45, v41  }
0x346: {  	v59 =	vmov s19;
	v55 =	vld [tilespmem:s16+$0x20];
	v48 =	vadd.s32 v38, v52;
	[tilespmem:v46+s23+$0x0] =	vst.idx.msk $0xffff, v63;
	v60 =	vadd.f32 v47, v40  }
0x347: {  	s19 =	sadd.s32 $0x2, s18;
	v45 =	vand.u32 $0x7D, v59;
	v46 =	vadd.s32 v39, v52;
	v47 =	vld [tilespmem:s16+$0x30];
	v49 =	vadd.f32 v49, v41;
	[tilespmem:v51+s23+$0x0] =	vst.idx.msk $0xffff, v58  }
0x348: {  	v61 =	vmov s19;
	v44 =	vadd.s32 v38, v45;
	v52 =	vld [tilespmem:s16+$0x40];
	v56 =	vadd.f32 v56, v40;
	[tilespmem:v50+s23+$0x0] =	vst.idx.msk $0xffff, v60  }
0x349: {  	v45 =	vadd.s32 v39, v45;
	v63 =	vld [tilespmem:s16+$0x50];
	v51 =	vand.u32 $0x7E, v61;
	v62 =	vadd.f32 v62, v41;
	[tilespmem:v57+s23+$0x0] =	vst.idx.msk $0xffff, v49  }
0x34a: {  	v58 =	vadd.s32 v38, v51;
	v43 =	vadd.f32 v43, v40;
	[tilespmem:v54+s23+$0x0] =	vst.idx.msk $0xffff, v56  }
0x34b: {  	v60 =	vadd.s32 v39, v51;
	v59 =	vadd.f32 v55, v41;
	[tilespmem:v48+s23+$0x0] =	vst.idx.msk $0xffff, v62  }
0x34c: {  	[tilespmem:v46+s23+$0x0] =	vst.idx.msk $0xffff, v43;
	v61 =	vadd.f32 v47, v40  }
0x34d: {  	s15 =	sshll.u32 s15, $0x13;
	[tilespmem:v44+s23+$0x0] =	vst.idx.msk $0xffff, v59;
	v62 =	vadd.f32 v52, v41  }
0x34e: {  	s15 =	sor.u32 s7, s15;
	v63 =	vadd.f32 v63, v40;
	[tilespmem:v45+s23+$0x0] =	vst.idx.msk $0xffff, v61  }
0x34f: {  	s15 =	sshrl.u32 s15, $0x3;
	[tilespmem:v58+s23+$0x0] =	vst.idx.msk $0xffff, v62  }
0x350: {  	s16 =	sadd.s32 s2, s15;
	[tilespmem:v60+s23+$0x0] =	vst.idx.msk $0xffff, v63  }
0x351: {  	[hbm4b:s16+s3] =	stream.linear.scatter [tilespmem:s23], [sflag:$0x4], $0x80, $0x38;
	[tilespmem:$0x18900] =	vst v63  }
0x352: {  	s24 =	simm.s32 $0x12C88;
	s21 =	sadd.s32 $0x10, s16  }
0x353: {  	[hbm4b:s21+s3] =	stream.linear.scatter [tilespmem:s24], [sflag:$0x4], $0x80, $0x38;
	[tilespmem:$0x18900] =	vst v63  }
0x354: {  	s21 =	sadd.s32 $0x20, s16;
	s24 =	simm.s32 $0x12D10  }
0x355: {  	[hbm4b:s21+s3] =	stream.linear.scatter [tilespmem:s24], [sflag:$0x4], $0x80, $0x38;
	[tilespmem:$0x18900] =	vst v63  }
0x356: {  	s21 =	sadd.s32 $0x30, s16;
	s24 =	simm.s32 $0x12D98  }
0x357: {  	[hbm4b:s21+s3] =	stream.linear.scatter [tilespmem:s24], [sflag:$0x4], $0x80, $0x38;
	[tilespmem:$0x18900] =	vst v63  }
0x358: {  	s21 =	sadd.s32 $0x40, s16;
	s24 =	simm.s32 $0x12E20  }
0x359: {  	[hbm4b:s21+s3] =	stream.linear.scatter [tilespmem:s24], [sflag:$0x4], $0x80, $0x38;
	[tilespmem:$0x18900] =	vst v63  }
0x35a: {  	s21 =	sadd.s32 $0x50, s16;
	s24 =	simm.s32 $0x12EA8  }
0x35b: {  	[hbm4b:s21+s3] =	stream.linear.scatter [tilespmem:s24], [sflag:$0x4], $0x80, $0x38;
	[tilespmem:$0x18900] =	vst v63  }
0x35c: {  	s21 =	sadd.s32 $0x60, s16;
	s24 =	simm.s32 $0x12F30  }
0x35d: {  	[hbm4b:s21+s3] =	stream.linear.scatter [tilespmem:s24], [sflag:$0x4], $0x80, $0x38;
	[tilespmem:$0x18900] =	vst v63  }
0x35e: {  	s21 =	sadd.s32 $0x70, s16;
	s24 =	simm.s32 $0x12FB8  }
0x35f: {  	[hbm4b:s21+s3] =	stream.linear.scatter [tilespmem:s24], [sflag:$0x4], $0x80, $0x38;
	[tilespmem:$0x18900] =	vst v63  }
0x360: {  	s21 =	sadd.s32 $0x4000, s16;
	s24 =	simm.s32 $0x13D00  }
0x361: {  	[hbm4b:s21+s3] =	stream.linear.scatter [tilespmem:s24], [sflag:$0x4], $0x80, $0x38;
	[tilespmem:$0x18900] =	vst v63  }
0x362: {  	s21 =	sadd.s32 $0x4010, s16;
	s24 =	simm.s32 $0x13D88  }
0x363: {  	[hbm4b:s21+s3] =	stream.linear.scatter [tilespmem:s24], [sflag:$0x4], $0x80, $0x38;
	[tilespmem:$0x18900] =	vst v63  }
0x364: {  	s21 =	sadd.s32 $0x4020, s16;
	s24 =	simm.s32 $0x13E10  }
0x365: {  	[hbm4b:s21+s3] =	stream.linear.scatter [tilespmem:s24], [sflag:$0x4], $0x80, $0x38;
	[tilespmem:$0x18900] =	vst v63  }
0x366: {  	s21 =	sadd.s32 $0x4030, s16;
	s24 =	simm.s32 $0x13E98  }
0x367: {  	[hbm4b:s21+s3] =	stream.linear.scatter [tilespmem:s24], [sflag:$0x4], $0x80, $0x38;
	[tilespmem:$0x18900] =	vst v63  }
0x368: {  	s21 =	sadd.s32 $0x4040, s16;
	s24 =	simm.s32 $0x13F20  }
0x369: {  	[hbm4b:s21+s3] =	stream.linear.scatter [tilespmem:s24], [sflag:$0x4], $0x80, $0x38;
	[tilespmem:$0x18900] =	vst v63  }
0x36a: {  	s21 =	sadd.s32 $0x4050, s16;
	s24 =	simm.s32 $0x13FA8  }
0x36b: {  	[hbm4b:s21+s3] =	stream.linear.scatter [tilespmem:s24], [sflag:$0x4], $0x80, $0x38;
	[tilespmem:$0x18900] =	vst v63  }
0x36c: {  	s21 =	sadd.s32 $0x4060, s16;
	s24 =	simm.s32 $0x14030  }
0x36d: {  	[hbm4b:s21+s3] =	stream.linear.scatter [tilespmem:s24], [sflag:$0x4], $0x80, $0x38;
	[tilespmem:$0x18900] =	vst v63  }
0x36e: {  	s21 =	sadd.s32 $0x4070, s16;
	s24 =	simm.s32 $0x140B8  }
0x36f: {  	[hbm4b:s21+s3] =	stream.linear.scatter [tilespmem:s24], [sflag:$0x4], $0x80, $0x38;
	[tilespmem:$0x18900] =	vst v63  }
0x370: {  	s21 =	sadd.s32 $0x8000, s16;
	s24 =	simm.s32 $0x14E00  }
0x371: {  	[hbm4b:s21+s3] =	stream.linear.scatter [tilespmem:s24], [sflag:$0x4], $0x80, $0x38;
	[tilespmem:$0x18900] =	vst v63  }
0x372: {  	s21 =	sadd.s32 $0x8010, s16;
	s24 =	simm.s32 $0x14E88  }
0x373: {  	[hbm4b:s21+s3] =	stream.linear.scatter [tilespmem:s24], [sflag:$0x4], $0x80, $0x38;
	[tilespmem:$0x18900] =	vst v63  }
0x374: {  	s21 =	sadd.s32 $0x8020, s16;
	s24 =	simm.s32 $0x14F10  }
0x375: {  	[hbm4b:s21+s3] =	stream.linear.scatter [tilespmem:s24], [sflag:$0x4], $0x80, $0x38;
	[tilespmem:$0x18900] =	vst v63  }
0x376: {  	s21 =	sadd.s32 $0x8030, s16;
	s24 =	simm.s32 $0x14F98  }
0x377: {  	[hbm4b:s21+s3] =	stream.linear.scatter [tilespmem:s24], [sflag:$0x4], $0x80, $0x38;
	[tilespmem:$0x18900] =	vst v63  }
0x378: {  	s21 =	sadd.s32 $0x8040, s16;
	s24 =	simm.s32 $0x15020  }
0x379: {  	[hbm4b:s21+s3] =	stream.linear.scatter [tilespmem:s24], [sflag:$0x4], $0x80, $0x38;
	[tilespmem:$0x18900] =	vst v63  }
0x37a: {  	s21 =	sadd.s32 $0x8050, s16;
	s24 =	simm.s32 $0x150A8  }
0x37b: {  	[hbm4b:s21+s3] =	stream.linear.scatter [tilespmem:s24], [sflag:$0x4], $0x80, $0x38;
	[tilespmem:$0x18900] =	vst v63  }
0x37c: {  	s21 =	sadd.s32 $0x8060, s16;
	s24 =	simm.s32 $0x15130  }
0x37d: {  	[hbm4b:s21+s3] =	stream.linear.scatter [tilespmem:s24], [sflag:$0x4], $0x80, $0x38;
	[tilespmem:$0x18900] =	vst v63  }
0x37e: {  	s21 =	sadd.s32 $0x8070, s16;
	s24 =	simm.s32 $0x151B8  }
0x37f: {  	[hbm4b:s21+s3] =	stream.linear.scatter [tilespmem:s24], [sflag:$0x4], $0x80, $0x38;
	[tilespmem:$0x18900] =	vst v63  }
0x380: {  	s21 =	sadd.s32 $0xC000, s16;
	s24 =	simm.s32 $0x15F00  }
0x381: {  	[hbm4b:s21+s3] =	stream.linear.scatter [tilespmem:s24], [sflag:$0x4], $0x80, $0x38;
	[tilespmem:$0x18900] =	vst v63  }
0x382: {  	s21 =	sadd.s32 $0xC010, s16;
	s24 =	simm.s32 $0x15F88  }
0x383: {  	[hbm4b:s21+s3] =	stream.linear.scatter [tilespmem:s24], [sflag:$0x4], $0x80, $0x38;
	[tilespmem:$0x18900] =	vst v63  }
0x384: {  	s21 =	sadd.s32 $0xC020, s16;
	s24 =	simm.s32 $0x16010  }
0x385: {  	[hbm4b:s21+s3] =	stream.linear.scatter [tilespmem:s24], [sflag:$0x4], $0x80, $0x38;
	[tilespmem:$0x18900] =	vst v63  }
0x386: {  	s21 =	sadd.s32 $0xC030, s16;
	s24 =	simm.s32 $0x16098  }
0x387: {  	[hbm4b:s21+s3] =	stream.linear.scatter [tilespmem:s24], [sflag:$0x4], $0x80, $0x38;
	[tilespmem:$0x18900] =	vst v63  }
0x388: {  	s21 =	sadd.s32 $0xC040, s16;
	s24 =	simm.s32 $0x16120  }
0x389: {  	[hbm4b:s21+s3] =	stream.linear.scatter [tilespmem:s24], [sflag:$0x4], $0x80, $0x38;
	[tilespmem:$0x18900] =	vst v63  }
0x38a: {  	s21 =	sadd.s32 $0xC050, s16;
	s24 =	simm.s32 $0x161A8  }
0x38b: {  	[hbm4b:s21+s3] =	stream.linear.scatter [tilespmem:s24], [sflag:$0x4], $0x80, $0x38;
	[tilespmem:$0x18900] =	vst v63  }
0x38c: {  	s19 =	sadd.s32 $0xC060, s16;
	s21 =	simm.s32 $0x16230  }
0x38d: {  	[hbm4b:s19+s3] =	stream.linear.scatter [tilespmem:s21], [sflag:$0x4], $0x80, $0x38;
	[tilespmem:$0x18900] =	vst v63  }
0x38e: {  	s16 =	sadd.s32 $0xC070, s16;
	s24 =	simm.s32 $0x162B8  }
0x38f: {  	[hbm4b:s16+s3] =	stream.linear.scatter [tilespmem:s24], [sflag:$0x4], $0x80, $0x38;
	[tilespmem:$0x18900] =	vst v63  }
0x390: {  	s19 =	simm.s32 $0x13040;
	s16 =	sadd.s32 s15, s8  }
0x391: {  	[hbm4b:s16+s3] =	stream.linear.scatter [tilespmem:s19], [sflag:$0x4], $0x80, $0x38;
	[tilespmem:$0x18900] =	vst v63  }
0x392: {  	s24 =	simm.s32 $0x130C8;
	s21 =	sadd.s32 $0x10, s16  }
0x393: {  	[hbm4b:s21+s3] =	stream.linear.scatter [tilespmem:s24], [sflag:$0x4], $0x80, $0x38;
	[tilespmem:$0x18900] =	vst v63  }
0x394: {  	s21 =	sadd.s32 $0x20, s16;
	s24 =	simm.s32 $0x13150  }
0x395: {  	[hbm4b:s21+s3] =	stream.linear.scatter [tilespmem:s24], [sflag:$0x4], $0x80, $0x38;
	[tilespmem:$0x18900] =	vst v63  }
0x396: {  	s21 =	sadd.s32 $0x30, s16;
	s24 =	simm.s32 $0x131D8  }
0x397: {  	[hbm4b:s21+s3] =	stream.linear.scatter [tilespmem:s24], [sflag:$0x4], $0x80, $0x38;
	[tilespmem:$0x18900] =	vst v63  }
0x398: {  	s21 =	sadd.s32 $0x40, s16;
	s24 =	simm.s32 $0x13260  }
0x399: {  	[hbm4b:s21+s3] =	stream.linear.scatter [tilespmem:s24], [sflag:$0x4], $0x80, $0x38;
	[tilespmem:$0x18900] =	vst v63  }
0x39a: {  	s21 =	sadd.s32 $0x50, s16;
	s24 =	simm.s32 $0x132E8  }
0x39b: {  	[hbm4b:s21+s3] =	stream.linear.scatter [tilespmem:s24], [sflag:$0x4], $0x80, $0x38;
	[tilespmem:$0x18900] =	vst v63  }
0x39c: {  	s21 =	sadd.s32 $0x60, s16;
	s24 =	simm.s32 $0x13370  }
0x39d: {  	[hbm4b:s21+s3] =	stream.linear.scatter [tilespmem:s24], [sflag:$0x4], $0x80, $0x38;
	[tilespmem:$0x18900] =	vst v63  }
0x39e: {  	s21 =	sadd.s32 $0x70, s16;
	s24 =	simm.s32 $0x133F8  }
0x39f: {  	[hbm4b:s21+s3] =	stream.linear.scatter [tilespmem:s24], [sflag:$0x4], $0x80, $0x38;
	[tilespmem:$0x18900] =	vst v63  }
0x3a0: {  	s21 =	sadd.s32 $0x4000, s16;
	s24 =	simm.s32 $0x14140  }
0x3a1: {  	[hbm4b:s21+s3] =	stream.linear.scatter [tilespmem:s24], [sflag:$0x4], $0x80, $0x38;
	[tilespmem:$0x18900] =	vst v63  }
0x3a2: {  	s21 =	sadd.s32 $0x4010, s16;
	s24 =	simm.s32 $0x141C8  }
0x3a3: {  	[hbm4b:s21+s3] =	stream.linear.scatter [tilespmem:s24], [sflag:$0x4], $0x80, $0x38;
	[tilespmem:$0x18900] =	vst v63  }
0x3a4: {  	s21 =	sadd.s32 $0x4020, s16;
	s24 =	simm.s32 $0x14250  }
0x3a5: {  	[hbm4b:s21+s3] =	stream.linear.scatter [tilespmem:s24], [sflag:$0x4], $0x80, $0x38;
	[tilespmem:$0x18900] =	vst v63  }
0x3a6: {  	s21 =	sadd.s32 $0x4030, s16;
	s24 =	simm.s32 $0x142D8  }
0x3a7: {  	[hbm4b:s21+s3] =	stream.linear.scatter [tilespmem:s24], [sflag:$0x4], $0x80, $0x38;
	[tilespmem:$0x18900] =	vst v63  }
0x3a8: {  	s21 =	sadd.s32 $0x4040, s16;
	s24 =	simm.s32 $0x14360  }
0x3a9: {  	[hbm4b:s21+s3] =	stream.linear.scatter [tilespmem:s24], [sflag:$0x4], $0x80, $0x38;
	[tilespmem:$0x18900] =	vst v63  }
0x3aa: {  	s21 =	sadd.s32 $0x4050, s16;
	s24 =	simm.s32 $0x143E8  }
0x3ab: {  	[hbm4b:s21+s3] =	stream.linear.scatter [tilespmem:s24], [sflag:$0x4], $0x80, $0x38;
	[tilespmem:$0x18900] =	vst v63  }
0x3ac: {  	s21 =	sadd.s32 $0x4060, s16;
	s24 =	simm.s32 $0x14470  }
0x3ad: {  	[hbm4b:s21+s3] =	stream.linear.scatter [tilespmem:s24], [sflag:$0x4], $0x80, $0x38;
	[tilespmem:$0x18900] =	vst v63  }
0x3ae: {  	s21 =	sadd.s32 $0x4070, s16;
	s24 =	simm.s32 $0x144F8  }
0x3af: {  	[hbm4b:s21+s3] =	stream.linear.scatter [tilespmem:s24], [sflag:$0x4], $0x80, $0x38;
	[tilespmem:$0x18900] =	vst v63  }
0x3b0: {  	s21 =	sadd.s32 $0x8000, s16;
	s24 =	simm.s32 $0x15240  }
0x3b1: {  	[hbm4b:s21+s3] =	stream.linear.scatter [tilespmem:s24], [sflag:$0x4], $0x80, $0x38;
	[tilespmem:$0x18900] =	vst v63  }
0x3b2: {  	s21 =	sadd.s32 $0x8010, s16;
	s24 =	simm.s32 $0x152C8  }
0x3b3: {  	[hbm4b:s21+s3] =	stream.linear.scatter [tilespmem:s24], [sflag:$0x4], $0x80, $0x38;
	[tilespmem:$0x18900] =	vst v63  }
0x3b4: {  	s21 =	sadd.s32 $0x8020, s16;
	s24 =	simm.s32 $0x15350  }
0x3b5: {  	[hbm4b:s21+s3] =	stream.linear.scatter [tilespmem:s24], [sflag:$0x4], $0x80, $0x38;
	[tilespmem:$0x18900] =	vst v63  }
0x3b6: {  	s21 =	sadd.s32 $0x8030, s16;
	s24 =	simm.s32 $0x153D8  }
0x3b7: {  	[hbm4b:s21+s3] =	stream.linear.scatter [tilespmem:s24], [sflag:$0x4], $0x80, $0x38;
	[tilespmem:$0x18900] =	vst v63  }
0x3b8: {  	s21 =	sadd.s32 $0x8040, s16;
	s24 =	simm.s32 $0x15460  }
0x3b9: {  	[hbm4b:s21+s3] =	stream.linear.scatter [tilespmem:s24], [sflag:$0x4], $0x80, $0x38;
	[tilespmem:$0x18900] =	vst v63  }
0x3ba: {  	s21 =	sadd.s32 $0x8050, s16;
	s24 =	simm.s32 $0x154E8  }
0x3bb: {  	[hbm4b:s21+s3] =	stream.linear.scatter [tilespmem:s24], [sflag:$0x4], $0x80, $0x38;
	[tilespmem:$0x18900] =	vst v63  }
0x3bc: {  	s21 =	sadd.s32 $0x8060, s16;
	s24 =	simm.s32 $0x15570  }
0x3bd: {  	[hbm4b:s21+s3] =	stream.linear.scatter [tilespmem:s24], [sflag:$0x4], $0x80, $0x38;
	[tilespmem:$0x18900] =	vst v63  }
0x3be: {  	s21 =	sadd.s32 $0x8070, s16;
	s24 =	simm.s32 $0x155F8  }
0x3bf: {  	[hbm4b:s21+s3] =	stream.linear.scatter [tilespmem:s24], [sflag:$0x4], $0x80, $0x38;
	[tilespmem:$0x18900] =	vst v63  }
0x3c0: {  	s21 =	sadd.s32 $0xC000, s16;
	s24 =	simm.s32 $0x16340  }
0x3c1: {  	[hbm4b:s21+s3] =	stream.linear.scatter [tilespmem:s24], [sflag:$0x4], $0x80, $0x38;
	[tilespmem:$0x18900] =	vst v63  }
0x3c2: {  	s21 =	sadd.s32 $0xC010, s16;
	s24 =	simm.s32 $0x163C8  }
0x3c3: {  	[hbm4b:s21+s3] =	stream.linear.scatter [tilespmem:s24], [sflag:$0x4], $0x80, $0x38;
	[tilespmem:$0x18900] =	vst v63  }
0x3c4: {  	s21 =	sadd.s32 $0xC020, s16;
	s24 =	simm.s32 $0x16450  }
0x3c5: {  	[hbm4b:s21+s3] =	stream.linear.scatter [tilespmem:s24], [sflag:$0x4], $0x80, $0x38;
	[tilespmem:$0x18900] =	vst v63  }
0x3c6: {  	s21 =	sadd.s32 $0xC030, s16;
	s24 =	simm.s32 $0x164D8  }
0x3c7: {  	[hbm4b:s21+s3] =	stream.linear.scatter [tilespmem:s24], [sflag:$0x4], $0x80, $0x38;
	[tilespmem:$0x18900] =	vst v63  }
0x3c8: {  	s21 =	sadd.s32 $0xC040, s16;
	s24 =	simm.s32 $0x16560  }
0x3c9: {  	[hbm4b:s21+s3] =	stream.linear.scatter [tilespmem:s24], [sflag:$0x4], $0x80, $0x38;
	[tilespmem:$0x18900] =	vst v63  }
0x3ca: {  	s21 =	sadd.s32 $0xC050, s16;
	s24 =	simm.s32 $0x165E8  }
0x3cb: {  	[hbm4b:s21+s3] =	stream.linear.scatter [tilespmem:s24], [sflag:$0x4], $0x80, $0x38;
	[tilespmem:$0x18900] =	vst v63  }
0x3cc: {  	s19 =	sadd.s32 $0xC060, s16;
	s21 =	simm.s32 $0x16670  }
0x3cd: {  	[hbm4b:s19+s3] =	stream.linear.scatter [tilespmem:s21], [sflag:$0x4], $0x80, $0x38;
	[tilespmem:$0x18900] =	vst v63  }
0x3ce: {  	s16 =	sadd.s32 $0xC070, s16;
	s24 =	simm.s32 $0x166F8  }
0x3cf: {  	[hbm4b:s16+s3] =	stream.linear.scatter [tilespmem:s24], [sflag:$0x4], $0x80, $0x38;
	[tilespmem:$0x18900] =	vst v63  }
0x3d0: {  	s19 =	simm.s32 $0x13480;
	s16 =	sadd.s32 s15, s9  }
0x3d1: {  	[hbm4b:s16+s3] =	stream.linear.scatter [tilespmem:s19], [sflag:$0x4], $0x80, $0x38;
	[tilespmem:$0x18900] =	vst v63  }
0x3d2: {  	s24 =	simm.s32 $0x13508;
	s21 =	sadd.s32 $0x10, s16  }
0x3d3: {  	[hbm4b:s21+s3] =	stream.linear.scatter [tilespmem:s24], [sflag:$0x4], $0x80, $0x38;
	[tilespmem:$0x18900] =	vst v63  }
0x3d4: {  	s21 =	sadd.s32 $0x20, s16;
	s24 =	simm.s32 $0x13590  }
0x3d5: {  	[hbm4b:s21+s3] =	stream.linear.scatter [tilespmem:s24], [sflag:$0x4], $0x80, $0x38;
	[tilespmem:$0x18900] =	vst v63  }
0x3d6: {  	s21 =	sadd.s32 $0x30, s16;
	s24 =	simm.s32 $0x13618  }
0x3d7: {  	[hbm4b:s21+s3] =	stream.linear.scatter [tilespmem:s24], [sflag:$0x4], $0x80, $0x38;
	[tilespmem:$0x18900] =	vst v63  }
0x3d8: {  	s21 =	sadd.s32 $0x40, s16;
	s24 =	simm.s32 $0x136A0  }
0x3d9: {  	[hbm4b:s21+s3] =	stream.linear.scatter [tilespmem:s24], [sflag:$0x4], $0x80, $0x38;
	[tilespmem:$0x18900] =	vst v63  }
0x3da: {  	s21 =	sadd.s32 $0x50, s16;
	s24 =	simm.s32 $0x13728  }
0x3db: {  	[hbm4b:s21+s3] =	stream.linear.scatter [tilespmem:s24], [sflag:$0x4], $0x80, $0x38;
	[tilespmem:$0x18900] =	vst v63  }
0x3dc: {  	s21 =	sadd.s32 $0x60, s16;
	s24 =	simm.s32 $0x137B0  }
0x3dd: {  	[hbm4b:s21+s3] =	stream.linear.scatter [tilespmem:s24], [sflag:$0x4], $0x80, $0x38;
	[tilespmem:$0x18900] =	vst v63  }
0x3de: {  	s21 =	sadd.s32 $0x70, s16;
	s24 =	simm.s32 $0x13838  }
0x3df: {  	[hbm4b:s21+s3] =	stream.linear.scatter [tilespmem:s24], [sflag:$0x4], $0x80, $0x38;
	[tilespmem:$0x18900] =	vst v63  }
0x3e0: {  	s21 =	sadd.s32 $0x4000, s16;
	s24 =	simm.s32 $0x14580  }
0x3e1: {  	[hbm4b:s21+s3] =	stream.linear.scatter [tilespmem:s24], [sflag:$0x4], $0x80, $0x38;
	[tilespmem:$0x18900] =	vst v63  }
0x3e2: {  	s21 =	sadd.s32 $0x4010, s16;
	s24 =	simm.s32 $0x14608  }
0x3e3: {  	[hbm4b:s21+s3] =	stream.linear.scatter [tilespmem:s24], [sflag:$0x4], $0x80, $0x38;
	[tilespmem:$0x18900] =	vst v63  }
0x3e4: {  	s21 =	sadd.s32 $0x4020, s16;
	s24 =	simm.s32 $0x14690  }
0x3e5: {  	[hbm4b:s21+s3] =	stream.linear.scatter [tilespmem:s24], [sflag:$0x4], $0x80, $0x38;
	[tilespmem:$0x18900] =	vst v63  }
0x3e6: {  	s21 =	sadd.s32 $0x4030, s16;
	s24 =	simm.s32 $0x14718  }
0x3e7: {  	[hbm4b:s21+s3] =	stream.linear.scatter [tilespmem:s24], [sflag:$0x4], $0x80, $0x38;
	[tilespmem:$0x18900] =	vst v63  }
0x3e8: {  	s21 =	sadd.s32 $0x4040, s16;
	s24 =	simm.s32 $0x147A0  }
0x3e9: {  	[hbm4b:s21+s3] =	stream.linear.scatter [tilespmem:s24], [sflag:$0x4], $0x80, $0x38;
	[tilespmem:$0x18900] =	vst v63  }
0x3ea: {  	s21 =	sadd.s32 $0x4050, s16;
	s24 =	simm.s32 $0x14828  }
0x3eb: {  	[hbm4b:s21+s3] =	stream.linear.scatter [tilespmem:s24], [sflag:$0x4], $0x80, $0x38;
	[tilespmem:$0x18900] =	vst v63  }
0x3ec: {  	s21 =	sadd.s32 $0x4060, s16;
	s24 =	simm.s32 $0x148B0  }
0x3ed: {  	[hbm4b:s21+s3] =	stream.linear.scatter [tilespmem:s24], [sflag:$0x4], $0x80, $0x38;
	[tilespmem:$0x18900] =	vst v63  }
0x3ee: {  	s21 =	sadd.s32 $0x4070, s16;
	s24 =	simm.s32 $0x14938  }
0x3ef: {  	[hbm4b:s21+s3] =	stream.linear.scatter [tilespmem:s24], [sflag:$0x4], $0x80, $0x38;
	[tilespmem:$0x18900] =	vst v63  }
0x3f0: {  	s21 =	sadd.s32 $0x8000, s16;
	s24 =	simm.s32 $0x15680  }
0x3f1: {  	[hbm4b:s21+s3] =	stream.linear.scatter [tilespmem:s24], [sflag:$0x4], $0x80, $0x38;
	[tilespmem:$0x18900] =	vst v63  }
0x3f2: {  	s21 =	sadd.s32 $0x8010, s16;
	s24 =	simm.s32 $0x15708  }
0x3f3: {  	[hbm4b:s21+s3] =	stream.linear.scatter [tilespmem:s24], [sflag:$0x4], $0x80, $0x38;
	[tilespmem:$0x18900] =	vst v63  }
0x3f4: {  	s21 =	sadd.s32 $0x8020, s16;
	s24 =	simm.s32 $0x15790  }
0x3f5: {  	[hbm4b:s21+s3] =	stream.linear.scatter [tilespmem:s24], [sflag:$0x4], $0x80, $0x38;
	[tilespmem:$0x18900] =	vst v63  }
0x3f6: {  	s21 =	sadd.s32 $0x8030, s16;
	s24 =	simm.s32 $0x15818  }
0x3f7: {  	[hbm4b:s21+s3] =	stream.linear.scatter [tilespmem:s24], [sflag:$0x4], $0x80, $0x38;
	[tilespmem:$0x18900] =	vst v63  }
0x3f8: {  	s21 =	sadd.s32 $0x8040, s16;
	s24 =	simm.s32 $0x158A0  }
0x3f9: {  	[hbm4b:s21+s3] =	stream.linear.scatter [tilespmem:s24], [sflag:$0x4], $0x80, $0x38;
	[tilespmem:$0x18900] =	vst v63  }
0x3fa: {  	s21 =	sadd.s32 $0x8050, s16;
	s24 =	simm.s32 $0x15928  }
0x3fb: {  	[hbm4b:s21+s3] =	stream.linear.scatter [tilespmem:s24], [sflag:$0x4], $0x80, $0x38;
	[tilespmem:$0x18900] =	vst v63  }
0x3fc: {  	s21 =	sadd.s32 $0x8060, s16;
	s24 =	simm.s32 $0x159B0  }
0x3fd: {  	[hbm4b:s21+s3] =	stream.linear.scatter [tilespmem:s24], [sflag:$0x4], $0x80, $0x38;
	[tilespmem:$0x18900] =	vst v63  }
0x3fe: {  	s21 =	sadd.s32 $0x8070, s16;
	s24 =	simm.s32 $0x15A38  }
0x3ff: {  	[hbm4b:s21+s3] =	stream.linear.scatter [tilespmem:s24], [sflag:$0x4], $0x80, $0x38;
	[tilespmem:$0x18900] =	vst v63  }
0x400: {  	s21 =	sadd.s32 $0xC000, s16  }
0x401: {  	[hbm4b:s21+s3] =	stream.linear.scatter [tilespmem:s13], [sflag:$0x4], $0x80, $0x38;
	[tilespmem:$0x18900] =	vst v63  }
0x402: {  	s24 =	sadd.s32 $0xC010, s16  }
0x403: {  	[hbm4b:s24+s3] =	stream.linear.scatter [tilespmem:s5], [sflag:$0x4], $0x80, $0x38;
	[tilespmem:$0x18900] =	vst v63  }
0x404: {  	s19 =	sadd.s32 $0xC020, s16  }
0x405: {  	[hbm4b:s19+s3] =	stream.linear.scatter [tilespmem:s6], [sflag:$0x4], $0x80, $0x38;
	[tilespmem:$0x18900] =	vst v63  }
0x406: {  	s21 =	sadd.s32 $0xC030, s16  }
0x407: {  	[hbm4b:s21+s3] =	stream.linear.scatter [tilespmem:s11], [sflag:$0x4], $0x80, $0x38;
	[tilespmem:$0x18900] =	vst v63  }
0x408: {  	s24 =	sadd.s32 $0xC040, s16  }
0x409: {  	[hbm4b:s24+s3] =	stream.linear.scatter [tilespmem:s0], [sflag:$0x4], $0x80, $0x38;
	[tilespmem:$0x18900] =	vst v63  }
0x40a: {  	s19 =	sadd.s32 $0xC050, s16  }
0x40b: {  	[hbm4b:s19+s3] =	stream.linear.scatter [tilespmem:s1], [sflag:$0x4], $0x80, $0x38;
	[tilespmem:$0x18900] =	vst v63  }
0x40c: {  	s21 =	sadd.s32 $0xC060, s16;
	s24 =	simm.s32 $0x16AB0  }
0x40d: {  	[hbm4b:s21+s3] =	stream.linear.scatter [tilespmem:s24], [sflag:$0x4], $0x80, $0x38;
	[tilespmem:$0x18900] =	vst v63  }
0x40e: {  	s16 =	sadd.s32 $0xC070, s16;
	s19 =	simm.s32 $0x16B38  }
0x40f: {  	[hbm4b:s16+s3] =	stream.linear.scatter [tilespmem:s19], [sflag:$0x4], $0x80, $0x38;
	[tilespmem:$0x18900] =	vst v63  }
0x410: {  	s15 =	sadd.s32 s15, s10  }
0x411: {  	[hbm4b:s15+s3] =	stream.linear.scatter [tilespmem:s31], [sflag:$0x4], $0x80, $0x38;
	[tilespmem:$0x18900] =	vst v63  }
0x412: {  	s21 =	sadd.s32 $0x10, s15  }
0x413: {  	[hbm4b:s21+s3] =	stream.linear.scatter [tilespmem:s30], [sflag:$0x4], $0x80, $0x38;
	[tilespmem:$0x18900] =	vst v63  }
0x414: {  	s24 =	sadd.s32 $0x20, s15  }
0x415: {  	[hbm4b:s24+s3] =	stream.linear.scatter [tilespmem:s29], [sflag:$0x4], $0x80, $0x38;
	[tilespmem:$0x18900] =	vst v63  }
0x416: {  	s18 =	sadd.s32 $0x30, s15;
	s19 =	simm.s32 $0x13A58  }
0x417: {  	[hbm4b:s18+s3] =	stream.linear.scatter [tilespmem:s19], [sflag:$0x4], $0x80, $0x38;
	[tilespmem:$0x18900] =	vst v63  }
0x418: {  	s21 =	sadd.s32 $0x40, s15;
	s24 =	simm.s32 $0x13AE0  }
0x419: {  	[hbm4b:s21+s3] =	stream.linear.scatter [tilespmem:s24], [sflag:$0x4], $0x80, $0x38;
	[tilespmem:$0x18900] =	vst v63  }
0x41a: {  	s19 =	sadd.s32 $0x50, s15;
	s21 =	simm.s32 $0x13B68  }
0x41b: {  	[hbm4b:s19+s3] =	stream.linear.scatter [tilespmem:s21], [sflag:$0x4], $0x80, $0x38;
	[tilespmem:$0x18900] =	vst v63  }
0x41c: {  	s24 =	sadd.s32 $0x60, s15  }
0x41d: {  	[hbm4b:s24+s3] =	stream.linear.scatter [tilespmem:s28], [sflag:$0x4], $0x80, $0x38;
	[tilespmem:$0x18900] =	vst v63  }
0x41e: {  	s18 =	sadd.s32 $0x70, s15  }
0x41f: {  	[hbm4b:s18+s3] =	stream.linear.scatter [tilespmem:s26], [sflag:$0x4], $0x80, $0x38;
	[tilespmem:$0x18900] =	vst v63  }
0x420: {  	s19 =	sadd.s32 $0x4000, s15  }
0x421: {  	[hbm4b:s19+s3] =	stream.linear.scatter [tilespmem:s25], [sflag:$0x4], $0x80, $0x38;
	[tilespmem:$0x18900] =	vst v63  }
0x422: {  	s21 =	sadd.s32 $0x4010, s15;
	s24 =	simm.s32 $0x14A48  }
0x423: {  	[hbm4b:s21+s3] =	stream.linear.scatter [tilespmem:s24], [sflag:$0x4], $0x80, $0x38;
	[tilespmem:$0x18900] =	vst v63  }
0x424: {  	s18 =	sadd.s32 $0x4020, s15;
	s19 =	simm.s32 $0x14AD0  }
0x425: {  	[hbm4b:s18+s3] =	stream.linear.scatter [tilespmem:s19], [sflag:$0x4], $0x80, $0x38;
	[tilespmem:$0x18900] =	vst v63  }
0x426: {  	s21 =	sadd.s32 $0x4030, s15;
	s24 =	simm.s32 $0x14B58  }
0x427: {  	[hbm4b:s21+s3] =	stream.linear.scatter [tilespmem:s24], [sflag:$0x4], $0x80, $0x38;
	[tilespmem:$0x18900] =	vst v63  }
0x428: {  	s18 =	sadd.s32 $0x4040, s15;
	s19 =	simm.s32 $0x14BE0  }
0x429: {  	[hbm4b:s18+s3] =	stream.linear.scatter [tilespmem:s19], [sflag:$0x4], $0x80, $0x38;
	[tilespmem:$0x18900] =	vst v63  }
0x42a: {  	s21 =	sadd.s32 $0x4050, s15;
	s24 =	simm.s32 $0x14C68  }
0x42b: {  	[hbm4b:s21+s3] =	stream.linear.scatter [tilespmem:s24], [sflag:$0x4], $0x80, $0x38;
	[tilespmem:$0x18900] =	vst v63  }
0x42c: {  	s18 =	sadd.s32 $0x4060, s15;
	s19 =	simm.s32 $0x14CF0  }
0x42d: {  	[hbm4b:s18+s3] =	stream.linear.scatter [tilespmem:s19], [sflag:$0x4], $0x80, $0x38;
	[tilespmem:$0x18900] =	vst v63  }
0x42e: {  	s21 =	sadd.s32 $0x4070, s15;
	s24 =	simm.s32 $0x14D78  }
0x42f: {  	[hbm4b:s21+s3] =	stream.linear.scatter [tilespmem:s24], [sflag:$0x4], $0x80, $0x38;
	[tilespmem:$0x18900] =	vst v63  }
0x430: {  	s18 =	sadd.s32 $0x8000, s15;
	s19 =	simm.s32 $0x15AC0  }
0x431: {  	[hbm4b:s18+s3] =	stream.linear.scatter [tilespmem:s19], [sflag:$0x4], $0x80, $0x38;
	[tilespmem:$0x18900] =	vst v63  }
0x432: {  	s21 =	sadd.s32 $0x8010, s15;
	s24 =	simm.s32 $0x15B48  }
0x433: {  	[hbm4b:s21+s3] =	stream.linear.scatter [tilespmem:s24], [sflag:$0x4], $0x80, $0x38;
	[tilespmem:$0x18900] =	vst v63  }
0x434: {  	s18 =	sadd.s32 $0x8020, s15;
	s19 =	simm.s32 $0x15BD0  }
0x435: {  	[hbm4b:s18+s3] =	stream.linear.scatter [tilespmem:s19], [sflag:$0x4], $0x80, $0x38;
	[tilespmem:$0x18900] =	vst v63  }
0x436: {  	s21 =	sadd.s32 $0x8030, s15;
	s24 =	simm.s32 $0x15C58  }
0x437: {  	[hbm4b:s21+s3] =	stream.linear.scatter [tilespmem:s24], [sflag:$0x4], $0x80, $0x38;
	[tilespmem:$0x18900] =	vst v63  }
0x438: {  	s18 =	sadd.s32 $0x8040, s15;
	s19 =	simm.s32 $0x15CE0  }
0x439: {  	[hbm4b:s18+s3] =	stream.linear.scatter [tilespmem:s19], [sflag:$0x4], $0x80, $0x38;
	[tilespmem:$0x18900] =	vst v63  }
0x43a: {  	s21 =	sadd.s32 $0x8050, s15;
	s24 =	simm.s32 $0x15D68  }
0x43b: {  	[hbm4b:s21+s3] =	stream.linear.scatter [tilespmem:s24], [sflag:$0x4], $0x80, $0x38;
	[tilespmem:$0x18900] =	vst v63  }
0x43c: {  	s18 =	sadd.s32 $0x8060, s15;
	s19 =	simm.s32 $0x15DF0  }
0x43d: {  	[hbm4b:s18+s3] =	stream.linear.scatter [tilespmem:s19], [sflag:$0x4], $0x80, $0x38;
	[tilespmem:$0x18900] =	vst v63  }
0x43e: {  	s21 =	sadd.s32 $0x8070, s15;
	s24 =	simm.s32 $0x15E78  }
0x43f: {  	[hbm4b:s21+s3] =	stream.linear.scatter [tilespmem:s24], [sflag:$0x4], $0x80, $0x38;
	[tilespmem:$0x18900] =	vst v63  }
0x440: {  	s18 =	sadd.s32 $0xC000, s15;
	s19 =	simm.s32 $0x16BC0  }
0x441: {  	[hbm4b:s18+s3] =	stream.linear.scatter [tilespmem:s19], [sflag:$0x4], $0x80, $0x38;
	[tilespmem:$0x18900] =	vst v63  }
0x442: {  	s21 =	sadd.s32 $0xC010, s15;
	s24 =	simm.s32 $0x16C48  }
0x443: {  	[hbm4b:s21+s3] =	stream.linear.scatter [tilespmem:s24], [sflag:$0x4], $0x80, $0x38;
	[tilespmem:$0x18900] =	vst v63  }
0x444: {  	s18 =	sadd.s32 $0xC020, s15;
	s19 =	simm.s32 $0x16CD0  }
0x445: {  	[hbm4b:s18+s3] =	stream.linear.scatter [tilespmem:s19], [sflag:$0x4], $0x80, $0x38;
	[tilespmem:$0x18900] =	vst v63  }
0x446: {  	s21 =	sadd.s32 $0xC030, s15;
	s24 =	simm.s32 $0x16D58  }
0x447: {  	[hbm4b:s21+s3] =	stream.linear.scatter [tilespmem:s24], [sflag:$0x4], $0x80, $0x38;
	[tilespmem:$0x18900] =	vst v63  }
0x448: {  	s12 =	sadd.s32 $0x1, s12;
	s18 =	sadd.s32 $0xC040, s15;
	s19 =	simm.s32 $0x16DE0  }
0x449: {  	[hbm4b:s18+s3] =	stream.linear.scatter [tilespmem:s19], [sflag:$0x4], $0x80, $0x38;
	[tilespmem:$0x18900] =	vst v63  }
0x44a: {  	p0 =	sne.s32 s12, $0x19;
	s21 =	sadd.s32 $0xC050, s15;
	s24 =	simm.s32 $0x16E68  }
0x44b: {  	[hbm4b:s21+s3] =	stream.linear.scatter [tilespmem:s24], [sflag:$0x4], $0x80, $0x38;
	[tilespmem:$0x18900] =	vst v63  }
.Ltmp8:
0x44c: {  	_ = 	snop;
	(pc) =	sbr.rel @p0 .LBB2_2-.Ltmp8, $4  }
0x44d: {  	s19 =	sadd.s32 $0xC060, s15;
	s21 =	simm.s32 $0x16EF0  }
0x44e: {  	[hbm4b:s19+s3] =	stream.linear.scatter [tilespmem:s21], [sflag:$0x4], $0x80, $0x38;
	[tilespmem:$0x18900] =	vst v63  }
0x44f: {  	s15 =	sadd.s32 $0xC070, s15;
	s24 =	simm.s32 $0x16F78  }
0x450: {  	[hbm4b:s15+s3] =	stream.linear.scatter [tilespmem:s24], [sflag:$0x4], $0x80, $0x38;
	[tilespmem:$0x18900] =	vst v63  }
0x451: {  	s12 =	simm.s32 $0x3  }
0x452: {  	_ =	swait.ge [sflag:s12], $0x1000  }
0x453: {  	[sflag:s12] =	ssyncset.done $0x0  }
0x454: {  	[sflag:s12] =	ssyncadd.s32 $0xFFFFF000  }
0x455: {  	_ =	swait.ge [sflag:s12], $0x1000  }
0x456: {  	[sflag:s12] =	ssyncset.done $0x0  }
0x457: {  	[sflag:s12] =	ssyncadd.s32 $0xFFFFF000  }
0x458: {  	_ =	swait.ge [sflag:s12], $0x1000  }
0x459: {  	[sflag:s12] =	ssyncset.done $0x0  }
0x45a: {  	[sflag:s12] =	ssyncadd.s32 $0xFFFFF000  }
0x45b: {  	_ =	swait.ge [sflag:s12], $0x1000  }
0x45c: {  	[sflag:s12] =	ssyncset.done $0x0  }
0x45d: {  	s15 =	simm.s32 $0x4;
	[sflag:s12] =	ssyncadd.s32 $0xFFFFF000  }
0x45e: {  	_ =	swait.ge [sflag:s15], $0x1000  }
0x45f: {  	[sflag:s15] =	ssyncset.done $0x0  }
0x460: {  	[sflag:s15] =	ssyncadd.s32 $0xFFFFF000  }
0x461: {  	_ =	swait.ge [sflag:s15], $0x1000  }
0x462: {  	[sflag:s15] =	ssyncset.done $0x0  }
0x463: {  	[sflag:s15] =	ssyncadd.s32 $0xFFFFF000  }
0x464: {  	_ =	swait.ge [sflag:s15], $0x1000  }
0x465: {  	[sflag:s15] =	ssyncset.done $0x0  }
0x466: {  	[sflag:s15] =	ssyncadd.s32 $0xFFFFF000  }
0x467: {  	_ =	swait.ge [sflag:s15], $0x1000  }
0x468: {  	s16 =	rddreg [dreg:$0x6]  }
0x469: {  	s24 =	rddreg [dreg:$0x5];
	s16 =	sadd.s32 $0x1, s16  }
0x46a: {  	p0 =	sne.s32 s16, s24  }
.Ltmp9:
0x46b: {  	_ = 	snop;
	(pc) =	sbr.rel @p0 .LBB2_1-.Ltmp9, $3  }
0x46c: {  	_ =	sdelay $0x1  }
0x46d: {  	[sflag:s15] =	ssyncset.done $0x0  }
0x46e: {  	[sflag:s15] =	ssyncadd.s32 $0xFFFFF000  }
0x46f: {  	_ =	sfence.sel $0x180000  }
0x470: {  	[bflag:$0x0] =	sbarrier.arrive $0xFFFF  }
0x471: {  	_ =	strace $0x90000047  }
0x472: {  	s0 =	stileid.u32;
	[bflag:$0x2] =	sbarrier.arrive $0xFFFF  }
0x473: {  	p0 =	sne.s32 s0, $0x0;
	s0 =	rddreg [dreg:$0x2]  }
0x474: {  	s0 =	sadd.s32 @!p0 $0x100000, s0  }
0x475: {  	[sflag:s0] =	ssyncadd.tile.s32 @!p0 $0x1;
	_ =	shalt  }
.Lfunc_end2:
_tile_overlayer_lowered:
.L_overlay_start_2:
0x476: {  	(tag) =	ssettag $0x2  }
0x477: {  	s0 =	rddreg [dreg:$0x0];
	s2 =	stileid.u32  }
0x478: {  	s1 =	rddreg [dreg:$0x1];
	p0 =	sne.s32 s2, $0x0  }
0x479: {  	s3 =	rddreg [dreg:$0x2];
	[bflag:$0x3] =	sbarrier.arrive $0xFFFF;
	s2 =	simm.s32 @!p0 $0x1C05  }
0x47a: {  	[timem:s3], [sflag:s2] =	dma.local @!p0 [hbm:s0], s1  }
0x47b: {  	s0 =	simm.s32 @!p0 $0x5  }
0x47c: {  	_ =	swait.ge @!p0 [sflag:s0], s1  }
0x47d: {  	s1 =	ssub.s32 @!p0 $0x0, s1;
	[sflag:s0] =	ssyncset.done @!p0 $0x0  }
0x47e: {  	[sflag:s0] =	ssyncadd.s32 @!p0 s1  }
0x47f: {  	[bflag:$0x3] =	sbarrier.arrive $0xFFFF  }
0x480: {  	_ =	shalt  }

</sc_bundles>
